<compile_context>
chip_gen: v7x
topology: tpu7x:2x2x1
jax: 0.10.2.dev20260603
libtpu: 0.0.44.dev20260713+nightly
codegen_flags: <defaults>
</compile_context>

<pallas_src>
import jax
import jax.numpy as jnp
from jax import lax
from jax.experimental import pallas as pl
from jax.experimental.pallas import tpu as pltpu
from jax.experimental.pallas import tpu_sc as plsc

N_NODES = 10000
N_PAD = 10240
HID = 16
NC = 2
NS = 16
NW = NC * NS
CE = 2000
ZROWS = N_PAD // NS

_MESH = plsc.VectorSubcoreMesh(core_axis_name="c", subcore_axis_name="s")
_SC_PARAMS = pltpu.CompilerParams(use_tc_tiling_on_sc=False)



def _deg_call(col, ew):
    rpt = col.shape[0] // NW
    nchunk = rpt // CE

    def body(col_hbm, ew_hbm, out_hbm, colv0, colv1, ewv0, ewv1, zb, dbuf,
             dx, degsp, dsem0, dsem1):
        colv = [colv0, colv1]
        ewv = [ewv0, ewv1]
        dsem = [dsem0, dsem1]
        c = lax.axis_index("c")
        s = lax.axis_index("s")
        wid = c * NS + s

        @pl.loop(0, ZROWS, step=16)
        def _zero(i):
            zb[pl.ds(i, 16)] = jnp.zeros((16,), jnp.float32)

        pltpu.sync_copy(zb, degsp.at[pl.ds(s * ZROWS, ZROWS)])
        plsc.subcore_barrier()

        base = wid * rpt

        def issue_idx(k):
            p = k & 1
            pltpu.sync_copy(col_hbm.at[pl.ds(base + k * CE, CE)], colv[p])
            pltpu.sync_copy(ew_hbm.at[pl.ds(base + k * CE, CE)], ewv[p])

        issue_idx(0)
        sd = {}
        for k in range(nchunk):
            if k - 1 in sd:
                for d in sd.pop(k - 1):
                    d.wait()
            if k + 1 < nchunk:
                issue_idx(k + 1)
            p = k & 1
            sd[k] = [pltpu.async_copy(ewv[p], degsp.at[colv[p]], dsem[p],
                                      add=True)]
        for kk in sorted(sd):
            for d in sd[kk]:
                d.wait()

        plsc.subcore_barrier()
        pltpu.sync_copy(degsp.at[pl.ds(s * ZROWS, ZROWS)], dbuf)

        @pl.loop(0, ZROWS, step=16)
        def _exp(g):
            d16 = dbuf[pl.ds(g, 16)]
            for t in range(16):
                dx[g + t] = jnp.ones((HID,), jnp.float32) * d16[t]

        pltpu.sync_copy(dx, out_hbm.at[c, pl.ds(s * ZROWS, ZROWS)])

    return pl.kernel(
        body,
        out_type=jax.ShapeDtypeStruct((NC, N_PAD, HID), jnp.float32),
        mesh=_MESH,
        compiler_params=_SC_PARAMS,
        scratch_types=[
            pltpu.VMEM((CE,), jnp.int32),
            pltpu.VMEM((CE,), jnp.int32),
            pltpu.VMEM((CE,), jnp.float32),
            pltpu.VMEM((CE,), jnp.float32),
            pltpu.VMEM((ZROWS,), jnp.float32),
            pltpu.VMEM((ZROWS,), jnp.float32),
            pltpu.VMEM((ZROWS, HID), jnp.float32),
            pltpu.VMEM_SHARED((N_PAD,), jnp.float32),
            pltpu.SemaphoreType.DMA,
            pltpu.SemaphoreType.DMA,
        ],
    )(col, ew)


def _edge_call(y, row, col, ew):
    rpt = col.shape[0] // NW
    nchunk = rpt // CE

    def body(y_hbm, row_hbm, col_hbm, ew_hbm, out_hbm,
             rowv0, rowv1, colv0, colv1, ewv0, ewv1, msg0, msg1,
             zb, accsp, gsem0, gsem1, ssem0, ssem1):
        rowv = [rowv0, rowv1]
        colv = [colv0, colv1]
        ewv = [ewv0, ewv1]
        msg = [msg0, msg1]
        gsem = [gsem0, gsem1]
        ssem = [ssem0, ssem1]
        c = lax.axis_index("c")
        s = lax.axis_index("s")
        wid = c * NS + s

        @pl.loop(0, ZROWS)
        def _zero(i):
            zb[i, :] = jnp.zeros((HID,), jnp.float32)

        pltpu.sync_copy(zb, accsp.at[pl.ds(s * ZROWS, ZROWS)])
        plsc.subcore_barrier()

        base = wid * rpt

        def issue_idx(k):
            p = k & 1
            pltpu.sync_copy(row_hbm.at[pl.ds(base + k * CE, CE)], rowv[p])
            pltpu.sync_copy(col_hbm.at[pl.ds(base + k * CE, CE)], colv[p])
            pltpu.sync_copy(ew_hbm.at[pl.ds(base + k * CE, CE)], ewv[p])

        def issue_gather(k):
            p = k & 1
            return [pltpu.async_copy(y_hbm.at[rowv[p]], msg[p], gsem[p])]

        def issue_scatter(k):
            p = k & 1
            return [pltpu.async_copy(msg[p], accsp.at[colv[p]], ssem[p],
                                     add=True)]

        def scale(k):
            p = k & 1

            @pl.loop(0, CE, step=16)
            def _si(i0):
                ew16 = ewv[p][pl.ds(i0, 16)]
                for t in range(16):
                    msg[p][i0 + t] = msg[p][i0 + t] * ew16[t]

        issue_idx(0)
        gd = {0: issue_gather(0)}
        sd = {}
        for k in range(nchunk):
            if k + 1 < nchunk:
                if k - 1 in sd:
                    for d in sd.pop(k - 1):
                        d.wait()
                issue_idx(k + 1)
                gd[k + 1] = issue_gather(k + 1)
            for d in gd.pop(k):
                d.wait()
            scale(k)
            sd[k] = issue_scatter(k)
        for kk in sorted(sd):
            for d in sd[kk]:
                d.wait()

        plsc.subcore_barrier()
        pltpu.sync_copy(accsp.at[pl.ds(s * ZROWS, ZROWS)],
                        out_hbm.at[c, pl.ds(s * ZROWS, ZROWS)])

    return pl.kernel(
        body,
        out_type=jax.ShapeDtypeStruct((NC, N_PAD, HID), jnp.float32),
        mesh=_MESH,
        compiler_params=_SC_PARAMS,
        scratch_types=[
            pltpu.VMEM((CE,), jnp.int32),
            pltpu.VMEM((CE,), jnp.int32),
            pltpu.VMEM((CE,), jnp.int32),
            pltpu.VMEM((CE,), jnp.int32),
            pltpu.VMEM((CE,), jnp.float32),
            pltpu.VMEM((CE,), jnp.float32),
            pltpu.VMEM((CE, HID), jnp.float32),
            pltpu.VMEM((CE, HID), jnp.float32),
            pltpu.VMEM((ZROWS, HID), jnp.float32),
            pltpu.VMEM_SHARED((N_PAD, HID), jnp.float32),
            pltpu.SemaphoreType.DMA,
            pltpu.SemaphoreType.DMA,
            pltpu.SemaphoreType.DMA,
            pltpu.SemaphoreType.DMA,
        ],
    )(y, row, col, ew)



NPK = N_NODES // 8


def _dinvx(degx_ref):
    deg = (degx_ref[0] + degx_ref[1])[:NPK] + 1.0
    return jnp.where(deg > 0, lax.rsqrt(deg), 0.0)


def _y1_body(x_ref, w_ref, degx_ref, o_ref):
    xw = jnp.dot(x_ref[...], w_ref[...],
                 preferred_element_type=jnp.float32)
    o_ref[...] = _dinvx(degx_ref) * xw


def _comb1_body(acc_ref, y_ref, degx_ref, b_ref, w_ref, o_ref):
    dinv = _dinvx(degx_ref)
    tot = (acc_ref[0] + acc_ref[1])[:NPK] + y_ref[...]
    h = jnp.maximum(dinv * tot + b_ref[...], 0.0)
    o_ref[...] = dinv * jnp.dot(h, w_ref[...],
                                preferred_element_type=jnp.float32)


def _comb2_body(acc_ref, y_ref, degx_ref, b_ref, o_ref):
    dinv = _dinvx(degx_ref)
    tot = (acc_ref[0] + acc_ref[1])[:NPK] + y_ref[...]
    o_ref[...] = jnp.maximum(dinv * tot + b_ref[...], 0.0)


def _tc(body, *args):
    return pl.pallas_call(
        body,
        out_shape=jax.ShapeDtypeStruct((NPK, 128), jnp.float32))(*args)



def kernel(x, edge_index, edge_weight, batch, W1, b1, W2, b2):
    del batch
    x = x.astype(jnp.float32)
    e = edge_weight.shape[0]
    ep = -(-e // (NW * CE)) * (NW * CE)
    row = edge_index[0]
    col = edge_index[1]
    ew = edge_weight.astype(jnp.float32)
    if ep != e:
        npadex = ep - e
        spread = jnp.arange(npadex, dtype=jnp.int32) % (N_PAD - N_NODES)
        row = jnp.concatenate([row, spread])
        col = jnp.concatenate([col, spread + N_NODES])
        ew = jnp.concatenate([ew, jnp.zeros((npadex,), jnp.float32)])

    eye8 = jnp.eye(8, dtype=jnp.float32)
    w1blk = jnp.kron(eye8, W1.astype(jnp.float32))
    w2blk = jnp.kron(eye8, W2.astype(jnp.float32))
    b1x = jnp.tile(b1.astype(jnp.float32), 8).reshape(1, 128)
    b2x = jnp.tile(b2.astype(jnp.float32), 8).reshape(1, 128)
    xp = x.reshape(N_NODES // 8, 8 * x.shape[1])

    degx = _deg_call(col, ew).reshape(NC, N_PAD // 8, 128)
    y1p = _tc(_y1_body, xp, w1blk, degx)
    acc1 = _edge_call(y1p.reshape(N_NODES, HID), row, col, ew)
    y2p = _tc(_comb1_body, acc1.reshape(NC, N_PAD // 8, 128), y1p, degx,
              b1x, w2blk)
    acc2 = _edge_call(y2p.reshape(N_NODES, HID), row, col, ew)
    outp = _tc(_comb2_body, acc2.reshape(NC, N_PAD // 8, 128), y2p, degx,
               b2x)
    return outp.reshape(N_NODES, HID)

# --- scband reference (transcript-rebuilt; emitter-appended) ---
"""Pipeline reference for scband-gcn-64982855189156 (READ-ONLY COPY).

The authoritative reference and input builder live on the scoring server;
editing this copy changes nothing except your own understanding.
"""

import jax, jax.numpy as jnp
import numpy as np

N = 10000
E = 320000
IN_CH = 128
HID = 16


def gcn_conv(x, edge_index, edge_weight, W, b, n_nodes):
    # GCNConv with symmetric normalization and self-loops (PyG semantics)
    row = edge_index[0]
    col = edge_index[1]
    loop = jnp.arange(n_nodes, dtype=row.dtype)
    row = jnp.concatenate([row, loop])
    col = jnp.concatenate([col, loop])
    ew = jnp.concatenate([edge_weight, jnp.ones((n_nodes,), dtype=x.dtype)])
    deg = jax.ops.segment_sum(ew, col, num_segments=n_nodes)
    deg_inv_sqrt = jnp.where(deg > 0, deg ** -0.5, 0.0)
    norm = deg_inv_sqrt[row] * ew * deg_inv_sqrt[col]
    xw = x @ W
    msg = jnp.take(xw, row, axis=0) * norm[:, None]
    out = jax.ops.segment_sum(msg, col, num_segments=n_nodes)
    return out + b


def setup_inputs(seed: int = 0) -> dict:
    key = jax.random.key(seed)
    ks = jax.random.split(key, 8)
    x = jax.random.normal(ks[0], (N, IN_CH), dtype=jnp.float32)
    edge_index = jax.random.randint(ks[1], (2, E), 0, N, dtype=jnp.int32)
    edge_weight = jax.random.uniform(ks[2], (E,), dtype=jnp.float32)
    batch = jnp.zeros((N,), dtype=jnp.int32)
    # GCNConv parameters (glorot-ish init)
    W1 = jax.random.normal(ks[3], (IN_CH, HID), dtype=jnp.float32) * (1.0 / np.sqrt(IN_CH))
    b1 = jnp.zeros((HID,), dtype=jnp.float32)
    W2 = jax.random.normal(ks[4], (HID, HID), dtype=jnp.float32) * (1.0 / np.sqrt(HID))
    b2 = jnp.zeros((HID,), dtype=jnp.float32)
    return {"x": x, "edge_index": edge_index, "edge_weight": edge_weight, "batch": batch, "W1": W1, "b1": b1, "W2": W2, "b2": b2}


def reference(x, edge_index, edge_weight, batch, W1, b1, W2, b2):
    x = x.astype(jnp.float32)
    x = gcn_conv(x, edge_index, edge_weight, W1, b1, N)
    # one hidden conv (gcn_layers=2 -> 1 hidden GCNConv)
    x = jax.nn.relu(x)
    x = gcn_conv(x, edge_index, edge_weight, W2, b2, N)
    x = jax.nn.relu(x)
    return x

if __name__ == "__main__":
    import jax
    _d = setup_inputs()
    print(jax.jit(kernel)(*tuple(_d.values())))

</pallas_src>

<mosaic_0001>
#map = affine_map<(d0, d1) -> (0)>
#map1 = affine_map<(d0, d1) -> (0, 0, 0)>
module attributes {stable_mosaic.version = 14 : i64} {
  func.func @body(%arg0: i32, %arg1: i32, %arg2: memref<320000xi32, #tpu.memory_space<hbm>>, %arg3: memref<320000xf32, #tpu.memory_space<hbm>>, %arg4: memref<2x10240x16xf32, #tpu.memory_space<hbm>>, %arg5: memref<2000xi32, #tpu.memory_space<vmem>>, %arg6: memref<2000xi32, #tpu.memory_space<vmem>>, %arg7: memref<2000xf32, #tpu.memory_space<vmem>>, %arg8: memref<2000xf32, #tpu.memory_space<vmem>>, %arg9: memref<640xf32, #tpu.memory_space<vmem>>, %arg10: memref<640xf32, #tpu.memory_space<vmem>>, %arg11: memref<640x16xf32, #tpu.memory_space<vmem>>, %arg12: memref<10240xf32, #tpu.memory_space<vmem_shared>>, %arg13: memref<!tpu.dma_semaphore, #tpu.memory_space<semaphore_mem>>, %arg14: memref<!tpu.dma_semaphore, #tpu.memory_space<semaphore_mem>>) attributes {dimension_semantics = [#tpu.dimension_semantics<core_parallel>, #tpu.dimension_semantics<subcore_parallel>], iteration_bounds = array<i64: 2, 16>, scalar_prefetch = 0 : i64, scratch_operands = 10 : i64, tpu.core_type = #tpu.core_type<sc_vector_subcore>, window_params = [{transform_indices = #map}, {transform_indices = #map}, {transform_indices = #map1}]} {
    %mul3A = arith.constant 16 : i32
    %mul3A_0 = arith.muli %arg0, %mul3A : i32
    %add3A = arith.addi %mul3A_0, %arg1 : i32
    %scan3A = arith.constant 0 : i32
    %scan3A_1 = arith.constant 40 : i32
    %scan3A_2 = arith.addi %scan3A, %scan3A_1 : i32
    %scan3A_3 = arith.constant 1 : i32
    scf.for %scan3A_57 = %scan3A to %scan3A_2 step %scan3A_3  : i32 {
      %mul3A_58 = arith.constant 16 : i32
      %mul3A_59 = arith.muli %scan3A_57, %mul3A_58 : i32
      %add3A_60 = arith.constant 0 : i32
      %add3A_61 = arith.addi %add3A_60, %mul3A_59 : i32
      %broadcast_in_dim3A = arith.constant 0.000000e+00 : f32
      %broadcast_in_dim3A_62 = vector.broadcast %broadcast_in_dim3A : f32 to vector<16xf32>
      %swap3A = arith.index_cast %add3A_61 : i32 to index
      %swap3A_63 = tpu.vector_load %arg9[%swap3A] {strides = array<i32>} : memref<640xf32, #tpu.memory_space<vmem>>, vector<16xf32>,
      %swap3A_64 = vector.shape_cast %swap3A_63 : vector<16xf32> to vector<16xf32>
      %swap3A_65 = vector.shape_cast %broadcast_in_dim3A_62 : vector<16xf32> to vector<16xf32>
      tpu.vector_store %arg9[%swap3A], %swap3A_65 {strides = array<i32>} : memref<640xf32, #tpu.memory_space<vmem>>, vector<16xf32>,
    }
    %scan3A_4 = arith.constant 40 : i32
    %mul3A_5 = arith.constant 640 : i32
    %mul3A_6 = arith.muli %arg1, %mul3A_5 : i32
    "tpu.region"() ({
      %run_scoped3A = tpu.sem_alloc : memref<!tpu.dma_semaphore, #tpu.memory_space<semaphore_mem>>
      %dma_start3A_57 = tpu.memref_slice %arg12[%mul3A_6] : memref<10240xf32, #tpu.memory_space<vmem_shared>> -> memref<640xf32, #tpu.memory_space<vmem_shared>>
      %dma_start3A_58 = tpu.memref_slice %arg12[%mul3A_6] : memref<10240xf32, #tpu.memory_space<vmem_shared>> -> memref<640xf32, #tpu.memory_space<vmem_shared>>
      tpu.enqueue_dma source(%arg9 : memref<640xf32, #tpu.memory_space<vmem>>) target(%dma_start3A_58 : memref<640xf32, #tpu.memory_space<vmem_shared>>) target_semaphore(%run_scoped3A : memref<!tpu.dma_semaphore, #tpu.memory_space<semaphore_mem>>)
      %dma_wait3A_59 = tpu.memref_slice %arg12[%mul3A_6] : memref<10240xf32, #tpu.memory_space<vmem_shared>> -> memref<640xf32, #tpu.memory_space<vmem_shared>>
      %dma_wait3A_60 = tpu.memref_slice %arg12[%mul3A_6] : memref<10240xf32, #tpu.memory_space<vmem_shared>> -> memref<640xf32, #tpu.memory_space<vmem_shared>>
      tpu.wait_dma2 semaphore(%run_scoped3A : memref<!tpu.dma_semaphore, #tpu.memory_space<semaphore_mem>>) src(%arg9 : memref<640xf32, #tpu.memory_space<vmem>>) dst(%dma_wait3A_60 : memref<640xf32, #tpu.memory_space<vmem_shared>>)
      tpu.yield
    }) : () -> ()
    %barrier3A = arith.constant 0 : index
    tpu.barrier barrier_id(%barrier3A)
    %mul3A_7 = arith.constant 10000 : i32
    %mul3A_8 = arith.muli %add3A, %mul3A_7 : i32
    %add3A_9 = arith.constant 0 : i32
    %add3A_10 = arith.addi %mul3A_8, %add3A_9 : i32
    "tpu.region"() ({
      %run_scoped3A = tpu.sem_alloc : memref<!tpu.dma_semaphore, #tpu.memory_space<semaphore_mem>>
      %dma_start3A_57 = tpu.memref_slice %arg2[%add3A_10] : memref<320000xi32, #tpu.memory_space<hbm>> -> memref<2000xi32, #tpu.memory_space<hbm>>
      %dma_start3A_58 = tpu.memref_slice %arg2[%add3A_10] : memref<320000xi32, #tpu.memory_space<hbm>> -> memref<2000xi32, #tpu.memory_space<hbm>>
      tpu.enqueue_dma source(%dma_start3A_58 : memref<2000xi32, #tpu.memory_space<hbm>>) target(%arg5 : memref<2000xi32, #tpu.memory_space<vmem>>) target_semaphore(%run_scoped3A : memref<!tpu.dma_semaphore, #tpu.memory_space<semaphore_mem>>)
      %dma_wait3A_59 = tpu.memref_slice %arg2[%add3A_10] : memref<320000xi32, #tpu.memory_space<hbm>> -> memref<2000xi32, #tpu.memory_space<hbm>>
      %dma_wait3A_60 = tpu.memref_slice %arg2[%add3A_10] : memref<320000xi32, #tpu.memory_space<hbm>> -> memref<2000xi32, #tpu.memory_space<hbm>>
      tpu.wait_dma2 semaphore(%run_scoped3A : memref<!tpu.dma_semaphore, #tpu.memory_space<semaphore_mem>>) src(%dma_wait3A_60 : memref<2000xi32, #tpu.memory_space<hbm>>) dst(%arg5 : memref<2000xi32, #tpu.memory_space<vmem>>)
      tpu.yield
    }) : () -> ()
    %add3A_11 = arith.constant 0 : i32
    %add3A_12 = arith.addi %mul3A_8, %add3A_11 : i32
    "tpu.region"() ({
      %run_scoped3A = tpu.sem_alloc : memref<!tpu.dma_semaphore, #tpu.memory_space<semaphore_mem>>
      %dma_start3A_57 = tpu.memref_slice %arg3[%add3A_12] : memref<320000xf32, #tpu.memory_space<hbm>> -> memref<2000xf32, #tpu.memory_space<hbm>>
      %dma_start3A_58 = tpu.memref_slice %arg3[%add3A_12] : memref<320000xf32, #tpu.memory_space<hbm>> -> memref<2000xf32, #tpu.memory_space<hbm>>
      tpu.enqueue_dma source(%dma_start3A_58 : memref<2000xf32, #tpu.memory_space<hbm>>) target(%arg7 : memref<2000xf32, #tpu.memory_space<vmem>>) target_semaphore(%run_scoped3A : memref<!tpu.dma_semaphore, #tpu.memory_space<semaphore_mem>>)
      %dma_wait3A_59 = tpu.memref_slice %arg3[%add3A_12] : memref<320000xf32, #tpu.memory_space<hbm>> -> memref<2000xf32, #tpu.memory_space<hbm>>
      %dma_wait3A_60 = tpu.memref_slice %arg3[%add3A_12] : memref<320000xf32, #tpu.memory_space<hbm>> -> memref<2000xf32, #tpu.memory_space<hbm>>
      tpu.wait_dma2 semaphore(%run_scoped3A : memref<!tpu.dma_semaphore, #tpu.memory_space<semaphore_mem>>) src(%dma_wait3A_60 : memref<2000xf32, #tpu.memory_space<hbm>>) dst(%arg7 : memref<2000xf32, #tpu.memory_space<vmem>>)
      tpu.yield
    }) : () -> ()
    %add3A_13 = arith.constant 2000 : i32
    %add3A_14 = arith.addi %mul3A_8, %add3A_13 : i32
    "tpu.region"() ({
      %run_scoped3A = tpu.sem_alloc : memref<!tpu.dma_semaphore, #tpu.memory_space<semaphore_mem>>
      %dma_start3A_57 = tpu.memref_slice %arg2[%add3A_14] : memref<320000xi32, #tpu.memory_space<hbm>> -> memref<2000xi32, #tpu.memory_space<hbm>>
      %dma_start3A_58 = tpu.memref_slice %arg2[%add3A_14] : memref<320000xi32, #tpu.memory_space<hbm>> -> memref<2000xi32, #tpu.memory_space<hbm>>
      tpu.enqueue_dma source(%dma_start3A_58 : memref<2000xi32, #tpu.memory_space<hbm>>) target(%arg6 : memref<2000xi32, #tpu.memory_space<vmem>>) target_semaphore(%run_scoped3A : memref<!tpu.dma_semaphore, #tpu.memory_space<semaphore_mem>>)
      %dma_wait3A_59 = tpu.memref_slice %arg2[%add3A_14] : memref<320000xi32, #tpu.memory_space<hbm>> -> memref<2000xi32, #tpu.memory_space<hbm>>
      %dma_wait3A_60 = tpu.memref_slice %arg2[%add3A_14] : memref<320000xi32, #tpu.memory_space<hbm>> -> memref<2000xi32, #tpu.memory_space<hbm>>
      tpu.wait_dma2 semaphore(%run_scoped3A : memref<!tpu.dma_semaphore, #tpu.memory_space<semaphore_mem>>) src(%dma_wait3A_60 : memref<2000xi32, #tpu.memory_space<hbm>>) dst(%arg6 : memref<2000xi32, #tpu.memory_space<vmem>>)
      tpu.yield
    }) : () -> ()
    %add3A_15 = arith.constant 2000 : i32
    %add3A_16 = arith.addi %mul3A_8, %add3A_15 : i32
    "tpu.region"() ({
      %run_scoped3A = tpu.sem_alloc : memref<!tpu.dma_semaphore, #tpu.memory_space<semaphore_mem>>
      %dma_start3A_57 = tpu.memref_slice %arg3[%add3A_16] : memref<320000xf32, #tpu.memory_space<hbm>> -> memref<2000xf32, #tpu.memory_space<hbm>>
      %dma_start3A_58 = tpu.memref_slice %arg3[%add3A_16] : memref<320000xf32, #tpu.memory_space<hbm>> -> memref<2000xf32, #tpu.memory_space<hbm>>
      tpu.enqueue_dma source(%dma_start3A_58 : memref<2000xf32, #tpu.memory_space<hbm>>) target(%arg8 : memref<2000xf32, #tpu.memory_space<vmem>>) target_semaphore(%run_scoped3A : memref<!tpu.dma_semaphore, #tpu.memory_space<semaphore_mem>>)
      %dma_wait3A_59 = tpu.memref_slice %arg3[%add3A_16] : memref<320000xf32, #tpu.memory_space<hbm>> -> memref<2000xf32, #tpu.memory_space<hbm>>
      %dma_wait3A_60 = tpu.memref_slice %arg3[%add3A_16] : memref<320000xf32, #tpu.memory_space<hbm>> -> memref<2000xf32, #tpu.memory_space<hbm>>
      tpu.wait_dma2 semaphore(%run_scoped3A : memref<!tpu.dma_semaphore, #tpu.memory_space<semaphore_mem>>) src(%dma_wait3A_60 : memref<2000xf32, #tpu.memory_space<hbm>>) dst(%arg8 : memref<2000xf32, #tpu.memory_space<vmem>>)
      tpu.yield
    }) : () -> ()
    %dma_start3A = arith.constant 0 : i32
    %dma_start3A_17 = tpu.memref_slice %arg12[%dma_start3A] : memref<10240xf32, #tpu.memory_space<vmem_shared>> -> memref<10240xf32, #tpu.memory_space<vmem_shared>>
    tpu.enqueue_indirect_dma source(%arg7 : memref<2000xf32, #tpu.memory_space<vmem>>) target(%dma_start3A_17 : memref<10240xf32, #tpu.memory_space<vmem_shared>>) offsets(%arg5 : memref<2000xi32, #tpu.memory_space<vmem>>) semaphore(%arg13 : memref<!tpu.dma_semaphore, #tpu.memory_space<semaphore_mem>>) {add = true}
    %dma_wait3A = arith.constant 0 : i32
    %dma_wait3A_18 = tpu.memref_slice %arg12[%dma_wait3A] : memref<10240xf32, #tpu.memory_space<vmem_shared>> -> memref<10240xf32, #tpu.memory_space<vmem_shared>>
    tpu.wait_indirect_dma semaphore(%arg13 : memref<!tpu.dma_semaphore, #tpu.memory_space<semaphore_mem>>) src(%arg7 : memref<2000xf32, #tpu.memory_space<vmem>>) dst(%dma_wait3A_18 : memref<10240xf32, #tpu.memory_space<vmem_shared>>)
    %add3A_19 = arith.constant 4000 : i32
    %add3A_20 = arith.addi %mul3A_8, %add3A_19 : i32
    "tpu.region"() ({
      %run_scoped3A = tpu.sem_alloc : memref<!tpu.dma_semaphore, #tpu.memory_space<semaphore_mem>>
      %dma_start3A_57 = tpu.memref_slice %arg2[%add3A_20] : memref<320000xi32, #tpu.memory_space<hbm>> -> memref<2000xi32, #tpu.memory_space<hbm>>
      %dma_start3A_58 = tpu.memref_slice %arg2[%add3A_20] : memref<320000xi32, #tpu.memory_space<hbm>> -> memref<2000xi32, #tpu.memory_space<hbm>>
      tpu.enqueue_dma source(%dma_start3A_58 : memref<2000xi32, #tpu.memory_space<hbm>>) target(%arg5 : memref<2000xi32, #tpu.memory_space<vmem>>) target_semaphore(%run_scoped3A : memref<!tpu.dma_semaphore, #tpu.memory_space<semaphore_mem>>)
      %dma_wait3A_59 = tpu.memref_slice %arg2[%add3A_20] : memref<320000xi32, #tpu.memory_space<hbm>> -> memref<2000xi32, #tpu.memory_space<hbm>>
      %dma_wait3A_60 = tpu.memref_slice %arg2[%add3A_20] : memref<320000xi32, #tpu.memory_space<hbm>> -> memref<2000xi32, #tpu.memory_space<hbm>>
      tpu.wait_dma2 semaphore(%run_scoped3A : memref<!tpu.dma_semaphore, #tpu.memory_space<semaphore_mem>>) src(%dma_wait3A_60 : memref<2000xi32, #tpu.memory_space<hbm>>) dst(%arg5 : memref<2000xi32, #tpu.memory_space<vmem>>)
      tpu.yield
    }) : () -> ()
    %add3A_21 = arith.constant 4000 : i32
    %add3A_22 = arith.addi %mul3A_8, %add3A_21 : i32
    "tpu.region"() ({
      %run_scoped3A = tpu.sem_alloc : memref<!tpu.dma_semaphore, #tpu.memory_space<semaphore_mem>>
      %dma_start3A_57 = tpu.memref_slice %arg3[%add3A_22] : memref<320000xf32, #tpu.memory_space<hbm>> -> memref<2000xf32, #tpu.memory_space<hbm>>
      %dma_start3A_58 = tpu.memref_slice %arg3[%add3A_22] : memref<320000xf32, #tpu.memory_space<hbm>> -> memref<2000xf32, #tpu.memory_space<hbm>>
      tpu.enqueue_dma source(%dma_start3A_58 : memref<2000xf32, #tpu.memory_space<hbm>>) target(%arg7 : memref<2000xf32, #tpu.memory_space<vmem>>) target_semaphore(%run_scoped3A : memref<!tpu.dma_semaphore, #tpu.memory_space<semaphore_mem>>)
      %dma_wait3A_59 = tpu.memref_slice %arg3[%add3A_22] : memref<320000xf32, #tpu.memory_space<hbm>> -> memref<2000xf32, #tpu.memory_space<hbm>>
      %dma_wait3A_60 = tpu.memref_slice %arg3[%add3A_22] : memref<320000xf32, #tpu.memory_space<hbm>> -> memref<2000xf32, #tpu.memory_space<hbm>>
      tpu.wait_dma2 semaphore(%run_scoped3A : memref<!tpu.dma_semaphore, #tpu.memory_space<semaphore_mem>>) src(%dma_wait3A_60 : memref<2000xf32, #tpu.memory_space<hbm>>) dst(%arg7 : memref<2000xf32, #tpu.memory_space<vmem>>)
      tpu.yield
    }) : () -> ()
    %dma_start3A_23 = arith.constant 0 : i32
    %dma_start3A_24 = tpu.memref_slice %arg12[%dma_start3A_23] : memref<10240xf32, #tpu.memory_space<vmem_shared>> -> memref<10240xf32, #tpu.memory_space<vmem_shared>>
    tpu.enqueue_indirect_dma source(%arg8 : memref<2000xf32, #tpu.memory_space<vmem>>) target(%dma_start3A_24 : memref<10240xf32, #tpu.memory_space<vmem_shared>>) offsets(%arg6 : memref<2000xi32, #tpu.memory_space<vmem>>) semaphore(%arg14 : memref<!tpu.dma_semaphore, #tpu.memory_space<semaphore_mem>>) {add = true}
    %dma_wait3A_25 = arith.constant 0 : i32
    %dma_wait3A_26 = tpu.memref_slice %arg12[%dma_wait3A_25] : memref<10240xf32, #tpu.memory_space<vmem_shared>> -> memref<10240xf32, #tpu.memory_space<vmem_shared>>
    tpu.wait_indirect_dma semaphore(%arg14 : memref<!tpu.dma_semaphore, #tpu.memory_space<semaphore_mem>>) src(%arg8 : memref<2000xf32, #tpu.memory_space<vmem>>) dst(%dma_wait3A_26 : memref<10240xf32, #tpu.memory_space<vmem_shared>>)
    %add3A_27 = arith.constant 6000 : i32
    %add3A_28 = arith.addi %mul3A_8, %add3A_27 : i32
    "tpu.region"() ({
      %run_scoped3A = tpu.sem_alloc : memref<!tpu.dma_semaphore, #tpu.memory_space<semaphore_mem>>
      %dma_start3A_57 = tpu.memref_slice %arg2[%add3A_28] : memref<320000xi32, #tpu.memory_space<hbm>> -> memref<2000xi32, #tpu.memory_space<hbm>>
      %dma_start3A_58 = tpu.memref_slice %arg2[%add3A_28] : memref<320000xi32, #tpu.memory_space<hbm>> -> memref<2000xi32, #tpu.memory_space<hbm>>
      tpu.enqueue_dma source(%dma_start3A_58 : memref<2000xi32, #tpu.memory_space<hbm>>) target(%arg6 : memref<2000xi32, #tpu.memory_space<vmem>>) target_semaphore(%run_scoped3A : memref<!tpu.dma_semaphore, #tpu.memory_space<semaphore_mem>>)
      %dma_wait3A_59 = tpu.memref_slice %arg2[%add3A_28] : memref<320000xi32, #tpu.memory_space<hbm>> -> memref<2000xi32, #tpu.memory_space<hbm>>
      %dma_wait3A_60 = tpu.memref_slice %arg2[%add3A_28] : memref<320000xi32, #tpu.memory_space<hbm>> -> memref<2000xi32, #tpu.memory_space<hbm>>
      tpu.wait_dma2 semaphore(%run_scoped3A : memref<!tpu.dma_semaphore, #tpu.memory_space<semaphore_mem>>) src(%dma_wait3A_60 : memref<2000xi32, #tpu.memory_space<hbm>>) dst(%arg6 : memref<2000xi32, #tpu.memory_space<vmem>>)
      tpu.yield
    }) : () -> ()
    %add3A_29 = arith.constant 6000 : i32
    %add3A_30 = arith.addi %mul3A_8, %add3A_29 : i32
    "tpu.region"() ({
      %run_scoped3A = tpu.sem_alloc : memref<!tpu.dma_semaphore, #tpu.memory_space<semaphore_mem>>
      %dma_start3A_57 = tpu.memref_slice %arg3[%add3A_30] : memref<320000xf32, #tpu.memory_space<hbm>> -> memref<2000xf32, #tpu.memory_space<hbm>>
      %dma_start3A_58 = tpu.memref_slice %arg3[%add3A_30] : memref<320000xf32, #tpu.memory_space<hbm>> -> memref<2000xf32, #tpu.memory_space<hbm>>
      tpu.enqueue_dma source(%dma_start3A_58 : memref<2000xf32, #tpu.memory_space<hbm>>) target(%arg8 : memref<2000xf32, #tpu.memory_space<vmem>>) target_semaphore(%run_scoped3A : memref<!tpu.dma_semaphore, #tpu.memory_space<semaphore_mem>>)
      %dma_wait3A_59 = tpu.memref_slice %arg3[%add3A_30] : memref<320000xf32, #tpu.memory_space<hbm>> -> memref<2000xf32, #tpu.memory_space<hbm>>
      %dma_wait3A_60 = tpu.memref_slice %arg3[%add3A_30] : memref<320000xf32, #tpu.memory_space<hbm>> -> memref<2000xf32, #tpu.memory_space<hbm>>
      tpu.wait_dma2 semaphore(%run_scoped3A : memref<!tpu.dma_semaphore, #tpu.memory_space<semaphore_mem>>) src(%dma_wait3A_60 : memref<2000xf32, #tpu.memory_space<hbm>>) dst(%arg8 : memref<2000xf32, #tpu.memory_space<vmem>>)
      tpu.yield
    }) : () -> ()
    %dma_start3A_31 = arith.constant 0 : i32
    %dma_start3A_32 = tpu.memref_slice %arg12[%dma_start3A_31] : memref<10240xf32, #tpu.memory_space<vmem_shared>> -> memref<10240xf32, #tpu.memory_space<vmem_shared>>
    tpu.enqueue_indirect_dma source(%arg7 : memref<2000xf32, #tpu.memory_space<vmem>>) target(%dma_start3A_32 : memref<10240xf32, #tpu.memory_space<vmem_shared>>) offsets(%arg5 : memref<2000xi32, #tpu.memory_space<vmem>>) semaphore(%arg13 : memref<!tpu.dma_semaphore, #tpu.memory_space<semaphore_mem>>) {add = true}
    %dma_wait3A_33 = arith.constant 0 : i32
    %dma_wait3A_34 = tpu.memref_slice %arg12[%dma_wait3A_33] : memref<10240xf32, #tpu.memory_space<vmem_shared>> -> memref<10240xf32, #tpu.memory_space<vmem_shared>>
    tpu.wait_indirect_dma semaphore(%arg13 : memref<!tpu.dma_semaphore, #tpu.memory_space<semaphore_mem>>) src(%arg7 : memref<2000xf32, #tpu.memory_space<vmem>>) dst(%dma_wait3A_34 : memref<10240xf32, #tpu.memory_space<vmem_shared>>)
    %add3A_35 = arith.constant 8000 : i32
    %add3A_36 = arith.addi %mul3A_8, %add3A_35 : i32
    "tpu.region"() ({
      %run_scoped3A = tpu.sem_alloc : memref<!tpu.dma_semaphore, #tpu.memory_space<semaphore_mem>>
      %dma_start3A_57 = tpu.memref_slice %arg2[%add3A_36] : memref<320000xi32, #tpu.memory_space<hbm>> -> memref<2000xi32, #tpu.memory_space<hbm>>
      %dma_start3A_58 = tpu.memref_slice %arg2[%add3A_36] : memref<320000xi32, #tpu.memory_space<hbm>> -> memref<2000xi32, #tpu.memory_space<hbm>>
      tpu.enqueue_dma source(%dma_start3A_58 : memref<2000xi32, #tpu.memory_space<hbm>>) target(%arg5 : memref<2000xi32, #tpu.memory_space<vmem>>) target_semaphore(%run_scoped3A : memref<!tpu.dma_semaphore, #tpu.memory_space<semaphore_mem>>)
      %dma_wait3A_59 = tpu.memref_slice %arg2[%add3A_36] : memref<320000xi32, #tpu.memory_space<hbm>> -> memref<2000xi32, #tpu.memory_space<hbm>>
      %dma_wait3A_60 = tpu.memref_slice %arg2[%add3A_36] : memref<320000xi32, #tpu.memory_space<hbm>> -> memref<2000xi32, #tpu.memory_space<hbm>>
      tpu.wait_dma2 semaphore(%run_scoped3A : memref<!tpu.dma_semaphore, #tpu.memory_space<semaphore_mem>>) src(%dma_wait3A_60 : memref<2000xi32, #tpu.memory_space<hbm>>) dst(%arg5 : memref<2000xi32, #tpu.memory_space<vmem>>)
      tpu.yield
    }) : () -> ()
    %add3A_37 = arith.constant 8000 : i32
    %add3A_38 = arith.addi %mul3A_8, %add3A_37 : i32
    "tpu.region"() ({
      %run_scoped3A = tpu.sem_alloc : memref<!tpu.dma_semaphore, #tpu.memory_space<semaphore_mem>>
      %dma_start3A_57 = tpu.memref_slice %arg3[%add3A_38] : memref<320000xf32, #tpu.memory_space<hbm>> -> memref<2000xf32, #tpu.memory_space<hbm>>
      %dma_start3A_58 = tpu.memref_slice %arg3[%add3A_38] : memref<320000xf32, #tpu.memory_space<hbm>> -> memref<2000xf32, #tpu.memory_space<hbm>>
      tpu.enqueue_dma source(%dma_start3A_58 : memref<2000xf32, #tpu.memory_space<hbm>>) target(%arg7 : memref<2000xf32, #tpu.memory_space<vmem>>) target_semaphore(%run_scoped3A : memref<!tpu.dma_semaphore, #tpu.memory_space<semaphore_mem>>)
      %dma_wait3A_59 = tpu.memref_slice %arg3[%add3A_38] : memref<320000xf32, #tpu.memory_space<hbm>> -> memref<2000xf32, #tpu.memory_space<hbm>>
      %dma_wait3A_60 = tpu.memref_slice %arg3[%add3A_38] : memref<320000xf32, #tpu.memory_space<hbm>> -> memref<2000xf32, #tpu.memory_space<hbm>>
      tpu.wait_dma2 semaphore(%run_scoped3A : memref<!tpu.dma_semaphore, #tpu.memory_space<semaphore_mem>>) src(%dma_wait3A_60 : memref<2000xf32, #tpu.memory_space<hbm>>) dst(%arg7 : memref<2000xf32, #tpu.memory_space<vmem>>)
      tpu.yield
    }) : () -> ()
    %dma_start3A_39 = arith.constant 0 : i32
    %dma_start3A_40 = tpu.memref_slice %arg12[%dma_start3A_39] : memref<10240xf32, #tpu.memory_space<vmem_shared>> -> memref<10240xf32, #tpu.memory_space<vmem_shared>>
    tpu.enqueue_indirect_dma source(%arg8 : memref<2000xf32, #tpu.memory_space<vmem>>) target(%dma_start3A_40 : memref<10240xf32, #tpu.memory_space<vmem_shared>>) offsets(%arg6 : memref<2000xi32, #tpu.memory_space<vmem>>) semaphore(%arg14 : memref<!tpu.dma_semaphore, #tpu.memory_space<semaphore_mem>>) {add = true}
    %dma_wait3A_41 = arith.constant 0 : i32
    %dma_wait3A_42 = tpu.memref_slice %arg12[%dma_wait3A_41] : memref<10240xf32, #tpu.memory_space<vmem_shared>> -> memref<10240xf32, #tpu.memory_space<vmem_shared>>
    tpu.wait_indirect_dma semaphore(%arg14 : memref<!tpu.dma_semaphore, #tpu.memory_space<semaphore_mem>>) src(%arg8 : memref<2000xf32, #tpu.memory_space<vmem>>) dst(%dma_wait3A_42 : memref<10240xf32, #tpu.memory_space<vmem_shared>>)
    %dma_start3A_43 = arith.constant 0 : i32
    %dma_start3A_44 = tpu.memref_slice %arg12[%dma_start3A_43] : memref<10240xf32, #tpu.memory_space<vmem_shared>> -> memref<10240xf32, #tpu.memory_space<vmem_shared>>
    tpu.enqueue_indirect_dma source(%arg7 : memref<2000xf32, #tpu.memory_space<vmem>>) target(%dma_start3A_44 : memref<10240xf32, #tpu.memory_space<vmem_shared>>) offsets(%arg5 : memref<2000xi32, #tpu.memory_space<vmem>>) semaphore(%arg13 : memref<!tpu.dma_semaphore, #tpu.memory_space<semaphore_mem>>) {add = true}
    %dma_wait3A_45 = arith.constant 0 : i32
    %dma_wait3A_46 = tpu.memref_slice %arg12[%dma_wait3A_45] : memref<10240xf32, #tpu.memory_space<vmem_shared>> -> memref<10240xf32, #tpu.memory_space<vmem_shared>>
    tpu.wait_indirect_dma semaphore(%arg13 : memref<!tpu.dma_semaphore, #tpu.memory_space<semaphore_mem>>) src(%arg7 : memref<2000xf32, #tpu.memory_space<vmem>>) dst(%dma_wait3A_46 : memref<10240xf32, #tpu.memory_space<vmem_shared>>)
    %barrier3A_47 = arith.constant 0 : index
    tpu.barrier barrier_id(%barrier3A_47)
    %mul3A_48 = arith.constant 640 : i32
    %mul3A_49 = arith.muli %arg1, %mul3A_48 : i32
    "tpu.region"() ({
      %run_scoped3A = tpu.sem_alloc : memref<!tpu.dma_semaphore, #tpu.memory_space<semaphore_mem>>
      %dma_start3A_57 = tpu.memref_slice %arg12[%mul3A_49] : memref<10240xf32, #tpu.memory_space<vmem_shared>> -> memref<640xf32, #tpu.memory_space<vmem_shared>>
      %dma_start3A_58 = tpu.memref_slice %arg12[%mul3A_49] : memref<10240xf32, #tpu.memory_space<vmem_shared>> -> memref<640xf32, #tpu.memory_space<vmem_shared>>
      tpu.enqueue_dma source(%dma_start3A_58 : memref<640xf32, #tpu.memory_space<vmem_shared>>) target(%arg10 : memref<640xf32, #tpu.memory_space<vmem>>) target_semaphore(%run_scoped3A : memref<!tpu.dma_semaphore, #tpu.memory_space<semaphore_mem>>)
      %dma_wait3A_59 = tpu.memref_slice %arg12[%mul3A_49] : memref<10240xf32, #tpu.memory_space<vmem_shared>> -> memref<640xf32, #tpu.memory_space<vmem_shared>>
      %dma_wait3A_60 = tpu.memref_slice %arg12[%mul3A_49] : memref<10240xf32, #tpu.memory_space<vmem_shared>> -> memref<640xf32, #tpu.memory_space<vmem_shared>>
      tpu.wait_dma2 semaphore(%run_scoped3A : memref<!tpu.dma_semaphore, #tpu.memory_space<semaphore_mem>>) src(%dma_wait3A_60 : memref<640xf32, #tpu.memory_space<vmem_shared>>) dst(%arg10 : memref<640xf32, #tpu.memory_space<vmem>>)
      tpu.yield
    }) : () -> ()
    %scan3A_50 = arith.constant 0 : i32
    %scan3A_51 = arith.constant 40 : i32
    %scan3A_52 = arith.addi %scan3A_50, %scan3A_51 : i32
    %scan3A_53 = arith.constant 1 : i32
    scf.for %scan3A_57 = %scan3A_50 to %scan3A_52 step %scan3A_53  : i32 {
      %mul3A_58 = arith.constant 16 : i32
      %mul3A_59 = arith.muli %scan3A_57, %mul3A_58 : i32
      %add3A_60 = arith.constant 0 : i32
      %add3A_61 = arith.addi %add3A_60, %mul3A_59 : i32
      %get3A = arith.index_cast %add3A_61 : i32 to index
      %get3A_62 = tpu.vector_load %arg10[%get3A] {strides = array<i32>} : memref<640xf32, #tpu.memory_space<vmem>>, vector<16xf32>,
      %get3A_63 = vector.shape_cast %get3A_62 : vector<16xf32> to vector<16xf32>
      %broadcast_in_dim3A = arith.constant 1.000000e+00 : f32
      %broadcast_in_dim3A_64 = vector.broadcast %broadcast_in_dim3A : f32 to vector<16xf32>
      %slice3A = vector.extract_strided_slice %get3A_63 {offsets = [0], sizes = [1], strides = [1]} : vector<16xf32> to vector<1xf32>
      %squeeze3A = vector.extract %slice3A[0] : f32 from vector<1xf32>
      %mul3A_65 = vector.broadcast %squeeze3A : f32 to vector<16xf32>
      %mul3A_66 = arith.mulf %broadcast_in_dim3A_64, %mul3A_65 : vector<16xf32>
      %add3A_67 = arith.constant 0 : i32
      %add3A_68 = arith.addi %add3A_61, %add3A_67 : i32
      %swap3A = arith.index_cast %add3A_68 : i32 to index
      %swap3A_69 = arith.constant 0 : index
      %swap3A_70 = tpu.vector_load %arg11[%swap3A, %swap3A_69] {strides = array<i32>} : memref<640x16xf32, #tpu.memory_space<vmem>>, vector<1x16xf32>,
      %swap3A_71 = vector.shape_cast %swap3A_70 : vector<1x16xf32> to vector<16xf32>
      %swap3A_72 = vector.shape_cast %mul3A_66 : vector<16xf32> to vector<1x16xf32>
      tpu.vector_store %arg11[%swap3A, %swap3A_69], %swap3A_72 {strides = array<i32>} : memref<640x16xf32, #tpu.memory_space<vmem>>, vector<1x16xf32>,
      %broadcast_in_dim3A_73 = arith.constant 1.000000e+00 : f32
      %broadcast_in_dim3A_74 = vector.broadcast %broadcast_in_dim3A_73 : f32 to vector<16xf32>
      %slice3A_75 = vector.extract_strided_slice %get3A_63 {offsets = [1], sizes = [1], strides = [1]} : vector<16xf32> to vector<1xf32>
      %squeeze3A_76 = vector.extract %slice3A_75[0] : f32 from vector<1xf32>
      %mul3A_77 = vector.broadcast %squeeze3A_76 : f32 to vector<16xf32>
      %mul3A_78 = arith.mulf %broadcast_in_dim3A_74, %mul3A_77 : vector<16xf32>
      %add3A_79 = arith.constant 1 : i32
      %add3A_80 = arith.addi %add3A_61, %add3A_79 : i32
      %swap3A_81 = arith.index_cast %add3A_80 : i32 to index
      %swap3A_82 = arith.constant 0 : index
      %swap3A_83 = tpu.vector_load %arg11[%swap3A_81, %swap3A_82] {strides = array<i32>} : memref<640x16xf32, #tpu.memory_space<vmem>>, vector<1x16xf32>,
      %swap3A_84 = vector.shape_cast %swap3A_83 : vector<1x16xf32> to vector<16xf32>
      %swap3A_85 = vector.shape_cast %mul3A_78 : vector<16xf32> to vector<1x16xf32>
      tpu.vector_store %arg11[%swap3A_81, %swap3A_82], %swap3A_85 {strides = array<i32>} : memref<640x16xf32, #tpu.memory_space<vmem>>, vector<1x16xf32>,
      %broadcast_in_dim3A_86 = arith.constant 1.000000e+00 : f32
      %broadcast_in_dim3A_87 = vector.broadcast %broadcast_in_dim3A_86 : f32 to vector<16xf32>
      %slice3A_88 = vector.extract_strided_slice %get3A_63 {offsets = [2], sizes = [1], strides = [1]} : vector<16xf32> to vector<1xf32>
      %squeeze3A_89 = vector.extract %slice3A_88[0] : f32 from vector<1xf32>
      %mul3A_90 = vector.broadcast %squeeze3A_89 : f32 to vector<16xf32>
      %mul3A_91 = arith.mulf %broadcast_in_dim3A_87, %mul3A_90 : vector<16xf32>
      %add3A_92 = arith.constant 2 : i32
      %add3A_93 = arith.addi %add3A_61, %add3A_92 : i32
      %swap3A_94 = arith.index_cast %add3A_93 : i32 to index
      %swap3A_95 = arith.constant 0 : index
      %swap3A_96 = tpu.vector_load %arg11[%swap3A_94, %swap3A_95] {strides = array<i32>} : memref<640x16xf32, #tpu.memory_space<vmem>>, vector<1x16xf32>,
      %swap3A_97 = vector.shape_cast %swap3A_96 : vector<1x16xf32> to vector<16xf32>
      %swap3A_98 = vector.shape_cast %mul3A_91 : vector<16xf32> to vector<1x16xf32>
      tpu.vector_store %arg11[%swap3A_94, %swap3A_95], %swap3A_98 {strides = array<i32>} : memref<640x16xf32, #tpu.memory_space<vmem>>, vector<1x16xf32>,
      %broadcast_in_dim3A_99 = arith.constant 1.000000e+00 : f32
      %broadcast_in_dim3A_100 = vector.broadcast %broadcast_in_dim3A_99 : f32 to vector<16xf32>
      %slice3A_101 = vector.extract_strided_slice %get3A_63 {offsets = [3], sizes = [1], strides = [1]} : vector<16xf32> to vector<1xf32>
      %squeeze3A_102 = vector.extract %slice3A_101[0] : f32 from vector<1xf32>
      %mul3A_103 = vector.broadcast %squeeze3A_102 : f32 to vector<16xf32>
      %mul3A_104 = arith.mulf %broadcast_in_dim3A_100, %mul3A_103 : vector<16xf32>
      %add3A_105 = arith.constant 3 : i32
      %add3A_106 = arith.addi %add3A_61, %add3A_105 : i32
      %swap3A_107 = arith.index_cast %add3A_106 : i32 to index
      %swap3A_108 = arith.constant 0 : index
      %swap3A_109 = tpu.vector_load %arg11[%swap3A_107, %swap3A_108] {strides = array<i32>} : memref<640x16xf32, #tpu.memory_space<vmem>>, vector<1x16xf32>,
      %swap3A_110 = vector.shape_cast %swap3A_109 : vector<1x16xf32> to vector<16xf32>
      %swap3A_111 = vector.shape_cast %mul3A_104 : vector<16xf32> to vector<1x16xf32>
      tpu.vector_store %arg11[%swap3A_107, %swap3A_108], %swap3A_111 {strides = array<i32>} : memref<640x16xf32, #tpu.memory_space<vmem>>, vector<1x16xf32>,
      %broadcast_in_dim3A_112 = arith.constant 1.000000e+00 : f32
      %broadcast_in_dim3A_113 = vector.broadcast %broadcast_in_dim3A_112 : f32 to vector<16xf32>
      %slice3A_114 = vector.extract_strided_slice %get3A_63 {offsets = [4], sizes = [1], strides = [1]} : vector<16xf32> to vector<1xf32>
      %squeeze3A_115 = vector.extract %slice3A_114[0] : f32 from vector<1xf32>
      %mul3A_116 = vector.broadcast %squeeze3A_115 : f32 to vector<16xf32>
      %mul3A_117 = arith.mulf %broadcast_in_dim3A_113, %mul3A_116 : vector<16xf32>
      %add3A_118 = arith.constant 4 : i32
      %add3A_119 = arith.addi %add3A_61, %add3A_118 : i32
      %swap3A_120 = arith.index_cast %add3A_119 : i32 to index
      %swap3A_121 = arith.constant 0 : index
      %swap3A_122 = tpu.vector_load %arg11[%swap3A_120, %swap3A_121] {strides = array<i32>} : memref<640x16xf32, #tpu.memory_space<vmem>>, vector<1x16xf32>,
      %swap3A_123 = vector.shape_cast %swap3A_122 : vector<1x16xf32> to vector<16xf32>
      %swap3A_124 = vector.shape_cast %mul3A_117 : vector<16xf32> to vector<1x16xf32>
      tpu.vector_store %arg11[%swap3A_120, %swap3A_121], %swap3A_124 {strides = array<i32>} : memref<640x16xf32, #tpu.memory_space<vmem>>, vector<1x16xf32>,
      %broadcast_in_dim3A_125 = arith.constant 1.000000e+00 : f32
      %broadcast_in_dim3A_126 = vector.broadcast %broadcast_in_dim3A_125 : f32 to vector<16xf32>
      %slice3A_127 = vector.extract_strided_slice %get3A_63 {offsets = [5], sizes = [1], strides = [1]} : vector<16xf32> to vector<1xf32>
      %squeeze3A_128 = vector.extract %slice3A_127[0] : f32 from vector<1xf32>
      %mul3A_129 = vector.broadcast %squeeze3A_128 : f32 to vector<16xf32>
      %mul3A_130 = arith.mulf %broadcast_in_dim3A_126, %mul3A_129 : vector<16xf32>
      %add3A_131 = arith.constant 5 : i32
      %add3A_132 = arith.addi %add3A_61, %add3A_131 : i32
      %swap3A_133 = arith.index_cast %add3A_132 : i32 to index
      %swap3A_134 = arith.constant 0 : index
      %swap3A_135 = tpu.vector_load %arg11[%swap3A_133, %swap3A_134] {strides = array<i32>} : memref<640x16xf32, #tpu.memory_space<vmem>>, vector<1x16xf32>,
      %swap3A_136 = vector.shape_cast %swap3A_135 : vector<1x16xf32> to vector<16xf32>
      %swap3A_137 = vector.shape_cast %mul3A_130 : vector<16xf32> to vector<1x16xf32>
      tpu.vector_store %arg11[%swap3A_133, %swap3A_134], %swap3A_137 {strides = array<i32>} : memref<640x16xf32, #tpu.memory_space<vmem>>, vector<1x16xf32>,
      %broadcast_in_dim3A_138 = arith.constant 1.000000e+00 : f32
      %broadcast_in_dim3A_139 = vector.broadcast %broadcast_in_dim3A_138 : f32 to vector<16xf32>
      %slice3A_140 = vector.extract_strided_slice %get3A_63 {offsets = [6], sizes = [1], strides = [1]} : vector<16xf32> to vector<1xf32>
      %squeeze3A_141 = vector.extract %slice3A_140[0] : f32 from vector<1xf32>
      %mul3A_142 = vector.broadcast %squeeze3A_141 : f32 to vector<16xf32>
      %mul3A_143 = arith.mulf %broadcast_in_dim3A_139, %mul3A_142 : vector<16xf32>
      %add3A_144 = arith.constant 6 : i32
      %add3A_145 = arith.addi %add3A_61, %add3A_144 : i32
      %swap3A_146 = arith.index_cast %add3A_145 : i32 to index
      %swap3A_147 = arith.constant 0 : index
      %swap3A_148 = tpu.vector_load %arg11[%swap3A_146, %swap3A_147] {strides = array<i32>} : memref<640x16xf32, #tpu.memory_space<vmem>>, vector<1x16xf32>,
      %swap3A_149 = vector.shape_cast %swap3A_148 : vector<1x16xf32> to vector<16xf32>
      %swap3A_150 = vector.shape_cast %mul3A_143 : vector<16xf32> to vector<1x16xf32>
      tpu.vector_store %arg11[%swap3A_146, %swap3A_147], %swap3A_150 {strides = array<i32>} : memref<640x16xf32, #tpu.memory_space<vmem>>, vector<1x16xf32>,
      %broadcast_in_dim3A_151 = arith.constant 1.000000e+00 : f32
      %broadcast_in_dim3A_152 = vector.broadcast %broadcast_in_dim3A_151 : f32 to vector<16xf32>
      %slice3A_153 = vector.extract_strided_slice %get3A_63 {offsets = [7], sizes = [1], strides = [1]} : vector<16xf32> to vector<1xf32>
      %squeeze3A_154 = vector.extract %slice3A_153[0] : f32 from vector<1xf32>
      %mul3A_155 = vector.broadcast %squeeze3A_154 : f32 to vector<16xf32>
      %mul3A_156 = arith.mulf %broadcast_in_dim3A_152, %mul3A_155 : vector<16xf32>
      %add3A_157 = arith.constant 7 : i32
      %add3A_158 = arith.addi %add3A_61, %add3A_157 : i32
      %swap3A_159 = arith.index_cast %add3A_158 : i32 to index
      %swap3A_160 = arith.constant 0 : index
      %swap3A_161 = tpu.vector_load %arg11[%swap3A_159, %swap3A_160] {strides = array<i32>} : memref<640x16xf32, #tpu.memory_space<vmem>>, vector<1x16xf32>,
      %swap3A_162 = vector.shape_cast %swap3A_161 : vector<1x16xf32> to vector<16xf32>
      %swap3A_163 = vector.shape_cast %mul3A_156 : vector<16xf32> to vector<1x16xf32>
      tpu.vector_store %arg11[%swap3A_159, %swap3A_160], %swap3A_163 {strides = array<i32>} : memref<640x16xf32, #tpu.memory_space<vmem>>, vector<1x16xf32>,
      %broadcast_in_dim3A_164 = arith.constant 1.000000e+00 : f32
      %broadcast_in_dim3A_165 = vector.broadcast %broadcast_in_dim3A_164 : f32 to vector<16xf32>
      %slice3A_166 = vector.extract_strided_slice %get3A_63 {offsets = [8], sizes = [1], strides = [1]} : vector<16xf32> to vector<1xf32>
      %squeeze3A_167 = vector.extract %slice3A_166[0] : f32 from vector<1xf32>
      %mul3A_168 = vector.broadcast %squeeze3A_167 : f32 to vector<16xf32>
      %mul3A_169 = arith.mulf %broadcast_in_dim3A_165, %mul3A_168 : vector<16xf32>
      %add3A_170 = arith.constant 8 : i32
      %add3A_171 = arith.addi %add3A_61, %add3A_170 : i32
      %swap3A_172 = arith.index_cast %add3A_171 : i32 to index
      %swap3A_173 = arith.constant 0 : index
      %swap3A_174 = tpu.vector_load %arg11[%swap3A_172, %swap3A_173] {strides = array<i32>} : memref<640x16xf32, #tpu.memory_space<vmem>>, vector<1x16xf32>,
      %swap3A_175 = vector.shape_cast %swap3A_174 : vector<1x16xf32> to vector<16xf32>
      %swap3A_176 = vector.shape_cast %mul3A_169 : vector<16xf32> to vector<1x16xf32>
      tpu.vector_store %arg11[%swap3A_172, %swap3A_173], %swap3A_176 {strides = array<i32>} : memref<640x16xf32, #tpu.memory_space<vmem>>, vector<1x16xf32>,
      %broadcast_in_dim3A_177 = arith.constant 1.000000e+00 : f32
      %broadcast_in_dim3A_178 = vector.broadcast %broadcast_in_dim3A_177 : f32 to vector<16xf32>
      %slice3A_179 = vector.extract_strided_slice %get3A_63 {offsets = [9], sizes = [1], strides = [1]} : vector<16xf32> to vector<1xf32>
      %squeeze3A_180 = vector.extract %slice3A_179[0] : f32 from vector<1xf32>
      %mul3A_181 = vector.broadcast %squeeze3A_180 : f32 to vector<16xf32>
      %mul3A_182 = arith.mulf %broadcast_in_dim3A_178, %mul3A_181 : vector<16xf32>
      %add3A_183 = arith.constant 9 : i32
      %add3A_184 = arith.addi %add3A_61, %add3A_183 : i32
      %swap3A_185 = arith.index_cast %add3A_184 : i32 to index
      %swap3A_186 = arith.constant 0 : index
      %swap3A_187 = tpu.vector_load %arg11[%swap3A_185, %swap3A_186] {strides = array<i32>} : memref<640x16xf32, #tpu.memory_space<vmem>>, vector<1x16xf32>,
      %swap3A_188 = vector.shape_cast %swap3A_187 : vector<1x16xf32> to vector<16xf32>
      %swap3A_189 = vector.shape_cast %mul3A_182 : vector<16xf32> to vector<1x16xf32>
      tpu.vector_store %arg11[%swap3A_185, %swap3A_186], %swap3A_189 {strides = array<i32>} : memref<640x16xf32, #tpu.memory_space<vmem>>, vector<1x16xf32>,
      %broadcast_in_dim3A_190 = arith.constant 1.000000e+00 : f32
      %broadcast_in_dim3A_191 = vector.broadcast %broadcast_in_dim3A_190 : f32 to vector<16xf32>
      %slice3A_192 = vector.extract_strided_slice %get3A_63 {offsets = [10], sizes = [1], strides = [1]} : vector<16xf32> to vector<1xf32>
      %squeeze3A_193 = vector.extract %slice3A_192[0] : f32 from vector<1xf32>
      %mul3A_194 = vector.broadcast %squeeze3A_193 : f32 to vector<16xf32>
      %mul3A_195 = arith.mulf %broadcast_in_dim3A_191, %mul3A_194 : vector<16xf32>
      %add3A_196 = arith.constant 10 : i32
      %add3A_197 = arith.addi %add3A_61, %add3A_196 : i32
      %swap3A_198 = arith.index_cast %add3A_197 : i32 to index
      %swap3A_199 = arith.constant 0 : index
      %swap3A_200 = tpu.vector_load %arg11[%swap3A_198, %swap3A_199] {strides = array<i32>} : memref<640x16xf32, #tpu.memory_space<vmem>>, vector<1x16xf32>,
      %swap3A_201 = vector.shape_cast %swap3A_200 : vector<1x16xf32> to vector<16xf32>
      %swap3A_202 = vector.shape_cast %mul3A_195 : vector<16xf32> to vector<1x16xf32>
      tpu.vector_store %arg11[%swap3A_198, %swap3A_199], %swap3A_202 {strides = array<i32>} : memref<640x16xf32, #tpu.memory_space<vmem>>, vector<1x16xf32>,
      %broadcast_in_dim3A_203 = arith.constant 1.000000e+00 : f32
      %broadcast_in_dim3A_204 = vector.broadcast %broadcast_in_dim3A_203 : f32 to vector<16xf32>
      %slice3A_205 = vector.extract_strided_slice %get3A_63 {offsets = [11], sizes = [1], strides = [1]} : vector<16xf32> to vector<1xf32>
      %squeeze3A_206 = vector.extract %slice3A_205[0] : f32 from vector<1xf32>
      %mul3A_207 = vector.broadcast %squeeze3A_206 : f32 to vector<16xf32>
      %mul3A_208 = arith.mulf %broadcast_in_dim3A_204, %mul3A_207 : vector<16xf32>
      %add3A_209 = arith.constant 11 : i32
      %add3A_210 = arith.addi %add3A_61, %add3A_209 : i32
      %swap3A_211 = arith.index_cast %add3A_210 : i32 to index
      %swap3A_212 = arith.constant 0 : index
      %swap3A_213 = tpu.vector_load %arg11[%swap3A_211, %swap3A_212] {strides = array<i32>} : memref<640x16xf32, #tpu.memory_space<vmem>>, vector<1x16xf32>,
      %swap3A_214 = vector.shape_cast %swap3A_213 : vector<1x16xf32> to vector<16xf32>
      %swap3A_215 = vector.shape_cast %mul3A_208 : vector<16xf32> to vector<1x16xf32>
      tpu.vector_store %arg11[%swap3A_211, %swap3A_212], %swap3A_215 {strides = array<i32>} : memref<640x16xf32, #tpu.memory_space<vmem>>, vector<1x16xf32>,
      %broadcast_in_dim3A_216 = arith.constant 1.000000e+00 : f32
      %broadcast_in_dim3A_217 = vector.broadcast %broadcast_in_dim3A_216 : f32 to vector<16xf32>
      %slice3A_218 = vector.extract_strided_slice %get3A_63 {offsets = [12], sizes = [1], strides = [1]} : vector<16xf32> to vector<1xf32>
      %squeeze3A_219 = vector.extract %slice3A_218[0] : f32 from vector<1xf32>
      %mul3A_220 = vector.broadcast %squeeze3A_219 : f32 to vector<16xf32>
      %mul3A_221 = arith.mulf %broadcast_in_dim3A_217, %mul3A_220 : vector<16xf32>
      %add3A_222 = arith.constant 12 : i32
      %add3A_223 = arith.addi %add3A_61, %add3A_222 : i32
      %swap3A_224 = arith.index_cast %add3A_223 : i32 to index
      %swap3A_225 = arith.constant 0 : index
      %swap3A_226 = tpu.vector_load %arg11[%swap3A_224, %swap3A_225] {strides = array<i32>} : memref<640x16xf32, #tpu.memory_space<vmem>>, vector<1x16xf32>,
      %swap3A_227 = vector.shape_cast %swap3A_226 : vector<1x16xf32> to vector<16xf32>
      %swap3A_228 = vector.shape_cast %mul3A_221 : vector<16xf32> to vector<1x16xf32>
      tpu.vector_store %arg11[%swap3A_224, %swap3A_225], %swap3A_228 {strides = array<i32>} : memref<640x16xf32, #tpu.memory_space<vmem>>, vector<1x16xf32>,
      %broadcast_in_dim3A_229 = arith.constant 1.000000e+00 : f32
      %broadcast_in_dim3A_230 = vector.broadcast %broadcast_in_dim3A_229 : f32 to vector<16xf32>
      %slice3A_231 = vector.extract_strided_slice %get3A_63 {offsets = [13], sizes = [1], strides = [1]} : vector<16xf32> to vector<1xf32>
      %squeeze3A_232 = vector.extract %slice3A_231[0] : f32 from vector<1xf32>
      %mul3A_233 = vector.broadcast %squeeze3A_232 : f32 to vector<16xf32>
      %mul3A_234 = arith.mulf %broadcast_in_dim3A_230, %mul3A_233 : vector<16xf32>
      %add3A_235 = arith.constant 13 : i32
      %add3A_236 = arith.addi %add3A_61, %add3A_235 : i32
      %swap3A_237 = arith.index_cast %add3A_236 : i32 to index
      %swap3A_238 = arith.constant 0 : index
      %swap3A_239 = tpu.vector_load %arg11[%swap3A_237, %swap3A_238] {strides = array<i32>} : memref<640x16xf32, #tpu.memory_space<vmem>>, vector<1x16xf32>,
      %swap3A_240 = vector.shape_cast %swap3A_239 : vector<1x16xf32> to vector<16xf32>
      %swap3A_241 = vector.shape_cast %mul3A_234 : vector<16xf32> to vector<1x16xf32>
      tpu.vector_store %arg11[%swap3A_237, %swap3A_238], %swap3A_241 {strides = array<i32>} : memref<640x16xf32, #tpu.memory_space<vmem>>, vector<1x16xf32>,
      %broadcast_in_dim3A_242 = arith.constant 1.000000e+00 : f32
      %broadcast_in_dim3A_243 = vector.broadcast %broadcast_in_dim3A_242 : f32 to vector<16xf32>
      %slice3A_244 = vector.extract_strided_slice %get3A_63 {offsets = [14], sizes = [1], strides = [1]} : vector<16xf32> to vector<1xf32>
      %squeeze3A_245 = vector.extract %slice3A_244[0] : f32 from vector<1xf32>
      %mul3A_246 = vector.broadcast %squeeze3A_245 : f32 to vector<16xf32>
      %mul3A_247 = arith.mulf %broadcast_in_dim3A_243, %mul3A_246 : vector<16xf32>
      %add3A_248 = arith.constant 14 : i32
      %add3A_249 = arith.addi %add3A_61, %add3A_248 : i32
      %swap3A_250 = arith.index_cast %add3A_249 : i32 to index
      %swap3A_251 = arith.constant 0 : index
      %swap3A_252 = tpu.vector_load %arg11[%swap3A_250, %swap3A_251] {strides = array<i32>} : memref<640x16xf32, #tpu.memory_space<vmem>>, vector<1x16xf32>,
      %swap3A_253 = vector.shape_cast %swap3A_252 : vector<1x16xf32> to vector<16xf32>
      %swap3A_254 = vector.shape_cast %mul3A_247 : vector<16xf32> to vector<1x16xf32>
      tpu.vector_store %arg11[%swap3A_250, %swap3A_251], %swap3A_254 {strides = array<i32>} : memref<640x16xf32, #tpu.memory_space<vmem>>, vector<1x16xf32>,
      %broadcast_in_dim3A_255 = arith.constant 1.000000e+00 : f32
      %broadcast_in_dim3A_256 = vector.broadcast %broadcast_in_dim3A_255 : f32 to vector<16xf32>
      %slice3A_257 = vector.extract_strided_slice %get3A_63 {offsets = [15], sizes = [1], strides = [1]} : vector<16xf32> to vector<1xf32>
      %squeeze3A_258 = vector.extract %slice3A_257[0] : f32 from vector<1xf32>
      %mul3A_259 = vector.broadcast %squeeze3A_258 : f32 to vector<16xf32>
      %mul3A_260 = arith.mulf %broadcast_in_dim3A_256, %mul3A_259 : vector<16xf32>
      %add3A_261 = arith.constant 15 : i32
      %add3A_262 = arith.addi %add3A_61, %add3A_261 : i32
      %swap3A_263 = arith.index_cast %add3A_262 : i32 to index
      %swap3A_264 = arith.constant 0 : index
      %swap3A_265 = tpu.vector_load %arg11[%swap3A_263, %swap3A_264] {strides = array<i32>} : memref<640x16xf32, #tpu.memory_space<vmem>>, vector<1x16xf32>,
      %swap3A_266 = vector.shape_cast %swap3A_265 : vector<1x16xf32> to vector<16xf32>
      %swap3A_267 = vector.shape_cast %mul3A_260 : vector<16xf32> to vector<1x16xf32>
      tpu.vector_store %arg11[%swap3A_263, %swap3A_264], %swap3A_267 {strides = array<i32>} : memref<640x16xf32, #tpu.memory_space<vmem>>, vector<1x16xf32>,
    }
    %scan3A_54 = arith.constant 40 : i32
    %mul3A_55 = arith.constant 640 : i32
    %mul3A_56 = arith.muli %arg1, %mul3A_55 : i32
    "tpu.region"() ({
      %run_scoped3A = tpu.sem_alloc : memref<!tpu.dma_semaphore, #tpu.memory_space<semaphore_mem>>
      %dma_start3A_57 = arith.constant 0 : i32
      %dma_start3A_58 = tpu.memref_slice %arg4[%arg0, %mul3A_56, %dma_start3A_57] : memref<2x10240x16xf32, #tpu.memory_space<hbm>> -> memref<1x640x16xf32, #tpu.memory_space<hbm>>
      %dma_start3A_59 = tpu.memref_squeeze %dma_start3A_58 : memref<1x640x16xf32, #tpu.memory_space<hbm>> -> memref<640x16xf32, #tpu.memory_space<hbm>>
      %dma_start3A_60 = arith.constant 0 : i32
      %dma_start3A_61 = tpu.memref_slice %arg4[%arg0, %mul3A_56, %dma_start3A_60] : memref<2x10240x16xf32, #tpu.memory_space<hbm>> -> memref<1x640x16xf32, #tpu.memory_space<hbm>>
      %dma_start3A_62 = tpu.memref_squeeze %dma_start3A_61 : memref<1x640x16xf32, #tpu.memory_space<hbm>> -> memref<640x16xf32, #tpu.memory_space<hbm>>
      tpu.enqueue_dma source(%arg11 : memref<640x16xf32, #tpu.memory_space<vmem>>) target(%dma_start3A_62 : memref<640x16xf32, #tpu.memory_space<hbm>>) target_semaphore(%run_scoped3A : memref<!tpu.dma_semaphore, #tpu.memory_space<semaphore_mem>>)
      %dma_wait3A_63 = arith.constant 0 : i32
      %dma_wait3A_64 = tpu.memref_slice %arg4[%arg0, %mul3A_56, %dma_wait3A_63] : memref<2x10240x16xf32, #tpu.memory_space<hbm>> -> memref<1x640x16xf32, #tpu.memory_space<hbm>>
      %dma_wait3A_65 = tpu.memref_squeeze %dma_wait3A_64 : memref<1x640x16xf32, #tpu.memory_space<hbm>> -> memref<640x16xf32, #tpu.memory_space<hbm>>
      %dma_wait3A_66 = arith.constant 0 : i32
      %dma_wait3A_67 = tpu.memref_slice %arg4[%arg0, %mul3A_56, %dma_wait3A_66] : memref<2x10240x16xf32, #tpu.memory_space<hbm>> -> memref<1x640x16xf32, #tpu.memory_space<hbm>>
      %dma_wait3A_68 = tpu.memref_squeeze %dma_wait3A_67 : memref<1x640x16xf32, #tpu.memory_space<hbm>> -> memref<640x16xf32, #tpu.memory_space<hbm>>
      tpu.wait_dma2 semaphore(%run_scoped3A : memref<!tpu.dma_semaphore, #tpu.memory_space<semaphore_mem>>) src(%arg11 : memref<640x16xf32, #tpu.memory_space<vmem>>) dst(%dma_wait3A_68 : memref<640x16xf32, #tpu.memory_space<hbm>>)
      tpu.yield
    }) : () -> ()
    return
  }
}

#map = affine_map<(d0, d1) -> (0, 0)>
#map1 = affine_map<(d0, d1) -> (0)>
#map2 = affine_map<(d0, d1) -> (0, 0, 0)>
module attributes {stable_mosaic.version = 14 : i64} {
  func.func @body(%arg0: i32, %arg1: i32, %arg2: memref<10000x16xf32, #tpu.memory_space<hbm>>, %arg3: memref<320000xi32, #tpu.memory_space<hbm>>, %arg4: memref<320000xi32, #tpu.memory_space<hbm>>, %arg5: memref<320000xf32, #tpu.memory_space<hbm>>, %arg6: memref<2x10240x16xf32, #tpu.memory_space<hbm>>, %arg7: memref<2000xi32, #tpu.memory_space<vmem>>, %arg8: memref<2000xi32, #tpu.memory_space<vmem>>, %arg9: memref<2000xi32, #tpu.memory_space<vmem>>, %arg10: memref<2000xi32, #tpu.memory_space<vmem>>, %arg11: memref<2000xf32, #tpu.memory_space<vmem>>, %arg12: memref<2000xf32, #tpu.memory_space<vmem>>, %arg13: memref<2000x16xf32, #tpu.memory_space<vmem>>, %arg14: memref<2000x16xf32, #tpu.memory_space<vmem>>, %arg15: memref<640x16xf32, #tpu.memory_space<vmem>>, %arg16: memref<10240x16xf32, #tpu.memory_space<vmem_shared>>, %arg17: memref<!tpu.dma_semaphore, #tpu.memory_space<semaphore_mem>>, %arg18: memref<!tpu.dma_semaphore, #tpu.memory_space<semaphore_mem>>, %arg19: memref<!tpu.dma_semaphore, #tpu.memory_space<semaphore_mem>>, %arg20: memref<!tpu.dma_semaphore, #tpu.memory_space<semaphore_mem>>) attributes {dimension_semantics = [#tpu.dimension_semantics<core_parallel>, #tpu.dimension_semantics<subcore_parallel>], iteration_bounds = array<i64: 2, 16>, scalar_prefetch = 0 : i64, scratch_operands = 14 : i64, tpu.core_type = #tpu.core_type<sc_vector_subcore>, window_params = [{transform_indices = #map}, {transform_indices = #map1}, {transform_indices = #map1}, {transform_indices = #map1}, {transform_indices = #map2}]} {
    %mul3A = arith.constant 16 : i32
    %mul3A_0 = arith.muli %arg0, %mul3A : i32
    %add3A = arith.addi %mul3A_0, %arg1 : i32
    %scan3A = arith.constant 0 : i32
    %scan3A_1 = arith.constant 640 : i32
    %scan3A_2 = arith.addi %scan3A, %scan3A_1 : i32
    %scan3A_3 = arith.constant 1 : i32
    scf.for %scan3A_127 = %scan3A to %scan3A_2 step %scan3A_3  : i32 {
      %mul3A_128 = arith.constant 1 : i32
      %mul3A_129 = arith.muli %scan3A_127, %mul3A_128 : i32
      %add3A_130 = arith.constant 0 : i32
      %add3A_131 = arith.addi %add3A_130, %mul3A_129 : i32
      %broadcast_in_dim3A = arith.constant 0.000000e+00 : f32
      %broadcast_in_dim3A_132 = vector.broadcast %broadcast_in_dim3A : f32 to vector<16xf32>
      %swap3A = arith.index_cast %add3A_131 : i32 to index
      %swap3A_133 = arith.constant 0 : index
      %swap3A_134 = tpu.vector_load %arg15[%swap3A, %swap3A_133] {strides = array<i32>} : memref<640x16xf32, #tpu.memory_space<vmem>>, vector<1x16xf32>,
      %swap3A_135 = vector.shape_cast %swap3A_134 : vector<1x16xf32> to vector<16xf32>
      %swap3A_136 = vector.shape_cast %broadcast_in_dim3A_132 : vector<16xf32> to vector<1x16xf32>
      tpu.vector_store %arg15[%swap3A, %swap3A_133], %swap3A_136 {strides = array<i32>} : memref<640x16xf32, #tpu.memory_space<vmem>>, vector<1x16xf32>,
    }
    %scan3A_4 = arith.constant 640 : i32
    %mul3A_5 = arith.constant 640 : i32
    %mul3A_6 = arith.muli %arg1, %mul3A_5 : i32
    "tpu.region"() ({
      %run_scoped3A = tpu.sem_alloc : memref<!tpu.dma_semaphore, #tpu.memory_space<semaphore_mem>>
      %dma_start3A_127 = arith.constant 0 : i32
      %dma_start3A_128 = tpu.memref_slice %arg16[%mul3A_6, %dma_start3A_127] : memref<10240x16xf32, #tpu.memory_space<vmem_shared>> -> memref<640x16xf32, #tpu.memory_space<vmem_shared>>
      %dma_start3A_129 = arith.constant 0 : i32
      %dma_start3A_130 = tpu.memref_slice %arg16[%mul3A_6, %dma_start3A_129] : memref<10240x16xf32, #tpu.memory_space<vmem_shared>> -> memref<640x16xf32, #tpu.memory_space<vmem_shared>>
      tpu.enqueue_dma source(%arg15 : memref<640x16xf32, #tpu.memory_space<vmem>>) target(%dma_start3A_130 : memref<640x16xf32, #tpu.memory_space<vmem_shared>>) target_semaphore(%run_scoped3A : memref<!tpu.dma_semaphore, #tpu.memory_space<semaphore_mem>>)
      %dma_wait3A_131 = arith.constant 0 : i32
      %dma_wait3A_132 = tpu.memref_slice %arg16[%mul3A_6, %dma_wait3A_131] : memref<10240x16xf32, #tpu.memory_space<vmem_shared>> -> memref<640x16xf32, #tpu.memory_space<vmem_shared>>
      %dma_wait3A_133 = arith.constant 0 : i32
      %dma_wait3A_134 = tpu.memref_slice %arg16[%mul3A_6, %dma_wait3A_133] : memref<10240x16xf32, #tpu.memory_space<vmem_shared>> -> memref<640x16xf32, #tpu.memory_space<vmem_shared>>
      tpu.wait_dma2 semaphore(%run_scoped3A : memref<!tpu.dma_semaphore, #tpu.memory_space<semaphore_mem>>) src(%arg15 : memref<640x16xf32, #tpu.memory_space<vmem>>) dst(%dma_wait3A_134 : memref<640x16xf32, #tpu.memory_space<vmem_shared>>)
      tpu.yield
    }) : () -> ()
    %barrier3A = arith.constant 0 : index
    tpu.barrier barrier_id(%barrier3A)
    %mul3A_7 = arith.constant 10000 : i32
    %mul3A_8 = arith.muli %add3A, %mul3A_7 : i32
    %add3A_9 = arith.constant 0 : i32
    %add3A_10 = arith.addi %mul3A_8, %add3A_9 : i32
    "tpu.region"() ({
      %run_scoped3A = tpu.sem_alloc : memref<!tpu.dma_semaphore, #tpu.memory_space<semaphore_mem>>
      %dma_start3A_127 = tpu.memref_slice %arg3[%add3A_10] : memref<320000xi32, #tpu.memory_space<hbm>> -> memref<2000xi32, #tpu.memory_space<hbm>>
      %dma_start3A_128 = tpu.memref_slice %arg3[%add3A_10] : memref<320000xi32, #tpu.memory_space<hbm>> -> memref<2000xi32, #tpu.memory_space<hbm>>
      tpu.enqueue_dma source(%dma_start3A_128 : memref<2000xi32, #tpu.memory_space<hbm>>) target(%arg7 : memref<2000xi32, #tpu.memory_space<vmem>>) target_semaphore(%run_scoped3A : memref<!tpu.dma_semaphore, #tpu.memory_space<semaphore_mem>>)
      %dma_wait3A_129 = tpu.memref_slice %arg3[%add3A_10] : memref<320000xi32, #tpu.memory_space<hbm>> -> memref<2000xi32, #tpu.memory_space<hbm>>
      %dma_wait3A_130 = tpu.memref_slice %arg3[%add3A_10] : memref<320000xi32, #tpu.memory_space<hbm>> -> memref<2000xi32, #tpu.memory_space<hbm>>
      tpu.wait_dma2 semaphore(%run_scoped3A : memref<!tpu.dma_semaphore, #tpu.memory_space<semaphore_mem>>) src(%dma_wait3A_130 : memref<2000xi32, #tpu.memory_space<hbm>>) dst(%arg7 : memref<2000xi32, #tpu.memory_space<vmem>>)
      tpu.yield
    }) : () -> ()
    %add3A_11 = arith.constant 0 : i32
    %add3A_12 = arith.addi %mul3A_8, %add3A_11 : i32
    "tpu.region"() ({
      %run_scoped3A = tpu.sem_alloc : memref<!tpu.dma_semaphore, #tpu.memory_space<semaphore_mem>>
      %dma_start3A_127 = tpu.memref_slice %arg4[%add3A_12] : memref<320000xi32, #tpu.memory_space<hbm>> -> memref<2000xi32, #tpu.memory_space<hbm>>
      %dma_start3A_128 = tpu.memref_slice %arg4[%add3A_12] : memref<320000xi32, #tpu.memory_space<hbm>> -> memref<2000xi32, #tpu.memory_space<hbm>>
      tpu.enqueue_dma source(%dma_start3A_128 : memref<2000xi32, #tpu.memory_space<hbm>>) target(%arg9 : memref<2000xi32, #tpu.memory_space<vmem>>) target_semaphore(%run_scoped3A : memref<!tpu.dma_semaphore, #tpu.memory_space<semaphore_mem>>)
      %dma_wait3A_129 = tpu.memref_slice %arg4[%add3A_12] : memref<320000xi32, #tpu.memory_space<hbm>> -> memref<2000xi32, #tpu.memory_space<hbm>>
      %dma_wait3A_130 = tpu.memref_slice %arg4[%add3A_12] : memref<320000xi32, #tpu.memory_space<hbm>> -> memref<2000xi32, #tpu.memory_space<hbm>>
      tpu.wait_dma2 semaphore(%run_scoped3A : memref<!tpu.dma_semaphore, #tpu.memory_space<semaphore_mem>>) src(%dma_wait3A_130 : memref<2000xi32, #tpu.memory_space<hbm>>) dst(%arg9 : memref<2000xi32, #tpu.memory_space<vmem>>)
      tpu.yield
    }) : () -> ()
    %add3A_13 = arith.constant 0 : i32
    %add3A_14 = arith.addi %mul3A_8, %add3A_13 : i32
    "tpu.region"() ({
      %run_scoped3A = tpu.sem_alloc : memref<!tpu.dma_semaphore, #tpu.memory_space<semaphore_mem>>
      %dma_start3A_127 = tpu.memref_slice %arg5[%add3A_14] : memref<320000xf32, #tpu.memory_space<hbm>> -> memref<2000xf32, #tpu.memory_space<hbm>>
      %dma_start3A_128 = tpu.memref_slice %arg5[%add3A_14] : memref<320000xf32, #tpu.memory_space<hbm>> -> memref<2000xf32, #tpu.memory_space<hbm>>
      tpu.enqueue_dma source(%dma_start3A_128 : memref<2000xf32, #tpu.memory_space<hbm>>) target(%arg11 : memref<2000xf32, #tpu.memory_space<vmem>>) target_semaphore(%run_scoped3A : memref<!tpu.dma_semaphore, #tpu.memory_space<semaphore_mem>>)
      %dma_wait3A_129 = tpu.memref_slice %arg5[%add3A_14] : memref<320000xf32, #tpu.memory_space<hbm>> -> memref<2000xf32, #tpu.memory_space<hbm>>
      %dma_wait3A_130 = tpu.memref_slice %arg5[%add3A_14] : memref<320000xf32, #tpu.memory_space<hbm>> -> memref<2000xf32, #tpu.memory_space<hbm>>
      tpu.wait_dma2 semaphore(%run_scoped3A : memref<!tpu.dma_semaphore, #tpu.memory_space<semaphore_mem>>) src(%dma_wait3A_130 : memref<2000xf32, #tpu.memory_space<hbm>>) dst(%arg11 : memref<2000xf32, #tpu.memory_space<vmem>>)
      tpu.yield
    }) : () -> ()
    %dma_start3A = arith.constant 0 : i32
    %dma_start3A_15 = arith.constant 0 : i32
    %dma_start3A_16 = tpu.memref_slice %arg2[%dma_start3A, %dma_start3A_15] : memref<10000x16xf32, #tpu.memory_space<hbm>> -> memref<10000x16xf32, #tpu.memory_space<hbm>>
    tpu.enqueue_indirect_dma source(%dma_start3A_16 : memref<10000x16xf32, #tpu.memory_space<hbm>>) target(%arg13 : memref<2000x16xf32, #tpu.memory_space<vmem>>) offsets(%arg7 : memref<2000xi32, #tpu.memory_space<vmem>>) semaphore(%arg17 : memref<!tpu.dma_semaphore, #tpu.memory_space<semaphore_mem>>)
    %add3A_17 = arith.constant 2000 : i32
    %add3A_18 = arith.addi %mul3A_8, %add3A_17 : i32
    "tpu.region"() ({
      %run_scoped3A = tpu.sem_alloc : memref<!tpu.dma_semaphore, #tpu.memory_space<semaphore_mem>>
      %dma_start3A_127 = tpu.memref_slice %arg3[%add3A_18] : memref<320000xi32, #tpu.memory_space<hbm>> -> memref<2000xi32, #tpu.memory_space<hbm>>
      %dma_start3A_128 = tpu.memref_slice %arg3[%add3A_18] : memref<320000xi32, #tpu.memory_space<hbm>> -> memref<2000xi32, #tpu.memory_space<hbm>>
      tpu.enqueue_dma source(%dma_start3A_128 : memref<2000xi32, #tpu.memory_space<hbm>>) target(%arg8 : memref<2000xi32, #tpu.memory_space<vmem>>) target_semaphore(%run_scoped3A : memref<!tpu.dma_semaphore, #tpu.memory_space<semaphore_mem>>)
      %dma_wait3A_129 = tpu.memref_slice %arg3[%add3A_18] : memref<320000xi32, #tpu.memory_space<hbm>> -> memref<2000xi32, #tpu.memory_space<hbm>>
      %dma_wait3A_130 = tpu.memref_slice %arg3[%add3A_18] : memref<320000xi32, #tpu.memory_space<hbm>> -> memref<2000xi32, #tpu.memory_space<hbm>>
      tpu.wait_dma2 semaphore(%run_scoped3A : memref<!tpu.dma_semaphore, #tpu.memory_space<semaphore_mem>>) src(%dma_wait3A_130 : memref<2000xi32, #tpu.memory_space<hbm>>) dst(%arg8 : memref<2000xi32, #tpu.memory_space<vmem>>)
      tpu.yield
    }) : () -> ()
    %add3A_19 = arith.constant 2000 : i32
    %add3A_20 = arith.addi %mul3A_8, %add3A_19 : i32
    "tpu.region"() ({
      %run_scoped3A = tpu.sem_alloc : memref<!tpu.dma_semaphore, #tpu.memory_space<semaphore_mem>>
      %dma_start3A_127 = tpu.memref_slice %arg4[%add3A_20] : memref<320000xi32, #tpu.memory_space<hbm>> -> memref<2000xi32, #tpu.memory_space<hbm>>
      %dma_start3A_128 = tpu.memref_slice %arg4[%add3A_20] : memref<320000xi32, #tpu.memory_space<hbm>> -> memref<2000xi32, #tpu.memory_space<hbm>>
      tpu.enqueue_dma source(%dma_start3A_128 : memref<2000xi32, #tpu.memory_space<hbm>>) target(%arg10 : memref<2000xi32, #tpu.memory_space<vmem>>) target_semaphore(%run_scoped3A : memref<!tpu.dma_semaphore, #tpu.memory_space<semaphore_mem>>)
      %dma_wait3A_129 = tpu.memref_slice %arg4[%add3A_20] : memref<320000xi32, #tpu.memory_space<hbm>> -> memref<2000xi32, #tpu.memory_space<hbm>>
      %dma_wait3A_130 = tpu.memref_slice %arg4[%add3A_20] : memref<320000xi32, #tpu.memory_space<hbm>> -> memref<2000xi32, #tpu.memory_space<hbm>>
      tpu.wait_dma2 semaphore(%run_scoped3A : memref<!tpu.dma_semaphore, #tpu.memory_space<semaphore_mem>>) src(%dma_wait3A_130 : memref<2000xi32, #tpu.memory_space<hbm>>) dst(%arg10 : memref<2000xi32, #tpu.memory_space<vmem>>)
      tpu.yield
    }) : () -> ()
    %add3A_21 = arith.constant 2000 : i32
    %add3A_22 = arith.addi %mul3A_8, %add3A_21 : i32
    "tpu.region"() ({
      %run_scoped3A = tpu.sem_alloc : memref<!tpu.dma_semaphore, #tpu.memory_space<semaphore_mem>>
      %dma_start3A_127 = tpu.memref_slice %arg5[%add3A_22] : memref<320000xf32, #tpu.memory_space<hbm>> -> memref<2000xf32, #tpu.memory_space<hbm>>
      %dma_start3A_128 = tpu.memref_slice %arg5[%add3A_22] : memref<320000xf32, #tpu.memory_space<hbm>> -> memref<2000xf32, #tpu.memory_space<hbm>>
      tpu.enqueue_dma source(%dma_start3A_128 : memref<2000xf32, #tpu.memory_space<hbm>>) target(%arg12 : memref<2000xf32, #tpu.memory_space<vmem>>) target_semaphore(%run_scoped3A : memref<!tpu.dma_semaphore, #tpu.memory_space<semaphore_mem>>)
      %dma_wait3A_129 = tpu.memref_slice %arg5[%add3A_22] : memref<320000xf32, #tpu.memory_space<hbm>> -> memref<2000xf32, #tpu.memory_space<hbm>>
      %dma_wait3A_130 = tpu.memref_slice %arg5[%add3A_22] : memref<320000xf32, #tpu.memory_space<hbm>> -> memref<2000xf32, #tpu.memory_space<hbm>>
      tpu.wait_dma2 semaphore(%run_scoped3A : memref<!tpu.dma_semaphore, #tpu.memory_space<semaphore_mem>>) src(%dma_wait3A_130 : memref<2000xf32, #tpu.memory_space<hbm>>) dst(%arg12 : memref<2000xf32, #tpu.memory_space<vmem>>)
      tpu.yield
    }) : () -> ()
    %dma_start3A_23 = arith.constant 0 : i32
    %dma_start3A_24 = arith.constant 0 : i32
    %dma_start3A_25 = tpu.memref_slice %arg2[%dma_start3A_23, %dma_start3A_24] : memref<10000x16xf32, #tpu.memory_space<hbm>> -> memref<10000x16xf32, #tpu.memory_space<hbm>>
    tpu.enqueue_indirect_dma source(%dma_start3A_25 : memref<10000x16xf32, #tpu.memory_space<hbm>>) target(%arg14 : memref<2000x16xf32, #tpu.memory_space<vmem>>) offsets(%arg8 : memref<2000xi32, #tpu.memory_space<vmem>>) semaphore(%arg18 : memref<!tpu.dma_semaphore, #tpu.memory_space<semaphore_mem>>)
    %dma_wait3A = arith.constant 0 : i32
    %dma_wait3A_26 = arith.constant 0 : i32
    %dma_wait3A_27 = tpu.memref_slice %arg2[%dma_wait3A, %dma_wait3A_26] : memref<10000x16xf32, #tpu.memory_space<hbm>> -> memref<10000x16xf32, #tpu.memory_space<hbm>>
    tpu.wait_indirect_dma semaphore(%arg17 : memref<!tpu.dma_semaphore, #tpu.memory_space<semaphore_mem>>) src(%dma_wait3A_27 : memref<10000x16xf32, #tpu.memory_space<hbm>>) dst(%arg13 : memref<2000x16xf32, #tpu.memory_space<vmem>>)
    %scan3A_28 = arith.constant 0 : i32
    %scan3A_29 = arith.constant 125 : i32
    %scan3A_30 = arith.addi %scan3A_28, %scan3A_29 : i32
    %scan3A_31 = arith.constant 1 : i32
    scf.for %scan3A_127 = %scan3A_28 to %scan3A_30 step %scan3A_31  : i32 {
      %mul3A_128 = arith.constant 16 : i32
      %mul3A_129 = arith.muli %scan3A_127, %mul3A_128 : i32
      %add3A_130 = arith.constant 0 : i32
      %add3A_131 = arith.addi %add3A_130, %mul3A_129 : i32
      %get3A = arith.index_cast %add3A_131 : i32 to index
      %get3A_132 = tpu.vector_load %arg11[%get3A] {strides = array<i32>} : memref<2000xf32, #tpu.memory_space<vmem>>, vector<16xf32>,
      %get3A_133 = vector.shape_cast %get3A_132 : vector<16xf32> to vector<16xf32>
      %add3A_134 = arith.constant 0 : i32
      %add3A_135 = arith.addi %add3A_131, %add3A_134 : i32
      %get3A_136 = arith.index_cast %add3A_135 : i32 to index
      %get3A_137 = arith.constant 0 : index
      %get3A_138 = tpu.vector_load %arg13[%get3A_136, %get3A_137] {strides = array<i32>} : memref<2000x16xf32, #tpu.memory_space<vmem>>, vector<1x16xf32>,
      %get3A_139 = vector.shape_cast %get3A_138 : vector<1x16xf32> to vector<16xf32>
      %slice3A = vector.extract_strided_slice %get3A_133 {offsets = [0], sizes = [1], strides = [1]} : vector<16xf32> to vector<1xf32>
      %squeeze3A = vector.extract %slice3A[0] : f32 from vector<1xf32>
      %mul3A_140 = vector.broadcast %squeeze3A : f32 to vector<16xf32>
      %mul3A_141 = arith.mulf %get3A_139, %mul3A_140 : vector<16xf32>
      %add3A_142 = arith.constant 0 : i32
      %add3A_143 = arith.addi %add3A_131, %add3A_142 : i32
      %swap3A = arith.index_cast %add3A_143 : i32 to index
      %swap3A_144 = arith.constant 0 : index
      %swap3A_145 = tpu.vector_load %arg13[%swap3A, %swap3A_144] {strides = array<i32>} : memref<2000x16xf32, #tpu.memory_space<vmem>>, vector<1x16xf32>,
      %swap3A_146 = vector.shape_cast %swap3A_145 : vector<1x16xf32> to vector<16xf32>
      %swap3A_147 = vector.shape_cast %mul3A_141 : vector<16xf32> to vector<1x16xf32>
      tpu.vector_store %arg13[%swap3A, %swap3A_144], %swap3A_147 {strides = array<i32>} : memref<2000x16xf32, #tpu.memory_space<vmem>>, vector<1x16xf32>,
      %add3A_148 = arith.constant 1 : i32
      %add3A_149 = arith.addi %add3A_131, %add3A_148 : i32
      %get3A_150 = arith.index_cast %add3A_149 : i32 to index
      %get3A_151 = arith.constant 0 : index
      %get3A_152 = tpu.vector_load %arg13[%get3A_150, %get3A_151] {strides = array<i32>} : memref<2000x16xf32, #tpu.memory_space<vmem>>, vector<1x16xf32>,
      %get3A_153 = vector.shape_cast %get3A_152 : vector<1x16xf32> to vector<16xf32>
      %slice3A_154 = vector.extract_strided_slice %get3A_133 {offsets = [1], sizes = [1], strides = [1]} : vector<16xf32> to vector<1xf32>
      %squeeze3A_155 = vector.extract %slice3A_154[0] : f32 from vector<1xf32>
      %mul3A_156 = vector.broadcast %squeeze3A_155 : f32 to vector<16xf32>
      %mul3A_157 = arith.mulf %get3A_153, %mul3A_156 : vector<16xf32>
      %add3A_158 = arith.constant 1 : i32
      %add3A_159 = arith.addi %add3A_131, %add3A_158 : i32
      %swap3A_160 = arith.index_cast %add3A_159 : i32 to index
      %swap3A_161 = arith.constant 0 : index
      %swap3A_162 = tpu.vector_load %arg13[%swap3A_160, %swap3A_161] {strides = array<i32>} : memref<2000x16xf32, #tpu.memory_space<vmem>>, vector<1x16xf32>,
      %swap3A_163 = vector.shape_cast %swap3A_162 : vector<1x16xf32> to vector<16xf32>
      %swap3A_164 = vector.shape_cast %mul3A_157 : vector<16xf32> to vector<1x16xf32>
      tpu.vector_store %arg13[%swap3A_160, %swap3A_161], %swap3A_164 {strides = array<i32>} : memref<2000x16xf32, #tpu.memory_space<vmem>>, vector<1x16xf32>,
      %add3A_165 = arith.constant 2 : i32
      %add3A_166 = arith.addi %add3A_131, %add3A_165 : i32
      %get3A_167 = arith.index_cast %add3A_166 : i32 to index
      %get3A_168 = arith.constant 0 : index
      %get3A_169 = tpu.vector_load %arg13[%get3A_167, %get3A_168] {strides = array<i32>} : memref<2000x16xf32, #tpu.memory_space<vmem>>, vector<1x16xf32>,
      %get3A_170 = vector.shape_cast %get3A_169 : vector<1x16xf32> to vector<16xf32>
      %slice3A_171 = vector.extract_strided_slice %get3A_133 {offsets = [2], sizes = [1], strides = [1]} : vector<16xf32> to vector<1xf32>
      %squeeze3A_172 = vector.extract %slice3A_171[0] : f32 from vector<1xf32>
      %mul3A_173 = vector.broadcast %squeeze3A_172 : f32 to vector<16xf32>
      %mul3A_174 = arith.mulf %get3A_170, %mul3A_173 : vector<16xf32>
      %add3A_175 = arith.constant 2 : i32
      %add3A_176 = arith.addi %add3A_131, %add3A_175 : i32
      %swap3A_177 = arith.index_cast %add3A_176 : i32 to index
      %swap3A_178 = arith.constant 0 : index
      %swap3A_179 = tpu.vector_load %arg13[%swap3A_177, %swap3A_178] {strides = array<i32>} : memref<2000x16xf32, #tpu.memory_space<vmem>>, vector<1x16xf32>,
      %swap3A_180 = vector.shape_cast %swap3A_179 : vector<1x16xf32> to vector<16xf32>
      %swap3A_181 = vector.shape_cast %mul3A_174 : vector<16xf32> to vector<1x16xf32>
      tpu.vector_store %arg13[%swap3A_177, %swap3A_178], %swap3A_181 {strides = array<i32>} : memref<2000x16xf32, #tpu.memory_space<vmem>>, vector<1x16xf32>,
      %add3A_182 = arith.constant 3 : i32
      %add3A_183 = arith.addi %add3A_131, %add3A_182 : i32
      %get3A_184 = arith.index_cast %add3A_183 : i32 to index
      %get3A_185 = arith.constant 0 : index
      %get3A_186 = tpu.vector_load %arg13[%get3A_184, %get3A_185] {strides = array<i32>} : memref<2000x16xf32, #tpu.memory_space<vmem>>, vector<1x16xf32>,
      %get3A_187 = vector.shape_cast %get3A_186 : vector<1x16xf32> to vector<16xf32>
      %slice3A_188 = vector.extract_strided_slice %get3A_133 {offsets = [3], sizes = [1], strides = [1]} : vector<16xf32> to vector<1xf32>
      %squeeze3A_189 = vector.extract %slice3A_188[0] : f32 from vector<1xf32>
      %mul3A_190 = vector.broadcast %squeeze3A_189 : f32 to vector<16xf32>
      %mul3A_191 = arith.mulf %get3A_187, %mul3A_190 : vector<16xf32>
      %add3A_192 = arith.constant 3 : i32
      %add3A_193 = arith.addi %add3A_131, %add3A_192 : i32
      %swap3A_194 = arith.index_cast %add3A_193 : i32 to index
      %swap3A_195 = arith.constant 0 : index
      %swap3A_196 = tpu.vector_load %arg13[%swap3A_194, %swap3A_195] {strides = array<i32>} : memref<2000x16xf32, #tpu.memory_space<vmem>>, vector<1x16xf32>,
      %swap3A_197 = vector.shape_cast %swap3A_196 : vector<1x16xf32> to vector<16xf32>
      %swap3A_198 = vector.shape_cast %mul3A_191 : vector<16xf32> to vector<1x16xf32>
      tpu.vector_store %arg13[%swap3A_194, %swap3A_195], %swap3A_198 {strides = array<i32>} : memref<2000x16xf32, #tpu.memory_space<vmem>>, vector<1x16xf32>,
      %add3A_199 = arith.constant 4 : i32
      %add3A_200 = arith.addi %add3A_131, %add3A_199 : i32
      %get3A_201 = arith.index_cast %add3A_200 : i32 to index
      %get3A_202 = arith.constant 0 : index
      %get3A_203 = tpu.vector_load %arg13[%get3A_201, %get3A_202] {strides = array<i32>} : memref<2000x16xf32, #tpu.memory_space<vmem>>, vector<1x16xf32>,
      %get3A_204 = vector.shape_cast %get3A_203 : vector<1x16xf32> to vector<16xf32>
      %slice3A_205 = vector.extract_strided_slice %get3A_133 {offsets = [4], sizes = [1], strides = [1]} : vector<16xf32> to vector<1xf32>
      %squeeze3A_206 = vector.extract %slice3A_205[0] : f32 from vector<1xf32>
      %mul3A_207 = vector.broadcast %squeeze3A_206 : f32 to vector<16xf32>
      %mul3A_208 = arith.mulf %get3A_204, %mul3A_207 : vector<16xf32>
      %add3A_209 = arith.constant 4 : i32
      %add3A_210 = arith.addi %add3A_131, %add3A_209 : i32
      %swap3A_211 = arith.index_cast %add3A_210 : i32 to index
      %swap3A_212 = arith.constant 0 : index
      %swap3A_213 = tpu.vector_load %arg13[%swap3A_211, %swap3A_212] {strides = array<i32>} : memref<2000x16xf32, #tpu.memory_space<vmem>>, vector<1x16xf32>,
      %swap3A_214 = vector.shape_cast %swap3A_213 : vector<1x16xf32> to vector<16xf32>
      %swap3A_215 = vector.shape_cast %mul3A_208 : vector<16xf32> to vector<1x16xf32>
      tpu.vector_store %arg13[%swap3A_211, %swap3A_212], %swap3A_215 {strides = array<i32>} : memref<2000x16xf32, #tpu.memory_space<vmem>>, vector<1x16xf32>,
      %add3A_216 = arith.constant 5 : i32
      %add3A_217 = arith.addi %add3A_131, %add3A_216 : i32
      %get3A_218 = arith.index_cast %add3A_217 : i32 to index
      %get3A_219 = arith.constant 0 : index
      %get3A_220 = tpu.vector_load %arg13[%get3A_218, %get3A_219] {strides = array<i32>} : memref<2000x16xf32, #tpu.memory_space<vmem>>, vector<1x16xf32>,
      %get3A_221 = vector.shape_cast %get3A_220 : vector<1x16xf32> to vector<16xf32>
      %slice3A_222 = vector.extract_strided_slice %get3A_133 {offsets = [5], sizes = [1], strides = [1]} : vector<16xf32> to vector<1xf32>
      %squeeze3A_223 = vector.extract %slice3A_222[0] : f32 from vector<1xf32>
      %mul3A_224 = vector.broadcast %squeeze3A_223 : f32 to vector<16xf32>
      %mul3A_225 = arith.mulf %get3A_221, %mul3A_224 : vector<16xf32>
      %add3A_226 = arith.constant 5 : i32
      %add3A_227 = arith.addi %add3A_131, %add3A_226 : i32
      %swap3A_228 = arith.index_cast %add3A_227 : i32 to index
      %swap3A_229 = arith.constant 0 : index
      %swap3A_230 = tpu.vector_load %arg13[%swap3A_228, %swap3A_229] {strides = array<i32>} : memref<2000x16xf32, #tpu.memory_space<vmem>>, vector<1x16xf32>,
      %swap3A_231 = vector.shape_cast %swap3A_230 : vector<1x16xf32> to vector<16xf32>
      %swap3A_232 = vector.shape_cast %mul3A_225 : vector<16xf32> to vector<1x16xf32>
      tpu.vector_store %arg13[%swap3A_228, %swap3A_229], %swap3A_232 {strides = array<i32>} : memref<2000x16xf32, #tpu.memory_space<vmem>>, vector<1x16xf32>,
      %add3A_233 = arith.constant 6 : i32
      %add3A_234 = arith.addi %add3A_131, %add3A_233 : i32
      %get3A_235 = arith.index_cast %add3A_234 : i32 to index
      %get3A_236 = arith.constant 0 : index
      %get3A_237 = tpu.vector_load %arg13[%get3A_235, %get3A_236] {strides = array<i32>} : memref<2000x16xf32, #tpu.memory_space<vmem>>, vector<1x16xf32>,
      %get3A_238 = vector.shape_cast %get3A_237 : vector<1x16xf32> to vector<16xf32>
      %slice3A_239 = vector.extract_strided_slice %get3A_133 {offsets = [6], sizes = [1], strides = [1]} : vector<16xf32> to vector<1xf32>
      %squeeze3A_240 = vector.extract %slice3A_239[0] : f32 from vector<1xf32>
      %mul3A_241 = vector.broadcast %squeeze3A_240 : f32 to vector<16xf32>
      %mul3A_242 = arith.mulf %get3A_238, %mul3A_241 : vector<16xf32>
      %add3A_243 = arith.constant 6 : i32
      %add3A_244 = arith.addi %add3A_131, %add3A_243 : i32
      %swap3A_245 = arith.index_cast %add3A_244 : i32 to index
      %swap3A_246 = arith.constant 0 : index
      %swap3A_247 = tpu.vector_load %arg13[%swap3A_245, %swap3A_246] {strides = array<i32>} : memref<2000x16xf32, #tpu.memory_space<vmem>>, vector<1x16xf32>,
      %swap3A_248 = vector.shape_cast %swap3A_247 : vector<1x16xf32> to vector<16xf32>
      %swap3A_249 = vector.shape_cast %mul3A_242 : vector<16xf32> to vector<1x16xf32>
      tpu.vector_store %arg13[%swap3A_245, %swap3A_246], %swap3A_249 {strides = array<i32>} : memref<2000x16xf32, #tpu.memory_space<vmem>>, vector<1x16xf32>,
      %add3A_250 = arith.constant 7 : i32
      %add3A_251 = arith.addi %add3A_131, %add3A_250 : i32
      %get3A_252 = arith.index_cast %add3A_251 : i32 to index
      %get3A_253 = arith.constant 0 : index
      %get3A_254 = tpu.vector_load %arg13[%get3A_252, %get3A_253] {strides = array<i32>} : memref<2000x16xf32, #tpu.memory_space<vmem>>, vector<1x16xf32>,
      %get3A_255 = vector.shape_cast %get3A_254 : vector<1x16xf32> to vector<16xf32>
      %slice3A_256 = vector.extract_strided_slice %get3A_133 {offsets = [7], sizes = [1], strides = [1]} : vector<16xf32> to vector<1xf32>
      %squeeze3A_257 = vector.extract %slice3A_256[0] : f32 from vector<1xf32>
      %mul3A_258 = vector.broadcast %squeeze3A_257 : f32 to vector<16xf32>
      %mul3A_259 = arith.mulf %get3A_255, %mul3A_258 : vector<16xf32>
      %add3A_260 = arith.constant 7 : i32
      %add3A_261 = arith.addi %add3A_131, %add3A_260 : i32
      %swap3A_262 = arith.index_cast %add3A_261 : i32 to index
      %swap3A_263 = arith.constant 0 : index
      %swap3A_264 = tpu.vector_load %arg13[%swap3A_262, %swap3A_263] {strides = array<i32>} : memref<2000x16xf32, #tpu.memory_space<vmem>>, vector<1x16xf32>,
      %swap3A_265 = vector.shape_cast %swap3A_264 : vector<1x16xf32> to vector<16xf32>
      %swap3A_266 = vector.shape_cast %mul3A_259 : vector<16xf32> to vector<1x16xf32>
      tpu.vector_store %arg13[%swap3A_262, %swap3A_263], %swap3A_266 {strides = array<i32>} : memref<2000x16xf32, #tpu.memory_space<vmem>>, vector<1x16xf32>,
      %add3A_267 = arith.constant 8 : i32
      %add3A_268 = arith.addi %add3A_131, %add3A_267 : i32
      %get3A_269 = arith.index_cast %add3A_268 : i32 to index
      %get3A_270 = arith.constant 0 : index
      %get3A_271 = tpu.vector_load %arg13[%get3A_269, %get3A_270] {strides = array<i32>} : memref<2000x16xf32, #tpu.memory_space<vmem>>, vector<1x16xf32>,
      %get3A_272 = vector.shape_cast %get3A_271 : vector<1x16xf32> to vector<16xf32>
      %slice3A_273 = vector.extract_strided_slice %get3A_133 {offsets = [8], sizes = [1], strides = [1]} : vector<16xf32> to vector<1xf32>
      %squeeze3A_274 = vector.extract %slice3A_273[0] : f32 from vector<1xf32>
      %mul3A_275 = vector.broadcast %squeeze3A_274 : f32 to vector<16xf32>
      %mul3A_276 = arith.mulf %get3A_272, %mul3A_275 : vector<16xf32>
      %add3A_277 = arith.constant 8 : i32
      %add3A_278 = arith.addi %add3A_131, %add3A_277 : i32
      %swap3A_279 = arith.index_cast %add3A_278 : i32 to index
      %swap3A_280 = arith.constant 0 : index
      %swap3A_281 = tpu.vector_load %arg13[%swap3A_279, %swap3A_280] {strides = array<i32>} : memref<2000x16xf32, #tpu.memory_space<vmem>>, vector<1x16xf32>,
      %swap3A_282 = vector.shape_cast %swap3A_281 : vector<1x16xf32> to vector<16xf32>
      %swap3A_283 = vector.shape_cast %mul3A_276 : vector<16xf32> to vector<1x16xf32>
      tpu.vector_store %arg13[%swap3A_279, %swap3A_280], %swap3A_283 {strides = array<i32>} : memref<2000x16xf32, #tpu.memory_space<vmem>>, vector<1x16xf32>,
      %add3A_284 = arith.constant 9 : i32
      %add3A_285 = arith.addi %add3A_131, %add3A_284 : i32
      %get3A_286 = arith.index_cast %add3A_285 : i32 to index
      %get3A_287 = arith.constant 0 : index
      %get3A_288 = tpu.vector_load %arg13[%get3A_286, %get3A_287] {strides = array<i32>} : memref<2000x16xf32, #tpu.memory_space<vmem>>, vector<1x16xf32>,
      %get3A_289 = vector.shape_cast %get3A_288 : vector<1x16xf32> to vector<16xf32>
      %slice3A_290 = vector.extract_strided_slice %get3A_133 {offsets = [9], sizes = [1], strides = [1]} : vector<16xf32> to vector<1xf32>
      %squeeze3A_291 = vector.extract %slice3A_290[0] : f32 from vector<1xf32>
      %mul3A_292 = vector.broadcast %squeeze3A_291 : f32 to vector<16xf32>
      %mul3A_293 = arith.mulf %get3A_289, %mul3A_292 : vector<16xf32>
      %add3A_294 = arith.constant 9 : i32
      %add3A_295 = arith.addi %add3A_131, %add3A_294 : i32
      %swap3A_296 = arith.index_cast %add3A_295 : i32 to index
      %swap3A_297 = arith.constant 0 : index
      %swap3A_298 = tpu.vector_load %arg13[%swap3A_296, %swap3A_297] {strides = array<i32>} : memref<2000x16xf32, #tpu.memory_space<vmem>>, vector<1x16xf32>,
      %swap3A_299 = vector.shape_cast %swap3A_298 : vector<1x16xf32> to vector<16xf32>
      %swap3A_300 = vector.shape_cast %mul3A_293 : vector<16xf32> to vector<1x16xf32>
      tpu.vector_store %arg13[%swap3A_296, %swap3A_297], %swap3A_300 {strides = array<i32>} : memref<2000x16xf32, #tpu.memory_space<vmem>>, vector<1x16xf32>,
      %add3A_301 = arith.constant 10 : i32
      %add3A_302 = arith.addi %add3A_131, %add3A_301 : i32
      %get3A_303 = arith.index_cast %add3A_302 : i32 to index
      %get3A_304 = arith.constant 0 : index
      %get3A_305 = tpu.vector_load %arg13[%get3A_303, %get3A_304] {strides = array<i32>} : memref<2000x16xf32, #tpu.memory_space<vmem>>, vector<1x16xf32>,
      %get3A_306 = vector.shape_cast %get3A_305 : vector<1x16xf32> to vector<16xf32>
      %slice3A_307 = vector.extract_strided_slice %get3A_133 {offsets = [10], sizes = [1], strides = [1]} : vector<16xf32> to vector<1xf32>
      %squeeze3A_308 = vector.extract %slice3A_307[0] : f32 from vector<1xf32>
      %mul3A_309 = vector.broadcast %squeeze3A_308 : f32 to vector<16xf32>
      %mul3A_310 = arith.mulf %get3A_306, %mul3A_309 : vector<16xf32>
      %add3A_311 = arith.constant 10 : i32
      %add3A_312 = arith.addi %add3A_131, %add3A_311 : i32
      %swap3A_313 = arith.index_cast %add3A_312 : i32 to index
      %swap3A_314 = arith.constant 0 : index
      %swap3A_315 = tpu.vector_load %arg13[%swap3A_313, %swap3A_314] {strides = array<i32>} : memref<2000x16xf32, #tpu.memory_space<vmem>>, vector<1x16xf32>,
      %swap3A_316 = vector.shape_cast %swap3A_315 : vector<1x16xf32> to vector<16xf32>
      %swap3A_317 = vector.shape_cast %mul3A_310 : vector<16xf32> to vector<1x16xf32>
      tpu.vector_store %arg13[%swap3A_313, %swap3A_314], %swap3A_317 {strides = array<i32>} : memref<2000x16xf32, #tpu.memory_space<vmem>>, vector<1x16xf32>,
      %add3A_318 = arith.constant 11 : i32
      %add3A_319 = arith.addi %add3A_131, %add3A_318 : i32
      %get3A_320 = arith.index_cast %add3A_319 : i32 to index
      %get3A_321 = arith.constant 0 : index
      %get3A_322 = tpu.vector_load %arg13[%get3A_320, %get3A_321] {strides = array<i32>} : memref<2000x16xf32, #tpu.memory_space<vmem>>, vector<1x16xf32>,
      %get3A_323 = vector.shape_cast %get3A_322 : vector<1x16xf32> to vector<16xf32>
      %slice3A_324 = vector.extract_strided_slice %get3A_133 {offsets = [11], sizes = [1], strides = [1]} : vector<16xf32> to vector<1xf32>
      %squeeze3A_325 = vector.extract %slice3A_324[0] : f32 from vector<1xf32>
      %mul3A_326 = vector.broadcast %squeeze3A_325 : f32 to vector<16xf32>
      %mul3A_327 = arith.mulf %get3A_323, %mul3A_326 : vector<16xf32>
      %add3A_328 = arith.constant 11 : i32
      %add3A_329 = arith.addi %add3A_131, %add3A_328 : i32
      %swap3A_330 = arith.index_cast %add3A_329 : i32 to index
      %swap3A_331 = arith.constant 0 : index
      %swap3A_332 = tpu.vector_load %arg13[%swap3A_330, %swap3A_331] {strides = array<i32>} : memref<2000x16xf32, #tpu.memory_space<vmem>>, vector<1x16xf32>,
      %swap3A_333 = vector.shape_cast %swap3A_332 : vector<1x16xf32> to vector<16xf32>
      %swap3A_334 = vector.shape_cast %mul3A_327 : vector<16xf32> to vector<1x16xf32>
      tpu.vector_store %arg13[%swap3A_330, %swap3A_331], %swap3A_334 {strides = array<i32>} : memref<2000x16xf32, #tpu.memory_space<vmem>>, vector<1x16xf32>,
      %add3A_335 = arith.constant 12 : i32
      %add3A_336 = arith.addi %add3A_131, %add3A_335 : i32
      %get3A_337 = arith.index_cast %add3A_336 : i32 to index
      %get3A_338 = arith.constant 0 : index
      %get3A_339 = tpu.vector_load %arg13[%get3A_337, %get3A_338] {strides = array<i32>} : memref<2000x16xf32, #tpu.memory_space<vmem>>, vector<1x16xf32>,
      %get3A_340 = vector.shape_cast %get3A_339 : vector<1x16xf32> to vector<16xf32>
      %slice3A_341 = vector.extract_strided_slice %get3A_133 {offsets = [12], sizes = [1], strides = [1]} : vector<16xf32> to vector<1xf32>
      %squeeze3A_342 = vector.extract %slice3A_341[0] : f32 from vector<1xf32>
      %mul3A_343 = vector.broadcast %squeeze3A_342 : f32 to vector<16xf32>
      %mul3A_344 = arith.mulf %get3A_340, %mul3A_343 : vector<16xf32>
      %add3A_345 = arith.constant 12 : i32
      %add3A_346 = arith.addi %add3A_131, %add3A_345 : i32
      %swap3A_347 = arith.index_cast %add3A_346 : i32 to index
      %swap3A_348 = arith.constant 0 : index
      %swap3A_349 = tpu.vector_load %arg13[%swap3A_347, %swap3A_348] {strides = array<i32>} : memref<2000x16xf32, #tpu.memory_space<vmem>>, vector<1x16xf32>,
      %swap3A_350 = vector.shape_cast %swap3A_349 : vector<1x16xf32> to vector<16xf32>
      %swap3A_351 = vector.shape_cast %mul3A_344 : vector<16xf32> to vector<1x16xf32>
      tpu.vector_store %arg13[%swap3A_347, %swap3A_348], %swap3A_351 {strides = array<i32>} : memref<2000x16xf32, #tpu.memory_space<vmem>>, vector<1x16xf32>,
      %add3A_352 = arith.constant 13 : i32
      %add3A_353 = arith.addi %add3A_131, %add3A_352 : i32
      %get3A_354 = arith.index_cast %add3A_353 : i32 to index
      %get3A_355 = arith.constant 0 : index
      %get3A_356 = tpu.vector_load %arg13[%get3A_354, %get3A_355] {strides = array<i32>} : memref<2000x16xf32, #tpu.memory_space<vmem>>, vector<1x16xf32>,
      %get3A_357 = vector.shape_cast %get3A_356 : vector<1x16xf32> to vector<16xf32>
      %slice3A_358 = vector.extract_strided_slice %get3A_133 {offsets = [13], sizes = [1], strides = [1]} : vector<16xf32> to vector<1xf32>
      %squeeze3A_359 = vector.extract %slice3A_358[0] : f32 from vector<1xf32>
      %mul3A_360 = vector.broadcast %squeeze3A_359 : f32 to vector<16xf32>
      %mul3A_361 = arith.mulf %get3A_357, %mul3A_360 : vector<16xf32>
      %add3A_362 = arith.constant 13 : i32
      %add3A_363 = arith.addi %add3A_131, %add3A_362 : i32
      %swap3A_364 = arith.index_cast %add3A_363 : i32 to index
      %swap3A_365 = arith.constant 0 : index
      %swap3A_366 = tpu.vector_load %arg13[%swap3A_364, %swap3A_365] {strides = array<i32>} : memref<2000x16xf32, #tpu.memory_space<vmem>>, vector<1x16xf32>,
      %swap3A_367 = vector.shape_cast %swap3A_366 : vector<1x16xf32> to vector<16xf32>
      %swap3A_368 = vector.shape_cast %mul3A_361 : vector<16xf32> to vector<1x16xf32>
      tpu.vector_store %arg13[%swap3A_364, %swap3A_365], %swap3A_368 {strides = array<i32>} : memref<2000x16xf32, #tpu.memory_space<vmem>>, vector<1x16xf32>,
      %add3A_369 = arith.constant 14 : i32
      %add3A_370 = arith.addi %add3A_131, %add3A_369 : i32
      %get3A_371 = arith.index_cast %add3A_370 : i32 to index
      %get3A_372 = arith.constant 0 : index
      %get3A_373 = tpu.vector_load %arg13[%get3A_371, %get3A_372] {strides = array<i32>} : memref<2000x16xf32, #tpu.memory_space<vmem>>, vector<1x16xf32>,
      %get3A_374 = vector.shape_cast %get3A_373 : vector<1x16xf32> to vector<16xf32>
      %slice3A_375 = vector.extract_strided_slice %get3A_133 {offsets = [14], sizes = [1], strides = [1]} : vector<16xf32> to vector<1xf32>
      %squeeze3A_376 = vector.extract %slice3A_375[0] : f32 from vector<1xf32>
      %mul3A_377 = vector.broadcast %squeeze3A_376 : f32 to vector<16xf32>
      %mul3A_378 = arith.mulf %get3A_374, %mul3A_377 : vector<16xf32>
      %add3A_379 = arith.constant 14 : i32
      %add3A_380 = arith.addi %add3A_131, %add3A_379 : i32
      %swap3A_381 = arith.index_cast %add3A_380 : i32 to index
      %swap3A_382 = arith.constant 0 : index
      %swap3A_383 = tpu.vector_load %arg13[%swap3A_381, %swap3A_382] {strides = array<i32>} : memref<2000x16xf32, #tpu.memory_space<vmem>>, vector<1x16xf32>,
      %swap3A_384 = vector.shape_cast %swap3A_383 : vector<1x16xf32> to vector<16xf32>
      %swap3A_385 = vector.shape_cast %mul3A_378 : vector<16xf32> to vector<1x16xf32>
      tpu.vector_store %arg13[%swap3A_381, %swap3A_382], %swap3A_385 {strides = array<i32>} : memref<2000x16xf32, #tpu.memory_space<vmem>>, vector<1x16xf32>,
      %add3A_386 = arith.constant 15 : i32
      %add3A_387 = arith.addi %add3A_131, %add3A_386 : i32
      %get3A_388 = arith.index_cast %add3A_387 : i32 to index
      %get3A_389 = arith.constant 0 : index
      %get3A_390 = tpu.vector_load %arg13[%get3A_388, %get3A_389] {strides = array<i32>} : memref<2000x16xf32, #tpu.memory_space<vmem>>, vector<1x16xf32>,
      %get3A_391 = vector.shape_cast %get3A_390 : vector<1x16xf32> to vector<16xf32>
      %slice3A_392 = vector.extract_strided_slice %get3A_133 {offsets = [15], sizes = [1], strides = [1]} : vector<16xf32> to vector<1xf32>
      %squeeze3A_393 = vector.extract %slice3A_392[0] : f32 from vector<1xf32>
      %mul3A_394 = vector.broadcast %squeeze3A_393 : f32 to vector<16xf32>
      %mul3A_395 = arith.mulf %get3A_391, %mul3A_394 : vector<16xf32>
      %add3A_396 = arith.constant 15 : i32
      %add3A_397 = arith.addi %add3A_131, %add3A_396 : i32
      %swap3A_398 = arith.index_cast %add3A_397 : i32 to index
      %swap3A_399 = arith.constant 0 : index
      %swap3A_400 = tpu.vector_load %arg13[%swap3A_398, %swap3A_399] {strides = array<i32>} : memref<2000x16xf32, #tpu.memory_space<vmem>>, vector<1x16xf32>,
      %swap3A_401 = vector.shape_cast %swap3A_400 : vector<1x16xf32> to vector<16xf32>
      %swap3A_402 = vector.shape_cast %mul3A_395 : vector<16xf32> to vector<1x16xf32>
      tpu.vector_store %arg13[%swap3A_398, %swap3A_399], %swap3A_402 {strides = array<i32>} : memref<2000x16xf32, #tpu.memory_space<vmem>>, vector<1x16xf32>,
    }
    %scan3A_32 = arith.constant 125 : i32
    %dma_start3A_33 = arith.constant 0 : i32
    %dma_start3A_34 = arith.constant 0 : i32
    %dma_start3A_35 = tpu.memref_slice %arg16[%dma_start3A_33, %dma_start3A_34] : memref<10240x16xf32, #tpu.memory_space<vmem_shared>> -> memref<10240x16xf32, #tpu.memory_space<vmem_shared>>
    tpu.enqueue_indirect_dma source(%arg13 : memref<2000x16xf32, #tpu.memory_space<vmem>>) target(%dma_start3A_35 : memref<10240x16xf32, #tpu.memory_space<vmem_shared>>) offsets(%arg9 : memref<2000xi32, #tpu.memory_space<vmem>>) semaphore(%arg19 : memref<!tpu.dma_semaphore, #tpu.memory_space<semaphore_mem>>) {add = true}
    %dma_wait3A_36 = arith.constant 0 : i32
    %dma_wait3A_37 = arith.constant 0 : i32
    %dma_wait3A_38 = tpu.memref_slice %arg16[%dma_wait3A_36, %dma_wait3A_37] : memref<10240x16xf32, #tpu.memory_space<vmem_shared>> -> memref<10240x16xf32, #tpu.memory_space<vmem_shared>>
    tpu.wait_indirect_dma semaphore(%arg19 : memref<!tpu.dma_semaphore, #tpu.memory_space<semaphore_mem>>) src(%arg13 : memref<2000x16xf32, #tpu.memory_space<vmem>>) dst(%dma_wait3A_38 : memref<10240x16xf32, #tpu.memory_space<vmem_shared>>)
    %add3A_39 = arith.constant 4000 : i32
    %add3A_40 = arith.addi %mul3A_8, %add3A_39 : i32
    "tpu.region"() ({
      %run_scoped3A = tpu.sem_alloc : memref<!tpu.dma_semaphore, #tpu.memory_space<semaphore_mem>>
      %dma_start3A_127 = tpu.memref_slice %arg3[%add3A_40] : memref<320000xi32, #tpu.memory_space<hbm>> -> memref<2000xi32, #tpu.memory_space<hbm>>
      %dma_start3A_128 = tpu.memref_slice %arg3[%add3A_40] : memref<320000xi32, #tpu.memory_space<hbm>> -> memref<2000xi32, #tpu.memory_space<hbm>>
      tpu.enqueue_dma source(%dma_start3A_128 : memref<2000xi32, #tpu.memory_space<hbm>>) target(%arg7 : memref<2000xi32, #tpu.memory_space<vmem>>) target_semaphore(%run_scoped3A : memref<!tpu.dma_semaphore, #tpu.memory_space<semaphore_mem>>)
      %dma_wait3A_129 = tpu.memref_slice %arg3[%add3A_40] : memref<320000xi32, #tpu.memory_space<hbm>> -> memref<2000xi32, #tpu.memory_space<hbm>>
      %dma_wait3A_130 = tpu.memref_slice %arg3[%add3A_40] : memref<320000xi32, #tpu.memory_space<hbm>> -> memref<2000xi32, #tpu.memory_space<hbm>>
      tpu.wait_dma2 semaphore(%run_scoped3A : memref<!tpu.dma_semaphore, #tpu.memory_space<semaphore_mem>>) src(%dma_wait3A_130 : memref<2000xi32, #tpu.memory_space<hbm>>) dst(%arg7 : memref<2000xi32, #tpu.memory_space<vmem>>)
      tpu.yield
    }) : () -> ()
    %add3A_41 = arith.constant 4000 : i32
    %add3A_42 = arith.addi %mul3A_8, %add3A_41 : i32
    "tpu.region"() ({
      %run_scoped3A = tpu.sem_alloc : memref<!tpu.dma_semaphore, #tpu.memory_space<semaphore_mem>>
      %dma_start3A_127 = tpu.memref_slice %arg4[%add3A_42] : memref<320000xi32, #tpu.memory_space<hbm>> -> memref<2000xi32, #tpu.memory_space<hbm>>
      %dma_start3A_128 = tpu.memref_slice %arg4[%add3A_42] : memref<320000xi32, #tpu.memory_space<hbm>> -> memref<2000xi32, #tpu.memory_space<hbm>>
      tpu.enqueue_dma source(%dma_start3A_128 : memref<2000xi32, #tpu.memory_space<hbm>>) target(%arg9 : memref<2000xi32, #tpu.memory_space<vmem>>) target_semaphore(%run_scoped3A : memref<!tpu.dma_semaphore, #tpu.memory_space<semaphore_mem>>)
      %dma_wait3A_129 = tpu.memref_slice %arg4[%add3A_42] : memref<320000xi32, #tpu.memory_space<hbm>> -> memref<2000xi32, #tpu.memory_space<hbm>>
      %dma_wait3A_130 = tpu.memref_slice %arg4[%add3A_42] : memref<320000xi32, #tpu.memory_space<hbm>> -> memref<2000xi32, #tpu.memory_space<hbm>>
      tpu.wait_dma2 semaphore(%run_scoped3A : memref<!tpu.dma_semaphore, #tpu.memory_space<semaphore_mem>>) src(%dma_wait3A_130 : memref<2000xi32, #tpu.memory_space<hbm>>) dst(%arg9 : memref<2000xi32, #tpu.memory_space<vmem>>)
      tpu.yield
    }) : () -> ()
    %add3A_43 = arith.constant 4000 : i32
    %add3A_44 = arith.addi %mul3A_8, %add3A_43 : i32
    "tpu.region"() ({
      %run_scoped3A = tpu.sem_alloc : memref<!tpu.dma_semaphore, #tpu.memory_space<semaphore_mem>>
      %dma_start3A_127 = tpu.memref_slice %arg5[%add3A_44] : memref<320000xf32, #tpu.memory_space<hbm>> -> memref<2000xf32, #tpu.memory_space<hbm>>
      %dma_start3A_128 = tpu.memref_slice %arg5[%add3A_44] : memref<320000xf32, #tpu.memory_space<hbm>> -> memref<2000xf32, #tpu.memory_space<hbm>>
      tpu.enqueue_dma source(%dma_start3A_128 : memref<2000xf32, #tpu.memory_space<hbm>>) target(%arg11 : memref<2000xf32, #tpu.memory_space<vmem>>) target_semaphore(%run_scoped3A : memref<!tpu.dma_semaphore, #tpu.memory_space<semaphore_mem>>)
      %dma_wait3A_129 = tpu.memref_slice %arg5[%add3A_44] : memref<320000xf32, #tpu.memory_space<hbm>> -> memref<2000xf32, #tpu.memory_space<hbm>>
      %dma_wait3A_130 = tpu.memref_slice %arg5[%add3A_44] : memref<320000xf32, #tpu.memory_space<hbm>> -> memref<2000xf32, #tpu.memory_space<hbm>>
      tpu.wait_dma2 semaphore(%run_scoped3A : memref<!tpu.dma_semaphore, #tpu.memory_space<semaphore_mem>>) src(%dma_wait3A_130 : memref<2000xf32, #tpu.memory_space<hbm>>) dst(%arg11 : memref<2000xf32, #tpu.memory_space<vmem>>)
      tpu.yield
    }) : () -> ()
    %dma_start3A_45 = arith.constant 0 : i32
    %dma_start3A_46 = arith.constant 0 : i32
    %dma_start3A_47 = tpu.memref_slice %arg2[%dma_start3A_45, %dma_start3A_46] : memref<10000x16xf32, #tpu.memory_space<hbm>> -> memref<10000x16xf32, #tpu.memory_space<hbm>>
    tpu.enqueue_indirect_dma source(%dma_start3A_47 : memref<10000x16xf32, #tpu.memory_space<hbm>>) target(%arg13 : memref<2000x16xf32, #tpu.memory_space<vmem>>) offsets(%arg7 : memref<2000xi32, #tpu.memory_space<vmem>>) semaphore(%arg17 : memref<!tpu.dma_semaphore, #tpu.memory_space<semaphore_mem>>)
    %dma_wait3A_48 = arith.constant 0 : i32
    %dma_wait3A_49 = arith.constant 0 : i32
    %dma_wait3A_50 = tpu.memref_slice %arg2[%dma_wait3A_48, %dma_wait3A_49] : memref<10000x16xf32, #tpu.memory_space<hbm>> -> memref<10000x16xf32, #tpu.memory_space<hbm>>
    tpu.wait_indirect_dma semaphore(%arg18 : memref<!tpu.dma_semaphore, #tpu.memory_space<semaphore_mem>>) src(%dma_wait3A_50 : memref<10000x16xf32, #tpu.memory_space<hbm>>) dst(%arg14 : memref<2000x16xf32, #tpu.memory_space<vmem>>)
    %scan3A_51 = arith.constant 0 : i32
    %scan3A_52 = arith.constant 125 : i32
    %scan3A_53 = arith.addi %scan3A_51, %scan3A_52 : i32
    %scan3A_54 = arith.constant 1 : i32
    scf.for %scan3A_127 = %scan3A_51 to %scan3A_53 step %scan3A_54  : i32 {
      %mul3A_128 = arith.constant 16 : i32
      %mul3A_129 = arith.muli %scan3A_127, %mul3A_128 : i32
      %add3A_130 = arith.constant 0 : i32
      %add3A_131 = arith.addi %add3A_130, %mul3A_129 : i32
      %get3A = arith.index_cast %add3A_131 : i32 to index
      %get3A_132 = tpu.vector_load %arg12[%get3A] {strides = array<i32>} : memref<2000xf32, #tpu.memory_space<vmem>>, vector<16xf32>,
      %get3A_133 = vector.shape_cast %get3A_132 : vector<16xf32> to vector<16xf32>
      %add3A_134 = arith.constant 0 : i32
      %add3A_135 = arith.addi %add3A_131, %add3A_134 : i32
      %get3A_136 = arith.index_cast %add3A_135 : i32 to index
      %get3A_137 = arith.constant 0 : index
      %get3A_138 = tpu.vector_load %arg14[%get3A_136, %get3A_137] {strides = array<i32>} : memref<2000x16xf32, #tpu.memory_space<vmem>>, vector<1x16xf32>,
      %get3A_139 = vector.shape_cast %get3A_138 : vector<1x16xf32> to vector<16xf32>
      %slice3A = vector.extract_strided_slice %get3A_133 {offsets = [0], sizes = [1], strides = [1]} : vector<16xf32> to vector<1xf32>
      %squeeze3A = vector.extract %slice3A[0] : f32 from vector<1xf32>
      %mul3A_140 = vector.broadcast %squeeze3A : f32 to vector<16xf32>
      %mul3A_141 = arith.mulf %get3A_139, %mul3A_140 : vector<16xf32>
      %add3A_142 = arith.constant 0 : i32
      %add3A_143 = arith.addi %add3A_131, %add3A_142 : i32
      %swap3A = arith.index_cast %add3A_143 : i32 to index
      %swap3A_144 = arith.constant 0 : index
      %swap3A_145 = tpu.vector_load %arg14[%swap3A, %swap3A_144] {strides = array<i32>} : memref<2000x16xf32, #tpu.memory_space<vmem>>, vector<1x16xf32>,
      %swap3A_146 = vector.shape_cast %swap3A_145 : vector<1x16xf32> to vector<16xf32>
      %swap3A_147 = vector.shape_cast %mul3A_141 : vector<16xf32> to vector<1x16xf32>
      tpu.vector_store %arg14[%swap3A, %swap3A_144], %swap3A_147 {strides = array<i32>} : memref<2000x16xf32, #tpu.memory_space<vmem>>, vector<1x16xf32>,
      %add3A_148 = arith.constant 1 : i32
      %add3A_149 = arith.addi %add3A_131, %add3A_148 : i32
      %get3A_150 = arith.index_cast %add3A_149 : i32 to index
      %get3A_151 = arith.constant 0 : index
      %get3A_152 = tpu.vector_load %arg14[%get3A_150, %get3A_151] {strides = array<i32>} : memref<2000x16xf32, #tpu.memory_space<vmem>>, vector<1x16xf32>,
      %get3A_153 = vector.shape_cast %get3A_152 : vector<1x16xf32> to vector<16xf32>
      %slice3A_154 = vector.extract_strided_slice %get3A_133 {offsets = [1], sizes = [1], strides = [1]} : vector<16xf32> to vector<1xf32>
      %squeeze3A_155 = vector.extract %slice3A_154[0] : f32 from vector<1xf32>
      %mul3A_156 = vector.broadcast %squeeze3A_155 : f32 to vector<16xf32>
      %mul3A_157 = arith.mulf %get3A_153, %mul3A_156 : vector<16xf32>
      %add3A_158 = arith.constant 1 : i32
      %add3A_159 = arith.addi %add3A_131, %add3A_158 : i32
      %swap3A_160 = arith.index_cast %add3A_159 : i32 to index
      %swap3A_161 = arith.constant 0 : index
      %swap3A_162 = tpu.vector_load %arg14[%swap3A_160, %swap3A_161] {strides = array<i32>} : memref<2000x16xf32, #tpu.memory_space<vmem>>, vector<1x16xf32>,
      %swap3A_163 = vector.shape_cast %swap3A_162 : vector<1x16xf32> to vector<16xf32>
      %swap3A_164 = vector.shape_cast %mul3A_157 : vector<16xf32> to vector<1x16xf32>
      tpu.vector_store %arg14[%swap3A_160, %swap3A_161], %swap3A_164 {strides = array<i32>} : memref<2000x16xf32, #tpu.memory_space<vmem>>, vector<1x16xf32>,
      %add3A_165 = arith.constant 2 : i32
      %add3A_166 = arith.addi %add3A_131, %add3A_165 : i32
      %get3A_167 = arith.index_cast %add3A_166 : i32 to index
      %get3A_168 = arith.constant 0 : index
      %get3A_169 = tpu.vector_load %arg14[%get3A_167, %get3A_168] {strides = array<i32>} : memref<2000x16xf32, #tpu.memory_space<vmem>>, vector<1x16xf32>,
      %get3A_170 = vector.shape_cast %get3A_169 : vector<1x16xf32> to vector<16xf32>
      %slice3A_171 = vector.extract_strided_slice %get3A_133 {offsets = [2], sizes = [1], strides = [1]} : vector<16xf32> to vector<1xf32>
      %squeeze3A_172 = vector.extract %slice3A_171[0] : f32 from vector<1xf32>
      %mul3A_173 = vector.broadcast %squeeze3A_172 : f32 to vector<16xf32>
      %mul3A_174 = arith.mulf %get3A_170, %mul3A_173 : vector<16xf32>
      %add3A_175 = arith.constant 2 : i32
      %add3A_176 = arith.addi %add3A_131, %add3A_175 : i32
      %swap3A_177 = arith.index_cast %add3A_176 : i32 to index
      %swap3A_178 = arith.constant 0 : index
      %swap3A_179 = tpu.vector_load %arg14[%swap3A_177, %swap3A_178] {strides = array<i32>} : memref<2000x16xf32, #tpu.memory_space<vmem>>, vector<1x16xf32>,
      %swap3A_180 = vector.shape_cast %swap3A_179 : vector<1x16xf32> to vector<16xf32>
      %swap3A_181 = vector.shape_cast %mul3A_174 : vector<16xf32> to vector<1x16xf32>
      tpu.vector_store %arg14[%swap3A_177, %swap3A_178], %swap3A_181 {strides = array<i32>} : memref<2000x16xf32, #tpu.memory_space<vmem>>, vector<1x16xf32>,
      %add3A_182 = arith.constant 3 : i32
      %add3A_183 = arith.addi %add3A_131, %add3A_182 : i32
      %get3A_184 = arith.index_cast %add3A_183 : i32 to index
      %get3A_185 = arith.constant 0 : index
      %get3A_186 = tpu.vector_load %arg14[%get3A_184, %get3A_185] {strides = array<i32>} : memref<2000x16xf32, #tpu.memory_space<vmem>>, vector<1x16xf32>,
      %get3A_187 = vector.shape_cast %get3A_186 : vector<1x16xf32> to vector<16xf32>
      %slice3A_188 = vector.extract_strided_slice %get3A_133 {offsets = [3], sizes = [1], strides = [1]} : vector<16xf32> to vector<1xf32>
      %squeeze3A_189 = vector.extract %slice3A_188[0] : f32 from vector<1xf32>
      %mul3A_190 = vector.broadcast %squeeze3A_189 : f32 to vector<16xf32>
      %mul3A_191 = arith.mulf %get3A_187, %mul3A_190 : vector<16xf32>
      %add3A_192 = arith.constant 3 : i32
      %add3A_193 = arith.addi %add3A_131, %add3A_192 : i32
      %swap3A_194 = arith.index_cast %add3A_193 : i32 to index
      %swap3A_195 = arith.constant 0 : index
      %swap3A_196 = tpu.vector_load %arg14[%swap3A_194, %swap3A_195] {strides = array<i32>} : memref<2000x16xf32, #tpu.memory_space<vmem>>, vector<1x16xf32>,
      %swap3A_197 = vector.shape_cast %swap3A_196 : vector<1x16xf32> to vector<16xf32>
      %swap3A_198 = vector.shape_cast %mul3A_191 : vector<16xf32> to vector<1x16xf32>
      tpu.vector_store %arg14[%swap3A_194, %swap3A_195], %swap3A_198 {strides = array<i32>} : memref<2000x16xf32, #tpu.memory_space<vmem>>, vector<1x16xf32>,
      %add3A_199 = arith.constant 4 : i32
      %add3A_200 = arith.addi %add3A_131, %add3A_199 : i32
      %get3A_201 = arith.index_cast %add3A_200 : i32 to index
      %get3A_202 = arith.constant 0 : index
      %get3A_203 = tpu.vector_load %arg14[%get3A_201, %get3A_202] {strides = array<i32>} : memref<2000x16xf32, #tpu.memory_space<vmem>>, vector<1x16xf32>,
      %get3A_204 = vector.shape_cast %get3A_203 : vector<1x16xf32> to vector<16xf32>
      %slice3A_205 = vector.extract_strided_slice %get3A_133 {offsets = [4], sizes = [1], strides = [1]} : vector<16xf32> to vector<1xf32>
      %squeeze3A_206 = vector.extract %slice3A_205[0] : f32 from vector<1xf32>
      %mul3A_207 = vector.broadcast %squeeze3A_206 : f32 to vector<16xf32>
      %mul3A_208 = arith.mulf %get3A_204, %mul3A_207 : vector<16xf32>
      %add3A_209 = arith.constant 4 : i32
      %add3A_210 = arith.addi %add3A_131, %add3A_209 : i32
      %swap3A_211 = arith.index_cast %add3A_210 : i32 to index
      %swap3A_212 = arith.constant 0 : index
      %swap3A_213 = tpu.vector_load %arg14[%swap3A_211, %swap3A_212] {strides = array<i32>} : memref<2000x16xf32, #tpu.memory_space<vmem>>, vector<1x16xf32>,
      %swap3A_214 = vector.shape_cast %swap3A_213 : vector<1x16xf32> to vector<16xf32>
      %swap3A_215 = vector.shape_cast %mul3A_208 : vector<16xf32> to vector<1x16xf32>
      tpu.vector_store %arg14[%swap3A_211, %swap3A_212], %swap3A_215 {strides = array<i32>} : memref<2000x16xf32, #tpu.memory_space<vmem>>, vector<1x16xf32>,
      %add3A_216 = arith.constant 5 : i32
      %add3A_217 = arith.addi %add3A_131, %add3A_216 : i32
      %get3A_218 = arith.index_cast %add3A_217 : i32 to index
      %get3A_219 = arith.constant 0 : index
      %get3A_220 = tpu.vector_load %arg14[%get3A_218, %get3A_219] {strides = array<i32>} : memref<2000x16xf32, #tpu.memory_space<vmem>>, vector<1x16xf32>,
      %get3A_221 = vector.shape_cast %get3A_220 : vector<1x16xf32> to vector<16xf32>
      %slice3A_222 = vector.extract_strided_slice %get3A_133 {offsets = [5], sizes = [1], strides = [1]} : vector<16xf32> to vector<1xf32>
      %squeeze3A_223 = vector.extract %slice3A_222[0] : f32 from vector<1xf32>
      %mul3A_224 = vector.broadcast %squeeze3A_223 : f32 to vector<16xf32>
      %mul3A_225 = arith.mulf %get3A_221, %mul3A_224 : vector<16xf32>
      %add3A_226 = arith.constant 5 : i32
      %add3A_227 = arith.addi %add3A_131, %add3A_226 : i32
      %swap3A_228 = arith.index_cast %add3A_227 : i32 to index
      %swap3A_229 = arith.constant 0 : index
      %swap3A_230 = tpu.vector_load %arg14[%swap3A_228, %swap3A_229] {strides = array<i32>} : memref<2000x16xf32, #tpu.memory_space<vmem>>, vector<1x16xf32>,
      %swap3A_231 = vector.shape_cast %swap3A_230 : vector<1x16xf32> to vector<16xf32>
      %swap3A_232 = vector.shape_cast %mul3A_225 : vector<16xf32> to vector<1x16xf32>
      tpu.vector_store %arg14[%swap3A_228, %swap3A_229], %swap3A_232 {strides = array<i32>} : memref<2000x16xf32, #tpu.memory_space<vmem>>, vector<1x16xf32>,
      %add3A_233 = arith.constant 6 : i32
      %add3A_234 = arith.addi %add3A_131, %add3A_233 : i32
      %get3A_235 = arith.index_cast %add3A_234 : i32 to index
      %get3A_236 = arith.constant 0 : index
      %get3A_237 = tpu.vector_load %arg14[%get3A_235, %get3A_236] {strides = array<i32>} : memref<2000x16xf32, #tpu.memory_space<vmem>>, vector<1x16xf32>,
      %get3A_238 = vector.shape_cast %get3A_237 : vector<1x16xf32> to vector<16xf32>
      %slice3A_239 = vector.extract_strided_slice %get3A_133 {offsets = [6], sizes = [1], strides = [1]} : vector<16xf32> to vector<1xf32>
      %squeeze3A_240 = vector.extract %slice3A_239[0] : f32 from vector<1xf32>
      %mul3A_241 = vector.broadcast %squeeze3A_240 : f32 to vector<16xf32>
      %mul3A_242 = arith.mulf %get3A_238, %mul3A_241 : vector<16xf32>
      %add3A_243 = arith.constant 6 : i32
      %add3A_244 = arith.addi %add3A_131, %add3A_243 : i32
      %swap3A_245 = arith.index_cast %add3A_244 : i32 to index
      %swap3A_246 = arith.constant 0 : index
      %swap3A_247 = tpu.vector_load %arg14[%swap3A_245, %swap3A_246] {strides = array<i32>} : memref<2000x16xf32, #tpu.memory_space<vmem>>, vector<1x16xf32>,
      %swap3A_248 = vector.shape_cast %swap3A_247 : vector<1x16xf32> to vector<16xf32>
      %swap3A_249 = vector.shape_cast %mul3A_242 : vector<16xf32> to vector<1x16xf32>
      tpu.vector_store %arg14[%swap3A_245, %swap3A_246], %swap3A_249 {strides = array<i32>} : memref<2000x16xf32, #tpu.memory_space<vmem>>, vector<1x16xf32>,
      %add3A_250 = arith.constant 7 : i32
      %add3A_251 = arith.addi %add3A_131, %add3A_250 : i32
      %get3A_252 = arith.index_cast %add3A_251 : i32 to index
      %get3A_253 = arith.constant 0 : index
      %get3A_254 = tpu.vector_load %arg14[%get3A_252, %get3A_253] {strides = array<i32>} : memref<2000x16xf32, #tpu.memory_space<vmem>>, vector<1x16xf32>,
      %get3A_255 = vector.shape_cast %get3A_254 : vector<1x16xf32> to vector<16xf32>
      %slice3A_256 = vector.extract_strided_slice %get3A_133 {offsets = [7], sizes = [1], strides = [1]} : vector<16xf32> to vector<1xf32>
      %squeeze3A_257 = vector.extract %slice3A_256[0] : f32 from vector<1xf32>
      %mul3A_258 = vector.broadcast %squeeze3A_257 : f32 to vector<16xf32>
      %mul3A_259 = arith.mulf %get3A_255, %mul3A_258 : vector<16xf32>
      %add3A_260 = arith.constant 7 : i32
      %add3A_261 = arith.addi %add3A_131, %add3A_260 : i32
      %swap3A_262 = arith.index_cast %add3A_261 : i32 to index
      %swap3A_263 = arith.constant 0 : index
      %swap3A_264 = tpu.vector_load %arg14[%swap3A_262, %swap3A_263] {strides = array<i32>} : memref<2000x16xf32, #tpu.memory_space<vmem>>, vector<1x16xf32>,
      %swap3A_265 = vector.shape_cast %swap3A_264 : vector<1x16xf32> to vector<16xf32>
      %swap3A_266 = vector.shape_cast %mul3A_259 : vector<16xf32> to vector<1x16xf32>
      tpu.vector_store %arg14[%swap3A_262, %swap3A_263], %swap3A_266 {strides = array<i32>} : memref<2000x16xf32, #tpu.memory_space<vmem>>, vector<1x16xf32>,
      %add3A_267 = arith.constant 8 : i32
      %add3A_268 = arith.addi %add3A_131, %add3A_267 : i32
      %get3A_269 = arith.index_cast %add3A_268 : i32 to index
      %get3A_270 = arith.constant 0 : index
      %get3A_271 = tpu.vector_load %arg14[%get3A_269, %get3A_270] {strides = array<i32>} : memref<2000x16xf32, #tpu.memory_space<vmem>>, vector<1x16xf32>,
      %get3A_272 = vector.shape_cast %get3A_271 : vector<1x16xf32> to vector<16xf32>
      %slice3A_273 = vector.extract_strided_slice %get3A_133 {offsets = [8], sizes = [1], strides = [1]} : vector<16xf32> to vector<1xf32>
      %squeeze3A_274 = vector.extract %slice3A_273[0] : f32 from vector<1xf32>
      %mul3A_275 = vector.broadcast %squeeze3A_274 : f32 to vector<16xf32>
      %mul3A_276 = arith.mulf %get3A_272, %mul3A_275 : vector<16xf32>
      %add3A_277 = arith.constant 8 : i32
      %add3A_278 = arith.addi %add3A_131, %add3A_277 : i32
      %swap3A_279 = arith.index_cast %add3A_278 : i32 to index
      %swap3A_280 = arith.constant 0 : index
      %swap3A_281 = tpu.vector_load %arg14[%swap3A_279, %swap3A_280] {strides = array<i32>} : memref<2000x16xf32, #tpu.memory_space<vmem>>, vector<1x16xf32>,
      %swap3A_282 = vector.shape_cast %swap3A_281 : vector<1x16xf32> to vector<16xf32>
      %swap3A_283 = vector.shape_cast %mul3A_276 : vector<16xf32> to vector<1x16xf32>
      tpu.vector_store %arg14[%swap3A_279, %swap3A_280], %swap3A_283 {strides = array<i32>} : memref<2000x16xf32, #tpu.memory_space<vmem>>, vector<1x16xf32>,
      %add3A_284 = arith.constant 9 : i32
      %add3A_285 = arith.addi %add3A_131, %add3A_284 : i32
      %get3A_286 = arith.index_cast %add3A_285 : i32 to index
      %get3A_287 = arith.constant 0 : index
      %get3A_288 = tpu.vector_load %arg14[%get3A_286, %get3A_287] {strides = array<i32>} : memref<2000x16xf32, #tpu.memory_space<vmem>>, vector<1x16xf32>,
      %get3A_289 = vector.shape_cast %get3A_288 : vector<1x16xf32> to vector<16xf32>
      %slice3A_290 = vector.extract_strided_slice %get3A_133 {offsets = [9], sizes = [1], strides = [1]} : vector<16xf32> to vector<1xf32>
      %squeeze3A_291 = vector.extract %slice3A_290[0] : f32 from vector<1xf32>
      %mul3A_292 = vector.broadcast %squeeze3A_291 : f32 to vector<16xf32>
      %mul3A_293 = arith.mulf %get3A_289, %mul3A_292 : vector<16xf32>
      %add3A_294 = arith.constant 9 : i32
      %add3A_295 = arith.addi %add3A_131, %add3A_294 : i32
      %swap3A_296 = arith.index_cast %add3A_295 : i32 to index
      %swap3A_297 = arith.constant 0 : index
      %swap3A_298 = tpu.vector_load %arg14[%swap3A_296, %swap3A_297] {strides = array<i32>} : memref<2000x16xf32, #tpu.memory_space<vmem>>, vector<1x16xf32>,
      %swap3A_299 = vector.shape_cast %swap3A_298 : vector<1x16xf32> to vector<16xf32>
      %swap3A_300 = vector.shape_cast %mul3A_293 : vector<16xf32> to vector<1x16xf32>
      tpu.vector_store %arg14[%swap3A_296, %swap3A_297], %swap3A_300 {strides = array<i32>} : memref<2000x16xf32, #tpu.memory_space<vmem>>, vector<1x16xf32>,
      %add3A_301 = arith.constant 10 : i32
      %add3A_302 = arith.addi %add3A_131, %add3A_301 : i32
      %get3A_303 = arith.index_cast %add3A_302 : i32 to index
      %get3A_304 = arith.constant 0 : index
      %get3A_305 = tpu.vector_load %arg14[%get3A_303, %get3A_304] {strides = array<i32>} : memref<2000x16xf32, #tpu.memory_space<vmem>>, vector<1x16xf32>,
      %get3A_306 = vector.shape_cast %get3A_305 : vector<1x16xf32> to vector<16xf32>
      %slice3A_307 = vector.extract_strided_slice %get3A_133 {offsets = [10], sizes = [1], strides = [1]} : vector<16xf32> to vector<1xf32>
      %squeeze3A_308 = vector.extract %slice3A_307[0] : f32 from vector<1xf32>
      %mul3A_309 = vector.broadcast %squeeze3A_308 : f32 to vector<16xf32>
      %mul3A_310 = arith.mulf %get3A_306, %mul3A_309 : vector<16xf32>
      %add3A_311 = arith.constant 10 : i32
      %add3A_312 = arith.addi %add3A_131, %add3A_311 : i32
      %swap3A_313 = arith.index_cast %add3A_312 : i32 to index
      %swap3A_314 = arith.constant 0 : index
      %swap3A_315 = tpu.vector_load %arg14[%swap3A_313, %swap3A_314] {strides = array<i32>} : memref<2000x16xf32, #tpu.memory_space<vmem>>, vector<1x16xf32>,
      %swap3A_316 = vector.shape_cast %swap3A_315 : vector<1x16xf32> to vector<16xf32>
      %swap3A_317 = vector.shape_cast %mul3A_310 : vector<16xf32> to vector<1x16xf32>
      tpu.vector_store %arg14[%swap3A_313, %swap3A_314], %swap3A_317 {strides = array<i32>} : memref<2000x16xf32, #tpu.memory_space<vmem>>, vector<1x16xf32>,
      %add3A_318 = arith.constant 11 : i32
      %add3A_319 = arith.addi %add3A_131, %add3A_318 : i32
      %get3A_320 = arith.index_cast %add3A_319 : i32 to index
      %get3A_321 = arith.constant 0 : index
      %get3A_322 = tpu.vector_load %arg14[%get3A_320, %get3A_321] {strides = array<i32>} : memref<2000x16xf32, #tpu.memory_space<vmem>>, vector<1x16xf32>,
      %get3A_323 = vector.shape_cast %get3A_322 : vector<1x16xf32> to vector<16xf32>
      %slice3A_324 = vector.extract_strided_slice %get3A_133 {offsets = [11], sizes = [1], strides = [1]} : vector<16xf32> to vector<1xf32>
      %squeeze3A_325 = vector.extract %slice3A_324[0] : f32 from vector<1xf32>
      %mul3A_326 = vector.broadcast %squeeze3A_325 : f32 to vector<16xf32>
      %mul3A_327 = arith.mulf %get3A_323, %mul3A_326 : vector<16xf32>
      %add3A_328 = arith.constant 11 : i32
      %add3A_329 = arith.addi %add3A_131, %add3A_328 : i32
      %swap3A_330 = arith.index_cast %add3A_329 : i32 to index
      %swap3A_331 = arith.constant 0 : index
      %swap3A_332 = tpu.vector_load %arg14[%swap3A_330, %swap3A_331] {strides = array<i32>} : memref<2000x16xf32, #tpu.memory_space<vmem>>, vector<1x16xf32>,
      %swap3A_333 = vector.shape_cast %swap3A_332 : vector<1x16xf32> to vector<16xf32>
      %swap3A_334 = vector.shape_cast %mul3A_327 : vector<16xf32> to vector<1x16xf32>
      tpu.vector_store %arg14[%swap3A_330, %swap3A_331], %swap3A_334 {strides = array<i32>} : memref<2000x16xf32, #tpu.memory_space<vmem>>, vector<1x16xf32>,
      %add3A_335 = arith.constant 12 : i32
      %add3A_336 = arith.addi %add3A_131, %add3A_335 : i32
      %get3A_337 = arith.index_cast %add3A_336 : i32 to index
      %get3A_338 = arith.constant 0 : index
      %get3A_339 = tpu.vector_load %arg14[%get3A_337, %get3A_338] {strides = array<i32>} : memref<2000x16xf32, #tpu.memory_space<vmem>>, vector<1x16xf32>,
      %get3A_340 = vector.shape_cast %get3A_339 : vector<1x16xf32> to vector<16xf32>
      %slice3A_341 = vector.extract_strided_slice %get3A_133 {offsets = [12], sizes = [1], strides = [1]} : vector<16xf32> to vector<1xf32>
      %squeeze3A_342 = vector.extract %slice3A_341[0] : f32 from vector<1xf32>
      %mul3A_343 = vector.broadcast %squeeze3A_342 : f32 to vector<16xf32>
      %mul3A_344 = arith.mulf %get3A_340, %mul3A_343 : vector<16xf32>
      %add3A_345 = arith.constant 12 : i32
      %add3A_346 = arith.addi %add3A_131, %add3A_345 : i32
      %swap3A_347 = arith.index_cast %add3A_346 : i32 to index
      %swap3A_348 = arith.constant 0 : index
      %swap3A_349 = tpu.vector_load %arg14[%swap3A_347, %swap3A_348] {strides = array<i32>} : memref<2000x16xf32, #tpu.memory_space<vmem>>, vector<1x16xf32>,
      %swap3A_350 = vector.shape_cast %swap3A_349 : vector<1x16xf32> to vector<16xf32>
      %swap3A_351 = vector.shape_cast %mul3A_344 : vector<16xf32> to vector<1x16xf32>
      tpu.vector_store %arg14[%swap3A_347, %swap3A_348], %swap3A_351 {strides = array<i32>} : memref<2000x16xf32, #tpu.memory_space<vmem>>, vector<1x16xf32>,
      %add3A_352 = arith.constant 13 : i32
      %add3A_353 = arith.addi %add3A_131, %add3A_352 : i32
      %get3A_354 = arith.index_cast %add3A_353 : i32 to index
      %get3A_355 = arith.constant 0 : index
      %get3A_356 = tpu.vector_load %arg14[%get3A_354, %get3A_355] {strides = array<i32>} : memref<2000x16xf32, #tpu.memory_space<vmem>>, vector<1x16xf32>,
      %get3A_357 = vector.shape_cast %get3A_356 : vector<1x16xf32> to vector<16xf32>
      %slice3A_358 = vector.extract_strided_slice %get3A_133 {offsets = [13], sizes = [1], strides = [1]} : vector<16xf32> to vector<1xf32>
      %squeeze3A_359 = vector.extract %slice3A_358[0] : f32 from vector<1xf32>
      %mul3A_360 = vector.broadcast %squeeze3A_359 : f32 to vector<16xf32>
      %mul3A_361 = arith.mulf %get3A_357, %mul3A_360 : vector<16xf32>
      %add3A_362 = arith.constant 13 : i32
      %add3A_363 = arith.addi %add3A_131, %add3A_362 : i32
      %swap3A_364 = arith.index_cast %add3A_363 : i32 to index
      %swap3A_365 = arith.constant 0 : index
      %swap3A_366 = tpu.vector_load %arg14[%swap3A_364, %swap3A_365] {strides = array<i32>} : memref<2000x16xf32, #tpu.memory_space<vmem>>, vector<1x16xf32>,
      %swap3A_367 = vector.shape_cast %swap3A_366 : vector<1x16xf32> to vector<16xf32>
      %swap3A_368 = vector.shape_cast %mul3A_361 : vector<16xf32> to vector<1x16xf32>
      tpu.vector_store %arg14[%swap3A_364, %swap3A_365], %swap3A_368 {strides = array<i32>} : memref<2000x16xf32, #tpu.memory_space<vmem>>, vector<1x16xf32>,
      %add3A_369 = arith.constant 14 : i32
      %add3A_370 = arith.addi %add3A_131, %add3A_369 : i32
      %get3A_371 = arith.index_cast %add3A_370 : i32 to index
      %get3A_372 = arith.constant 0 : index
      %get3A_373 = tpu.vector_load %arg14[%get3A_371, %get3A_372] {strides = array<i32>} : memref<2000x16xf32, #tpu.memory_space<vmem>>, vector<1x16xf32>,
      %get3A_374 = vector.shape_cast %get3A_373 : vector<1x16xf32> to vector<16xf32>
      %slice3A_375 = vector.extract_strided_slice %get3A_133 {offsets = [14], sizes = [1], strides = [1]} : vector<16xf32> to vector<1xf32>
      %squeeze3A_376 = vector.extract %slice3A_375[0] : f32 from vector<1xf32>
      %mul3A_377 = vector.broadcast %squeeze3A_376 : f32 to vector<16xf32>
      %mul3A_378 = arith.mulf %get3A_374, %mul3A_377 : vector<16xf32>
      %add3A_379 = arith.constant 14 : i32
      %add3A_380 = arith.addi %add3A_131, %add3A_379 : i32
      %swap3A_381 = arith.index_cast %add3A_380 : i32 to index
      %swap3A_382 = arith.constant 0 : index
      %swap3A_383 = tpu.vector_load %arg14[%swap3A_381, %swap3A_382] {strides = array<i32>} : memref<2000x16xf32, #tpu.memory_space<vmem>>, vector<1x16xf32>,
      %swap3A_384 = vector.shape_cast %swap3A_383 : vector<1x16xf32> to vector<16xf32>
      %swap3A_385 = vector.shape_cast %mul3A_378 : vector<16xf32> to vector<1x16xf32>
      tpu.vector_store %arg14[%swap3A_381, %swap3A_382], %swap3A_385 {strides = array<i32>} : memref<2000x16xf32, #tpu.memory_space<vmem>>, vector<1x16xf32>,
      %add3A_386 = arith.constant 15 : i32
      %add3A_387 = arith.addi %add3A_131, %add3A_386 : i32
      %get3A_388 = arith.index_cast %add3A_387 : i32 to index
      %get3A_389 = arith.constant 0 : index
      %get3A_390 = tpu.vector_load %arg14[%get3A_388, %get3A_389] {strides = array<i32>} : memref<2000x16xf32, #tpu.memory_space<vmem>>, vector<1x16xf32>,
      %get3A_391 = vector.shape_cast %get3A_390 : vector<1x16xf32> to vector<16xf32>
      %slice3A_392 = vector.extract_strided_slice %get3A_133 {offsets = [15], sizes = [1], strides = [1]} : vector<16xf32> to vector<1xf32>
      %squeeze3A_393 = vector.extract %slice3A_392[0] : f32 from vector<1xf32>
      %mul3A_394 = vector.broadcast %squeeze3A_393 : f32 to vector<16xf32>
      %mul3A_395 = arith.mulf %get3A_391, %mul3A_394 : vector<16xf32>
      %add3A_396 = arith.constant 15 : i32
      %add3A_397 = arith.addi %add3A_131, %add3A_396 : i32
      %swap3A_398 = arith.index_cast %add3A_397 : i32 to index
      %swap3A_399 = arith.constant 0 : index
      %swap3A_400 = tpu.vector_load %arg14[%swap3A_398, %swap3A_399] {strides = array<i32>} : memref<2000x16xf32, #tpu.memory_space<vmem>>, vector<1x16xf32>,
      %swap3A_401 = vector.shape_cast %swap3A_400 : vector<1x16xf32> to vector<16xf32>
      %swap3A_402 = vector.shape_cast %mul3A_395 : vector<16xf32> to vector<1x16xf32>
      tpu.vector_store %arg14[%swap3A_398, %swap3A_399], %swap3A_402 {strides = array<i32>} : memref<2000x16xf32, #tpu.memory_space<vmem>>, vector<1x16xf32>,
    }
    %scan3A_55 = arith.constant 125 : i32
    %dma_start3A_56 = arith.constant 0 : i32
    %dma_start3A_57 = arith.constant 0 : i32
    %dma_start3A_58 = tpu.memref_slice %arg16[%dma_start3A_56, %dma_start3A_57] : memref<10240x16xf32, #tpu.memory_space<vmem_shared>> -> memref<10240x16xf32, #tpu.memory_space<vmem_shared>>
    tpu.enqueue_indirect_dma source(%arg14 : memref<2000x16xf32, #tpu.memory_space<vmem>>) target(%dma_start3A_58 : memref<10240x16xf32, #tpu.memory_space<vmem_shared>>) offsets(%arg10 : memref<2000xi32, #tpu.memory_space<vmem>>) semaphore(%arg20 : memref<!tpu.dma_semaphore, #tpu.memory_space<semaphore_mem>>) {add = true}
    %dma_wait3A_59 = arith.constant 0 : i32
    %dma_wait3A_60 = arith.constant 0 : i32
    %dma_wait3A_61 = tpu.memref_slice %arg16[%dma_wait3A_59, %dma_wait3A_60] : memref<10240x16xf32, #tpu.memory_space<vmem_shared>> -> memref<10240x16xf32, #tpu.memory_space<vmem_shared>>
    tpu.wait_indirect_dma semaphore(%arg20 : memref<!tpu.dma_semaphore, #tpu.memory_space<semaphore_mem>>) src(%arg14 : memref<2000x16xf32, #tpu.memory_space<vmem>>) dst(%dma_wait3A_61 : memref<10240x16xf32, #tpu.memory_space<vmem_shared>>)
    %add3A_62 = arith.constant 6000 : i32
    %add3A_63 = arith.addi %mul3A_8, %add3A_62 : i32
    "tpu.region"() ({
      %run_scoped3A = tpu.sem_alloc : memref<!tpu.dma_semaphore, #tpu.memory_space<semaphore_mem>>
      %dma_start3A_127 = tpu.memref_slice %arg3[%add3A_63] : memref<320000xi32, #tpu.memory_space<hbm>> -> memref<2000xi32, #tpu.memory_space<hbm>>
      %dma_start3A_128 = tpu.memref_slice %arg3[%add3A_63] : memref<320000xi32, #tpu.memory_space<hbm>> -> memref<2000xi32, #tpu.memory_space<hbm>>
      tpu.enqueue_dma source(%dma_start3A_128 : memref<2000xi32, #tpu.memory_space<hbm>>) target(%arg8 : memref<2000xi32, #tpu.memory_space<vmem>>) target_semaphore(%run_scoped3A : memref<!tpu.dma_semaphore, #tpu.memory_space<semaphore_mem>>)
      %dma_wait3A_129 = tpu.memref_slice %arg3[%add3A_63] : memref<320000xi32, #tpu.memory_space<hbm>> -> memref<2000xi32, #tpu.memory_space<hbm>>
      %dma_wait3A_130 = tpu.memref_slice %arg3[%add3A_63] : memref<320000xi32, #tpu.memory_space<hbm>> -> memref<2000xi32, #tpu.memory_space<hbm>>
      tpu.wait_dma2 semaphore(%run_scoped3A : memref<!tpu.dma_semaphore, #tpu.memory_space<semaphore_mem>>) src(%dma_wait3A_130 : memref<2000xi32, #tpu.memory_space<hbm>>) dst(%arg8 : memref<2000xi32, #tpu.memory_space<vmem>>)
      tpu.yield
    }) : () -> ()
    %add3A_64 = arith.constant 6000 : i32
    %add3A_65 = arith.addi %mul3A_8, %add3A_64 : i32
    "tpu.region"() ({
      %run_scoped3A = tpu.sem_alloc : memref<!tpu.dma_semaphore, #tpu.memory_space<semaphore_mem>>
      %dma_start3A_127 = tpu.memref_slice %arg4[%add3A_65] : memref<320000xi32, #tpu.memory_space<hbm>> -> memref<2000xi32, #tpu.memory_space<hbm>>
      %dma_start3A_128 = tpu.memref_slice %arg4[%add3A_65] : memref<320000xi32, #tpu.memory_space<hbm>> -> memref<2000xi32, #tpu.memory_space<hbm>>
      tpu.enqueue_dma source(%dma_start3A_128 : memref<2000xi32, #tpu.memory_space<hbm>>) target(%arg10 : memref<2000xi32, #tpu.memory_space<vmem>>) target_semaphore(%run_scoped3A : memref<!tpu.dma_semaphore, #tpu.memory_space<semaphore_mem>>)
      %dma_wait3A_129 = tpu.memref_slice %arg4[%add3A_65] : memref<320000xi32, #tpu.memory_space<hbm>> -> memref<2000xi32, #tpu.memory_space<hbm>>
      %dma_wait3A_130 = tpu.memref_slice %arg4[%add3A_65] : memref<320000xi32, #tpu.memory_space<hbm>> -> memref<2000xi32, #tpu.memory_space<hbm>>
      tpu.wait_dma2 semaphore(%run_scoped3A : memref<!tpu.dma_semaphore, #tpu.memory_space<semaphore_mem>>) src(%dma_wait3A_130 : memref<2000xi32, #tpu.memory_space<hbm>>) dst(%arg10 : memref<2000xi32, #tpu.memory_space<vmem>>)
      tpu.yield
    }) : () -> ()
    %add3A_66 = arith.constant 6000 : i32
    %add3A_67 = arith.addi %mul3A_8, %add3A_66 : i32
    "tpu.region"() ({
      %run_scoped3A = tpu.sem_alloc : memref<!tpu.dma_semaphore, #tpu.memory_space<semaphore_mem>>
      %dma_start3A_127 = tpu.memref_slice %arg5[%add3A_67] : memref<320000xf32, #tpu.memory_space<hbm>> -> memref<2000xf32, #tpu.memory_space<hbm>>
      %dma_start3A_128 = tpu.memref_slice %arg5[%add3A_67] : memref<320000xf32, #tpu.memory_space<hbm>> -> memref<2000xf32, #tpu.memory_space<hbm>>
      tpu.enqueue_dma source(%dma_start3A_128 : memref<2000xf32, #tpu.memory_space<hbm>>) target(%arg12 : memref<2000xf32, #tpu.memory_space<vmem>>) target_semaphore(%run_scoped3A : memref<!tpu.dma_semaphore, #tpu.memory_space<semaphore_mem>>)
      %dma_wait3A_129 = tpu.memref_slice %arg5[%add3A_67] : memref<320000xf32, #tpu.memory_space<hbm>> -> memref<2000xf32, #tpu.memory_space<hbm>>
      %dma_wait3A_130 = tpu.memref_slice %arg5[%add3A_67] : memref<320000xf32, #tpu.memory_space<hbm>> -> memref<2000xf32, #tpu.memory_space<hbm>>
      tpu.wait_dma2 semaphore(%run_scoped3A : memref<!tpu.dma_semaphore, #tpu.memory_space<semaphore_mem>>) src(%dma_wait3A_130 : memref<2000xf32, #tpu.memory_space<hbm>>) dst(%arg12 : memref<2000xf32, #tpu.memory_space<vmem>>)
      tpu.yield
    }) : () -> ()
    %dma_start3A_68 = arith.constant 0 : i32
    %dma_start3A_69 = arith.constant 0 : i32
    %dma_start3A_70 = tpu.memref_slice %arg2[%dma_start3A_68, %dma_start3A_69] : memref<10000x16xf32, #tpu.memory_space<hbm>> -> memref<10000x16xf32, #tpu.memory_space<hbm>>
    tpu.enqueue_indirect_dma source(%dma_start3A_70 : memref<10000x16xf32, #tpu.memory_space<hbm>>) target(%arg14 : memref<2000x16xf32, #tpu.memory_space<vmem>>) offsets(%arg8 : memref<2000xi32, #tpu.memory_space<vmem>>) semaphore(%arg18 : memref<!tpu.dma_semaphore, #tpu.memory_space<semaphore_mem>>)
    %dma_wait3A_71 = arith.constant 0 : i32
    %dma_wait3A_72 = arith.constant 0 : i32
    %dma_wait3A_73 = tpu.memref_slice %arg2[%dma_wait3A_71, %dma_wait3A_72] : memref<10000x16xf32, #tpu.memory_space<hbm>> -> memref<10000x16xf32, #tpu.memory_space<hbm>>
    tpu.wait_indirect_dma semaphore(%arg17 : memref<!tpu.dma_semaphore, #tpu.memory_space<semaphore_mem>>) src(%dma_wait3A_73 : memref<10000x16xf32, #tpu.memory_space<hbm>>) dst(%arg13 : memref<2000x16xf32, #tpu.memory_space<vmem>>)
    %scan3A_74 = arith.constant 0 : i32
    %scan3A_75 = arith.constant 125 : i32
    %scan3A_76 = arith.addi %scan3A_74, %scan3A_75 : i32
    %scan3A_77 = arith.constant 1 : i32
    scf.for %scan3A_127 = %scan3A_74 to %scan3A_76 step %scan3A_77  : i32 {
      %mul3A_128 = arith.constant 16 : i32
      %mul3A_129 = arith.muli %scan3A_127, %mul3A_128 : i32
      %add3A_130 = arith.constant 0 : i32
      %add3A_131 = arith.addi %add3A_130, %mul3A_129 : i32
      %get3A = arith.index_cast %add3A_131 : i32 to index
      %get3A_132 = tpu.vector_load %arg11[%get3A] {strides = array<i32>} : memref<2000xf32, #tpu.memory_space<vmem>>, vector<16xf32>,
      %get3A_133 = vector.shape_cast %get3A_132 : vector<16xf32> to vector<16xf32>
      %add3A_134 = arith.constant 0 : i32
      %add3A_135 = arith.addi %add3A_131, %add3A_134 : i32
      %get3A_136 = arith.index_cast %add3A_135 : i32 to index
      %get3A_137 = arith.constant 0 : index
      %get3A_138 = tpu.vector_load %arg13[%get3A_136, %get3A_137] {strides = array<i32>} : memref<2000x16xf32, #tpu.memory_space<vmem>>, vector<1x16xf32>,
      %get3A_139 = vector.shape_cast %get3A_138 : vector<1x16xf32> to vector<16xf32>
      %slice3A = vector.extract_strided_slice %get3A_133 {offsets = [0], sizes = [1], strides = [1]} : vector<16xf32> to vector<1xf32>
      %squeeze3A = vector.extract %slice3A[0] : f32 from vector<1xf32>
      %mul3A_140 = vector.broadcast %squeeze3A : f32 to vector<16xf32>
      %mul3A_141 = arith.mulf %get3A_139, %mul3A_140 : vector<16xf32>
      %add3A_142 = arith.constant 0 : i32
      %add3A_143 = arith.addi %add3A_131, %add3A_142 : i32
      %swap3A = arith.index_cast %add3A_143 : i32 to index
      %swap3A_144 = arith.constant 0 : index
      %swap3A_145 = tpu.vector_load %arg13[%swap3A, %swap3A_144] {strides = array<i32>} : memref<2000x16xf32, #tpu.memory_space<vmem>>, vector<1x16xf32>,
      %swap3A_146 = vector.shape_cast %swap3A_145 : vector<1x16xf32> to vector<16xf32>
      %swap3A_147 = vector.shape_cast %mul3A_141 : vector<16xf32> to vector<1x16xf32>
      tpu.vector_store %arg13[%swap3A, %swap3A_144], %swap3A_147 {strides = array<i32>} : memref<2000x16xf32, #tpu.memory_space<vmem>>, vector<1x16xf32>,
      %add3A_148 = arith.constant 1 : i32
      %add3A_149 = arith.addi %add3A_131, %add3A_148 : i32
      %get3A_150 = arith.index_cast %add3A_149 : i32 to index
      %get3A_151 = arith.constant 0 : index
      %get3A_152 = tpu.vector_load %arg13[%get3A_150, %get3A_151] {strides = array<i32>} : memref<2000x16xf32, #tpu.memory_space<vmem>>, vector<1x16xf32>,
      %get3A_153 = vector.shape_cast %get3A_152 : vector<1x16xf32> to vector<16xf32>
      %slice3A_154 = vector.extract_strided_slice %get3A_133 {offsets = [1], sizes = [1], strides = [1]} : vector<16xf32> to vector<1xf32>
      %squeeze3A_155 = vector.extract %slice3A_154[0] : f32 from vector<1xf32>
      %mul3A_156 = vector.broadcast %squeeze3A_155 : f32 to vector<16xf32>
      %mul3A_157 = arith.mulf %get3A_153, %mul3A_156 : vector<16xf32>
      %add3A_158 = arith.constant 1 : i32
      %add3A_159 = arith.addi %add3A_131, %add3A_158 : i32
      %swap3A_160 = arith.index_cast %add3A_159 : i32 to index
      %swap3A_161 = arith.constant 0 : index
      %swap3A_162 = tpu.vector_load %arg13[%swap3A_160, %swap3A_161] {strides = array<i32>} : memref<2000x16xf32, #tpu.memory_space<vmem>>, vector<1x16xf32>,
      %swap3A_163 = vector.shape_cast %swap3A_162 : vector<1x16xf32> to vector<16xf32>
      %swap3A_164 = vector.shape_cast %mul3A_157 : vector<16xf32> to vector<1x16xf32>
      tpu.vector_store %arg13[%swap3A_160, %swap3A_161], %swap3A_164 {strides = array<i32>} : memref<2000x16xf32, #tpu.memory_space<vmem>>, vector<1x16xf32>,
      %add3A_165 = arith.constant 2 : i32
      %add3A_166 = arith.addi %add3A_131, %add3A_165 : i32
      %get3A_167 = arith.index_cast %add3A_166 : i32 to index
      %get3A_168 = arith.constant 0 : index
      %get3A_169 = tpu.vector_load %arg13[%get3A_167, %get3A_168] {strides = array<i32>} : memref<2000x16xf32, #tpu.memory_space<vmem>>, vector<1x16xf32>,
      %get3A_170 = vector.shape_cast %get3A_169 : vector<1x16xf32> to vector<16xf32>
      %slice3A_171 = vector.extract_strided_slice %get3A_133 {offsets = [2], sizes = [1], strides = [1]} : vector<16xf32> to vector<1xf32>
      %squeeze3A_172 = vector.extract %slice3A_171[0] : f32 from vector<1xf32>
      %mul3A_173 = vector.broadcast %squeeze3A_172 : f32 to vector<16xf32>
      %mul3A_174 = arith.mulf %get3A_170, %mul3A_173 : vector<16xf32>
      %add3A_175 = arith.constant 2 : i32
      %add3A_176 = arith.addi %add3A_131, %add3A_175 : i32
      %swap3A_177 = arith.index_cast %add3A_176 : i32 to index
      %swap3A_178 = arith.constant 0 : index
      %swap3A_179 = tpu.vector_load %arg13[%swap3A_177, %swap3A_178] {strides = array<i32>} : memref<2000x16xf32, #tpu.memory_space<vmem>>, vector<1x16xf32>,
      %swap3A_180 = vector.shape_cast %swap3A_179 : vector<1x16xf32> to vector<16xf32>
      %swap3A_181 = vector.shape_cast %mul3A_174 : vector<16xf32> to vector<1x16xf32>
      tpu.vector_store %arg13[%swap3A_177, %swap3A_178], %swap3A_181 {strides = array<i32>} : memref<2000x16xf32, #tpu.memory_space<vmem>>, vector<1x16xf32>,
      %add3A_182 = arith.constant 3 : i32
      %add3A_183 = arith.addi %add3A_131, %add3A_182 : i32
      %get3A_184 = arith.index_cast %add3A_183 : i32 to index
      %get3A_185 = arith.constant 0 : index
      %get3A_186 = tpu.vector_load %arg13[%get3A_184, %get3A_185] {strides = array<i32>} : memref<2000x16xf32, #tpu.memory_space<vmem>>, vector<1x16xf32>,
      %get3A_187 = vector.shape_cast %get3A_186 : vector<1x16xf32> to vector<16xf32>
      %slice3A_188 = vector.extract_strided_slice %get3A_133 {offsets = [3], sizes = [1], strides = [1]} : vector<16xf32> to vector<1xf32>
      %squeeze3A_189 = vector.extract %slice3A_188[0] : f32 from vector<1xf32>
      %mul3A_190 = vector.broadcast %squeeze3A_189 : f32 to vector<16xf32>
      %mul3A_191 = arith.mulf %get3A_187, %mul3A_190 : vector<16xf32>
      %add3A_192 = arith.constant 3 : i32
      %add3A_193 = arith.addi %add3A_131, %add3A_192 : i32
      %swap3A_194 = arith.index_cast %add3A_193 : i32 to index
      %swap3A_195 = arith.constant 0 : index
      %swap3A_196 = tpu.vector_load %arg13[%swap3A_194, %swap3A_195] {strides = array<i32>} : memref<2000x16xf32, #tpu.memory_space<vmem>>, vector<1x16xf32>,
      %swap3A_197 = vector.shape_cast %swap3A_196 : vector<1x16xf32> to vector<16xf32>
      %swap3A_198 = vector.shape_cast %mul3A_191 : vector<16xf32> to vector<1x16xf32>
      tpu.vector_store %arg13[%swap3A_194, %swap3A_195], %swap3A_198 {strides = array<i32>} : memref<2000x16xf32, #tpu.memory_space<vmem>>, vector<1x16xf32>,
      %add3A_199 = arith.constant 4 : i32
      %add3A_200 = arith.addi %add3A_131, %add3A_199 : i32
      %get3A_201 = arith.index_cast %add3A_200 : i32 to index
      %get3A_202 = arith.constant 0 : index
      %get3A_203 = tpu.vector_load %arg13[%get3A_201, %get3A_202] {strides = array<i32>} : memref<2000x16xf32, #tpu.memory_space<vmem>>, vector<1x16xf32>,
      %get3A_204 = vector.shape_cast %get3A_203 : vector<1x16xf32> to vector<16xf32>
      %slice3A_205 = vector.extract_strided_slice %get3A_133 {offsets = [4], sizes = [1], strides = [1]} : vector<16xf32> to vector<1xf32>
      %squeeze3A_206 = vector.extract %slice3A_205[0] : f32 from vector<1xf32>
      %mul3A_207 = vector.broadcast %squeeze3A_206 : f32 to vector<16xf32>
      %mul3A_208 = arith.mulf %get3A_204, %mul3A_207 : vector<16xf32>
      %add3A_209 = arith.constant 4 : i32
      %add3A_210 = arith.addi %add3A_131, %add3A_209 : i32
      %swap3A_211 = arith.index_cast %add3A_210 : i32 to index
      %swap3A_212 = arith.constant 0 : index
      %swap3A_213 = tpu.vector_load %arg13[%swap3A_211, %swap3A_212] {strides = array<i32>} : memref<2000x16xf32, #tpu.memory_space<vmem>>, vector<1x16xf32>,
      %swap3A_214 = vector.shape_cast %swap3A_213 : vector<1x16xf32> to vector<16xf32>
      %swap3A_215 = vector.shape_cast %mul3A_208 : vector<16xf32> to vector<1x16xf32>
      tpu.vector_store %arg13[%swap3A_211, %swap3A_212], %swap3A_215 {strides = array<i32>} : memref<2000x16xf32, #tpu.memory_space<vmem>>, vector<1x16xf32>,
      %add3A_216 = arith.constant 5 : i32
      %add3A_217 = arith.addi %add3A_131, %add3A_216 : i32
      %get3A_218 = arith.index_cast %add3A_217 : i32 to index
      %get3A_219 = arith.constant 0 : index
      %get3A_220 = tpu.vector_load %arg13[%get3A_218, %get3A_219] {strides = array<i32>} : memref<2000x16xf32, #tpu.memory_space<vmem>>, vector<1x16xf32>,
      %get3A_221 = vector.shape_cast %get3A_220 : vector<1x16xf32> to vector<16xf32>
      %slice3A_222 = vector.extract_strided_slice %get3A_133 {offsets = [5], sizes = [1], strides = [1]} : vector<16xf32> to vector<1xf32>
      %squeeze3A_223 = vector.extract %slice3A_222[0] : f32 from vector<1xf32>
      %mul3A_224 = vector.broadcast %squeeze3A_223 : f32 to vector<16xf32>
      %mul3A_225 = arith.mulf %get3A_221, %mul3A_224 : vector<16xf32>
      %add3A_226 = arith.constant 5 : i32
      %add3A_227 = arith.addi %add3A_131, %add3A_226 : i32
      %swap3A_228 = arith.index_cast %add3A_227 : i32 to index
      %swap3A_229 = arith.constant 0 : index
      %swap3A_230 = tpu.vector_load %arg13[%swap3A_228, %swap3A_229] {strides = array<i32>} : memref<2000x16xf32, #tpu.memory_space<vmem>>, vector<1x16xf32>,
      %swap3A_231 = vector.shape_cast %swap3A_230 : vector<1x16xf32> to vector<16xf32>
      %swap3A_232 = vector.shape_cast %mul3A_225 : vector<16xf32> to vector<1x16xf32>
      tpu.vector_store %arg13[%swap3A_228, %swap3A_229], %swap3A_232 {strides = array<i32>} : memref<2000x16xf32, #tpu.memory_space<vmem>>, vector<1x16xf32>,
      %add3A_233 = arith.constant 6 : i32
      %add3A_234 = arith.addi %add3A_131, %add3A_233 : i32
      %get3A_235 = arith.index_cast %add3A_234 : i32 to index
      %get3A_236 = arith.constant 0 : index
      %get3A_237 = tpu.vector_load %arg13[%get3A_235, %get3A_236] {strides = array<i32>} : memref<2000x16xf32, #tpu.memory_space<vmem>>, vector<1x16xf32>,
      %get3A_238 = vector.shape_cast %get3A_237 : vector<1x16xf32> to vector<16xf32>
      %slice3A_239 = vector.extract_strided_slice %get3A_133 {offsets = [6], sizes = [1], strides = [1]} : vector<16xf32> to vector<1xf32>
      %squeeze3A_240 = vector.extract %slice3A_239[0] : f32 from vector<1xf32>
      %mul3A_241 = vector.broadcast %squeeze3A_240 : f32 to vector<16xf32>
      %mul3A_242 = arith.mulf %get3A_238, %mul3A_241 : vector<16xf32>
      %add3A_243 = arith.constant 6 : i32
      %add3A_244 = arith.addi %add3A_131, %add3A_243 : i32
      %swap3A_245 = arith.index_cast %add3A_244 : i32 to index
      %swap3A_246 = arith.constant 0 : index
      %swap3A_247 = tpu.vector_load %arg13[%swap3A_245, %swap3A_246] {strides = array<i32>} : memref<2000x16xf32, #tpu.memory_space<vmem>>, vector<1x16xf32>,
      %swap3A_248 = vector.shape_cast %swap3A_247 : vector<1x16xf32> to vector<16xf32>
      %swap3A_249 = vector.shape_cast %mul3A_242 : vector<16xf32> to vector<1x16xf32>
      tpu.vector_store %arg13[%swap3A_245, %swap3A_246], %swap3A_249 {strides = array<i32>} : memref<2000x16xf32, #tpu.memory_space<vmem>>, vector<1x16xf32>,
      %add3A_250 = arith.constant 7 : i32
      %add3A_251 = arith.addi %add3A_131, %add3A_250 : i32
      %get3A_252 = arith.index_cast %add3A_251 : i32 to index
      %get3A_253 = arith.constant 0 : index
      %get3A_254 = tpu.vector_load %arg13[%get3A_252, %get3A_253] {strides = array<i32>} : memref<2000x16xf32, #tpu.memory_space<vmem>>, vector<1x16xf32>,
      %get3A_255 = vector.shape_cast %get3A_254 : vector<1x16xf32> to vector<16xf32>
      %slice3A_256 = vector.extract_strided_slice %get3A_133 {offsets = [7], sizes = [1], strides = [1]} : vector<16xf32> to vector<1xf32>
      %squeeze3A_257 = vector.extract %slice3A_256[0] : f32 from vector<1xf32>
      %mul3A_258 = vector.broadcast %squeeze3A_257 : f32 to vector<16xf32>
      %mul3A_259 = arith.mulf %get3A_255, %mul3A_258 : vector<16xf32>
      %add3A_260 = arith.constant 7 : i32
      %add3A_261 = arith.addi %add3A_131, %add3A_260 : i32
      %swap3A_262 = arith.index_cast %add3A_261 : i32 to index
      %swap3A_263 = arith.constant 0 : index
      %swap3A_264 = tpu.vector_load %arg13[%swap3A_262, %swap3A_263] {strides = array<i32>} : memref<2000x16xf32, #tpu.memory_space<vmem>>, vector<1x16xf32>,
      %swap3A_265 = vector.shape_cast %swap3A_264 : vector<1x16xf32> to vector<16xf32>
      %swap3A_266 = vector.shape_cast %mul3A_259 : vector<16xf32> to vector<1x16xf32>
      tpu.vector_store %arg13[%swap3A_262, %swap3A_263], %swap3A_266 {strides = array<i32>} : memref<2000x16xf32, #tpu.memory_space<vmem>>, vector<1x16xf32>,
      %add3A_267 = arith.constant 8 : i32
      %add3A_268 = arith.addi %add3A_131, %add3A_267 : i32
      %get3A_269 = arith.index_cast %add3A_268 : i32 to index
      %get3A_270 = arith.constant 0 : index
      %get3A_271 = tpu.vector_load %arg13[%get3A_269, %get3A_270] {strides = array<i32>} : memref<2000x16xf32, #tpu.memory_space<vmem>>, vector<1x16xf32>,
      %get3A_272 = vector.shape_cast %get3A_271 : vector<1x16xf32> to vector<16xf32>
      %slice3A_273 = vector.extract_strided_slice %get3A_133 {offsets = [8], sizes = [1], strides = [1]} : vector<16xf32> to vector<1xf32>
      %squeeze3A_274 = vector.extract %slice3A_273[0] : f32 from vector<1xf32>
      %mul3A_275 = vector.broadcast %squeeze3A_274 : f32 to vector<16xf32>
      %mul3A_276 = arith.mulf %get3A_272, %mul3A_275 : vector<16xf32>
      %add3A_277 = arith.constant 8 : i32
      %add3A_278 = arith.addi %add3A_131, %add3A_277 : i32
      %swap3A_279 = arith.index_cast %add3A_278 : i32 to index
      %swap3A_280 = arith.constant 0 : index
      %swap3A_281 = tpu.vector_load %arg13[%swap3A_279, %swap3A_280] {strides = array<i32>} : memref<2000x16xf32, #tpu.memory_space<vmem>>, vector<1x16xf32>,
      %swap3A_282 = vector.shape_cast %swap3A_281 : vector<1x16xf32> to vector<16xf32>
      %swap3A_283 = vector.shape_cast %mul3A_276 : vector<16xf32> to vector<1x16xf32>
      tpu.vector_store %arg13[%swap3A_279, %swap3A_280], %swap3A_283 {strides = array<i32>} : memref<2000x16xf32, #tpu.memory_space<vmem>>, vector<1x16xf32>,
      %add3A_284 = arith.constant 9 : i32
      %add3A_285 = arith.addi %add3A_131, %add3A_284 : i32
      %get3A_286 = arith.index_cast %add3A_285 : i32 to index
      %get3A_287 = arith.constant 0 : index
      %get3A_288 = tpu.vector_load %arg13[%get3A_286, %get3A_287] {strides = array<i32>} : memref<2000x16xf32, #tpu.memory_space<vmem>>, vector<1x16xf32>,
      %get3A_289 = vector.shape_cast %get3A_288 : vector<1x16xf32> to vector<16xf32>
      %slice3A_290 = vector.extract_strided_slice %get3A_133 {offsets = [9], sizes = [1], strides = [1]} : vector<16xf32> to vector<1xf32>
      %squeeze3A_291 = vector.extract %slice3A_290[0] : f32 from vector<1xf32>
      %mul3A_292 = vector.broadcast %squeeze3A_291 : f32 to vector<16xf32>
      %mul3A_293 = arith.mulf %get3A_289, %mul3A_292 : vector<16xf32>
      %add3A_294 = arith.constant 9 : i32
      %add3A_295 = arith.addi %add3A_131, %add3A_294 : i32
      %swap3A_296 = arith.index_cast %add3A_295 : i32 to index
      %swap3A_297 = arith.constant 0 : index
      %swap3A_298 = tpu.vector_load %arg13[%swap3A_296, %swap3A_297] {strides = array<i32>} : memref<2000x16xf32, #tpu.memory_space<vmem>>, vector<1x16xf32>,
      %swap3A_299 = vector.shape_cast %swap3A_298 : vector<1x16xf32> to vector<16xf32>
      %swap3A_300 = vector.shape_cast %mul3A_293 : vector<16xf32> to vector<1x16xf32>
      tpu.vector_store %arg13[%swap3A_296, %swap3A_297], %swap3A_300 {strides = array<i32>} : memref<2000x16xf32, #tpu.memory_space<vmem>>, vector<1x16xf32>,
      %add3A_301 = arith.constant 10 : i32
      %add3A_302 = arith.addi %add3A_131, %add3A_301 : i32
      %get3A_303 = arith.index_cast %add3A_302 : i32 to index
      %get3A_304 = arith.constant 0 : index
      %get3A_305 = tpu.vector_load %arg13[%get3A_303, %get3A_304] {strides = array<i32>} : memref<2000x16xf32, #tpu.memory_space<vmem>>, vector<1x16xf32>,
      %get3A_306 = vector.shape_cast %get3A_305 : vector<1x16xf32> to vector<16xf32>
      %slice3A_307 = vector.extract_strided_slice %get3A_133 {offsets = [10], sizes = [1], strides = [1]} : vector<16xf32> to vector<1xf32>
      %squeeze3A_308 = vector.extract %slice3A_307[0] : f32 from vector<1xf32>
      %mul3A_309 = vector.broadcast %squeeze3A_308 : f32 to vector<16xf32>
      %mul3A_310 = arith.mulf %get3A_306, %mul3A_309 : vector<16xf32>
      %add3A_311 = arith.constant 10 : i32
      %add3A_312 = arith.addi %add3A_131, %add3A_311 : i32
      %swap3A_313 = arith.index_cast %add3A_312 : i32 to index
      %swap3A_314 = arith.constant 0 : index
      %swap3A_315 = tpu.vector_load %arg13[%swap3A_313, %swap3A_314] {strides = array<i32>} : memref<2000x16xf32, #tpu.memory_space<vmem>>, vector<1x16xf32>,
      %swap3A_316 = vector.shape_cast %swap3A_315 : vector<1x16xf32> to vector<16xf32>
      %swap3A_317 = vector.shape_cast %mul3A_310 : vector<16xf32> to vector<1x16xf32>
      tpu.vector_store %arg13[%swap3A_313, %swap3A_314], %swap3A_317 {strides = array<i32>} : memref<2000x16xf32, #tpu.memory_space<vmem>>, vector<1x16xf32>,
      %add3A_318 = arith.constant 11 : i32
      %add3A_319 = arith.addi %add3A_131, %add3A_318 : i32
      %get3A_320 = arith.index_cast %add3A_319 : i32 to index
      %get3A_321 = arith.constant 0 : index
      %get3A_322 = tpu.vector_load %arg13[%get3A_320, %get3A_321] {strides = array<i32>} : memref<2000x16xf32, #tpu.memory_space<vmem>>, vector<1x16xf32>,
      %get3A_323 = vector.shape_cast %get3A_322 : vector<1x16xf32> to vector<16xf32>
      %slice3A_324 = vector.extract_strided_slice %get3A_133 {offsets = [11], sizes = [1], strides = [1]} : vector<16xf32> to vector<1xf32>
      %squeeze3A_325 = vector.extract %slice3A_324[0] : f32 from vector<1xf32>
      %mul3A_326 = vector.broadcast %squeeze3A_325 : f32 to vector<16xf32>
      %mul3A_327 = arith.mulf %get3A_323, %mul3A_326 : vector<16xf32>
      %add3A_328 = arith.constant 11 : i32
      %add3A_329 = arith.addi %add3A_131, %add3A_328 : i32
      %swap3A_330 = arith.index_cast %add3A_329 : i32 to index
      %swap3A_331 = arith.constant 0 : index
      %swap3A_332 = tpu.vector_load %arg13[%swap3A_330, %swap3A_331] {strides = array<i32>} : memref<2000x16xf32, #tpu.memory_space<vmem>>, vector<1x16xf32>,
      %swap3A_333 = vector.shape_cast %swap3A_332 : vector<1x16xf32> to vector<16xf32>
      %swap3A_334 = vector.shape_cast %mul3A_327 : vector<16xf32> to vector<1x16xf32>
      tpu.vector_store %arg13[%swap3A_330, %swap3A_331], %swap3A_334 {strides = array<i32>} : memref<2000x16xf32, #tpu.memory_space<vmem>>, vector<1x16xf32>,
      %add3A_335 = arith.constant 12 : i32
      %add3A_336 = arith.addi %add3A_131, %add3A_335 : i32
      %get3A_337 = arith.index_cast %add3A_336 : i32 to index
      %get3A_338 = arith.constant 0 : index
      %get3A_339 = tpu.vector_load %arg13[%get3A_337, %get3A_338] {strides = array<i32>} : memref<2000x16xf32, #tpu.memory_space<vmem>>, vector<1x16xf32>,
      %get3A_340 = vector.shape_cast %get3A_339 : vector<1x16xf32> to vector<16xf32>
      %slice3A_341 = vector.extract_strided_slice %get3A_133 {offsets = [12], sizes = [1], strides = [1]} : vector<16xf32> to vector<1xf32>
      %squeeze3A_342 = vector.extract %slice3A_341[0] : f32 from vector<1xf32>
      %mul3A_343 = vector.broadcast %squeeze3A_342 : f32 to vector<16xf32>
      %mul3A_344 = arith.mulf %get3A_340, %mul3A_343 : vector<16xf32>
      %add3A_345 = arith.constant 12 : i32
      %add3A_346 = arith.addi %add3A_131, %add3A_345 : i32
      %swap3A_347 = arith.index_cast %add3A_346 : i32 to index
      %swap3A_348 = arith.constant 0 : index
      %swap3A_349 = tpu.vector_load %arg13[%swap3A_347, %swap3A_348] {strides = array<i32>} : memref<2000x16xf32, #tpu.memory_space<vmem>>, vector<1x16xf32>,
      %swap3A_350 = vector.shape_cast %swap3A_349 : vector<1x16xf32> to vector<16xf32>
      %swap3A_351 = vector.shape_cast %mul3A_344 : vector<16xf32> to vector<1x16xf32>
      tpu.vector_store %arg13[%swap3A_347, %swap3A_348], %swap3A_351 {strides = array<i32>} : memref<2000x16xf32, #tpu.memory_space<vmem>>, vector<1x16xf32>,
      %add3A_352 = arith.constant 13 : i32
      %add3A_353 = arith.addi %add3A_131, %add3A_352 : i32
      %get3A_354 = arith.index_cast %add3A_353 : i32 to index
      %get3A_355 = arith.constant 0 : index
      %get3A_356 = tpu.vector_load %arg13[%get3A_354, %get3A_355] {strides = array<i32>} : memref<2000x16xf32, #tpu.memory_space<vmem>>, vector<1x16xf32>,
      %get3A_357 = vector.shape_cast %get3A_356 : vector<1x16xf32> to vector<16xf32>
      %slice3A_358 = vector.extract_strided_slice %get3A_133 {offsets = [13], sizes = [1], strides = [1]} : vector<16xf32> to vector<1xf32>
      %squeeze3A_359 = vector.extract %slice3A_358[0] : f32 from vector<1xf32>
      %mul3A_360 = vector.broadcast %squeeze3A_359 : f32 to vector<16xf32>
      %mul3A_361 = arith.mulf %get3A_357, %mul3A_360 : vector<16xf32>
      %add3A_362 = arith.constant 13 : i32
      %add3A_363 = arith.addi %add3A_131, %add3A_362 : i32
      %swap3A_364 = arith.index_cast %add3A_363 : i32 to index
      %swap3A_365 = arith.constant 0 : index
      %swap3A_366 = tpu.vector_load %arg13[%swap3A_364, %swap3A_365] {strides = array<i32>} : memref<2000x16xf32, #tpu.memory_space<vmem>>, vector<1x16xf32>,
      %swap3A_367 = vector.shape_cast %swap3A_366 : vector<1x16xf32> to vector<16xf32>
      %swap3A_368 = vector.shape_cast %mul3A_361 : vector<16xf32> to vector<1x16xf32>
      tpu.vector_store %arg13[%swap3A_364, %swap3A_365], %swap3A_368 {strides = array<i32>} : memref<2000x16xf32, #tpu.memory_space<vmem>>, vector<1x16xf32>,
      %add3A_369 = arith.constant 14 : i32
      %add3A_370 = arith.addi %add3A_131, %add3A_369 : i32
      %get3A_371 = arith.index_cast %add3A_370 : i32 to index
      %get3A_372 = arith.constant 0 : index
      %get3A_373 = tpu.vector_load %arg13[%get3A_371, %get3A_372] {strides = array<i32>} : memref<2000x16xf32, #tpu.memory_space<vmem>>, vector<1x16xf32>,
      %get3A_374 = vector.shape_cast %get3A_373 : vector<1x16xf32> to vector<16xf32>
      %slice3A_375 = vector.extract_strided_slice %get3A_133 {offsets = [14], sizes = [1], strides = [1]} : vector<16xf32> to vector<1xf32>
      %squeeze3A_376 = vector.extract %slice3A_375[0] : f32 from vector<1xf32>
      %mul3A_377 = vector.broadcast %squeeze3A_376 : f32 to vector<16xf32>
      %mul3A_378 = arith.mulf %get3A_374, %mul3A_377 : vector<16xf32>
      %add3A_379 = arith.constant 14 : i32
      %add3A_380 = arith.addi %add3A_131, %add3A_379 : i32
      %swap3A_381 = arith.index_cast %add3A_380 : i32 to index
      %swap3A_382 = arith.constant 0 : index
      %swap3A_383 = tpu.vector_load %arg13[%swap3A_381, %swap3A_382] {strides = array<i32>} : memref<2000x16xf32, #tpu.memory_space<vmem>>, vector<1x16xf32>,
      %swap3A_384 = vector.shape_cast %swap3A_383 : vector<1x16xf32> to vector<16xf32>
      %swap3A_385 = vector.shape_cast %mul3A_378 : vector<16xf32> to vector<1x16xf32>
      tpu.vector_store %arg13[%swap3A_381, %swap3A_382], %swap3A_385 {strides = array<i32>} : memref<2000x16xf32, #tpu.memory_space<vmem>>, vector<1x16xf32>,
      %add3A_386 = arith.constant 15 : i32
      %add3A_387 = arith.addi %add3A_131, %add3A_386 : i32
      %get3A_388 = arith.index_cast %add3A_387 : i32 to index
      %get3A_389 = arith.constant 0 : index
      %get3A_390 = tpu.vector_load %arg13[%get3A_388, %get3A_389] {strides = array<i32>} : memref<2000x16xf32, #tpu.memory_space<vmem>>, vector<1x16xf32>,
      %get3A_391 = vector.shape_cast %get3A_390 : vector<1x16xf32> to vector<16xf32>
      %slice3A_392 = vector.extract_strided_slice %get3A_133 {offsets = [15], sizes = [1], strides = [1]} : vector<16xf32> to vector<1xf32>
      %squeeze3A_393 = vector.extract %slice3A_392[0] : f32 from vector<1xf32>
      %mul3A_394 = vector.broadcast %squeeze3A_393 : f32 to vector<16xf32>
      %mul3A_395 = arith.mulf %get3A_391, %mul3A_394 : vector<16xf32>
      %add3A_396 = arith.constant 15 : i32
      %add3A_397 = arith.addi %add3A_131, %add3A_396 : i32
      %swap3A_398 = arith.index_cast %add3A_397 : i32 to index
      %swap3A_399 = arith.constant 0 : index
      %swap3A_400 = tpu.vector_load %arg13[%swap3A_398, %swap3A_399] {strides = array<i32>} : memref<2000x16xf32, #tpu.memory_space<vmem>>, vector<1x16xf32>,
      %swap3A_401 = vector.shape_cast %swap3A_400 : vector<1x16xf32> to vector<16xf32>
      %swap3A_402 = vector.shape_cast %mul3A_395 : vector<16xf32> to vector<1x16xf32>
      tpu.vector_store %arg13[%swap3A_398, %swap3A_399], %swap3A_402 {strides = array<i32>} : memref<2000x16xf32, #tpu.memory_space<vmem>>, vector<1x16xf32>,
    }
    %scan3A_78 = arith.constant 125 : i32
    %dma_start3A_79 = arith.constant 0 : i32
    %dma_start3A_80 = arith.constant 0 : i32
    %dma_start3A_81 = tpu.memref_slice %arg16[%dma_start3A_79, %dma_start3A_80] : memref<10240x16xf32, #tpu.memory_space<vmem_shared>> -> memref<10240x16xf32, #tpu.memory_space<vmem_shared>>
    tpu.enqueue_indirect_dma source(%arg13 : memref<2000x16xf32, #tpu.memory_space<vmem>>) target(%dma_start3A_81 : memref<10240x16xf32, #tpu.memory_space<vmem_shared>>) offsets(%arg9 : memref<2000xi32, #tpu.memory_space<vmem>>) semaphore(%arg19 : memref<!tpu.dma_semaphore, #tpu.memory_space<semaphore_mem>>) {add = true}
    %dma_wait3A_82 = arith.constant 0 : i32
    %dma_wait3A_83 = arith.constant 0 : i32
    %dma_wait3A_84 = tpu.memref_slice %arg16[%dma_wait3A_82, %dma_wait3A_83] : memref<10240x16xf32, #tpu.memory_space<vmem_shared>> -> memref<10240x16xf32, #tpu.memory_space<vmem_shared>>
    tpu.wait_indirect_dma semaphore(%arg19 : memref<!tpu.dma_semaphore, #tpu.memory_space<semaphore_mem>>) src(%arg13 : memref<2000x16xf32, #tpu.memory_space<vmem>>) dst(%dma_wait3A_84 : memref<10240x16xf32, #tpu.memory_space<vmem_shared>>)
    %add3A_85 = arith.constant 8000 : i32
    %add3A_86 = arith.addi %mul3A_8, %add3A_85 : i32
    "tpu.region"() ({
      %run_scoped3A = tpu.sem_alloc : memref<!tpu.dma_semaphore, #tpu.memory_space<semaphore_mem>>
      %dma_start3A_127 = tpu.memref_slice %arg3[%add3A_86] : memref<320000xi32, #tpu.memory_space<hbm>> -> memref<2000xi32, #tpu.memory_space<hbm>>
      %dma_start3A_128 = tpu.memref_slice %arg3[%add3A_86] : memref<320000xi32, #tpu.memory_space<hbm>> -> memref<2000xi32, #tpu.memory_space<hbm>>
      tpu.enqueue_dma source(%dma_start3A_128 : memref<2000xi32, #tpu.memory_space<hbm>>) target(%arg7 : memref<2000xi32, #tpu.memory_space<vmem>>) target_semaphore(%run_scoped3A : memref<!tpu.dma_semaphore, #tpu.memory_space<semaphore_mem>>)
      %dma_wait3A_129 = tpu.memref_slice %arg3[%add3A_86] : memref<320000xi32, #tpu.memory_space<hbm>> -> memref<2000xi32, #tpu.memory_space<hbm>>
      %dma_wait3A_130 = tpu.memref_slice %arg3[%add3A_86] : memref<320000xi32, #tpu.memory_space<hbm>> -> memref<2000xi32, #tpu.memory_space<hbm>>
      tpu.wait_dma2 semaphore(%run_scoped3A : memref<!tpu.dma_semaphore, #tpu.memory_space<semaphore_mem>>) src(%dma_wait3A_130 : memref<2000xi32, #tpu.memory_space<hbm>>) dst(%arg7 : memref<2000xi32, #tpu.memory_space<vmem>>)
      tpu.yield
    }) : () -> ()
    %add3A_87 = arith.constant 8000 : i32
    %add3A_88 = arith.addi %mul3A_8, %add3A_87 : i32
    "tpu.region"() ({
      %run_scoped3A = tpu.sem_alloc : memref<!tpu.dma_semaphore, #tpu.memory_space<semaphore_mem>>
      %dma_start3A_127 = tpu.memref_slice %arg4[%add3A_88] : memref<320000xi32, #tpu.memory_space<hbm>> -> memref<2000xi32, #tpu.memory_space<hbm>>
      %dma_start3A_128 = tpu.memref_slice %arg4[%add3A_88] : memref<320000xi32, #tpu.memory_space<hbm>> -> memref<2000xi32, #tpu.memory_space<hbm>>
      tpu.enqueue_dma source(%dma_start3A_128 : memref<2000xi32, #tpu.memory_space<hbm>>) target(%arg9 : memref<2000xi32, #tpu.memory_space<vmem>>) target_semaphore(%run_scoped3A : memref<!tpu.dma_semaphore, #tpu.memory_space<semaphore_mem>>)
      %dma_wait3A_129 = tpu.memref_slice %arg4[%add3A_88] : memref<320000xi32, #tpu.memory_space<hbm>> -> memref<2000xi32, #tpu.memory_space<hbm>>
      %dma_wait3A_130 = tpu.memref_slice %arg4[%add3A_88] : memref<320000xi32, #tpu.memory_space<hbm>> -> memref<2000xi32, #tpu.memory_space<hbm>>
      tpu.wait_dma2 semaphore(%run_scoped3A : memref<!tpu.dma_semaphore, #tpu.memory_space<semaphore_mem>>) src(%dma_wait3A_130 : memref<2000xi32, #tpu.memory_space<hbm>>) dst(%arg9 : memref<2000xi32, #tpu.memory_space<vmem>>)
      tpu.yield
    }) : () -> ()
    %add3A_89 = arith.constant 8000 : i32
    %add3A_90 = arith.addi %mul3A_8, %add3A_89 : i32
    "tpu.region"() ({
      %run_scoped3A = tpu.sem_alloc : memref<!tpu.dma_semaphore, #tpu.memory_space<semaphore_mem>>
      %dma_start3A_127 = tpu.memref_slice %arg5[%add3A_90] : memref<320000xf32, #tpu.memory_space<hbm>> -> memref<2000xf32, #tpu.memory_space<hbm>>
      %dma_start3A_128 = tpu.memref_slice %arg5[%add3A_90] : memref<320000xf32, #tpu.memory_space<hbm>> -> memref<2000xf32, #tpu.memory_space<hbm>>
      tpu.enqueue_dma source(%dma_start3A_128 : memref<2000xf32, #tpu.memory_space<hbm>>) target(%arg11 : memref<2000xf32, #tpu.memory_space<vmem>>) target_semaphore(%run_scoped3A : memref<!tpu.dma_semaphore, #tpu.memory_space<semaphore_mem>>)
      %dma_wait3A_129 = tpu.memref_slice %arg5[%add3A_90] : memref<320000xf32, #tpu.memory_space<hbm>> -> memref<2000xf32, #tpu.memory_space<hbm>>
      %dma_wait3A_130 = tpu.memref_slice %arg5[%add3A_90] : memref<320000xf32, #tpu.memory_space<hbm>> -> memref<2000xf32, #tpu.memory_space<hbm>>
      tpu.wait_dma2 semaphore(%run_scoped3A : memref<!tpu.dma_semaphore, #tpu.memory_space<semaphore_mem>>) src(%dma_wait3A_130 : memref<2000xf32, #tpu.memory_space<hbm>>) dst(%arg11 : memref<2000xf32, #tpu.memory_space<vmem>>)
      tpu.yield
    }) : () -> ()
    %dma_start3A_91 = arith.constant 0 : i32
    %dma_start3A_92 = arith.constant 0 : i32
    %dma_start3A_93 = tpu.memref_slice %arg2[%dma_start3A_91, %dma_start3A_92] : memref<10000x16xf32, #tpu.memory_space<hbm>> -> memref<10000x16xf32, #tpu.memory_space<hbm>>
    tpu.enqueue_indirect_dma source(%dma_start3A_93 : memref<10000x16xf32, #tpu.memory_space<hbm>>) target(%arg13 : memref<2000x16xf32, #tpu.memory_space<vmem>>) offsets(%arg7 : memref<2000xi32, #tpu.memory_space<vmem>>) semaphore(%arg17 : memref<!tpu.dma_semaphore, #tpu.memory_space<semaphore_mem>>)
    %dma_wait3A_94 = arith.constant 0 : i32
    %dma_wait3A_95 = arith.constant 0 : i32
    %dma_wait3A_96 = tpu.memref_slice %arg2[%dma_wait3A_94, %dma_wait3A_95] : memref<10000x16xf32, #tpu.memory_space<hbm>> -> memref<10000x16xf32, #tpu.memory_space<hbm>>
    tpu.wait_indirect_dma semaphore(%arg18 : memref<!tpu.dma_semaphore, #tpu.memory_space<semaphore_mem>>) src(%dma_wait3A_96 : memref<10000x16xf32, #tpu.memory_space<hbm>>) dst(%arg14 : memref<2000x16xf32, #tpu.memory_space<vmem>>)
    %scan3A_97 = arith.constant 0 : i32
    %scan3A_98 = arith.constant 125 : i32
    %scan3A_99 = arith.addi %scan3A_97, %scan3A_98 : i32
    %scan3A_100 = arith.constant 1 : i32
    scf.for %scan3A_127 = %scan3A_97 to %scan3A_99 step %scan3A_100  : i32 {
      %mul3A_128 = arith.constant 16 : i32
      %mul3A_129 = arith.muli %scan3A_127, %mul3A_128 : i32
      %add3A_130 = arith.constant 0 : i32
      %add3A_131 = arith.addi %add3A_130, %mul3A_129 : i32
      %get3A = arith.index_cast %add3A_131 : i32 to index
      %get3A_132 = tpu.vector_load %arg12[%get3A] {strides = array<i32>} : memref<2000xf32, #tpu.memory_space<vmem>>, vector<16xf32>,
      %get3A_133 = vector.shape_cast %get3A_132 : vector<16xf32> to vector<16xf32>
      %add3A_134 = arith.constant 0 : i32
      %add3A_135 = arith.addi %add3A_131, %add3A_134 : i32
      %get3A_136 = arith.index_cast %add3A_135 : i32 to index
      %get3A_137 = arith.constant 0 : index
      %get3A_138 = tpu.vector_load %arg14[%get3A_136, %get3A_137] {strides = array<i32>} : memref<2000x16xf32, #tpu.memory_space<vmem>>, vector<1x16xf32>,
      %get3A_139 = vector.shape_cast %get3A_138 : vector<1x16xf32> to vector<16xf32>
      %slice3A = vector.extract_strided_slice %get3A_133 {offsets = [0], sizes = [1], strides = [1]} : vector<16xf32> to vector<1xf32>
      %squeeze3A = vector.extract %slice3A[0] : f32 from vector<1xf32>
      %mul3A_140 = vector.broadcast %squeeze3A : f32 to vector<16xf32>
      %mul3A_141 = arith.mulf %get3A_139, %mul3A_140 : vector<16xf32>
      %add3A_142 = arith.constant 0 : i32
      %add3A_143 = arith.addi %add3A_131, %add3A_142 : i32
      %swap3A = arith.index_cast %add3A_143 : i32 to index
      %swap3A_144 = arith.constant 0 : index
      %swap3A_145 = tpu.vector_load %arg14[%swap3A, %swap3A_144] {strides = array<i32>} : memref<2000x16xf32, #tpu.memory_space<vmem>>, vector<1x16xf32>,
      %swap3A_146 = vector.shape_cast %swap3A_145 : vector<1x16xf32> to vector<16xf32>
      %swap3A_147 = vector.shape_cast %mul3A_141 : vector<16xf32> to vector<1x16xf32>
      tpu.vector_store %arg14[%swap3A, %swap3A_144], %swap3A_147 {strides = array<i32>} : memref<2000x16xf32, #tpu.memory_space<vmem>>, vector<1x16xf32>,
      %add3A_148 = arith.constant 1 : i32
      %add3A_149 = arith.addi %add3A_131, %add3A_148 : i32
      %get3A_150 = arith.index_cast %add3A_149 : i32 to index
      %get3A_151 = arith.constant 0 : index
      %get3A_152 = tpu.vector_load %arg14[%get3A_150, %get3A_151] {strides = array<i32>} : memref<2000x16xf32, #tpu.memory_space<vmem>>, vector<1x16xf32>,
      %get3A_153 = vector.shape_cast %get3A_152 : vector<1x16xf32> to vector<16xf32>
      %slice3A_154 = vector.extract_strided_slice %get3A_133 {offsets = [1], sizes = [1], strides = [1]} : vector<16xf32> to vector<1xf32>
      %squeeze3A_155 = vector.extract %slice3A_154[0] : f32 from vector<1xf32>
      %mul3A_156 = vector.broadcast %squeeze3A_155 : f32 to vector<16xf32>
      %mul3A_157 = arith.mulf %get3A_153, %mul3A_156 : vector<16xf32>
      %add3A_158 = arith.constant 1 : i32
      %add3A_159 = arith.addi %add3A_131, %add3A_158 : i32
      %swap3A_160 = arith.index_cast %add3A_159 : i32 to index
      %swap3A_161 = arith.constant 0 : index
      %swap3A_162 = tpu.vector_load %arg14[%swap3A_160, %swap3A_161] {strides = array<i32>} : memref<2000x16xf32, #tpu.memory_space<vmem>>, vector<1x16xf32>,
      %swap3A_163 = vector.shape_cast %swap3A_162 : vector<1x16xf32> to vector<16xf32>
      %swap3A_164 = vector.shape_cast %mul3A_157 : vector<16xf32> to vector<1x16xf32>
      tpu.vector_store %arg14[%swap3A_160, %swap3A_161], %swap3A_164 {strides = array<i32>} : memref<2000x16xf32, #tpu.memory_space<vmem>>, vector<1x16xf32>,
      %add3A_165 = arith.constant 2 : i32
      %add3A_166 = arith.addi %add3A_131, %add3A_165 : i32
      %get3A_167 = arith.index_cast %add3A_166 : i32 to index
      %get3A_168 = arith.constant 0 : index
      %get3A_169 = tpu.vector_load %arg14[%get3A_167, %get3A_168] {strides = array<i32>} : memref<2000x16xf32, #tpu.memory_space<vmem>>, vector<1x16xf32>,
      %get3A_170 = vector.shape_cast %get3A_169 : vector<1x16xf32> to vector<16xf32>
      %slice3A_171 = vector.extract_strided_slice %get3A_133 {offsets = [2], sizes = [1], strides = [1]} : vector<16xf32> to vector<1xf32>
      %squeeze3A_172 = vector.extract %slice3A_171[0] : f32 from vector<1xf32>
      %mul3A_173 = vector.broadcast %squeeze3A_172 : f32 to vector<16xf32>
      %mul3A_174 = arith.mulf %get3A_170, %mul3A_173 : vector<16xf32>
      %add3A_175 = arith.constant 2 : i32
      %add3A_176 = arith.addi %add3A_131, %add3A_175 : i32
      %swap3A_177 = arith.index_cast %add3A_176 : i32 to index
      %swap3A_178 = arith.constant 0 : index
      %swap3A_179 = tpu.vector_load %arg14[%swap3A_177, %swap3A_178] {strides = array<i32>} : memref<2000x16xf32, #tpu.memory_space<vmem>>, vector<1x16xf32>,
      %swap3A_180 = vector.shape_cast %swap3A_179 : vector<1x16xf32> to vector<16xf32>
      %swap3A_181 = vector.shape_cast %mul3A_174 : vector<16xf32> to vector<1x16xf32>
      tpu.vector_store %arg14[%swap3A_177, %swap3A_178], %swap3A_181 {strides = array<i32>} : memref<2000x16xf32, #tpu.memory_space<vmem>>, vector<1x16xf32>,
      %add3A_182 = arith.constant 3 : i32
      %add3A_183 = arith.addi %add3A_131, %add3A_182 : i32
      %get3A_184 = arith.index_cast %add3A_183 : i32 to index
      %get3A_185 = arith.constant 0 : index
      %get3A_186 = tpu.vector_load %arg14[%get3A_184, %get3A_185] {strides = array<i32>} : memref<2000x16xf32, #tpu.memory_space<vmem>>, vector<1x16xf32>,
      %get3A_187 = vector.shape_cast %get3A_186 : vector<1x16xf32> to vector<16xf32>
      %slice3A_188 = vector.extract_strided_slice %get3A_133 {offsets = [3], sizes = [1], strides = [1]} : vector<16xf32> to vector<1xf32>
      %squeeze3A_189 = vector.extract %slice3A_188[0] : f32 from vector<1xf32>
      %mul3A_190 = vector.broadcast %squeeze3A_189 : f32 to vector<16xf32>
      %mul3A_191 = arith.mulf %get3A_187, %mul3A_190 : vector<16xf32>
      %add3A_192 = arith.constant 3 : i32
      %add3A_193 = arith.addi %add3A_131, %add3A_192 : i32
      %swap3A_194 = arith.index_cast %add3A_193 : i32 to index
      %swap3A_195 = arith.constant 0 : index
      %swap3A_196 = tpu.vector_load %arg14[%swap3A_194, %swap3A_195] {strides = array<i32>} : memref<2000x16xf32, #tpu.memory_space<vmem>>, vector<1x16xf32>,
      %swap3A_197 = vector.shape_cast %swap3A_196 : vector<1x16xf32> to vector<16xf32>
      %swap3A_198 = vector.shape_cast %mul3A_191 : vector<16xf32> to vector<1x16xf32>
      tpu.vector_store %arg14[%swap3A_194, %swap3A_195], %swap3A_198 {strides = array<i32>} : memref<2000x16xf32, #tpu.memory_space<vmem>>, vector<1x16xf32>,
      %add3A_199 = arith.constant 4 : i32
      %add3A_200 = arith.addi %add3A_131, %add3A_199 : i32
      %get3A_201 = arith.index_cast %add3A_200 : i32 to index
      %get3A_202 = arith.constant 0 : index
      %get3A_203 = tpu.vector_load %arg14[%get3A_201, %get3A_202] {strides = array<i32>} : memref<2000x16xf32, #tpu.memory_space<vmem>>, vector<1x16xf32>,
      %get3A_204 = vector.shape_cast %get3A_203 : vector<1x16xf32> to vector<16xf32>
      %slice3A_205 = vector.extract_strided_slice %get3A_133 {offsets = [4], sizes = [1], strides = [1]} : vector<16xf32> to vector<1xf32>
      %squeeze3A_206 = vector.extract %slice3A_205[0] : f32 from vector<1xf32>
      %mul3A_207 = vector.broadcast %squeeze3A_206 : f32 to vector<16xf32>
      %mul3A_208 = arith.mulf %get3A_204, %mul3A_207 : vector<16xf32>
      %add3A_209 = arith.constant 4 : i32
      %add3A_210 = arith.addi %add3A_131, %add3A_209 : i32
      %swap3A_211 = arith.index_cast %add3A_210 : i32 to index
      %swap3A_212 = arith.constant 0 : index
      %swap3A_213 = tpu.vector_load %arg14[%swap3A_211, %swap3A_212] {strides = array<i32>} : memref<2000x16xf32, #tpu.memory_space<vmem>>, vector<1x16xf32>,
      %swap3A_214 = vector.shape_cast %swap3A_213 : vector<1x16xf32> to vector<16xf32>
      %swap3A_215 = vector.shape_cast %mul3A_208 : vector<16xf32> to vector<1x16xf32>
      tpu.vector_store %arg14[%swap3A_211, %swap3A_212], %swap3A_215 {strides = array<i32>} : memref<2000x16xf32, #tpu.memory_space<vmem>>, vector<1x16xf32>,
      %add3A_216 = arith.constant 5 : i32
      %add3A_217 = arith.addi %add3A_131, %add3A_216 : i32
      %get3A_218 = arith.index_cast %add3A_217 : i32 to index
      %get3A_219 = arith.constant 0 : index
      %get3A_220 = tpu.vector_load %arg14[%get3A_218, %get3A_219] {strides = array<i32>} : memref<2000x16xf32, #tpu.memory_space<vmem>>, vector<1x16xf32>,
      %get3A_221 = vector.shape_cast %get3A_220 : vector<1x16xf32> to vector<16xf32>
      %slice3A_222 = vector.extract_strided_slice %get3A_133 {offsets = [5], sizes = [1], strides = [1]} : vector<16xf32> to vector<1xf32>
      %squeeze3A_223 = vector.extract %slice3A_222[0] : f32 from vector<1xf32>
      %mul3A_224 = vector.broadcast %squeeze3A_223 : f32 to vector<16xf32>
      %mul3A_225 = arith.mulf %get3A_221, %mul3A_224 : vector<16xf32>
      %add3A_226 = arith.constant 5 : i32
      %add3A_227 = arith.addi %add3A_131, %add3A_226 : i32
      %swap3A_228 = arith.index_cast %add3A_227 : i32 to index
      %swap3A_229 = arith.constant 0 : index
      %swap3A_230 = tpu.vector_load %arg14[%swap3A_228, %swap3A_229] {strides = array<i32>} : memref<2000x16xf32, #tpu.memory_space<vmem>>, vector<1x16xf32>,
      %swap3A_231 = vector.shape_cast %swap3A_230 : vector<1x16xf32> to vector<16xf32>
      %swap3A_232 = vector.shape_cast %mul3A_225 : vector<16xf32> to vector<1x16xf32>
      tpu.vector_store %arg14[%swap3A_228, %swap3A_229], %swap3A_232 {strides = array<i32>} : memref<2000x16xf32, #tpu.memory_space<vmem>>, vector<1x16xf32>,
      %add3A_233 = arith.constant 6 : i32
      %add3A_234 = arith.addi %add3A_131, %add3A_233 : i32
      %get3A_235 = arith.index_cast %add3A_234 : i32 to index
      %get3A_236 = arith.constant 0 : index
      %get3A_237 = tpu.vector_load %arg14[%get3A_235, %get3A_236] {strides = array<i32>} : memref<2000x16xf32, #tpu.memory_space<vmem>>, vector<1x16xf32>,
      %get3A_238 = vector.shape_cast %get3A_237 : vector<1x16xf32> to vector<16xf32>
      %slice3A_239 = vector.extract_strided_slice %get3A_133 {offsets = [6], sizes = [1], strides = [1]} : vector<16xf32> to vector<1xf32>
      %squeeze3A_240 = vector.extract %slice3A_239[0] : f32 from vector<1xf32>
      %mul3A_241 = vector.broadcast %squeeze3A_240 : f32 to vector<16xf32>
      %mul3A_242 = arith.mulf %get3A_238, %mul3A_241 : vector<16xf32>
      %add3A_243 = arith.constant 6 : i32
      %add3A_244 = arith.addi %add3A_131, %add3A_243 : i32
      %swap3A_245 = arith.index_cast %add3A_244 : i32 to index
      %swap3A_246 = arith.constant 0 : index
      %swap3A_247 = tpu.vector_load %arg14[%swap3A_245, %swap3A_246] {strides = array<i32>} : memref<2000x16xf32, #tpu.memory_space<vmem>>, vector<1x16xf32>,
      %swap3A_248 = vector.shape_cast %swap3A_247 : vector<1x16xf32> to vector<16xf32>
      %swap3A_249 = vector.shape_cast %mul3A_242 : vector<16xf32> to vector<1x16xf32>
      tpu.vector_store %arg14[%swap3A_245, %swap3A_246], %swap3A_249 {strides = array<i32>} : memref<2000x16xf32, #tpu.memory_space<vmem>>, vector<1x16xf32>,
      %add3A_250 = arith.constant 7 : i32
      %add3A_251 = arith.addi %add3A_131, %add3A_250 : i32
      %get3A_252 = arith.index_cast %add3A_251 : i32 to index
      %get3A_253 = arith.constant 0 : index
      %get3A_254 = tpu.vector_load %arg14[%get3A_252, %get3A_253] {strides = array<i32>} : memref<2000x16xf32, #tpu.memory_space<vmem>>, vector<1x16xf32>,
      %get3A_255 = vector.shape_cast %get3A_254 : vector<1x16xf32> to vector<16xf32>
      %slice3A_256 = vector.extract_strided_slice %get3A_133 {offsets = [7], sizes = [1], strides = [1]} : vector<16xf32> to vector<1xf32>
      %squeeze3A_257 = vector.extract %slice3A_256[0] : f32 from vector<1xf32>
      %mul3A_258 = vector.broadcast %squeeze3A_257 : f32 to vector<16xf32>
      %mul3A_259 = arith.mulf %get3A_255, %mul3A_258 : vector<16xf32>
      %add3A_260 = arith.constant 7 : i32
      %add3A_261 = arith.addi %add3A_131, %add3A_260 : i32
      %swap3A_262 = arith.index_cast %add3A_261 : i32 to index
      %swap3A_263 = arith.constant 0 : index
      %swap3A_264 = tpu.vector_load %arg14[%swap3A_262, %swap3A_263] {strides = array<i32>} : memref<2000x16xf32, #tpu.memory_space<vmem>>, vector<1x16xf32>,
      %swap3A_265 = vector.shape_cast %swap3A_264 : vector<1x16xf32> to vector<16xf32>
      %swap3A_266 = vector.shape_cast %mul3A_259 : vector<16xf32> to vector<1x16xf32>
      tpu.vector_store %arg14[%swap3A_262, %swap3A_263], %swap3A_266 {strides = array<i32>} : memref<2000x16xf32, #tpu.memory_space<vmem>>, vector<1x16xf32>,
      %add3A_267 = arith.constant 8 : i32
      %add3A_268 = arith.addi %add3A_131, %add3A_267 : i32
      %get3A_269 = arith.index_cast %add3A_268 : i32 to index
      %get3A_270 = arith.constant 0 : index
      %get3A_271 = tpu.vector_load %arg14[%get3A_269, %get3A_270] {strides = array<i32>} : memref<2000x16xf32, #tpu.memory_space<vmem>>, vector<1x16xf32>,
      %get3A_272 = vector.shape_cast %get3A_271 : vector<1x16xf32> to vector<16xf32>
      %slice3A_273 = vector.extract_strided_slice %get3A_133 {offsets = [8], sizes = [1], strides = [1]} : vector<16xf32> to vector<1xf32>
      %squeeze3A_274 = vector.extract %slice3A_273[0] : f32 from vector<1xf32>
      %mul3A_275 = vector.broadcast %squeeze3A_274 : f32 to vector<16xf32>
      %mul3A_276 = arith.mulf %get3A_272, %mul3A_275 : vector<16xf32>
      %add3A_277 = arith.constant 8 : i32
      %add3A_278 = arith.addi %add3A_131, %add3A_277 : i32
      %swap3A_279 = arith.index_cast %add3A_278 : i32 to index
      %swap3A_280 = arith.constant 0 : index
      %swap3A_281 = tpu.vector_load %arg14[%swap3A_279, %swap3A_280] {strides = array<i32>} : memref<2000x16xf32, #tpu.memory_space<vmem>>, vector<1x16xf32>,
      %swap3A_282 = vector.shape_cast %swap3A_281 : vector<1x16xf32> to vector<16xf32>
      %swap3A_283 = vector.shape_cast %mul3A_276 : vector<16xf32> to vector<1x16xf32>
      tpu.vector_store %arg14[%swap3A_279, %swap3A_280], %swap3A_283 {strides = array<i32>} : memref<2000x16xf32, #tpu.memory_space<vmem>>, vector<1x16xf32>,
      %add3A_284 = arith.constant 9 : i32
      %add3A_285 = arith.addi %add3A_131, %add3A_284 : i32
      %get3A_286 = arith.index_cast %add3A_285 : i32 to index
      %get3A_287 = arith.constant 0 : index
      %get3A_288 = tpu.vector_load %arg14[%get3A_286, %get3A_287] {strides = array<i32>} : memref<2000x16xf32, #tpu.memory_space<vmem>>, vector<1x16xf32>,
      %get3A_289 = vector.shape_cast %get3A_288 : vector<1x16xf32> to vector<16xf32>
      %slice3A_290 = vector.extract_strided_slice %get3A_133 {offsets = [9], sizes = [1], strides = [1]} : vector<16xf32> to vector<1xf32>
      %squeeze3A_291 = vector.extract %slice3A_290[0] : f32 from vector<1xf32>
      %mul3A_292 = vector.broadcast %squeeze3A_291 : f32 to vector<16xf32>
      %mul3A_293 = arith.mulf %get3A_289, %mul3A_292 : vector<16xf32>
      %add3A_294 = arith.constant 9 : i32
      %add3A_295 = arith.addi %add3A_131, %add3A_294 : i32
      %swap3A_296 = arith.index_cast %add3A_295 : i32 to index
      %swap3A_297 = arith.constant 0 : index
      %swap3A_298 = tpu.vector_load %arg14[%swap3A_296, %swap3A_297] {strides = array<i32>} : memref<2000x16xf32, #tpu.memory_space<vmem>>, vector<1x16xf32>,
      %swap3A_299 = vector.shape_cast %swap3A_298 : vector<1x16xf32> to vector<16xf32>
      %swap3A_300 = vector.shape_cast %mul3A_293 : vector<16xf32> to vector<1x16xf32>
      tpu.vector_store %arg14[%swap3A_296, %swap3A_297], %swap3A_300 {strides = array<i32>} : memref<2000x16xf32, #tpu.memory_space<vmem>>, vector<1x16xf32>,
      %add3A_301 = arith.constant 10 : i32
      %add3A_302 = arith.addi %add3A_131, %add3A_301 : i32
      %get3A_303 = arith.index_cast %add3A_302 : i32 to index
      %get3A_304 = arith.constant 0 : index
      %get3A_305 = tpu.vector_load %arg14[%get3A_303, %get3A_304] {strides = array<i32>} : memref<2000x16xf32, #tpu.memory_space<vmem>>, vector<1x16xf32>,
      %get3A_306 = vector.shape_cast %get3A_305 : vector<1x16xf32> to vector<16xf32>
      %slice3A_307 = vector.extract_strided_slice %get3A_133 {offsets = [10], sizes = [1], strides = [1]} : vector<16xf32> to vector<1xf32>
      %squeeze3A_308 = vector.extract %slice3A_307[0] : f32 from vector<1xf32>
      %mul3A_309 = vector.broadcast %squeeze3A_308 : f32 to vector<16xf32>
      %mul3A_310 = arith.mulf %get3A_306, %mul3A_309 : vector<16xf32>
      %add3A_311 = arith.constant 10 : i32
      %add3A_312 = arith.addi %add3A_131, %add3A_311 : i32
      %swap3A_313 = arith.index_cast %add3A_312 : i32 to index
      %swap3A_314 = arith.constant 0 : index
      %swap3A_315 = tpu.vector_load %arg14[%swap3A_313, %swap3A_314] {strides = array<i32>} : memref<2000x16xf32, #tpu.memory_space<vmem>>, vector<1x16xf32>,
      %swap3A_316 = vector.shape_cast %swap3A_315 : vector<1x16xf32> to vector<16xf32>
      %swap3A_317 = vector.shape_cast %mul3A_310 : vector<16xf32> to vector<1x16xf32>
      tpu.vector_store %arg14[%swap3A_313, %swap3A_314], %swap3A_317 {strides = array<i32>} : memref<2000x16xf32, #tpu.memory_space<vmem>>, vector<1x16xf32>,
      %add3A_318 = arith.constant 11 : i32
      %add3A_319 = arith.addi %add3A_131, %add3A_318 : i32
      %get3A_320 = arith.index_cast %add3A_319 : i32 to index
      %get3A_321 = arith.constant 0 : index
      %get3A_322 = tpu.vector_load %arg14[%get3A_320, %get3A_321] {strides = array<i32>} : memref<2000x16xf32, #tpu.memory_space<vmem>>, vector<1x16xf32>,
      %get3A_323 = vector.shape_cast %get3A_322 : vector<1x16xf32> to vector<16xf32>
      %slice3A_324 = vector.extract_strided_slice %get3A_133 {offsets = [11], sizes = [1], strides = [1]} : vector<16xf32> to vector<1xf32>
      %squeeze3A_325 = vector.extract %slice3A_324[0] : f32 from vector<1xf32>
      %mul3A_326 = vector.broadcast %squeeze3A_325 : f32 to vector<16xf32>
      %mul3A_327 = arith.mulf %get3A_323, %mul3A_326 : vector<16xf32>
      %add3A_328 = arith.constant 11 : i32
      %add3A_329 = arith.addi %add3A_131, %add3A_328 : i32
      %swap3A_330 = arith.index_cast %add3A_329 : i32 to index
      %swap3A_331 = arith.constant 0 : index
      %swap3A_332 = tpu.vector_load %arg14[%swap3A_330, %swap3A_331] {strides = array<i32>} : memref<2000x16xf32, #tpu.memory_space<vmem>>, vector<1x16xf32>,
      %swap3A_333 = vector.shape_cast %swap3A_332 : vector<1x16xf32> to vector<16xf32>
      %swap3A_334 = vector.shape_cast %mul3A_327 : vector<16xf32> to vector<1x16xf32>
      tpu.vector_store %arg14[%swap3A_330, %swap3A_331], %swap3A_334 {strides = array<i32>} : memref<2000x16xf32, #tpu.memory_space<vmem>>, vector<1x16xf32>,
      %add3A_335 = arith.constant 12 : i32
      %add3A_336 = arith.addi %add3A_131, %add3A_335 : i32
      %get3A_337 = arith.index_cast %add3A_336 : i32 to index
      %get3A_338 = arith.constant 0 : index
      %get3A_339 = tpu.vector_load %arg14[%get3A_337, %get3A_338] {strides = array<i32>} : memref<2000x16xf32, #tpu.memory_space<vmem>>, vector<1x16xf32>,
      %get3A_340 = vector.shape_cast %get3A_339 : vector<1x16xf32> to vector<16xf32>
      %slice3A_341 = vector.extract_strided_slice %get3A_133 {offsets = [12], sizes = [1], strides = [1]} : vector<16xf32> to vector<1xf32>
      %squeeze3A_342 = vector.extract %slice3A_341[0] : f32 from vector<1xf32>
      %mul3A_343 = vector.broadcast %squeeze3A_342 : f32 to vector<16xf32>
      %mul3A_344 = arith.mulf %get3A_340, %mul3A_343 : vector<16xf32>
      %add3A_345 = arith.constant 12 : i32
      %add3A_346 = arith.addi %add3A_131, %add3A_345 : i32
      %swap3A_347 = arith.index_cast %add3A_346 : i32 to index
      %swap3A_348 = arith.constant 0 : index
      %swap3A_349 = tpu.vector_load %arg14[%swap3A_347, %swap3A_348] {strides = array<i32>} : memref<2000x16xf32, #tpu.memory_space<vmem>>, vector<1x16xf32>,
      %swap3A_350 = vector.shape_cast %swap3A_349 : vector<1x16xf32> to vector<16xf32>
      %swap3A_351 = vector.shape_cast %mul3A_344 : vector<16xf32> to vector<1x16xf32>
      tpu.vector_store %arg14[%swap3A_347, %swap3A_348], %swap3A_351 {strides = array<i32>} : memref<2000x16xf32, #tpu.memory_space<vmem>>, vector<1x16xf32>,
      %add3A_352 = arith.constant 13 : i32
      %add3A_353 = arith.addi %add3A_131, %add3A_352 : i32
      %get3A_354 = arith.index_cast %add3A_353 : i32 to index
      %get3A_355 = arith.constant 0 : index
      %get3A_356 = tpu.vector_load %arg14[%get3A_354, %get3A_355] {strides = array<i32>} : memref<2000x16xf32, #tpu.memory_space<vmem>>, vector<1x16xf32>,
      %get3A_357 = vector.shape_cast %get3A_356 : vector<1x16xf32> to vector<16xf32>
      %slice3A_358 = vector.extract_strided_slice %get3A_133 {offsets = [13], sizes = [1], strides = [1]} : vector<16xf32> to vector<1xf32>
      %squeeze3A_359 = vector.extract %slice3A_358[0] : f32 from vector<1xf32>
      %mul3A_360 = vector.broadcast %squeeze3A_359 : f32 to vector<16xf32>
      %mul3A_361 = arith.mulf %get3A_357, %mul3A_360 : vector<16xf32>
      %add3A_362 = arith.constant 13 : i32
      %add3A_363 = arith.addi %add3A_131, %add3A_362 : i32
      %swap3A_364 = arith.index_cast %add3A_363 : i32 to index
      %swap3A_365 = arith.constant 0 : index
      %swap3A_366 = tpu.vector_load %arg14[%swap3A_364, %swap3A_365] {strides = array<i32>} : memref<2000x16xf32, #tpu.memory_space<vmem>>, vector<1x16xf32>,
      %swap3A_367 = vector.shape_cast %swap3A_366 : vector<1x16xf32> to vector<16xf32>
      %swap3A_368 = vector.shape_cast %mul3A_361 : vector<16xf32> to vector<1x16xf32>
      tpu.vector_store %arg14[%swap3A_364, %swap3A_365], %swap3A_368 {strides = array<i32>} : memref<2000x16xf32, #tpu.memory_space<vmem>>, vector<1x16xf32>,
      %add3A_369 = arith.constant 14 : i32
      %add3A_370 = arith.addi %add3A_131, %add3A_369 : i32
      %get3A_371 = arith.index_cast %add3A_370 : i32 to index
      %get3A_372 = arith.constant 0 : index
      %get3A_373 = tpu.vector_load %arg14[%get3A_371, %get3A_372] {strides = array<i32>} : memref<2000x16xf32, #tpu.memory_space<vmem>>, vector<1x16xf32>,
      %get3A_374 = vector.shape_cast %get3A_373 : vector<1x16xf32> to vector<16xf32>
      %slice3A_375 = vector.extract_strided_slice %get3A_133 {offsets = [14], sizes = [1], strides = [1]} : vector<16xf32> to vector<1xf32>
      %squeeze3A_376 = vector.extract %slice3A_375[0] : f32 from vector<1xf32>
      %mul3A_377 = vector.broadcast %squeeze3A_376 : f32 to vector<16xf32>
      %mul3A_378 = arith.mulf %get3A_374, %mul3A_377 : vector<16xf32>
      %add3A_379 = arith.constant 14 : i32
      %add3A_380 = arith.addi %add3A_131, %add3A_379 : i32
      %swap3A_381 = arith.index_cast %add3A_380 : i32 to index
      %swap3A_382 = arith.constant 0 : index
      %swap3A_383 = tpu.vector_load %arg14[%swap3A_381, %swap3A_382] {strides = array<i32>} : memref<2000x16xf32, #tpu.memory_space<vmem>>, vector<1x16xf32>,
      %swap3A_384 = vector.shape_cast %swap3A_383 : vector<1x16xf32> to vector<16xf32>
      %swap3A_385 = vector.shape_cast %mul3A_378 : vector<16xf32> to vector<1x16xf32>
      tpu.vector_store %arg14[%swap3A_381, %swap3A_382], %swap3A_385 {strides = array<i32>} : memref<2000x16xf32, #tpu.memory_space<vmem>>, vector<1x16xf32>,
      %add3A_386 = arith.constant 15 : i32
      %add3A_387 = arith.addi %add3A_131, %add3A_386 : i32
      %get3A_388 = arith.index_cast %add3A_387 : i32 to index
      %get3A_389 = arith.constant 0 : index
      %get3A_390 = tpu.vector_load %arg14[%get3A_388, %get3A_389] {strides = array<i32>} : memref<2000x16xf32, #tpu.memory_space<vmem>>, vector<1x16xf32>,
      %get3A_391 = vector.shape_cast %get3A_390 : vector<1x16xf32> to vector<16xf32>
      %slice3A_392 = vector.extract_strided_slice %get3A_133 {offsets = [15], sizes = [1], strides = [1]} : vector<16xf32> to vector<1xf32>
      %squeeze3A_393 = vector.extract %slice3A_392[0] : f32 from vector<1xf32>
      %mul3A_394 = vector.broadcast %squeeze3A_393 : f32 to vector<16xf32>
      %mul3A_395 = arith.mulf %get3A_391, %mul3A_394 : vector<16xf32>
      %add3A_396 = arith.constant 15 : i32
      %add3A_397 = arith.addi %add3A_131, %add3A_396 : i32
      %swap3A_398 = arith.index_cast %add3A_397 : i32 to index
      %swap3A_399 = arith.constant 0 : index
      %swap3A_400 = tpu.vector_load %arg14[%swap3A_398, %swap3A_399] {strides = array<i32>} : memref<2000x16xf32, #tpu.memory_space<vmem>>, vector<1x16xf32>,
      %swap3A_401 = vector.shape_cast %swap3A_400 : vector<1x16xf32> to vector<16xf32>
      %swap3A_402 = vector.shape_cast %mul3A_395 : vector<16xf32> to vector<1x16xf32>
      tpu.vector_store %arg14[%swap3A_398, %swap3A_399], %swap3A_402 {strides = array<i32>} : memref<2000x16xf32, #tpu.memory_space<vmem>>, vector<1x16xf32>,
    }
    %scan3A_101 = arith.constant 125 : i32
    %dma_start3A_102 = arith.constant 0 : i32
    %dma_start3A_103 = arith.constant 0 : i32
    %dma_start3A_104 = tpu.memref_slice %arg16[%dma_start3A_102, %dma_start3A_103] : memref<10240x16xf32, #tpu.memory_space<vmem_shared>> -> memref<10240x16xf32, #tpu.memory_space<vmem_shared>>
    tpu.enqueue_indirect_dma source(%arg14 : memref<2000x16xf32, #tpu.memory_space<vmem>>) target(%dma_start3A_104 : memref<10240x16xf32, #tpu.memory_space<vmem_shared>>) offsets(%arg10 : memref<2000xi32, #tpu.memory_space<vmem>>) semaphore(%arg20 : memref<!tpu.dma_semaphore, #tpu.memory_space<semaphore_mem>>) {add = true}
    %dma_wait3A_105 = arith.constant 0 : i32
    %dma_wait3A_106 = arith.constant 0 : i32
    %dma_wait3A_107 = tpu.memref_slice %arg2[%dma_wait3A_105, %dma_wait3A_106] : memref<10000x16xf32, #tpu.memory_space<hbm>> -> memref<10000x16xf32, #tpu.memory_space<hbm>>
    tpu.wait_indirect_dma semaphore(%arg17 : memref<!tpu.dma_semaphore, #tpu.memory_space<semaphore_mem>>) src(%dma_wait3A_107 : memref<10000x16xf32, #tpu.memory_space<hbm>>) dst(%arg13 : memref<2000x16xf32, #tpu.memory_space<vmem>>)
    %scan3A_108 = arith.constant 0 : i32
    %scan3A_109 = arith.constant 125 : i32
    %scan3A_110 = arith.addi %scan3A_108, %scan3A_109 : i32
    %scan3A_111 = arith.constant 1 : i32
    scf.for %scan3A_127 = %scan3A_108 to %scan3A_110 step %scan3A_111  : i32 {
      %mul3A_128 = arith.constant 16 : i32
      %mul3A_129 = arith.muli %scan3A_127, %mul3A_128 : i32
      %add3A_130 = arith.constant 0 : i32
      %add3A_131 = arith.addi %add3A_130, %mul3A_129 : i32
      %get3A = arith.index_cast %add3A_131 : i32 to index
      %get3A_132 = tpu.vector_load %arg11[%get3A] {strides = array<i32>} : memref<2000xf32, #tpu.memory_space<vmem>>, vector<16xf32>,
      %get3A_133 = vector.shape_cast %get3A_132 : vector<16xf32> to vector<16xf32>
      %add3A_134 = arith.constant 0 : i32
      %add3A_135 = arith.addi %add3A_131, %add3A_134 : i32
      %get3A_136 = arith.index_cast %add3A_135 : i32 to index
      %get3A_137 = arith.constant 0 : index
      %get3A_138 = tpu.vector_load %arg13[%get3A_136, %get3A_137] {strides = array<i32>} : memref<2000x16xf32, #tpu.memory_space<vmem>>, vector<1x16xf32>,
      %get3A_139 = vector.shape_cast %get3A_138 : vector<1x16xf32> to vector<16xf32>
      %slice3A = vector.extract_strided_slice %get3A_133 {offsets = [0], sizes = [1], strides = [1]} : vector<16xf32> to vector<1xf32>
      %squeeze3A = vector.extract %slice3A[0] : f32 from vector<1xf32>
      %mul3A_140 = vector.broadcast %squeeze3A : f32 to vector<16xf32>
      %mul3A_141 = arith.mulf %get3A_139, %mul3A_140 : vector<16xf32>
      %add3A_142 = arith.constant 0 : i32
      %add3A_143 = arith.addi %add3A_131, %add3A_142 : i32
      %swap3A = arith.index_cast %add3A_143 : i32 to index
      %swap3A_144 = arith.constant 0 : index
      %swap3A_145 = tpu.vector_load %arg13[%swap3A, %swap3A_144] {strides = array<i32>} : memref<2000x16xf32, #tpu.memory_space<vmem>>, vector<1x16xf32>,
      %swap3A_146 = vector.shape_cast %swap3A_145 : vector<1x16xf32> to vector<16xf32>
      %swap3A_147 = vector.shape_cast %mul3A_141 : vector<16xf32> to vector<1x16xf32>
      tpu.vector_store %arg13[%swap3A, %swap3A_144], %swap3A_147 {strides = array<i32>} : memref<2000x16xf32, #tpu.memory_space<vmem>>, vector<1x16xf32>,
      %add3A_148 = arith.constant 1 : i32
      %add3A_149 = arith.addi %add3A_131, %add3A_148 : i32
      %get3A_150 = arith.index_cast %add3A_149 : i32 to index
      %get3A_151 = arith.constant 0 : index
      %get3A_152 = tpu.vector_load %arg13[%get3A_150, %get3A_151] {strides = array<i32>} : memref<2000x16xf32, #tpu.memory_space<vmem>>, vector<1x16xf32>,
      %get3A_153 = vector.shape_cast %get3A_152 : vector<1x16xf32> to vector<16xf32>
      %slice3A_154 = vector.extract_strided_slice %get3A_133 {offsets = [1], sizes = [1], strides = [1]} : vector<16xf32> to vector<1xf32>
      %squeeze3A_155 = vector.extract %slice3A_154[0] : f32 from vector<1xf32>
      %mul3A_156 = vector.broadcast %squeeze3A_155 : f32 to vector<16xf32>
      %mul3A_157 = arith.mulf %get3A_153, %mul3A_156 : vector<16xf32>
      %add3A_158 = arith.constant 1 : i32
      %add3A_159 = arith.addi %add3A_131, %add3A_158 : i32
      %swap3A_160 = arith.index_cast %add3A_159 : i32 to index
      %swap3A_161 = arith.constant 0 : index
      %swap3A_162 = tpu.vector_load %arg13[%swap3A_160, %swap3A_161] {strides = array<i32>} : memref<2000x16xf32, #tpu.memory_space<vmem>>, vector<1x16xf32>,
      %swap3A_163 = vector.shape_cast %swap3A_162 : vector<1x16xf32> to vector<16xf32>
      %swap3A_164 = vector.shape_cast %mul3A_157 : vector<16xf32> to vector<1x16xf32>
      tpu.vector_store %arg13[%swap3A_160, %swap3A_161], %swap3A_164 {strides = array<i32>} : memref<2000x16xf32, #tpu.memory_space<vmem>>, vector<1x16xf32>,
      %add3A_165 = arith.constant 2 : i32
      %add3A_166 = arith.addi %add3A_131, %add3A_165 : i32
      %get3A_167 = arith.index_cast %add3A_166 : i32 to index
      %get3A_168 = arith.constant 0 : index
      %get3A_169 = tpu.vector_load %arg13[%get3A_167, %get3A_168] {strides = array<i32>} : memref<2000x16xf32, #tpu.memory_space<vmem>>, vector<1x16xf32>,
      %get3A_170 = vector.shape_cast %get3A_169 : vector<1x16xf32> to vector<16xf32>
      %slice3A_171 = vector.extract_strided_slice %get3A_133 {offsets = [2], sizes = [1], strides = [1]} : vector<16xf32> to vector<1xf32>
      %squeeze3A_172 = vector.extract %slice3A_171[0] : f32 from vector<1xf32>
      %mul3A_173 = vector.broadcast %squeeze3A_172 : f32 to vector<16xf32>
      %mul3A_174 = arith.mulf %get3A_170, %mul3A_173 : vector<16xf32>
      %add3A_175 = arith.constant 2 : i32
      %add3A_176 = arith.addi %add3A_131, %add3A_175 : i32
      %swap3A_177 = arith.index_cast %add3A_176 : i32 to index
      %swap3A_178 = arith.constant 0 : index
      %swap3A_179 = tpu.vector_load %arg13[%swap3A_177, %swap3A_178] {strides = array<i32>} : memref<2000x16xf32, #tpu.memory_space<vmem>>, vector<1x16xf32>,
      %swap3A_180 = vector.shape_cast %swap3A_179 : vector<1x16xf32> to vector<16xf32>
      %swap3A_181 = vector.shape_cast %mul3A_174 : vector<16xf32> to vector<1x16xf32>
      tpu.vector_store %arg13[%swap3A_177, %swap3A_178], %swap3A_181 {strides = array<i32>} : memref<2000x16xf32, #tpu.memory_space<vmem>>, vector<1x16xf32>,
      %add3A_182 = arith.constant 3 : i32
      %add3A_183 = arith.addi %add3A_131, %add3A_182 : i32
      %get3A_184 = arith.index_cast %add3A_183 : i32 to index
      %get3A_185 = arith.constant 0 : index
      %get3A_186 = tpu.vector_load %arg13[%get3A_184, %get3A_185] {strides = array<i32>} : memref<2000x16xf32, #tpu.memory_space<vmem>>, vector<1x16xf32>,
      %get3A_187 = vector.shape_cast %get3A_186 : vector<1x16xf32> to vector<16xf32>
      %slice3A_188 = vector.extract_strided_slice %get3A_133 {offsets = [3], sizes = [1], strides = [1]} : vector<16xf32> to vector<1xf32>
      %squeeze3A_189 = vector.extract %slice3A_188[0] : f32 from vector<1xf32>
      %mul3A_190 = vector.broadcast %squeeze3A_189 : f32 to vector<16xf32>
      %mul3A_191 = arith.mulf %get3A_187, %mul3A_190 : vector<16xf32>
      %add3A_192 = arith.constant 3 : i32
      %add3A_193 = arith.addi %add3A_131, %add3A_192 : i32
      %swap3A_194 = arith.index_cast %add3A_193 : i32 to index
      %swap3A_195 = arith.constant 0 : index
      %swap3A_196 = tpu.vector_load %arg13[%swap3A_194, %swap3A_195] {strides = array<i32>} : memref<2000x16xf32, #tpu.memory_space<vmem>>, vector<1x16xf32>,
      %swap3A_197 = vector.shape_cast %swap3A_196 : vector<1x16xf32> to vector<16xf32>
      %swap3A_198 = vector.shape_cast %mul3A_191 : vector<16xf32> to vector<1x16xf32>
      tpu.vector_store %arg13[%swap3A_194, %swap3A_195], %swap3A_198 {strides = array<i32>} : memref<2000x16xf32, #tpu.memory_space<vmem>>, vector<1x16xf32>,
      %add3A_199 = arith.constant 4 : i32
      %add3A_200 = arith.addi %add3A_131, %add3A_199 : i32
      %get3A_201 = arith.index_cast %add3A_200 : i32 to index
      %get3A_202 = arith.constant 0 : index
      %get3A_203 = tpu.vector_load %arg13[%get3A_201, %get3A_202] {strides = array<i32>} : memref<2000x16xf32, #tpu.memory_space<vmem>>, vector<1x16xf32>,
      %get3A_204 = vector.shape_cast %get3A_203 : vector<1x16xf32> to vector<16xf32>
      %slice3A_205 = vector.extract_strided_slice %get3A_133 {offsets = [4], sizes = [1], strides = [1]} : vector<16xf32> to vector<1xf32>
      %squeeze3A_206 = vector.extract %slice3A_205[0] : f32 from vector<1xf32>
      %mul3A_207 = vector.broadcast %squeeze3A_206 : f32 to vector<16xf32>
      %mul3A_208 = arith.mulf %get3A_204, %mul3A_207 : vector<16xf32>
      %add3A_209 = arith.constant 4 : i32
      %add3A_210 = arith.addi %add3A_131, %add3A_209 : i32
      %swap3A_211 = arith.index_cast %add3A_210 : i32 to index
      %swap3A_212 = arith.constant 0 : index
      %swap3A_213 = tpu.vector_load %arg13[%swap3A_211, %swap3A_212] {strides = array<i32>} : memref<2000x16xf32, #tpu.memory_space<vmem>>, vector<1x16xf32>,
      %swap3A_214 = vector.shape_cast %swap3A_213 : vector<1x16xf32> to vector<16xf32>
      %swap3A_215 = vector.shape_cast %mul3A_208 : vector<16xf32> to vector<1x16xf32>
      tpu.vector_store %arg13[%swap3A_211, %swap3A_212], %swap3A_215 {strides = array<i32>} : memref<2000x16xf32, #tpu.memory_space<vmem>>, vector<1x16xf32>,
      %add3A_216 = arith.constant 5 : i32
      %add3A_217 = arith.addi %add3A_131, %add3A_216 : i32
      %get3A_218 = arith.index_cast %add3A_217 : i32 to index
      %get3A_219 = arith.constant 0 : index
      %get3A_220 = tpu.vector_load %arg13[%get3A_218, %get3A_219] {strides = array<i32>} : memref<2000x16xf32, #tpu.memory_space<vmem>>, vector<1x16xf32>,
      %get3A_221 = vector.shape_cast %get3A_220 : vector<1x16xf32> to vector<16xf32>
      %slice3A_222 = vector.extract_strided_slice %get3A_133 {offsets = [5], sizes = [1], strides = [1]} : vector<16xf32> to vector<1xf32>
      %squeeze3A_223 = vector.extract %slice3A_222[0] : f32 from vector<1xf32>
      %mul3A_224 = vector.broadcast %squeeze3A_223 : f32 to vector<16xf32>
      %mul3A_225 = arith.mulf %get3A_221, %mul3A_224 : vector<16xf32>
      %add3A_226 = arith.constant 5 : i32
      %add3A_227 = arith.addi %add3A_131, %add3A_226 : i32
      %swap3A_228 = arith.index_cast %add3A_227 : i32 to index
      %swap3A_229 = arith.constant 0 : index
      %swap3A_230 = tpu.vector_load %arg13[%swap3A_228, %swap3A_229] {strides = array<i32>} : memref<2000x16xf32, #tpu.memory_space<vmem>>, vector<1x16xf32>,
      %swap3A_231 = vector.shape_cast %swap3A_230 : vector<1x16xf32> to vector<16xf32>
      %swap3A_232 = vector.shape_cast %mul3A_225 : vector<16xf32> to vector<1x16xf32>
      tpu.vector_store %arg13[%swap3A_228, %swap3A_229], %swap3A_232 {strides = array<i32>} : memref<2000x16xf32, #tpu.memory_space<vmem>>, vector<1x16xf32>,
      %add3A_233 = arith.constant 6 : i32
      %add3A_234 = arith.addi %add3A_131, %add3A_233 : i32
      %get3A_235 = arith.index_cast %add3A_234 : i32 to index
      %get3A_236 = arith.constant 0 : index
      %get3A_237 = tpu.vector_load %arg13[%get3A_235, %get3A_236] {strides = array<i32>} : memref<2000x16xf32, #tpu.memory_space<vmem>>, vector<1x16xf32>,
      %get3A_238 = vector.shape_cast %get3A_237 : vector<1x16xf32> to vector<16xf32>
      %slice3A_239 = vector.extract_strided_slice %get3A_133 {offsets = [6], sizes = [1], strides = [1]} : vector<16xf32> to vector<1xf32>
      %squeeze3A_240 = vector.extract %slice3A_239[0] : f32 from vector<1xf32>
      %mul3A_241 = vector.broadcast %squeeze3A_240 : f32 to vector<16xf32>
      %mul3A_242 = arith.mulf %get3A_238, %mul3A_241 : vector<16xf32>
      %add3A_243 = arith.constant 6 : i32
      %add3A_244 = arith.addi %add3A_131, %add3A_243 : i32
      %swap3A_245 = arith.index_cast %add3A_244 : i32 to index
      %swap3A_246 = arith.constant 0 : index
      %swap3A_247 = tpu.vector_load %arg13[%swap3A_245, %swap3A_246] {strides = array<i32>} : memref<2000x16xf32, #tpu.memory_space<vmem>>, vector<1x16xf32>,
      %swap3A_248 = vector.shape_cast %swap3A_247 : vector<1x16xf32> to vector<16xf32>
      %swap3A_249 = vector.shape_cast %mul3A_242 : vector<16xf32> to vector<1x16xf32>
      tpu.vector_store %arg13[%swap3A_245, %swap3A_246], %swap3A_249 {strides = array<i32>} : memref<2000x16xf32, #tpu.memory_space<vmem>>, vector<1x16xf32>,
      %add3A_250 = arith.constant 7 : i32
      %add3A_251 = arith.addi %add3A_131, %add3A_250 : i32
      %get3A_252 = arith.index_cast %add3A_251 : i32 to index
      %get3A_253 = arith.constant 0 : index
      %get3A_254 = tpu.vector_load %arg13[%get3A_252, %get3A_253] {strides = array<i32>} : memref<2000x16xf32, #tpu.memory_space<vmem>>, vector<1x16xf32>,
      %get3A_255 = vector.shape_cast %get3A_254 : vector<1x16xf32> to vector<16xf32>
      %slice3A_256 = vector.extract_strided_slice %get3A_133 {offsets = [7], sizes = [1], strides = [1]} : vector<16xf32> to vector<1xf32>
      %squeeze3A_257 = vector.extract %slice3A_256[0] : f32 from vector<1xf32>
      %mul3A_258 = vector.broadcast %squeeze3A_257 : f32 to vector<16xf32>
      %mul3A_259 = arith.mulf %get3A_255, %mul3A_258 : vector<16xf32>
      %add3A_260 = arith.constant 7 : i32
      %add3A_261 = arith.addi %add3A_131, %add3A_260 : i32
      %swap3A_262 = arith.index_cast %add3A_261 : i32 to index
      %swap3A_263 = arith.constant 0 : index
      %swap3A_264 = tpu.vector_load %arg13[%swap3A_262, %swap3A_263] {strides = array<i32>} : memref<2000x16xf32, #tpu.memory_space<vmem>>, vector<1x16xf32>,
      %swap3A_265 = vector.shape_cast %swap3A_264 : vector<1x16xf32> to vector<16xf32>
      %swap3A_266 = vector.shape_cast %mul3A_259 : vector<16xf32> to vector<1x16xf32>
      tpu.vector_store %arg13[%swap3A_262, %swap3A_263], %swap3A_266 {strides = array<i32>} : memref<2000x16xf32, #tpu.memory_space<vmem>>, vector<1x16xf32>,
      %add3A_267 = arith.constant 8 : i32
      %add3A_268 = arith.addi %add3A_131, %add3A_267 : i32
      %get3A_269 = arith.index_cast %add3A_268 : i32 to index
      %get3A_270 = arith.constant 0 : index
      %get3A_271 = tpu.vector_load %arg13[%get3A_269, %get3A_270] {strides = array<i32>} : memref<2000x16xf32, #tpu.memory_space<vmem>>, vector<1x16xf32>,
      %get3A_272 = vector.shape_cast %get3A_271 : vector<1x16xf32> to vector<16xf32>
      %slice3A_273 = vector.extract_strided_slice %get3A_133 {offsets = [8], sizes = [1], strides = [1]} : vector<16xf32> to vector<1xf32>
      %squeeze3A_274 = vector.extract %slice3A_273[0] : f32 from vector<1xf32>
      %mul3A_275 = vector.broadcast %squeeze3A_274 : f32 to vector<16xf32>
      %mul3A_276 = arith.mulf %get3A_272, %mul3A_275 : vector<16xf32>
      %add3A_277 = arith.constant 8 : i32
      %add3A_278 = arith.addi %add3A_131, %add3A_277 : i32
      %swap3A_279 = arith.index_cast %add3A_278 : i32 to index
      %swap3A_280 = arith.constant 0 : index
      %swap3A_281 = tpu.vector_load %arg13[%swap3A_279, %swap3A_280] {strides = array<i32>} : memref<2000x16xf32, #tpu.memory_space<vmem>>, vector<1x16xf32>,
      %swap3A_282 = vector.shape_cast %swap3A_281 : vector<1x16xf32> to vector<16xf32>
      %swap3A_283 = vector.shape_cast %mul3A_276 : vector<16xf32> to vector<1x16xf32>
      tpu.vector_store %arg13[%swap3A_279, %swap3A_280], %swap3A_283 {strides = array<i32>} : memref<2000x16xf32, #tpu.memory_space<vmem>>, vector<1x16xf32>,
      %add3A_284 = arith.constant 9 : i32
      %add3A_285 = arith.addi %add3A_131, %add3A_284 : i32
      %get3A_286 = arith.index_cast %add3A_285 : i32 to index
      %get3A_287 = arith.constant 0 : index
      %get3A_288 = tpu.vector_load %arg13[%get3A_286, %get3A_287] {strides = array<i32>} : memref<2000x16xf32, #tpu.memory_space<vmem>>, vector<1x16xf32>,
      %get3A_289 = vector.shape_cast %get3A_288 : vector<1x16xf32> to vector<16xf32>
      %slice3A_290 = vector.extract_strided_slice %get3A_133 {offsets = [9], sizes = [1], strides = [1]} : vector<16xf32> to vector<1xf32>
      %squeeze3A_291 = vector.extract %slice3A_290[0] : f32 from vector<1xf32>
      %mul3A_292 = vector.broadcast %squeeze3A_291 : f32 to vector<16xf32>
      %mul3A_293 = arith.mulf %get3A_289, %mul3A_292 : vector<16xf32>
      %add3A_294 = arith.constant 9 : i32
      %add3A_295 = arith.addi %add3A_131, %add3A_294 : i32
      %swap3A_296 = arith.index_cast %add3A_295 : i32 to index
      %swap3A_297 = arith.constant 0 : index
      %swap3A_298 = tpu.vector_load %arg13[%swap3A_296, %swap3A_297] {strides = array<i32>} : memref<2000x16xf32, #tpu.memory_space<vmem>>, vector<1x16xf32>,
      %swap3A_299 = vector.shape_cast %swap3A_298 : vector<1x16xf32> to vector<16xf32>
      %swap3A_300 = vector.shape_cast %mul3A_293 : vector<16xf32> to vector<1x16xf32>
      tpu.vector_store %arg13[%swap3A_296, %swap3A_297], %swap3A_300 {strides = array<i32>} : memref<2000x16xf32, #tpu.memory_space<vmem>>, vector<1x16xf32>,
      %add3A_301 = arith.constant 10 : i32
      %add3A_302 = arith.addi %add3A_131, %add3A_301 : i32
      %get3A_303 = arith.index_cast %add3A_302 : i32 to index
      %get3A_304 = arith.constant 0 : index
      %get3A_305 = tpu.vector_load %arg13[%get3A_303, %get3A_304] {strides = array<i32>} : memref<2000x16xf32, #tpu.memory_space<vmem>>, vector<1x16xf32>,
      %get3A_306 = vector.shape_cast %get3A_305 : vector<1x16xf32> to vector<16xf32>
      %slice3A_307 = vector.extract_strided_slice %get3A_133 {offsets = [10], sizes = [1], strides = [1]} : vector<16xf32> to vector<1xf32>
      %squeeze3A_308 = vector.extract %slice3A_307[0] : f32 from vector<1xf32>
      %mul3A_309 = vector.broadcast %squeeze3A_308 : f32 to vector<16xf32>
      %mul3A_310 = arith.mulf %get3A_306, %mul3A_309 : vector<16xf32>
      %add3A_311 = arith.constant 10 : i32
      %add3A_312 = arith.addi %add3A_131, %add3A_311 : i32
      %swap3A_313 = arith.index_cast %add3A_312 : i32 to index
      %swap3A_314 = arith.constant 0 : index
      %swap3A_315 = tpu.vector_load %arg13[%swap3A_313, %swap3A_314] {strides = array<i32>} : memref<2000x16xf32, #tpu.memory_space<vmem>>, vector<1x16xf32>,
      %swap3A_316 = vector.shape_cast %swap3A_315 : vector<1x16xf32> to vector<16xf32>
      %swap3A_317 = vector.shape_cast %mul3A_310 : vector<16xf32> to vector<1x16xf32>
      tpu.vector_store %arg13[%swap3A_313, %swap3A_314], %swap3A_317 {strides = array<i32>} : memref<2000x16xf32, #tpu.memory_space<vmem>>, vector<1x16xf32>,
      %add3A_318 = arith.constant 11 : i32
      %add3A_319 = arith.addi %add3A_131, %add3A_318 : i32
      %get3A_320 = arith.index_cast %add3A_319 : i32 to index
      %get3A_321 = arith.constant 0 : index
      %get3A_322 = tpu.vector_load %arg13[%get3A_320, %get3A_321] {strides = array<i32>} : memref<2000x16xf32, #tpu.memory_space<vmem>>, vector<1x16xf32>,
      %get3A_323 = vector.shape_cast %get3A_322 : vector<1x16xf32> to vector<16xf32>
      %slice3A_324 = vector.extract_strided_slice %get3A_133 {offsets = [11], sizes = [1], strides = [1]} : vector<16xf32> to vector<1xf32>
      %squeeze3A_325 = vector.extract %slice3A_324[0] : f32 from vector<1xf32>
      %mul3A_326 = vector.broadcast %squeeze3A_325 : f32 to vector<16xf32>
      %mul3A_327 = arith.mulf %get3A_323, %mul3A_326 : vector<16xf32>
      %add3A_328 = arith.constant 11 : i32
      %add3A_329 = arith.addi %add3A_131, %add3A_328 : i32
      %swap3A_330 = arith.index_cast %add3A_329 : i32 to index
      %swap3A_331 = arith.constant 0 : index
      %swap3A_332 = tpu.vector_load %arg13[%swap3A_330, %swap3A_331] {strides = array<i32>} : memref<2000x16xf32, #tpu.memory_space<vmem>>, vector<1x16xf32>,
      %swap3A_333 = vector.shape_cast %swap3A_332 : vector<1x16xf32> to vector<16xf32>
      %swap3A_334 = vector.shape_cast %mul3A_327 : vector<16xf32> to vector<1x16xf32>
      tpu.vector_store %arg13[%swap3A_330, %swap3A_331], %swap3A_334 {strides = array<i32>} : memref<2000x16xf32, #tpu.memory_space<vmem>>, vector<1x16xf32>,
      %add3A_335 = arith.constant 12 : i32
      %add3A_336 = arith.addi %add3A_131, %add3A_335 : i32
      %get3A_337 = arith.index_cast %add3A_336 : i32 to index
      %get3A_338 = arith.constant 0 : index
      %get3A_339 = tpu.vector_load %arg13[%get3A_337, %get3A_338] {strides = array<i32>} : memref<2000x16xf32, #tpu.memory_space<vmem>>, vector<1x16xf32>,
      %get3A_340 = vector.shape_cast %get3A_339 : vector<1x16xf32> to vector<16xf32>
      %slice3A_341 = vector.extract_strided_slice %get3A_133 {offsets = [12], sizes = [1], strides = [1]} : vector<16xf32> to vector<1xf32>
      %squeeze3A_342 = vector.extract %slice3A_341[0] : f32 from vector<1xf32>
      %mul3A_343 = vector.broadcast %squeeze3A_342 : f32 to vector<16xf32>
      %mul3A_344 = arith.mulf %get3A_340, %mul3A_343 : vector<16xf32>
      %add3A_345 = arith.constant 12 : i32
      %add3A_346 = arith.addi %add3A_131, %add3A_345 : i32
      %swap3A_347 = arith.index_cast %add3A_346 : i32 to index
      %swap3A_348 = arith.constant 0 : index
      %swap3A_349 = tpu.vector_load %arg13[%swap3A_347, %swap3A_348] {strides = array<i32>} : memref<2000x16xf32, #tpu.memory_space<vmem>>, vector<1x16xf32>,
      %swap3A_350 = vector.shape_cast %swap3A_349 : vector<1x16xf32> to vector<16xf32>
      %swap3A_351 = vector.shape_cast %mul3A_344 : vector<16xf32> to vector<1x16xf32>
      tpu.vector_store %arg13[%swap3A_347, %swap3A_348], %swap3A_351 {strides = array<i32>} : memref<2000x16xf32, #tpu.memory_space<vmem>>, vector<1x16xf32>,
      %add3A_352 = arith.constant 13 : i32
      %add3A_353 = arith.addi %add3A_131, %add3A_352 : i32
      %get3A_354 = arith.index_cast %add3A_353 : i32 to index
      %get3A_355 = arith.constant 0 : index
      %get3A_356 = tpu.vector_load %arg13[%get3A_354, %get3A_355] {strides = array<i32>} : memref<2000x16xf32, #tpu.memory_space<vmem>>, vector<1x16xf32>,
      %get3A_357 = vector.shape_cast %get3A_356 : vector<1x16xf32> to vector<16xf32>
      %slice3A_358 = vector.extract_strided_slice %get3A_133 {offsets = [13], sizes = [1], strides = [1]} : vector<16xf32> to vector<1xf32>
      %squeeze3A_359 = vector.extract %slice3A_358[0] : f32 from vector<1xf32>
      %mul3A_360 = vector.broadcast %squeeze3A_359 : f32 to vector<16xf32>
      %mul3A_361 = arith.mulf %get3A_357, %mul3A_360 : vector<16xf32>
      %add3A_362 = arith.constant 13 : i32
      %add3A_363 = arith.addi %add3A_131, %add3A_362 : i32
      %swap3A_364 = arith.index_cast %add3A_363 : i32 to index
      %swap3A_365 = arith.constant 0 : index
      %swap3A_366 = tpu.vector_load %arg13[%swap3A_364, %swap3A_365] {strides = array<i32>} : memref<2000x16xf32, #tpu.memory_space<vmem>>, vector<1x16xf32>,
      %swap3A_367 = vector.shape_cast %swap3A_366 : vector<1x16xf32> to vector<16xf32>
      %swap3A_368 = vector.shape_cast %mul3A_361 : vector<16xf32> to vector<1x16xf32>
      tpu.vector_store %arg13[%swap3A_364, %swap3A_365], %swap3A_368 {strides = array<i32>} : memref<2000x16xf32, #tpu.memory_space<vmem>>, vector<1x16xf32>,
      %add3A_369 = arith.constant 14 : i32
      %add3A_370 = arith.addi %add3A_131, %add3A_369 : i32
      %get3A_371 = arith.index_cast %add3A_370 : i32 to index
      %get3A_372 = arith.constant 0 : index
      %get3A_373 = tpu.vector_load %arg13[%get3A_371, %get3A_372] {strides = array<i32>} : memref<2000x16xf32, #tpu.memory_space<vmem>>, vector<1x16xf32>,
      %get3A_374 = vector.shape_cast %get3A_373 : vector<1x16xf32> to vector<16xf32>
      %slice3A_375 = vector.extract_strided_slice %get3A_133 {offsets = [14], sizes = [1], strides = [1]} : vector<16xf32> to vector<1xf32>
      %squeeze3A_376 = vector.extract %slice3A_375[0] : f32 from vector<1xf32>
      %mul3A_377 = vector.broadcast %squeeze3A_376 : f32 to vector<16xf32>
      %mul3A_378 = arith.mulf %get3A_374, %mul3A_377 : vector<16xf32>
      %add3A_379 = arith.constant 14 : i32
      %add3A_380 = arith.addi %add3A_131, %add3A_379 : i32
      %swap3A_381 = arith.index_cast %add3A_380 : i32 to index
      %swap3A_382 = arith.constant 0 : index
      %swap3A_383 = tpu.vector_load %arg13[%swap3A_381, %swap3A_382] {strides = array<i32>} : memref<2000x16xf32, #tpu.memory_space<vmem>>, vector<1x16xf32>,
      %swap3A_384 = vector.shape_cast %swap3A_383 : vector<1x16xf32> to vector<16xf32>
      %swap3A_385 = vector.shape_cast %mul3A_378 : vector<16xf32> to vector<1x16xf32>
      tpu.vector_store %arg13[%swap3A_381, %swap3A_382], %swap3A_385 {strides = array<i32>} : memref<2000x16xf32, #tpu.memory_space<vmem>>, vector<1x16xf32>,
      %add3A_386 = arith.constant 15 : i32
      %add3A_387 = arith.addi %add3A_131, %add3A_386 : i32
      %get3A_388 = arith.index_cast %add3A_387 : i32 to index
      %get3A_389 = arith.constant 0 : index
      %get3A_390 = tpu.vector_load %arg13[%get3A_388, %get3A_389] {strides = array<i32>} : memref<2000x16xf32, #tpu.memory_space<vmem>>, vector<1x16xf32>,
      %get3A_391 = vector.shape_cast %get3A_390 : vector<1x16xf32> to vector<16xf32>
      %slice3A_392 = vector.extract_strided_slice %get3A_133 {offsets = [15], sizes = [1], strides = [1]} : vector<16xf32> to vector<1xf32>
      %squeeze3A_393 = vector.extract %slice3A_392[0] : f32 from vector<1xf32>
      %mul3A_394 = vector.broadcast %squeeze3A_393 : f32 to vector<16xf32>
      %mul3A_395 = arith.mulf %get3A_391, %mul3A_394 : vector<16xf32>
      %add3A_396 = arith.constant 15 : i32
      %add3A_397 = arith.addi %add3A_131, %add3A_396 : i32
      %swap3A_398 = arith.index_cast %add3A_397 : i32 to index
      %swap3A_399 = arith.constant 0 : index
      %swap3A_400 = tpu.vector_load %arg13[%swap3A_398, %swap3A_399] {strides = array<i32>} : memref<2000x16xf32, #tpu.memory_space<vmem>>, vector<1x16xf32>,
      %swap3A_401 = vector.shape_cast %swap3A_400 : vector<1x16xf32> to vector<16xf32>
      %swap3A_402 = vector.shape_cast %mul3A_395 : vector<16xf32> to vector<1x16xf32>
      tpu.vector_store %arg13[%swap3A_398, %swap3A_399], %swap3A_402 {strides = array<i32>} : memref<2000x16xf32, #tpu.memory_space<vmem>>, vector<1x16xf32>,
    }
    %scan3A_112 = arith.constant 125 : i32
    %dma_start3A_113 = arith.constant 0 : i32
    %dma_start3A_114 = arith.constant 0 : i32
    %dma_start3A_115 = tpu.memref_slice %arg16[%dma_start3A_113, %dma_start3A_114] : memref<10240x16xf32, #tpu.memory_space<vmem_shared>> -> memref<10240x16xf32, #tpu.memory_space<vmem_shared>>
    tpu.enqueue_indirect_dma source(%arg13 : memref<2000x16xf32, #tpu.memory_space<vmem>>) target(%dma_start3A_115 : memref<10240x16xf32, #tpu.memory_space<vmem_shared>>) offsets(%arg9 : memref<2000xi32, #tpu.memory_space<vmem>>) semaphore(%arg19 : memref<!tpu.dma_semaphore, #tpu.memory_space<semaphore_mem>>) {add = true}
    %dma_wait3A_116 = arith.constant 0 : i32
    %dma_wait3A_117 = arith.constant 0 : i32
    %dma_wait3A_118 = tpu.memref_slice %arg16[%dma_wait3A_116, %dma_wait3A_117] : memref<10240x16xf32, #tpu.memory_space<vmem_shared>> -> memref<10240x16xf32, #tpu.memory_space<vmem_shared>>
    tpu.wait_indirect_dma semaphore(%arg20 : memref<!tpu.dma_semaphore, #tpu.memory_space<semaphore_mem>>) src(%arg14 : memref<2000x16xf32, #tpu.memory_space<vmem>>) dst(%dma_wait3A_118 : memref<10240x16xf32, #tpu.memory_space<vmem_shared>>)
    %dma_wait3A_119 = arith.constant 0 : i32
    %dma_wait3A_120 = arith.constant 0 : i32
    %dma_wait3A_121 = tpu.memref_slice %arg16[%dma_wait3A_119, %dma_wait3A_120] : memref<10240x16xf32, #tpu.memory_space<vmem_shared>> -> memref<10240x16xf32, #tpu.memory_space<vmem_shared>>
    tpu.wait_indirect_dma semaphore(%arg19 : memref<!tpu.dma_semaphore, #tpu.memory_space<semaphore_mem>>) src(%arg13 : memref<2000x16xf32, #tpu.memory_space<vmem>>) dst(%dma_wait3A_121 : memref<10240x16xf32, #tpu.memory_space<vmem_shared>>)
    %barrier3A_122 = arith.constant 0 : index
    tpu.barrier barrier_id(%barrier3A_122)
    %mul3A_123 = arith.constant 640 : i32
    %mul3A_124 = arith.muli %arg1, %mul3A_123 : i32
    %mul3A_125 = arith.constant 640 : i32
    %mul3A_126 = arith.muli %arg1, %mul3A_125 : i32
    "tpu.region"() ({
      %run_scoped3A = tpu.sem_alloc : memref<!tpu.dma_semaphore, #tpu.memory_space<semaphore_mem>>
      %dma_start3A_127 = arith.constant 0 : i32
      %dma_start3A_128 = tpu.memref_slice %arg6[%arg0, %mul3A_126, %dma_start3A_127] : memref<2x10240x16xf32, #tpu.memory_space<hbm>> -> memref<1x640x16xf32, #tpu.memory_space<hbm>>
      %dma_start3A_129 = tpu.memref_squeeze %dma_start3A_128 : memref<1x640x16xf32, #tpu.memory_space<hbm>> -> memref<640x16xf32, #tpu.memory_space<hbm>>
      %dma_start3A_130 = arith.constant 0 : i32
      %dma_start3A_131 = tpu.memref_slice %arg16[%mul3A_124, %dma_start3A_130] : memref<10240x16xf32, #tpu.memory_space<vmem_shared>> -> memref<640x16xf32, #tpu.memory_space<vmem_shared>>
      tpu.enqueue_dma source(%dma_start3A_131 : memref<640x16xf32, #tpu.memory_space<vmem_shared>>) target(%dma_start3A_129 : memref<640x16xf32, #tpu.memory_space<hbm>>) target_semaphore(%run_scoped3A : memref<!tpu.dma_semaphore, #tpu.memory_space<semaphore_mem>>)
      %dma_wait3A_132 = arith.constant 0 : i32
      %dma_wait3A_133 = tpu.memref_slice %arg6[%arg0, %mul3A_126, %dma_wait3A_132] : memref<2x10240x16xf32, #tpu.memory_space<hbm>> -> memref<1x640x16xf32, #tpu.memory_space<hbm>>
      %dma_wait3A_134 = tpu.memref_squeeze %dma_wait3A_133 : memref<1x640x16xf32, #tpu.memory_space<hbm>> -> memref<640x16xf32, #tpu.memory_space<hbm>>
      %dma_wait3A_135 = arith.constant 0 : i32
      %dma_wait3A_136 = tpu.memref_slice %arg16[%mul3A_124, %dma_wait3A_135] : memref<10240x16xf32, #tpu.memory_space<vmem_shared>> -> memref<640x16xf32, #tpu.memory_space<vmem_shared>>
      tpu.wait_dma2 semaphore(%run_scoped3A : memref<!tpu.dma_semaphore, #tpu.memory_space<semaphore_mem>>) src(%dma_wait3A_136 : memref<640x16xf32, #tpu.memory_space<vmem_shared>>) dst(%dma_wait3A_134 : memref<640x16xf32, #tpu.memory_space<hbm>>)
      tpu.yield
    }) : () -> ()
    return
  }
}

#map = affine_map<(d0, d1) -> (0, 0)>
#map1 = affine_map<(d0, d1) -> (0)>
#map2 = affine_map<(d0, d1) -> (0, 0, 0)>
module attributes {stable_mosaic.version = 14 : i64} {
  func.func @body(%arg0: i32, %arg1: i32, %arg2: memref<10000x16xf32, #tpu.memory_space<hbm>>, %arg3: memref<320000xi32, #tpu.memory_space<hbm>>, %arg4: memref<320000xi32, #tpu.memory_space<hbm>>, %arg5: memref<320000xf32, #tpu.memory_space<hbm>>, %arg6: memref<2x10240x16xf32, #tpu.memory_space<hbm>>, %arg7: memref<2000xi32, #tpu.memory_space<vmem>>, %arg8: memref<2000xi32, #tpu.memory_space<vmem>>, %arg9: memref<2000xi32, #tpu.memory_space<vmem>>, %arg10: memref<2000xi32, #tpu.memory_space<vmem>>, %arg11: memref<2000xf32, #tpu.memory_space<vmem>>, %arg12: memref<2000xf32, #tpu.memory_space<vmem>>, %arg13: memref<2000x16xf32, #tpu.memory_space<vmem>>, %arg14: memref<2000x16xf32, #tpu.memory_space<vmem>>, %arg15: memref<640x16xf32, #tpu.memory_space<vmem>>, %arg16: memref<10240x16xf32, #tpu.memory_space<vmem_shared>>, %arg17: memref<!tpu.dma_semaphore, #tpu.memory_space<semaphore_mem>>, %arg18: memref<!tpu.dma_semaphore, #tpu.memory_space<semaphore_mem>>, %arg19: memref<!tpu.dma_semaphore, #tpu.memory_space<semaphore_mem>>, %arg20: memref<!tpu.dma_semaphore, #tpu.memory_space<semaphore_mem>>) attributes {dimension_semantics = [#tpu.dimension_semantics<core_parallel>, #tpu.dimension_semantics<subcore_parallel>], iteration_bounds = array<i64: 2, 16>, scalar_prefetch = 0 : i64, scratch_operands = 14 : i64, tpu.core_type = #tpu.core_type<sc_vector_subcore>, window_params = [{transform_indices = #map}, {transform_indices = #map1}, {transform_indices = #map1}, {transform_indices = #map1}, {transform_indices = #map2}]} {
    %mul3A = arith.constant 16 : i32
    %mul3A_0 = arith.muli %arg0, %mul3A : i32
    %add3A = arith.addi %mul3A_0, %arg1 : i32
    %scan3A = arith.constant 0 : i32
    %scan3A_1 = arith.constant 640 : i32
    %scan3A_2 = arith.addi %scan3A, %scan3A_1 : i32
    %scan3A_3 = arith.constant 1 : i32
    scf.for %scan3A_127 = %scan3A to %scan3A_2 step %scan3A_3  : i32 {
      %mul3A_128 = arith.constant 1 : i32
      %mul3A_129 = arith.muli %scan3A_127, %mul3A_128 : i32
      %add3A_130 = arith.constant 0 : i32
      %add3A_131 = arith.addi %add3A_130, %mul3A_129 : i32
      %broadcast_in_dim3A = arith.constant 0.000000e+00 : f32
      %broadcast_in_dim3A_132 = vector.broadcast %broadcast_in_dim3A : f32 to vector<16xf32>
      %swap3A = arith.index_cast %add3A_131 : i32 to index
      %swap3A_133 = arith.constant 0 : index
      %swap3A_134 = tpu.vector_load %arg15[%swap3A, %swap3A_133] {strides = array<i32>} : memref<640x16xf32, #tpu.memory_space<vmem>>, vector<1x16xf32>,
      %swap3A_135 = vector.shape_cast %swap3A_134 : vector<1x16xf32> to vector<16xf32>
      %swap3A_136 = vector.shape_cast %broadcast_in_dim3A_132 : vector<16xf32> to vector<1x16xf32>
      tpu.vector_store %arg15[%swap3A, %swap3A_133], %swap3A_136 {strides = array<i32>} : memref<640x16xf32, #tpu.memory_space<vmem>>, vector<1x16xf32>,
    }
    %scan3A_4 = arith.constant 640 : i32
    %mul3A_5 = arith.constant 640 : i32
    %mul3A_6 = arith.muli %arg1, %mul3A_5 : i32
    "tpu.region"() ({
      %run_scoped3A = tpu.sem_alloc : memref<!tpu.dma_semaphore, #tpu.memory_space<semaphore_mem>>
      %dma_start3A_127 = arith.constant 0 : i32
      %dma_start3A_128 = tpu.memref_slice %arg16[%mul3A_6, %dma_start3A_127] : memref<10240x16xf32, #tpu.memory_space<vmem_shared>> -> memref<640x16xf32, #tpu.memory_space<vmem_shared>>
      %dma_start3A_129 = arith.constant 0 : i32
      %dma_start3A_130 = tpu.memref_slice %arg16[%mul3A_6, %dma_start3A_129] : memref<10240x16xf32, #tpu.memory_space<vmem_shared>> -> memref<640x16xf32, #tpu.memory_space<vmem_shared>>
      tpu.enqueue_dma source(%arg15 : memref<640x16xf32, #tpu.memory_space<vmem>>) target(%dma_start3A_130 : memref<640x16xf32, #tpu.memory_space<vmem_shared>>) target_semaphore(%run_scoped3A : memref<!tpu.dma_semaphore, #tpu.memory_space<semaphore_mem>>)
      %dma_wait3A_131 = arith.constant 0 : i32
      %dma_wait3A_132 = tpu.memref_slice %arg16[%mul3A_6, %dma_wait3A_131] : memref<10240x16xf32, #tpu.memory_space<vmem_shared>> -> memref<640x16xf32, #tpu.memory_space<vmem_shared>>
      %dma_wait3A_133 = arith.constant 0 : i32
      %dma_wait3A_134 = tpu.memref_slice %arg16[%mul3A_6, %dma_wait3A_133] : memref<10240x16xf32, #tpu.memory_space<vmem_shared>> -> memref<640x16xf32, #tpu.memory_space<vmem_shared>>
      tpu.wait_dma2 semaphore(%run_scoped3A : memref<!tpu.dma_semaphore, #tpu.memory_space<semaphore_mem>>) src(%arg15 : memref<640x16xf32, #tpu.memory_space<vmem>>) dst(%dma_wait3A_134 : memref<640x16xf32, #tpu.memory_space<vmem_shared>>)
      tpu.yield
    }) : () -> ()
    %barrier3A = arith.constant 0 : index
    tpu.barrier barrier_id(%barrier3A)
    %mul3A_7 = arith.constant 10000 : i32
    %mul3A_8 = arith.muli %add3A, %mul3A_7 : i32
    %add3A_9 = arith.constant 0 : i32
    %add3A_10 = arith.addi %mul3A_8, %add3A_9 : i32
    "tpu.region"() ({
      %run_scoped3A = tpu.sem_alloc : memref<!tpu.dma_semaphore, #tpu.memory_space<semaphore_mem>>
      %dma_start3A_127 = tpu.memref_slice %arg3[%add3A_10] : memref<320000xi32, #tpu.memory_space<hbm>> -> memref<2000xi32, #tpu.memory_space<hbm>>
      %dma_start3A_128 = tpu.memref_slice %arg3[%add3A_10] : memref<320000xi32, #tpu.memory_space<hbm>> -> memref<2000xi32, #tpu.memory_space<hbm>>
      tpu.enqueue_dma source(%dma_start3A_128 : memref<2000xi32, #tpu.memory_space<hbm>>) target(%arg7 : memref<2000xi32, #tpu.memory_space<vmem>>) target_semaphore(%run_scoped3A : memref<!tpu.dma_semaphore, #tpu.memory_space<semaphore_mem>>)
      %dma_wait3A_129 = tpu.memref_slice %arg3[%add3A_10] : memref<320000xi32, #tpu.memory_space<hbm>> -> memref<2000xi32, #tpu.memory_space<hbm>>
      %dma_wait3A_130 = tpu.memref_slice %arg3[%add3A_10] : memref<320000xi32, #tpu.memory_space<hbm>> -> memref<2000xi32, #tpu.memory_space<hbm>>
      tpu.wait_dma2 semaphore(%run_scoped3A : memref<!tpu.dma_semaphore, #tpu.memory_space<semaphore_mem>>) src(%dma_wait3A_130 : memref<2000xi32, #tpu.memory_space<hbm>>) dst(%arg7 : memref<2000xi32, #tpu.memory_space<vmem>>)
      tpu.yield
    }) : () -> ()
    %add3A_11 = arith.constant 0 : i32
    %add3A_12 = arith.addi %mul3A_8, %add3A_11 : i32
    "tpu.region"() ({
      %run_scoped3A = tpu.sem_alloc : memref<!tpu.dma_semaphore, #tpu.memory_space<semaphore_mem>>
      %dma_start3A_127 = tpu.memref_slice %arg4[%add3A_12] : memref<320000xi32, #tpu.memory_space<hbm>> -> memref<2000xi32, #tpu.memory_space<hbm>>
      %dma_start3A_128 = tpu.memref_slice %arg4[%add3A_12] : memref<320000xi32, #tpu.memory_space<hbm>> -> memref<2000xi32, #tpu.memory_space<hbm>>
      tpu.enqueue_dma source(%dma_start3A_128 : memref<2000xi32, #tpu.memory_space<hbm>>) target(%arg9 : memref<2000xi32, #tpu.memory_space<vmem>>) target_semaphore(%run_scoped3A : memref<!tpu.dma_semaphore, #tpu.memory_space<semaphore_mem>>)
      %dma_wait3A_129 = tpu.memref_slice %arg4[%add3A_12] : memref<320000xi32, #tpu.memory_space<hbm>> -> memref<2000xi32, #tpu.memory_space<hbm>>
      %dma_wait3A_130 = tpu.memref_slice %arg4[%add3A_12] : memref<320000xi32, #tpu.memory_space<hbm>> -> memref<2000xi32, #tpu.memory_space<hbm>>
      tpu.wait_dma2 semaphore(%run_scoped3A : memref<!tpu.dma_semaphore, #tpu.memory_space<semaphore_mem>>) src(%dma_wait3A_130 : memref<2000xi32, #tpu.memory_space<hbm>>) dst(%arg9 : memref<2000xi32, #tpu.memory_space<vmem>>)
      tpu.yield
    }) : () -> ()
    %add3A_13 = arith.constant 0 : i32
    %add3A_14 = arith.addi %mul3A_8, %add3A_13 : i32
    "tpu.region"() ({
      %run_scoped3A = tpu.sem_alloc : memref<!tpu.dma_semaphore, #tpu.memory_space<semaphore_mem>>
      %dma_start3A_127 = tpu.memref_slice %arg5[%add3A_14] : memref<320000xf32, #tpu.memory_space<hbm>> -> memref<2000xf32, #tpu.memory_space<hbm>>
      %dma_start3A_128 = tpu.memref_slice %arg5[%add3A_14] : memref<320000xf32, #tpu.memory_space<hbm>> -> memref<2000xf32, #tpu.memory_space<hbm>>
      tpu.enqueue_dma source(%dma_start3A_128 : memref<2000xf32, #tpu.memory_space<hbm>>) target(%arg11 : memref<2000xf32, #tpu.memory_space<vmem>>) target_semaphore(%run_scoped3A : memref<!tpu.dma_semaphore, #tpu.memory_space<semaphore_mem>>)
      %dma_wait3A_129 = tpu.memref_slice %arg5[%add3A_14] : memref<320000xf32, #tpu.memory_space<hbm>> -> memref<2000xf32, #tpu.memory_space<hbm>>
      %dma_wait3A_130 = tpu.memref_slice %arg5[%add3A_14] : memref<320000xf32, #tpu.memory_space<hbm>> -> memref<2000xf32, #tpu.memory_space<hbm>>
      tpu.wait_dma2 semaphore(%run_scoped3A : memref<!tpu.dma_semaphore, #tpu.memory_space<semaphore_mem>>) src(%dma_wait3A_130 : memref<2000xf32, #tpu.memory_space<hbm>>) dst(%arg11 : memref<2000xf32, #tpu.memory_space<vmem>>)
      tpu.yield
    }) : () -> ()
    %dma_start3A = arith.constant 0 : i32
    %dma_start3A_15 = arith.constant 0 : i32
    %dma_start3A_16 = tpu.memref_slice %arg2[%dma_start3A, %dma_start3A_15] : memref<10000x16xf32, #tpu.memory_space<hbm>> -> memref<10000x16xf32, #tpu.memory_space<hbm>>
    tpu.enqueue_indirect_dma source(%dma_start3A_16 : memref<10000x16xf32, #tpu.memory_space<hbm>>) target(%arg13 : memref<2000x16xf32, #tpu.memory_space<vmem>>) offsets(%arg7 : memref<2000xi32, #tpu.memory_space<vmem>>) semaphore(%arg17 : memref<!tpu.dma_semaphore, #tpu.memory_space<semaphore_mem>>)
    %add3A_17 = arith.constant 2000 : i32
    %add3A_18 = arith.addi %mul3A_8, %add3A_17 : i32
    "tpu.region"() ({
      %run_scoped3A = tpu.sem_alloc : memref<!tpu.dma_semaphore, #tpu.memory_space<semaphore_mem>>
      %dma_start3A_127 = tpu.memref_slice %arg3[%add3A_18] : memref<320000xi32, #tpu.memory_space<hbm>> -> memref<2000xi32, #tpu.memory_space<hbm>>
      %dma_start3A_128 = tpu.memref_slice %arg3[%add3A_18] : memref<320000xi32, #tpu.memory_space<hbm>> -> memref<2000xi32, #tpu.memory_space<hbm>>
      tpu.enqueue_dma source(%dma_start3A_128 : memref<2000xi32, #tpu.memory_space<hbm>>) target(%arg8 : memref<2000xi32, #tpu.memory_space<vmem>>) target_semaphore(%run_scoped3A : memref<!tpu.dma_semaphore, #tpu.memory_space<semaphore_mem>>)
      %dma_wait3A_129 = tpu.memref_slice %arg3[%add3A_18] : memref<320000xi32, #tpu.memory_space<hbm>> -> memref<2000xi32, #tpu.memory_space<hbm>>
      %dma_wait3A_130 = tpu.memref_slice %arg3[%add3A_18] : memref<320000xi32, #tpu.memory_space<hbm>> -> memref<2000xi32, #tpu.memory_space<hbm>>
      tpu.wait_dma2 semaphore(%run_scoped3A : memref<!tpu.dma_semaphore, #tpu.memory_space<semaphore_mem>>) src(%dma_wait3A_130 : memref<2000xi32, #tpu.memory_space<hbm>>) dst(%arg8 : memref<2000xi32, #tpu.memory_space<vmem>>)
      tpu.yield
    }) : () -> ()
    %add3A_19 = arith.constant 2000 : i32
    %add3A_20 = arith.addi %mul3A_8, %add3A_19 : i32
    "tpu.region"() ({
      %run_scoped3A = tpu.sem_alloc : memref<!tpu.dma_semaphore, #tpu.memory_space<semaphore_mem>>
      %dma_start3A_127 = tpu.memref_slice %arg4[%add3A_20] : memref<320000xi32, #tpu.memory_space<hbm>> -> memref<2000xi32, #tpu.memory_space<hbm>>
      %dma_start3A_128 = tpu.memref_slice %arg4[%add3A_20] : memref<320000xi32, #tpu.memory_space<hbm>> -> memref<2000xi32, #tpu.memory_space<hbm>>
      tpu.enqueue_dma source(%dma_start3A_128 : memref<2000xi32, #tpu.memory_space<hbm>>) target(%arg10 : memref<2000xi32, #tpu.memory_space<vmem>>) target_semaphore(%run_scoped3A : memref<!tpu.dma_semaphore, #tpu.memory_space<semaphore_mem>>)
      %dma_wait3A_129 = tpu.memref_slice %arg4[%add3A_20] : memref<320000xi32, #tpu.memory_space<hbm>> -> memref<2000xi32, #tpu.memory_space<hbm>>
      %dma_wait3A_130 = tpu.memref_slice %arg4[%add3A_20] : memref<320000xi32, #tpu.memory_space<hbm>> -> memref<2000xi32, #tpu.memory_space<hbm>>
      tpu.wait_dma2 semaphore(%run_scoped3A : memref<!tpu.dma_semaphore, #tpu.memory_space<semaphore_mem>>) src(%dma_wait3A_130 : memref<2000xi32, #tpu.memory_space<hbm>>) dst(%arg10 : memref<2000xi32, #tpu.memory_space<vmem>>)
      tpu.yield
    }) : () -> ()
    %add3A_21 = arith.constant 2000 : i32
    %add3A_22 = arith.addi %mul3A_8, %add3A_21 : i32
    "tpu.region"() ({
      %run_scoped3A = tpu.sem_alloc : memref<!tpu.dma_semaphore, #tpu.memory_space<semaphore_mem>>
      %dma_start3A_127 = tpu.memref_slice %arg5[%add3A_22] : memref<320000xf32, #tpu.memory_space<hbm>> -> memref<2000xf32, #tpu.memory_space<hbm>>
      %dma_start3A_128 = tpu.memref_slice %arg5[%add3A_22] : memref<320000xf32, #tpu.memory_space<hbm>> -> memref<2000xf32, #tpu.memory_space<hbm>>
      tpu.enqueue_dma source(%dma_start3A_128 : memref<2000xf32, #tpu.memory_space<hbm>>) target(%arg12 : memref<2000xf32, #tpu.memory_space<vmem>>) target_semaphore(%run_scoped3A : memref<!tpu.dma_semaphore, #tpu.memory_space<semaphore_mem>>)
      %dma_wait3A_129 = tpu.memref_slice %arg5[%add3A_22] : memref<320000xf32, #tpu.memory_space<hbm>> -> memref<2000xf32, #tpu.memory_space<hbm>>
      %dma_wait3A_130 = tpu.memref_slice %arg5[%add3A_22] : memref<320000xf32, #tpu.memory_space<hbm>> -> memref<2000xf32, #tpu.memory_space<hbm>>
      tpu.wait_dma2 semaphore(%run_scoped3A : memref<!tpu.dma_semaphore, #tpu.memory_space<semaphore_mem>>) src(%dma_wait3A_130 : memref<2000xf32, #tpu.memory_space<hbm>>) dst(%arg12 : memref<2000xf32, #tpu.memory_space<vmem>>)
      tpu.yield
    }) : () -> ()
    %dma_start3A_23 = arith.constant 0 : i32
    %dma_start3A_24 = arith.constant 0 : i32
    %dma_start3A_25 = tpu.memref_slice %arg2[%dma_start3A_23, %dma_start3A_24] : memref<10000x16xf32, #tpu.memory_space<hbm>> -> memref<10000x16xf32, #tpu.memory_space<hbm>>
    tpu.enqueue_indirect_dma source(%dma_start3A_25 : memref<10000x16xf32, #tpu.memory_space<hbm>>) target(%arg14 : memref<2000x16xf32, #tpu.memory_space<vmem>>) offsets(%arg8 : memref<2000xi32, #tpu.memory_space<vmem>>) semaphore(%arg18 : memref<!tpu.dma_semaphore, #tpu.memory_space<semaphore_mem>>)
    %dma_wait3A = arith.constant 0 : i32
    %dma_wait3A_26 = arith.constant 0 : i32
    %dma_wait3A_27 = tpu.memref_slice %arg2[%dma_wait3A, %dma_wait3A_26] : memref<10000x16xf32, #tpu.memory_space<hbm>> -> memref<10000x16xf32, #tpu.memory_space<hbm>>
    tpu.wait_indirect_dma semaphore(%arg17 : memref<!tpu.dma_semaphore, #tpu.memory_space<semaphore_mem>>) src(%dma_wait3A_27 : memref<10000x16xf32, #tpu.memory_space<hbm>>) dst(%arg13 : memref<2000x16xf32, #tpu.memory_space<vmem>>)
    %scan3A_28 = arith.constant 0 : i32
    %scan3A_29 = arith.constant 125 : i32
    %scan3A_30 = arith.addi %scan3A_28, %scan3A_29 : i32
    %scan3A_31 = arith.constant 1 : i32
    scf.for %scan3A_127 = %scan3A_28 to %scan3A_30 step %scan3A_31  : i32 {
      %mul3A_128 = arith.constant 16 : i32
      %mul3A_129 = arith.muli %scan3A_127, %mul3A_128 : i32
      %add3A_130 = arith.constant 0 : i32
      %add3A_131 = arith.addi %add3A_130, %mul3A_129 : i32
      %get3A = arith.index_cast %add3A_131 : i32 to index
      %get3A_132 = tpu.vector_load %arg11[%get3A] {strides = array<i32>} : memref<2000xf32, #tpu.memory_space<vmem>>, vector<16xf32>,
      %get3A_133 = vector.shape_cast %get3A_132 : vector<16xf32> to vector<16xf32>
      %add3A_134 = arith.constant 0 : i32
      %add3A_135 = arith.addi %add3A_131, %add3A_134 : i32
      %get3A_136 = arith.index_cast %add3A_135 : i32 to index
      %get3A_137 = arith.constant 0 : index
      %get3A_138 = tpu.vector_load %arg13[%get3A_136, %get3A_137] {strides = array<i32>} : memref<2000x16xf32, #tpu.memory_space<vmem>>, vector<1x16xf32>,
      %get3A_139 = vector.shape_cast %get3A_138 : vector<1x16xf32> to vector<16xf32>
      %slice3A = vector.extract_strided_slice %get3A_133 {offsets = [0], sizes = [1], strides = [1]} : vector<16xf32> to vector<1xf32>
      %squeeze3A = vector.extract %slice3A[0] : f32 from vector<1xf32>
      %mul3A_140 = vector.broadcast %squeeze3A : f32 to vector<16xf32>
      %mul3A_141 = arith.mulf %get3A_139, %mul3A_140 : vector<16xf32>
      %add3A_142 = arith.constant 0 : i32
      %add3A_143 = arith.addi %add3A_131, %add3A_142 : i32
      %swap3A = arith.index_cast %add3A_143 : i32 to index
      %swap3A_144 = arith.constant 0 : index
      %swap3A_145 = tpu.vector_load %arg13[%swap3A, %swap3A_144] {strides = array<i32>} : memref<2000x16xf32, #tpu.memory_space<vmem>>, vector<1x16xf32>,
      %swap3A_146 = vector.shape_cast %swap3A_145 : vector<1x16xf32> to vector<16xf32>
      %swap3A_147 = vector.shape_cast %mul3A_141 : vector<16xf32> to vector<1x16xf32>
      tpu.vector_store %arg13[%swap3A, %swap3A_144], %swap3A_147 {strides = array<i32>} : memref<2000x16xf32, #tpu.memory_space<vmem>>, vector<1x16xf32>,
      %add3A_148 = arith.constant 1 : i32
      %add3A_149 = arith.addi %add3A_131, %add3A_148 : i32
      %get3A_150 = arith.index_cast %add3A_149 : i32 to index
      %get3A_151 = arith.constant 0 : index
      %get3A_152 = tpu.vector_load %arg13[%get3A_150, %get3A_151] {strides = array<i32>} : memref<2000x16xf32, #tpu.memory_space<vmem>>, vector<1x16xf32>,
      %get3A_153 = vector.shape_cast %get3A_152 : vector<1x16xf32> to vector<16xf32>
      %slice3A_154 = vector.extract_strided_slice %get3A_133 {offsets = [1], sizes = [1], strides = [1]} : vector<16xf32> to vector<1xf32>
      %squeeze3A_155 = vector.extract %slice3A_154[0] : f32 from vector<1xf32>
      %mul3A_156 = vector.broadcast %squeeze3A_155 : f32 to vector<16xf32>
      %mul3A_157 = arith.mulf %get3A_153, %mul3A_156 : vector<16xf32>
      %add3A_158 = arith.constant 1 : i32
      %add3A_159 = arith.addi %add3A_131, %add3A_158 : i32
      %swap3A_160 = arith.index_cast %add3A_159 : i32 to index
      %swap3A_161 = arith.constant 0 : index
      %swap3A_162 = tpu.vector_load %arg13[%swap3A_160, %swap3A_161] {strides = array<i32>} : memref<2000x16xf32, #tpu.memory_space<vmem>>, vector<1x16xf32>,
      %swap3A_163 = vector.shape_cast %swap3A_162 : vector<1x16xf32> to vector<16xf32>
      %swap3A_164 = vector.shape_cast %mul3A_157 : vector<16xf32> to vector<1x16xf32>
      tpu.vector_store %arg13[%swap3A_160, %swap3A_161], %swap3A_164 {strides = array<i32>} : memref<2000x16xf32, #tpu.memory_space<vmem>>, vector<1x16xf32>,
      %add3A_165 = arith.constant 2 : i32
      %add3A_166 = arith.addi %add3A_131, %add3A_165 : i32
      %get3A_167 = arith.index_cast %add3A_166 : i32 to index
      %get3A_168 = arith.constant 0 : index
      %get3A_169 = tpu.vector_load %arg13[%get3A_167, %get3A_168] {strides = array<i32>} : memref<2000x16xf32, #tpu.memory_space<vmem>>, vector<1x16xf32>,
      %get3A_170 = vector.shape_cast %get3A_169 : vector<1x16xf32> to vector<16xf32>
      %slice3A_171 = vector.extract_strided_slice %get3A_133 {offsets = [2], sizes = [1], strides = [1]} : vector<16xf32> to vector<1xf32>
      %squeeze3A_172 = vector.extract %slice3A_171[0] : f32 from vector<1xf32>
      %mul3A_173 = vector.broadcast %squeeze3A_172 : f32 to vector<16xf32>
      %mul3A_174 = arith.mulf %get3A_170, %mul3A_173 : vector<16xf32>
      %add3A_175 = arith.constant 2 : i32
      %add3A_176 = arith.addi %add3A_131, %add3A_175 : i32
      %swap3A_177 = arith.index_cast %add3A_176 : i32 to index
      %swap3A_178 = arith.constant 0 : index
      %swap3A_179 = tpu.vector_load %arg13[%swap3A_177, %swap3A_178] {strides = array<i32>} : memref<2000x16xf32, #tpu.memory_space<vmem>>, vector<1x16xf32>,
      %swap3A_180 = vector.shape_cast %swap3A_179 : vector<1x16xf32> to vector<16xf32>
      %swap3A_181 = vector.shape_cast %mul3A_174 : vector<16xf32> to vector<1x16xf32>
      tpu.vector_store %arg13[%swap3A_177, %swap3A_178], %swap3A_181 {strides = array<i32>} : memref<2000x16xf32, #tpu.memory_space<vmem>>, vector<1x16xf32>,
      %add3A_182 = arith.constant 3 : i32
      %add3A_183 = arith.addi %add3A_131, %add3A_182 : i32
      %get3A_184 = arith.index_cast %add3A_183 : i32 to index
      %get3A_185 = arith.constant 0 : index
      %get3A_186 = tpu.vector_load %arg13[%get3A_184, %get3A_185] {strides = array<i32>} : memref<2000x16xf32, #tpu.memory_space<vmem>>, vector<1x16xf32>,
      %get3A_187 = vector.shape_cast %get3A_186 : vector<1x16xf32> to vector<16xf32>
      %slice3A_188 = vector.extract_strided_slice %get3A_133 {offsets = [3], sizes = [1], strides = [1]} : vector<16xf32> to vector<1xf32>
      %squeeze3A_189 = vector.extract %slice3A_188[0] : f32 from vector<1xf32>
      %mul3A_190 = vector.broadcast %squeeze3A_189 : f32 to vector<16xf32>
      %mul3A_191 = arith.mulf %get3A_187, %mul3A_190 : vector<16xf32>
      %add3A_192 = arith.constant 3 : i32
      %add3A_193 = arith.addi %add3A_131, %add3A_192 : i32
      %swap3A_194 = arith.index_cast %add3A_193 : i32 to index
      %swap3A_195 = arith.constant 0 : index
      %swap3A_196 = tpu.vector_load %arg13[%swap3A_194, %swap3A_195] {strides = array<i32>} : memref<2000x16xf32, #tpu.memory_space<vmem>>, vector<1x16xf32>,
      %swap3A_197 = vector.shape_cast %swap3A_196 : vector<1x16xf32> to vector<16xf32>
      %swap3A_198 = vector.shape_cast %mul3A_191 : vector<16xf32> to vector<1x16xf32>
      tpu.vector_store %arg13[%swap3A_194, %swap3A_195], %swap3A_198 {strides = array<i32>} : memref<2000x16xf32, #tpu.memory_space<vmem>>, vector<1x16xf32>,
      %add3A_199 = arith.constant 4 : i32
      %add3A_200 = arith.addi %add3A_131, %add3A_199 : i32
      %get3A_201 = arith.index_cast %add3A_200 : i32 to index
      %get3A_202 = arith.constant 0 : index
      %get3A_203 = tpu.vector_load %arg13[%get3A_201, %get3A_202] {strides = array<i32>} : memref<2000x16xf32, #tpu.memory_space<vmem>>, vector<1x16xf32>,
      %get3A_204 = vector.shape_cast %get3A_203 : vector<1x16xf32> to vector<16xf32>
      %slice3A_205 = vector.extract_strided_slice %get3A_133 {offsets = [4], sizes = [1], strides = [1]} : vector<16xf32> to vector<1xf32>
      %squeeze3A_206 = vector.extract %slice3A_205[0] : f32 from vector<1xf32>
      %mul3A_207 = vector.broadcast %squeeze3A_206 : f32 to vector<16xf32>
      %mul3A_208 = arith.mulf %get3A_204, %mul3A_207 : vector<16xf32>
      %add3A_209 = arith.constant 4 : i32
      %add3A_210 = arith.addi %add3A_131, %add3A_209 : i32
      %swap3A_211 = arith.index_cast %add3A_210 : i32 to index
      %swap3A_212 = arith.constant 0 : index
      %swap3A_213 = tpu.vector_load %arg13[%swap3A_211, %swap3A_212] {strides = array<i32>} : memref<2000x16xf32, #tpu.memory_space<vmem>>, vector<1x16xf32>,
      %swap3A_214 = vector.shape_cast %swap3A_213 : vector<1x16xf32> to vector<16xf32>
      %swap3A_215 = vector.shape_cast %mul3A_208 : vector<16xf32> to vector<1x16xf32>
      tpu.vector_store %arg13[%swap3A_211, %swap3A_212], %swap3A_215 {strides = array<i32>} : memref<2000x16xf32, #tpu.memory_space<vmem>>, vector<1x16xf32>,
      %add3A_216 = arith.constant 5 : i32
      %add3A_217 = arith.addi %add3A_131, %add3A_216 : i32
      %get3A_218 = arith.index_cast %add3A_217 : i32 to index
      %get3A_219 = arith.constant 0 : index
      %get3A_220 = tpu.vector_load %arg13[%get3A_218, %get3A_219] {strides = array<i32>} : memref<2000x16xf32, #tpu.memory_space<vmem>>, vector<1x16xf32>,
      %get3A_221 = vector.shape_cast %get3A_220 : vector<1x16xf32> to vector<16xf32>
      %slice3A_222 = vector.extract_strided_slice %get3A_133 {offsets = [5], sizes = [1], strides = [1]} : vector<16xf32> to vector<1xf32>
      %squeeze3A_223 = vector.extract %slice3A_222[0] : f32 from vector<1xf32>
      %mul3A_224 = vector.broadcast %squeeze3A_223 : f32 to vector<16xf32>
      %mul3A_225 = arith.mulf %get3A_221, %mul3A_224 : vector<16xf32>
      %add3A_226 = arith.constant 5 : i32
      %add3A_227 = arith.addi %add3A_131, %add3A_226 : i32
      %swap3A_228 = arith.index_cast %add3A_227 : i32 to index
      %swap3A_229 = arith.constant 0 : index
      %swap3A_230 = tpu.vector_load %arg13[%swap3A_228, %swap3A_229] {strides = array<i32>} : memref<2000x16xf32, #tpu.memory_space<vmem>>, vector<1x16xf32>,
      %swap3A_231 = vector.shape_cast %swap3A_230 : vector<1x16xf32> to vector<16xf32>
      %swap3A_232 = vector.shape_cast %mul3A_225 : vector<16xf32> to vector<1x16xf32>
      tpu.vector_store %arg13[%swap3A_228, %swap3A_229], %swap3A_232 {strides = array<i32>} : memref<2000x16xf32, #tpu.memory_space<vmem>>, vector<1x16xf32>,
      %add3A_233 = arith.constant 6 : i32
      %add3A_234 = arith.addi %add3A_131, %add3A_233 : i32
      %get3A_235 = arith.index_cast %add3A_234 : i32 to index
      %get3A_236 = arith.constant 0 : index
      %get3A_237 = tpu.vector_load %arg13[%get3A_235, %get3A_236] {strides = array<i32>} : memref<2000x16xf32, #tpu.memory_space<vmem>>, vector<1x16xf32>,
      %get3A_238 = vector.shape_cast %get3A_237 : vector<1x16xf32> to vector<16xf32>
      %slice3A_239 = vector.extract_strided_slice %get3A_133 {offsets = [6], sizes = [1], strides = [1]} : vector<16xf32> to vector<1xf32>
      %squeeze3A_240 = vector.extract %slice3A_239[0] : f32 from vector<1xf32>
      %mul3A_241 = vector.broadcast %squeeze3A_240 : f32 to vector<16xf32>
      %mul3A_242 = arith.mulf %get3A_238, %mul3A_241 : vector<16xf32>
      %add3A_243 = arith.constant 6 : i32
      %add3A_244 = arith.addi %add3A_131, %add3A_243 : i32
      %swap3A_245 = arith.index_cast %add3A_244 : i32 to index
      %swap3A_246 = arith.constant 0 : index
      %swap3A_247 = tpu.vector_load %arg13[%swap3A_245, %swap3A_246] {strides = array<i32>} : memref<2000x16xf32, #tpu.memory_space<vmem>>, vector<1x16xf32>,
      %swap3A_248 = vector.shape_cast %swap3A_247 : vector<1x16xf32> to vector<16xf32>
      %swap3A_249 = vector.shape_cast %mul3A_242 : vector<16xf32> to vector<1x16xf32>
      tpu.vector_store %arg13[%swap3A_245, %swap3A_246], %swap3A_249 {strides = array<i32>} : memref<2000x16xf32, #tpu.memory_space<vmem>>, vector<1x16xf32>,
      %add3A_250 = arith.constant 7 : i32
      %add3A_251 = arith.addi %add3A_131, %add3A_250 : i32
      %get3A_252 = arith.index_cast %add3A_251 : i32 to index
      %get3A_253 = arith.constant 0 : index
      %get3A_254 = tpu.vector_load %arg13[%get3A_252, %get3A_253] {strides = array<i32>} : memref<2000x16xf32, #tpu.memory_space<vmem>>, vector<1x16xf32>,
      %get3A_255 = vector.shape_cast %get3A_254 : vector<1x16xf32> to vector<16xf32>
      %slice3A_256 = vector.extract_strided_slice %get3A_133 {offsets = [7], sizes = [1], strides = [1]} : vector<16xf32> to vector<1xf32>
      %squeeze3A_257 = vector.extract %slice3A_256[0] : f32 from vector<1xf32>
      %mul3A_258 = vector.broadcast %squeeze3A_257 : f32 to vector<16xf32>
      %mul3A_259 = arith.mulf %get3A_255, %mul3A_258 : vector<16xf32>
      %add3A_260 = arith.constant 7 : i32
      %add3A_261 = arith.addi %add3A_131, %add3A_260 : i32
      %swap3A_262 = arith.index_cast %add3A_261 : i32 to index
      %swap3A_263 = arith.constant 0 : index
      %swap3A_264 = tpu.vector_load %arg13[%swap3A_262, %swap3A_263] {strides = array<i32>} : memref<2000x16xf32, #tpu.memory_space<vmem>>, vector<1x16xf32>,
      %swap3A_265 = vector.shape_cast %swap3A_264 : vector<1x16xf32> to vector<16xf32>
      %swap3A_266 = vector.shape_cast %mul3A_259 : vector<16xf32> to vector<1x16xf32>
      tpu.vector_store %arg13[%swap3A_262, %swap3A_263], %swap3A_266 {strides = array<i32>} : memref<2000x16xf32, #tpu.memory_space<vmem>>, vector<1x16xf32>,
      %add3A_267 = arith.constant 8 : i32
      %add3A_268 = arith.addi %add3A_131, %add3A_267 : i32
      %get3A_269 = arith.index_cast %add3A_268 : i32 to index
      %get3A_270 = arith.constant 0 : index
      %get3A_271 = tpu.vector_load %arg13[%get3A_269, %get3A_270] {strides = array<i32>} : memref<2000x16xf32, #tpu.memory_space<vmem>>, vector<1x16xf32>,
      %get3A_272 = vector.shape_cast %get3A_271 : vector<1x16xf32> to vector<16xf32>
      %slice3A_273 = vector.extract_strided_slice %get3A_133 {offsets = [8], sizes = [1], strides = [1]} : vector<16xf32> to vector<1xf32>
      %squeeze3A_274 = vector.extract %slice3A_273[0] : f32 from vector<1xf32>
      %mul3A_275 = vector.broadcast %squeeze3A_274 : f32 to vector<16xf32>
      %mul3A_276 = arith.mulf %get3A_272, %mul3A_275 : vector<16xf32>
      %add3A_277 = arith.constant 8 : i32
      %add3A_278 = arith.addi %add3A_131, %add3A_277 : i32
      %swap3A_279 = arith.index_cast %add3A_278 : i32 to index
      %swap3A_280 = arith.constant 0 : index
      %swap3A_281 = tpu.vector_load %arg13[%swap3A_279, %swap3A_280] {strides = array<i32>} : memref<2000x16xf32, #tpu.memory_space<vmem>>, vector<1x16xf32>,
      %swap3A_282 = vector.shape_cast %swap3A_281 : vector<1x16xf32> to vector<16xf32>
      %swap3A_283 = vector.shape_cast %mul3A_276 : vector<16xf32> to vector<1x16xf32>
      tpu.vector_store %arg13[%swap3A_279, %swap3A_280], %swap3A_283 {strides = array<i32>} : memref<2000x16xf32, #tpu.memory_space<vmem>>, vector<1x16xf32>,
      %add3A_284 = arith.constant 9 : i32
      %add3A_285 = arith.addi %add3A_131, %add3A_284 : i32
      %get3A_286 = arith.index_cast %add3A_285 : i32 to index
      %get3A_287 = arith.constant 0 : index
      %get3A_288 = tpu.vector_load %arg13[%get3A_286, %get3A_287] {strides = array<i32>} : memref<2000x16xf32, #tpu.memory_space<vmem>>, vector<1x16xf32>,
      %get3A_289 = vector.shape_cast %get3A_288 : vector<1x16xf32> to vector<16xf32>
      %slice3A_290 = vector.extract_strided_slice %get3A_133 {offsets = [9], sizes = [1], strides = [1]} : vector<16xf32> to vector<1xf32>
      %squeeze3A_291 = vector.extract %slice3A_290[0] : f32 from vector<1xf32>
      %mul3A_292 = vector.broadcast %squeeze3A_291 : f32 to vector<16xf32>
      %mul3A_293 = arith.mulf %get3A_289, %mul3A_292 : vector<16xf32>
      %add3A_294 = arith.constant 9 : i32
      %add3A_295 = arith.addi %add3A_131, %add3A_294 : i32
      %swap3A_296 = arith.index_cast %add3A_295 : i32 to index
      %swap3A_297 = arith.constant 0 : index
      %swap3A_298 = tpu.vector_load %arg13[%swap3A_296, %swap3A_297] {strides = array<i32>} : memref<2000x16xf32, #tpu.memory_space<vmem>>, vector<1x16xf32>,
      %swap3A_299 = vector.shape_cast %swap3A_298 : vector<1x16xf32> to vector<16xf32>
      %swap3A_300 = vector.shape_cast %mul3A_293 : vector<16xf32> to vector<1x16xf32>
      tpu.vector_store %arg13[%swap3A_296, %swap3A_297], %swap3A_300 {strides = array<i32>} : memref<2000x16xf32, #tpu.memory_space<vmem>>, vector<1x16xf32>,
      %add3A_301 = arith.constant 10 : i32
      %add3A_302 = arith.addi %add3A_131, %add3A_301 : i32
      %get3A_303 = arith.index_cast %add3A_302 : i32 to index
      %get3A_304 = arith.constant 0 : index
      %get3A_305 = tpu.vector_load %arg13[%get3A_303, %get3A_304] {strides = array<i32>} : memref<2000x16xf32, #tpu.memory_space<vmem>>, vector<1x16xf32>,
      %get3A_306 = vector.shape_cast %get3A_305 : vector<1x16xf32> to vector<16xf32>
      %slice3A_307 = vector.extract_strided_slice %get3A_133 {offsets = [10], sizes = [1], strides = [1]} : vector<16xf32> to vector<1xf32>
      %squeeze3A_308 = vector.extract %slice3A_307[0] : f32 from vector<1xf32>
      %mul3A_309 = vector.broadcast %squeeze3A_308 : f32 to vector<16xf32>
      %mul3A_310 = arith.mulf %get3A_306, %mul3A_309 : vector<16xf32>
      %add3A_311 = arith.constant 10 : i32
      %add3A_312 = arith.addi %add3A_131, %add3A_311 : i32
      %swap3A_313 = arith.index_cast %add3A_312 : i32 to index
      %swap3A_314 = arith.constant 0 : index
      %swap3A_315 = tpu.vector_load %arg13[%swap3A_313, %swap3A_314] {strides = array<i32>} : memref<2000x16xf32, #tpu.memory_space<vmem>>, vector<1x16xf32>,
      %swap3A_316 = vector.shape_cast %swap3A_315 : vector<1x16xf32> to vector<16xf32>
      %swap3A_317 = vector.shape_cast %mul3A_310 : vector<16xf32> to vector<1x16xf32>
      tpu.vector_store %arg13[%swap3A_313, %swap3A_314], %swap3A_317 {strides = array<i32>} : memref<2000x16xf32, #tpu.memory_space<vmem>>, vector<1x16xf32>,
      %add3A_318 = arith.constant 11 : i32
      %add3A_319 = arith.addi %add3A_131, %add3A_318 : i32
      %get3A_320 = arith.index_cast %add3A_319 : i32 to index
      %get3A_321 = arith.constant 0 : index
      %get3A_322 = tpu.vector_load %arg13[%get3A_320, %get3A_321] {strides = array<i32>} : memref<2000x16xf32, #tpu.memory_space<vmem>>, vector<1x16xf32>,
      %get3A_323 = vector.shape_cast %get3A_322 : vector<1x16xf32> to vector<16xf32>
      %slice3A_324 = vector.extract_strided_slice %get3A_133 {offsets = [11], sizes = [1], strides = [1]} : vector<16xf32> to vector<1xf32>
      %squeeze3A_325 = vector.extract %slice3A_324[0] : f32 from vector<1xf32>
      %mul3A_326 = vector.broadcast %squeeze3A_325 : f32 to vector<16xf32>
      %mul3A_327 = arith.mulf %get3A_323, %mul3A_326 : vector<16xf32>
      %add3A_328 = arith.constant 11 : i32
      %add3A_329 = arith.addi %add3A_131, %add3A_328 : i32
      %swap3A_330 = arith.index_cast %add3A_329 : i32 to index
      %swap3A_331 = arith.constant 0 : index
      %swap3A_332 = tpu.vector_load %arg13[%swap3A_330, %swap3A_331] {strides = array<i32>} : memref<2000x16xf32, #tpu.memory_space<vmem>>, vector<1x16xf32>,
      %swap3A_333 = vector.shape_cast %swap3A_332 : vector<1x16xf32> to vector<16xf32>
      %swap3A_334 = vector.shape_cast %mul3A_327 : vector<16xf32> to vector<1x16xf32>
      tpu.vector_store %arg13[%swap3A_330, %swap3A_331], %swap3A_334 {strides = array<i32>} : memref<2000x16xf32, #tpu.memory_space<vmem>>, vector<1x16xf32>,
      %add3A_335 = arith.constant 12 : i32
      %add3A_336 = arith.addi %add3A_131, %add3A_335 : i32
      %get3A_337 = arith.index_cast %add3A_336 : i32 to index
      %get3A_338 = arith.constant 0 : index
      %get3A_339 = tpu.vector_load %arg13[%get3A_337, %get3A_338] {strides = array<i32>} : memref<2000x16xf32, #tpu.memory_space<vmem>>, vector<1x16xf32>,
      %get3A_340 = vector.shape_cast %get3A_339 : vector<1x16xf32> to vector<16xf32>
      %slice3A_341 = vector.extract_strided_slice %get3A_133 {offsets = [12], sizes = [1], strides = [1]} : vector<16xf32> to vector<1xf32>
      %squeeze3A_342 = vector.extract %slice3A_341[0] : f32 from vector<1xf32>
      %mul3A_343 = vector.broadcast %squeeze3A_342 : f32 to vector<16xf32>
      %mul3A_344 = arith.mulf %get3A_340, %mul3A_343 : vector<16xf32>
      %add3A_345 = arith.constant 12 : i32
      %add3A_346 = arith.addi %add3A_131, %add3A_345 : i32
      %swap3A_347 = arith.index_cast %add3A_346 : i32 to index
      %swap3A_348 = arith.constant 0 : index
      %swap3A_349 = tpu.vector_load %arg13[%swap3A_347, %swap3A_348] {strides = array<i32>} : memref<2000x16xf32, #tpu.memory_space<vmem>>, vector<1x16xf32>,
      %swap3A_350 = vector.shape_cast %swap3A_349 : vector<1x16xf32> to vector<16xf32>
      %swap3A_351 = vector.shape_cast %mul3A_344 : vector<16xf32> to vector<1x16xf32>
      tpu.vector_store %arg13[%swap3A_347, %swap3A_348], %swap3A_351 {strides = array<i32>} : memref<2000x16xf32, #tpu.memory_space<vmem>>, vector<1x16xf32>,
      %add3A_352 = arith.constant 13 : i32
      %add3A_353 = arith.addi %add3A_131, %add3A_352 : i32
      %get3A_354 = arith.index_cast %add3A_353 : i32 to index
      %get3A_355 = arith.constant 0 : index
      %get3A_356 = tpu.vector_load %arg13[%get3A_354, %get3A_355] {strides = array<i32>} : memref<2000x16xf32, #tpu.memory_space<vmem>>, vector<1x16xf32>,
      %get3A_357 = vector.shape_cast %get3A_356 : vector<1x16xf32> to vector<16xf32>
      %slice3A_358 = vector.extract_strided_slice %get3A_133 {offsets = [13], sizes = [1], strides = [1]} : vector<16xf32> to vector<1xf32>
      %squeeze3A_359 = vector.extract %slice3A_358[0] : f32 from vector<1xf32>
      %mul3A_360 = vector.broadcast %squeeze3A_359 : f32 to vector<16xf32>
      %mul3A_361 = arith.mulf %get3A_357, %mul3A_360 : vector<16xf32>
      %add3A_362 = arith.constant 13 : i32
      %add3A_363 = arith.addi %add3A_131, %add3A_362 : i32
      %swap3A_364 = arith.index_cast %add3A_363 : i32 to index
      %swap3A_365 = arith.constant 0 : index
      %swap3A_366 = tpu.vector_load %arg13[%swap3A_364, %swap3A_365] {strides = array<i32>} : memref<2000x16xf32, #tpu.memory_space<vmem>>, vector<1x16xf32>,
      %swap3A_367 = vector.shape_cast %swap3A_366 : vector<1x16xf32> to vector<16xf32>
      %swap3A_368 = vector.shape_cast %mul3A_361 : vector<16xf32> to vector<1x16xf32>
      tpu.vector_store %arg13[%swap3A_364, %swap3A_365], %swap3A_368 {strides = array<i32>} : memref<2000x16xf32, #tpu.memory_space<vmem>>, vector<1x16xf32>,
      %add3A_369 = arith.constant 14 : i32
      %add3A_370 = arith.addi %add3A_131, %add3A_369 : i32
      %get3A_371 = arith.index_cast %add3A_370 : i32 to index
      %get3A_372 = arith.constant 0 : index
      %get3A_373 = tpu.vector_load %arg13[%get3A_371, %get3A_372] {strides = array<i32>} : memref<2000x16xf32, #tpu.memory_space<vmem>>, vector<1x16xf32>,
      %get3A_374 = vector.shape_cast %get3A_373 : vector<1x16xf32> to vector<16xf32>
      %slice3A_375 = vector.extract_strided_slice %get3A_133 {offsets = [14], sizes = [1], strides = [1]} : vector<16xf32> to vector<1xf32>
      %squeeze3A_376 = vector.extract %slice3A_375[0] : f32 from vector<1xf32>
      %mul3A_377 = vector.broadcast %squeeze3A_376 : f32 to vector<16xf32>
      %mul3A_378 = arith.mulf %get3A_374, %mul3A_377 : vector<16xf32>
      %add3A_379 = arith.constant 14 : i32
      %add3A_380 = arith.addi %add3A_131, %add3A_379 : i32
      %swap3A_381 = arith.index_cast %add3A_380 : i32 to index
      %swap3A_382 = arith.constant 0 : index
      %swap3A_383 = tpu.vector_load %arg13[%swap3A_381, %swap3A_382] {strides = array<i32>} : memref<2000x16xf32, #tpu.memory_space<vmem>>, vector<1x16xf32>,
      %swap3A_384 = vector.shape_cast %swap3A_383 : vector<1x16xf32> to vector<16xf32>
      %swap3A_385 = vector.shape_cast %mul3A_378 : vector<16xf32> to vector<1x16xf32>
      tpu.vector_store %arg13[%swap3A_381, %swap3A_382], %swap3A_385 {strides = array<i32>} : memref<2000x16xf32, #tpu.memory_space<vmem>>, vector<1x16xf32>,
      %add3A_386 = arith.constant 15 : i32
      %add3A_387 = arith.addi %add3A_131, %add3A_386 : i32
      %get3A_388 = arith.index_cast %add3A_387 : i32 to index
      %get3A_389 = arith.constant 0 : index
      %get3A_390 = tpu.vector_load %arg13[%get3A_388, %get3A_389] {strides = array<i32>} : memref<2000x16xf32, #tpu.memory_space<vmem>>, vector<1x16xf32>,
      %get3A_391 = vector.shape_cast %get3A_390 : vector<1x16xf32> to vector<16xf32>
      %slice3A_392 = vector.extract_strided_slice %get3A_133 {offsets = [15], sizes = [1], strides = [1]} : vector<16xf32> to vector<1xf32>
      %squeeze3A_393 = vector.extract %slice3A_392[0] : f32 from vector<1xf32>
      %mul3A_394 = vector.broadcast %squeeze3A_393 : f32 to vector<16xf32>
      %mul3A_395 = arith.mulf %get3A_391, %mul3A_394 : vector<16xf32>
      %add3A_396 = arith.constant 15 : i32
      %add3A_397 = arith.addi %add3A_131, %add3A_396 : i32
      %swap3A_398 = arith.index_cast %add3A_397 : i32 to index
      %swap3A_399 = arith.constant 0 : index
      %swap3A_400 = tpu.vector_load %arg13[%swap3A_398, %swap3A_399] {strides = array<i32>} : memref<2000x16xf32, #tpu.memory_space<vmem>>, vector<1x16xf32>,
      %swap3A_401 = vector.shape_cast %swap3A_400 : vector<1x16xf32> to vector<16xf32>
      %swap3A_402 = vector.shape_cast %mul3A_395 : vector<16xf32> to vector<1x16xf32>
      tpu.vector_store %arg13[%swap3A_398, %swap3A_399], %swap3A_402 {strides = array<i32>} : memref<2000x16xf32, #tpu.memory_space<vmem>>, vector<1x16xf32>,
    }
    %scan3A_32 = arith.constant 125 : i32
    %dma_start3A_33 = arith.constant 0 : i32
    %dma_start3A_34 = arith.constant 0 : i32
    %dma_start3A_35 = tpu.memref_slice %arg16[%dma_start3A_33, %dma_start3A_34] : memref<10240x16xf32, #tpu.memory_space<vmem_shared>> -> memref<10240x16xf32, #tpu.memory_space<vmem_shared>>
    tpu.enqueue_indirect_dma source(%arg13 : memref<2000x16xf32, #tpu.memory_space<vmem>>) target(%dma_start3A_35 : memref<10240x16xf32, #tpu.memory_space<vmem_shared>>) offsets(%arg9 : memref<2000xi32, #tpu.memory_space<vmem>>) semaphore(%arg19 : memref<!tpu.dma_semaphore, #tpu.memory_space<semaphore_mem>>) {add = true}
    %dma_wait3A_36 = arith.constant 0 : i32
    %dma_wait3A_37 = arith.constant 0 : i32
    %dma_wait3A_38 = tpu.memref_slice %arg16[%dma_wait3A_36, %dma_wait3A_37] : memref<10240x16xf32, #tpu.memory_space<vmem_shared>> -> memref<10240x16xf32, #tpu.memory_space<vmem_shared>>
    tpu.wait_indirect_dma semaphore(%arg19 : memref<!tpu.dma_semaphore, #tpu.memory_space<semaphore_mem>>) src(%arg13 : memref<2000x16xf32, #tpu.memory_space<vmem>>) dst(%dma_wait3A_38 : memref<10240x16xf32, #tpu.memory_space<vmem_shared>>)
    %add3A_39 = arith.constant 4000 : i32
    %add3A_40 = arith.addi %mul3A_8, %add3A_39 : i32
    "tpu.region"() ({
      %run_scoped3A = tpu.sem_alloc : memref<!tpu.dma_semaphore, #tpu.memory_space<semaphore_mem>>
      %dma_start3A_127 = tpu.memref_slice %arg3[%add3A_40] : memref<320000xi32, #tpu.memory_space<hbm>> -> memref<2000xi32, #tpu.memory_space<hbm>>
      %dma_start3A_128 = tpu.memref_slice %arg3[%add3A_40] : memref<320000xi32, #tpu.memory_space<hbm>> -> memref<2000xi32, #tpu.memory_space<hbm>>
      tpu.enqueue_dma source(%dma_start3A_128 : memref<2000xi32, #tpu.memory_space<hbm>>) target(%arg7 : memref<2000xi32, #tpu.memory_space<vmem>>) target_semaphore(%run_scoped3A : memref<!tpu.dma_semaphore, #tpu.memory_space<semaphore_mem>>)
      %dma_wait3A_129 = tpu.memref_slice %arg3[%add3A_40] : memref<320000xi32, #tpu.memory_space<hbm>> -> memref<2000xi32, #tpu.memory_space<hbm>>
      %dma_wait3A_130 = tpu.memref_slice %arg3[%add3A_40] : memref<320000xi32, #tpu.memory_space<hbm>> -> memref<2000xi32, #tpu.memory_space<hbm>>
      tpu.wait_dma2 semaphore(%run_scoped3A : memref<!tpu.dma_semaphore, #tpu.memory_space<semaphore_mem>>) src(%dma_wait3A_130 : memref<2000xi32, #tpu.memory_space<hbm>>) dst(%arg7 : memref<2000xi32, #tpu.memory_space<vmem>>)
      tpu.yield
    }) : () -> ()
    %add3A_41 = arith.constant 4000 : i32
    %add3A_42 = arith.addi %mul3A_8, %add3A_41 : i32
    "tpu.region"() ({
      %run_scoped3A = tpu.sem_alloc : memref<!tpu.dma_semaphore, #tpu.memory_space<semaphore_mem>>
      %dma_start3A_127 = tpu.memref_slice %arg4[%add3A_42] : memref<320000xi32, #tpu.memory_space<hbm>> -> memref<2000xi32, #tpu.memory_space<hbm>>
      %dma_start3A_128 = tpu.memref_slice %arg4[%add3A_42] : memref<320000xi32, #tpu.memory_space<hbm>> -> memref<2000xi32, #tpu.memory_space<hbm>>
      tpu.enqueue_dma source(%dma_start3A_128 : memref<2000xi32, #tpu.memory_space<hbm>>) target(%arg9 : memref<2000xi32, #tpu.memory_space<vmem>>) target_semaphore(%run_scoped3A : memref<!tpu.dma_semaphore, #tpu.memory_space<semaphore_mem>>)
      %dma_wait3A_129 = tpu.memref_slice %arg4[%add3A_42] : memref<320000xi32, #tpu.memory_space<hbm>> -> memref<2000xi32, #tpu.memory_space<hbm>>
      %dma_wait3A_130 = tpu.memref_slice %arg4[%add3A_42] : memref<320000xi32, #tpu.memory_space<hbm>> -> memref<2000xi32, #tpu.memory_space<hbm>>
      tpu.wait_dma2 semaphore(%run_scoped3A : memref<!tpu.dma_semaphore, #tpu.memory_space<semaphore_mem>>) src(%dma_wait3A_130 : memref<2000xi32, #tpu.memory_space<hbm>>) dst(%arg9 : memref<2000xi32, #tpu.memory_space<vmem>>)
      tpu.yield
    }) : () -> ()
    %add3A_43 = arith.constant 4000 : i32
    %add3A_44 = arith.addi %mul3A_8, %add3A_43 : i32
    "tpu.region"() ({
      %run_scoped3A = tpu.sem_alloc : memref<!tpu.dma_semaphore, #tpu.memory_space<semaphore_mem>>
      %dma_start3A_127 = tpu.memref_slice %arg5[%add3A_44] : memref<320000xf32, #tpu.memory_space<hbm>> -> memref<2000xf32, #tpu.memory_space<hbm>>
      %dma_start3A_128 = tpu.memref_slice %arg5[%add3A_44] : memref<320000xf32, #tpu.memory_space<hbm>> -> memref<2000xf32, #tpu.memory_space<hbm>>
      tpu.enqueue_dma source(%dma_start3A_128 : memref<2000xf32, #tpu.memory_space<hbm>>) target(%arg11 : memref<2000xf32, #tpu.memory_space<vmem>>) target_semaphore(%run_scoped3A : memref<!tpu.dma_semaphore, #tpu.memory_space<semaphore_mem>>)
      %dma_wait3A_129 = tpu.memref_slice %arg5[%add3A_44] : memref<320000xf32, #tpu.memory_space<hbm>> -> memref<2000xf32, #tpu.memory_space<hbm>>
      %dma_wait3A_130 = tpu.memref_slice %arg5[%add3A_44] : memref<320000xf32, #tpu.memory_space<hbm>> -> memref<2000xf32, #tpu.memory_space<hbm>>
      tpu.wait_dma2 semaphore(%run_scoped3A : memref<!tpu.dma_semaphore, #tpu.memory_space<semaphore_mem>>) src(%dma_wait3A_130 : memref<2000xf32, #tpu.memory_space<hbm>>) dst(%arg11 : memref<2000xf32, #tpu.memory_space<vmem>>)
      tpu.yield
    }) : () -> ()
    %dma_start3A_45 = arith.constant 0 : i32
    %dma_start3A_46 = arith.constant 0 : i32
    %dma_start3A_47 = tpu.memref_slice %arg2[%dma_start3A_45, %dma_start3A_46] : memref<10000x16xf32, #tpu.memory_space<hbm>> -> memref<10000x16xf32, #tpu.memory_space<hbm>>
    tpu.enqueue_indirect_dma source(%dma_start3A_47 : memref<10000x16xf32, #tpu.memory_space<hbm>>) target(%arg13 : memref<2000x16xf32, #tpu.memory_space<vmem>>) offsets(%arg7 : memref<2000xi32, #tpu.memory_space<vmem>>) semaphore(%arg17 : memref<!tpu.dma_semaphore, #tpu.memory_space<semaphore_mem>>)
    %dma_wait3A_48 = arith.constant 0 : i32
    %dma_wait3A_49 = arith.constant 0 : i32
    %dma_wait3A_50 = tpu.memref_slice %arg2[%dma_wait3A_48, %dma_wait3A_49] : memref<10000x16xf32, #tpu.memory_space<hbm>> -> memref<10000x16xf32, #tpu.memory_space<hbm>>
    tpu.wait_indirect_dma semaphore(%arg18 : memref<!tpu.dma_semaphore, #tpu.memory_space<semaphore_mem>>) src(%dma_wait3A_50 : memref<10000x16xf32, #tpu.memory_space<hbm>>) dst(%arg14 : memref<2000x16xf32, #tpu.memory_space<vmem>>)
    %scan3A_51 = arith.constant 0 : i32
    %scan3A_52 = arith.constant 125 : i32
    %scan3A_53 = arith.addi %scan3A_51, %scan3A_52 : i32
    %scan3A_54 = arith.constant 1 : i32
    scf.for %scan3A_127 = %scan3A_51 to %scan3A_53 step %scan3A_54  : i32 {
      %mul3A_128 = arith.constant 16 : i32
      %mul3A_129 = arith.muli %scan3A_127, %mul3A_128 : i32
      %add3A_130 = arith.constant 0 : i32
      %add3A_131 = arith.addi %add3A_130, %mul3A_129 : i32
      %get3A = arith.index_cast %add3A_131 : i32 to index
      %get3A_132 = tpu.vector_load %arg12[%get3A] {strides = array<i32>} : memref<2000xf32, #tpu.memory_space<vmem>>, vector<16xf32>,
      %get3A_133 = vector.shape_cast %get3A_132 : vector<16xf32> to vector<16xf32>
      %add3A_134 = arith.constant 0 : i32
      %add3A_135 = arith.addi %add3A_131, %add3A_134 : i32
      %get3A_136 = arith.index_cast %add3A_135 : i32 to index
      %get3A_137 = arith.constant 0 : index
      %get3A_138 = tpu.vector_load %arg14[%get3A_136, %get3A_137] {strides = array<i32>} : memref<2000x16xf32, #tpu.memory_space<vmem>>, vector<1x16xf32>,
      %get3A_139 = vector.shape_cast %get3A_138 : vector<1x16xf32> to vector<16xf32>
      %slice3A = vector.extract_strided_slice %get3A_133 {offsets = [0], sizes = [1], strides = [1]} : vector<16xf32> to vector<1xf32>
      %squeeze3A = vector.extract %slice3A[0] : f32 from vector<1xf32>
      %mul3A_140 = vector.broadcast %squeeze3A : f32 to vector<16xf32>
      %mul3A_141 = arith.mulf %get3A_139, %mul3A_140 : vector<16xf32>
      %add3A_142 = arith.constant 0 : i32
      %add3A_143 = arith.addi %add3A_131, %add3A_142 : i32
      %swap3A = arith.index_cast %add3A_143 : i32 to index
      %swap3A_144 = arith.constant 0 : index
      %swap3A_145 = tpu.vector_load %arg14[%swap3A, %swap3A_144] {strides = array<i32>} : memref<2000x16xf32, #tpu.memory_space<vmem>>, vector<1x16xf32>,
      %swap3A_146 = vector.shape_cast %swap3A_145 : vector<1x16xf32> to vector<16xf32>
      %swap3A_147 = vector.shape_cast %mul3A_141 : vector<16xf32> to vector<1x16xf32>
      tpu.vector_store %arg14[%swap3A, %swap3A_144], %swap3A_147 {strides = array<i32>} : memref<2000x16xf32, #tpu.memory_space<vmem>>, vector<1x16xf32>,
      %add3A_148 = arith.constant 1 : i32
      %add3A_149 = arith.addi %add3A_131, %add3A_148 : i32
      %get3A_150 = arith.index_cast %add3A_149 : i32 to index
      %get3A_151 = arith.constant 0 : index
      %get3A_152 = tpu.vector_load %arg14[%get3A_150, %get3A_151] {strides = array<i32>} : memref<2000x16xf32, #tpu.memory_space<vmem>>, vector<1x16xf32>,
      %get3A_153 = vector.shape_cast %get3A_152 : vector<1x16xf32> to vector<16xf32>
      %slice3A_154 = vector.extract_strided_slice %get3A_133 {offsets = [1], sizes = [1], strides = [1]} : vector<16xf32> to vector<1xf32>
      %squeeze3A_155 = vector.extract %slice3A_154[0] : f32 from vector<1xf32>
      %mul3A_156 = vector.broadcast %squeeze3A_155 : f32 to vector<16xf32>
      %mul3A_157 = arith.mulf %get3A_153, %mul3A_156 : vector<16xf32>
      %add3A_158 = arith.constant 1 : i32
      %add3A_159 = arith.addi %add3A_131, %add3A_158 : i32
      %swap3A_160 = arith.index_cast %add3A_159 : i32 to index
      %swap3A_161 = arith.constant 0 : index
      %swap3A_162 = tpu.vector_load %arg14[%swap3A_160, %swap3A_161] {strides = array<i32>} : memref<2000x16xf32, #tpu.memory_space<vmem>>, vector<1x16xf32>,
      %swap3A_163 = vector.shape_cast %swap3A_162 : vector<1x16xf32> to vector<16xf32>
      %swap3A_164 = vector.shape_cast %mul3A_157 : vector<16xf32> to vector<1x16xf32>
      tpu.vector_store %arg14[%swap3A_160, %swap3A_161], %swap3A_164 {strides = array<i32>} : memref<2000x16xf32, #tpu.memory_space<vmem>>, vector<1x16xf32>,
      %add3A_165 = arith.constant 2 : i32
      %add3A_166 = arith.addi %add3A_131, %add3A_165 : i32
      %get3A_167 = arith.index_cast %add3A_166 : i32 to index
      %get3A_168 = arith.constant 0 : index
      %get3A_169 = tpu.vector_load %arg14[%get3A_167, %get3A_168] {strides = array<i32>} : memref<2000x16xf32, #tpu.memory_space<vmem>>, vector<1x16xf32>,
      %get3A_170 = vector.shape_cast %get3A_169 : vector<1x16xf32> to vector<16xf32>
      %slice3A_171 = vector.extract_strided_slice %get3A_133 {offsets = [2], sizes = [1], strides = [1]} : vector<16xf32> to vector<1xf32>
      %squeeze3A_172 = vector.extract %slice3A_171[0] : f32 from vector<1xf32>
      %mul3A_173 = vector.broadcast %squeeze3A_172 : f32 to vector<16xf32>
      %mul3A_174 = arith.mulf %get3A_170, %mul3A_173 : vector<16xf32>
      %add3A_175 = arith.constant 2 : i32
      %add3A_176 = arith.addi %add3A_131, %add3A_175 : i32
      %swap3A_177 = arith.index_cast %add3A_176 : i32 to index
      %swap3A_178 = arith.constant 0 : index
      %swap3A_179 = tpu.vector_load %arg14[%swap3A_177, %swap3A_178] {strides = array<i32>} : memref<2000x16xf32, #tpu.memory_space<vmem>>, vector<1x16xf32>,
      %swap3A_180 = vector.shape_cast %swap3A_179 : vector<1x16xf32> to vector<16xf32>
      %swap3A_181 = vector.shape_cast %mul3A_174 : vector<16xf32> to vector<1x16xf32>
      tpu.vector_store %arg14[%swap3A_177, %swap3A_178], %swap3A_181 {strides = array<i32>} : memref<2000x16xf32, #tpu.memory_space<vmem>>, vector<1x16xf32>,
      %add3A_182 = arith.constant 3 : i32
      %add3A_183 = arith.addi %add3A_131, %add3A_182 : i32
      %get3A_184 = arith.index_cast %add3A_183 : i32 to index
      %get3A_185 = arith.constant 0 : index
      %get3A_186 = tpu.vector_load %arg14[%get3A_184, %get3A_185] {strides = array<i32>} : memref<2000x16xf32, #tpu.memory_space<vmem>>, vector<1x16xf32>,
      %get3A_187 = vector.shape_cast %get3A_186 : vector<1x16xf32> to vector<16xf32>
      %slice3A_188 = vector.extract_strided_slice %get3A_133 {offsets = [3], sizes = [1], strides = [1]} : vector<16xf32> to vector<1xf32>
      %squeeze3A_189 = vector.extract %slice3A_188[0] : f32 from vector<1xf32>
      %mul3A_190 = vector.broadcast %squeeze3A_189 : f32 to vector<16xf32>
      %mul3A_191 = arith.mulf %get3A_187, %mul3A_190 : vector<16xf32>
      %add3A_192 = arith.constant 3 : i32
      %add3A_193 = arith.addi %add3A_131, %add3A_192 : i32
      %swap3A_194 = arith.index_cast %add3A_193 : i32 to index
      %swap3A_195 = arith.constant 0 : index
      %swap3A_196 = tpu.vector_load %arg14[%swap3A_194, %swap3A_195] {strides = array<i32>} : memref<2000x16xf32, #tpu.memory_space<vmem>>, vector<1x16xf32>,
      %swap3A_197 = vector.shape_cast %swap3A_196 : vector<1x16xf32> to vector<16xf32>
      %swap3A_198 = vector.shape_cast %mul3A_191 : vector<16xf32> to vector<1x16xf32>
      tpu.vector_store %arg14[%swap3A_194, %swap3A_195], %swap3A_198 {strides = array<i32>} : memref<2000x16xf32, #tpu.memory_space<vmem>>, vector<1x16xf32>,
      %add3A_199 = arith.constant 4 : i32
      %add3A_200 = arith.addi %add3A_131, %add3A_199 : i32
      %get3A_201 = arith.index_cast %add3A_200 : i32 to index
      %get3A_202 = arith.constant 0 : index
      %get3A_203 = tpu.vector_load %arg14[%get3A_201, %get3A_202] {strides = array<i32>} : memref<2000x16xf32, #tpu.memory_space<vmem>>, vector<1x16xf32>,
      %get3A_204 = vector.shape_cast %get3A_203 : vector<1x16xf32> to vector<16xf32>
      %slice3A_205 = vector.extract_strided_slice %get3A_133 {offsets = [4], sizes = [1], strides = [1]} : vector<16xf32> to vector<1xf32>
      %squeeze3A_206 = vector.extract %slice3A_205[0] : f32 from vector<1xf32>
      %mul3A_207 = vector.broadcast %squeeze3A_206 : f32 to vector<16xf32>
      %mul3A_208 = arith.mulf %get3A_204, %mul3A_207 : vector<16xf32>
      %add3A_209 = arith.constant 4 : i32
      %add3A_210 = arith.addi %add3A_131, %add3A_209 : i32
      %swap3A_211 = arith.index_cast %add3A_210 : i32 to index
      %swap3A_212 = arith.constant 0 : index
      %swap3A_213 = tpu.vector_load %arg14[%swap3A_211, %swap3A_212] {strides = array<i32>} : memref<2000x16xf32, #tpu.memory_space<vmem>>, vector<1x16xf32>,
      %swap3A_214 = vector.shape_cast %swap3A_213 : vector<1x16xf32> to vector<16xf32>
      %swap3A_215 = vector.shape_cast %mul3A_208 : vector<16xf32> to vector<1x16xf32>
      tpu.vector_store %arg14[%swap3A_211, %swap3A_212], %swap3A_215 {strides = array<i32>} : memref<2000x16xf32, #tpu.memory_space<vmem>>, vector<1x16xf32>,
      %add3A_216 = arith.constant 5 : i32
      %add3A_217 = arith.addi %add3A_131, %add3A_216 : i32
      %get3A_218 = arith.index_cast %add3A_217 : i32 to index
      %get3A_219 = arith.constant 0 : index
      %get3A_220 = tpu.vector_load %arg14[%get3A_218, %get3A_219] {strides = array<i32>} : memref<2000x16xf32, #tpu.memory_space<vmem>>, vector<1x16xf32>,
      %get3A_221 = vector.shape_cast %get3A_220 : vector<1x16xf32> to vector<16xf32>
      %slice3A_222 = vector.extract_strided_slice %get3A_133 {offsets = [5], sizes = [1], strides = [1]} : vector<16xf32> to vector<1xf32>
      %squeeze3A_223 = vector.extract %slice3A_222[0] : f32 from vector<1xf32>
      %mul3A_224 = vector.broadcast %squeeze3A_223 : f32 to vector<16xf32>
      %mul3A_225 = arith.mulf %get3A_221, %mul3A_224 : vector<16xf32>
      %add3A_226 = arith.constant 5 : i32
      %add3A_227 = arith.addi %add3A_131, %add3A_226 : i32
      %swap3A_228 = arith.index_cast %add3A_227 : i32 to index
      %swap3A_229 = arith.constant 0 : index
      %swap3A_230 = tpu.vector_load %arg14[%swap3A_228, %swap3A_229] {strides = array<i32>} : memref<2000x16xf32, #tpu.memory_space<vmem>>, vector<1x16xf32>,
      %swap3A_231 = vector.shape_cast %swap3A_230 : vector<1x16xf32> to vector<16xf32>
      %swap3A_232 = vector.shape_cast %mul3A_225 : vector<16xf32> to vector<1x16xf32>
      tpu.vector_store %arg14[%swap3A_228, %swap3A_229], %swap3A_232 {strides = array<i32>} : memref<2000x16xf32, #tpu.memory_space<vmem>>, vector<1x16xf32>,
      %add3A_233 = arith.constant 6 : i32
      %add3A_234 = arith.addi %add3A_131, %add3A_233 : i32
      %get3A_235 = arith.index_cast %add3A_234 : i32 to index
      %get3A_236 = arith.constant 0 : index
      %get3A_237 = tpu.vector_load %arg14[%get3A_235, %get3A_236] {strides = array<i32>} : memref<2000x16xf32, #tpu.memory_space<vmem>>, vector<1x16xf32>,
      %get3A_238 = vector.shape_cast %get3A_237 : vector<1x16xf32> to vector<16xf32>
      %slice3A_239 = vector.extract_strided_slice %get3A_133 {offsets = [6], sizes = [1], strides = [1]} : vector<16xf32> to vector<1xf32>
      %squeeze3A_240 = vector.extract %slice3A_239[0] : f32 from vector<1xf32>
      %mul3A_241 = vector.broadcast %squeeze3A_240 : f32 to vector<16xf32>
      %mul3A_242 = arith.mulf %get3A_238, %mul3A_241 : vector<16xf32>
      %add3A_243 = arith.constant 6 : i32
      %add3A_244 = arith.addi %add3A_131, %add3A_243 : i32
      %swap3A_245 = arith.index_cast %add3A_244 : i32 to index
      %swap3A_246 = arith.constant 0 : index
      %swap3A_247 = tpu.vector_load %arg14[%swap3A_245, %swap3A_246] {strides = array<i32>} : memref<2000x16xf32, #tpu.memory_space<vmem>>, vector<1x16xf32>,
      %swap3A_248 = vector.shape_cast %swap3A_247 : vector<1x16xf32> to vector<16xf32>
      %swap3A_249 = vector.shape_cast %mul3A_242 : vector<16xf32> to vector<1x16xf32>
      tpu.vector_store %arg14[%swap3A_245, %swap3A_246], %swap3A_249 {strides = array<i32>} : memref<2000x16xf32, #tpu.memory_space<vmem>>, vector<1x16xf32>,
      %add3A_250 = arith.constant 7 : i32
      %add3A_251 = arith.addi %add3A_131, %add3A_250 : i32
      %get3A_252 = arith.index_cast %add3A_251 : i32 to index
      %get3A_253 = arith.constant 0 : index
      %get3A_254 = tpu.vector_load %arg14[%get3A_252, %get3A_253] {strides = array<i32>} : memref<2000x16xf32, #tpu.memory_space<vmem>>, vector<1x16xf32>,
      %get3A_255 = vector.shape_cast %get3A_254 : vector<1x16xf32> to vector<16xf32>
      %slice3A_256 = vector.extract_strided_slice %get3A_133 {offsets = [7], sizes = [1], strides = [1]} : vector<16xf32> to vector<1xf32>
      %squeeze3A_257 = vector.extract %slice3A_256[0] : f32 from vector<1xf32>
      %mul3A_258 = vector.broadcast %squeeze3A_257 : f32 to vector<16xf32>
      %mul3A_259 = arith.mulf %get3A_255, %mul3A_258 : vector<16xf32>
      %add3A_260 = arith.constant 7 : i32
      %add3A_261 = arith.addi %add3A_131, %add3A_260 : i32
      %swap3A_262 = arith.index_cast %add3A_261 : i32 to index
      %swap3A_263 = arith.constant 0 : index
      %swap3A_264 = tpu.vector_load %arg14[%swap3A_262, %swap3A_263] {strides = array<i32>} : memref<2000x16xf32, #tpu.memory_space<vmem>>, vector<1x16xf32>,
      %swap3A_265 = vector.shape_cast %swap3A_264 : vector<1x16xf32> to vector<16xf32>
      %swap3A_266 = vector.shape_cast %mul3A_259 : vector<16xf32> to vector<1x16xf32>
      tpu.vector_store %arg14[%swap3A_262, %swap3A_263], %swap3A_266 {strides = array<i32>} : memref<2000x16xf32, #tpu.memory_space<vmem>>, vector<1x16xf32>,
      %add3A_267 = arith.constant 8 : i32
      %add3A_268 = arith.addi %add3A_131, %add3A_267 : i32
      %get3A_269 = arith.index_cast %add3A_268 : i32 to index
      %get3A_270 = arith.constant 0 : index
      %get3A_271 = tpu.vector_load %arg14[%get3A_269, %get3A_270] {strides = array<i32>} : memref<2000x16xf32, #tpu.memory_space<vmem>>, vector<1x16xf32>,
      %get3A_272 = vector.shape_cast %get3A_271 : vector<1x16xf32> to vector<16xf32>
      %slice3A_273 = vector.extract_strided_slice %get3A_133 {offsets = [8], sizes = [1], strides = [1]} : vector<16xf32> to vector<1xf32>
      %squeeze3A_274 = vector.extract %slice3A_273[0] : f32 from vector<1xf32>
      %mul3A_275 = vector.broadcast %squeeze3A_274 : f32 to vector<16xf32>
      %mul3A_276 = arith.mulf %get3A_272, %mul3A_275 : vector<16xf32>
      %add3A_277 = arith.constant 8 : i32
      %add3A_278 = arith.addi %add3A_131, %add3A_277 : i32
      %swap3A_279 = arith.index_cast %add3A_278 : i32 to index
      %swap3A_280 = arith.constant 0 : index
      %swap3A_281 = tpu.vector_load %arg14[%swap3A_279, %swap3A_280] {strides = array<i32>} : memref<2000x16xf32, #tpu.memory_space<vmem>>, vector<1x16xf32>,
      %swap3A_282 = vector.shape_cast %swap3A_281 : vector<1x16xf32> to vector<16xf32>
      %swap3A_283 = vector.shape_cast %mul3A_276 : vector<16xf32> to vector<1x16xf32>
      tpu.vector_store %arg14[%swap3A_279, %swap3A_280], %swap3A_283 {strides = array<i32>} : memref<2000x16xf32, #tpu.memory_space<vmem>>, vector<1x16xf32>,
      %add3A_284 = arith.constant 9 : i32
      %add3A_285 = arith.addi %add3A_131, %add3A_284 : i32
      %get3A_286 = arith.index_cast %add3A_285 : i32 to index
      %get3A_287 = arith.constant 0 : index
      %get3A_288 = tpu.vector_load %arg14[%get3A_286, %get3A_287] {strides = array<i32>} : memref<2000x16xf32, #tpu.memory_space<vmem>>, vector<1x16xf32>,
      %get3A_289 = vector.shape_cast %get3A_288 : vector<1x16xf32> to vector<16xf32>
      %slice3A_290 = vector.extract_strided_slice %get3A_133 {offsets = [9], sizes = [1], strides = [1]} : vector<16xf32> to vector<1xf32>
      %squeeze3A_291 = vector.extract %slice3A_290[0] : f32 from vector<1xf32>
      %mul3A_292 = vector.broadcast %squeeze3A_291 : f32 to vector<16xf32>
      %mul3A_293 = arith.mulf %get3A_289, %mul3A_292 : vector<16xf32>
      %add3A_294 = arith.constant 9 : i32
      %add3A_295 = arith.addi %add3A_131, %add3A_294 : i32
      %swap3A_296 = arith.index_cast %add3A_295 : i32 to index
      %swap3A_297 = arith.constant 0 : index
      %swap3A_298 = tpu.vector_load %arg14[%swap3A_296, %swap3A_297] {strides = array<i32>} : memref<2000x16xf32, #tpu.memory_space<vmem>>, vector<1x16xf32>,
      %swap3A_299 = vector.shape_cast %swap3A_298 : vector<1x16xf32> to vector<16xf32>
      %swap3A_300 = vector.shape_cast %mul3A_293 : vector<16xf32> to vector<1x16xf32>
      tpu.vector_store %arg14[%swap3A_296, %swap3A_297], %swap3A_300 {strides = array<i32>} : memref<2000x16xf32, #tpu.memory_space<vmem>>, vector<1x16xf32>,
      %add3A_301 = arith.constant 10 : i32
      %add3A_302 = arith.addi %add3A_131, %add3A_301 : i32
      %get3A_303 = arith.index_cast %add3A_302 : i32 to index
      %get3A_304 = arith.constant 0 : index
      %get3A_305 = tpu.vector_load %arg14[%get3A_303, %get3A_304] {strides = array<i32>} : memref<2000x16xf32, #tpu.memory_space<vmem>>, vector<1x16xf32>,
      %get3A_306 = vector.shape_cast %get3A_305 : vector<1x16xf32> to vector<16xf32>
      %slice3A_307 = vector.extract_strided_slice %get3A_133 {offsets = [10], sizes = [1], strides = [1]} : vector<16xf32> to vector<1xf32>
      %squeeze3A_308 = vector.extract %slice3A_307[0] : f32 from vector<1xf32>
      %mul3A_309 = vector.broadcast %squeeze3A_308 : f32 to vector<16xf32>
      %mul3A_310 = arith.mulf %get3A_306, %mul3A_309 : vector<16xf32>
      %add3A_311 = arith.constant 10 : i32
      %add3A_312 = arith.addi %add3A_131, %add3A_311 : i32
      %swap3A_313 = arith.index_cast %add3A_312 : i32 to index
      %swap3A_314 = arith.constant 0 : index
      %swap3A_315 = tpu.vector_load %arg14[%swap3A_313, %swap3A_314] {strides = array<i32>} : memref<2000x16xf32, #tpu.memory_space<vmem>>, vector<1x16xf32>,
      %swap3A_316 = vector.shape_cast %swap3A_315 : vector<1x16xf32> to vector<16xf32>
      %swap3A_317 = vector.shape_cast %mul3A_310 : vector<16xf32> to vector<1x16xf32>
      tpu.vector_store %arg14[%swap3A_313, %swap3A_314], %swap3A_317 {strides = array<i32>} : memref<2000x16xf32, #tpu.memory_space<vmem>>, vector<1x16xf32>,
      %add3A_318 = arith.constant 11 : i32
      %add3A_319 = arith.addi %add3A_131, %add3A_318 : i32
      %get3A_320 = arith.index_cast %add3A_319 : i32 to index
      %get3A_321 = arith.constant 0 : index
      %get3A_322 = tpu.vector_load %arg14[%get3A_320, %get3A_321] {strides = array<i32>} : memref<2000x16xf32, #tpu.memory_space<vmem>>, vector<1x16xf32>,
      %get3A_323 = vector.shape_cast %get3A_322 : vector<1x16xf32> to vector<16xf32>
      %slice3A_324 = vector.extract_strided_slice %get3A_133 {offsets = [11], sizes = [1], strides = [1]} : vector<16xf32> to vector<1xf32>
      %squeeze3A_325 = vector.extract %slice3A_324[0] : f32 from vector<1xf32>
      %mul3A_326 = vector.broadcast %squeeze3A_325 : f32 to vector<16xf32>
      %mul3A_327 = arith.mulf %get3A_323, %mul3A_326 : vector<16xf32>
      %add3A_328 = arith.constant 11 : i32
      %add3A_329 = arith.addi %add3A_131, %add3A_328 : i32
      %swap3A_330 = arith.index_cast %add3A_329 : i32 to index
      %swap3A_331 = arith.constant 0 : index
      %swap3A_332 = tpu.vector_load %arg14[%swap3A_330, %swap3A_331] {strides = array<i32>} : memref<2000x16xf32, #tpu.memory_space<vmem>>, vector<1x16xf32>,
      %swap3A_333 = vector.shape_cast %swap3A_332 : vector<1x16xf32> to vector<16xf32>
      %swap3A_334 = vector.shape_cast %mul3A_327 : vector<16xf32> to vector<1x16xf32>
      tpu.vector_store %arg14[%swap3A_330, %swap3A_331], %swap3A_334 {strides = array<i32>} : memref<2000x16xf32, #tpu.memory_space<vmem>>, vector<1x16xf32>,
      %add3A_335 = arith.constant 12 : i32
      %add3A_336 = arith.addi %add3A_131, %add3A_335 : i32
      %get3A_337 = arith.index_cast %add3A_336 : i32 to index
      %get3A_338 = arith.constant 0 : index
      %get3A_339 = tpu.vector_load %arg14[%get3A_337, %get3A_338] {strides = array<i32>} : memref<2000x16xf32, #tpu.memory_space<vmem>>, vector<1x16xf32>,
      %get3A_340 = vector.shape_cast %get3A_339 : vector<1x16xf32> to vector<16xf32>
      %slice3A_341 = vector.extract_strided_slice %get3A_133 {offsets = [12], sizes = [1], strides = [1]} : vector<16xf32> to vector<1xf32>
      %squeeze3A_342 = vector.extract %slice3A_341[0] : f32 from vector<1xf32>
      %mul3A_343 = vector.broadcast %squeeze3A_342 : f32 to vector<16xf32>
      %mul3A_344 = arith.mulf %get3A_340, %mul3A_343 : vector<16xf32>
      %add3A_345 = arith.constant 12 : i32
      %add3A_346 = arith.addi %add3A_131, %add3A_345 : i32
      %swap3A_347 = arith.index_cast %add3A_346 : i32 to index
      %swap3A_348 = arith.constant 0 : index
      %swap3A_349 = tpu.vector_load %arg14[%swap3A_347, %swap3A_348] {strides = array<i32>} : memref<2000x16xf32, #tpu.memory_space<vmem>>, vector<1x16xf32>,
      %swap3A_350 = vector.shape_cast %swap3A_349 : vector<1x16xf32> to vector<16xf32>
      %swap3A_351 = vector.shape_cast %mul3A_344 : vector<16xf32> to vector<1x16xf32>
      tpu.vector_store %arg14[%swap3A_347, %swap3A_348], %swap3A_351 {strides = array<i32>} : memref<2000x16xf32, #tpu.memory_space<vmem>>, vector<1x16xf32>,
      %add3A_352 = arith.constant 13 : i32
      %add3A_353 = arith.addi %add3A_131, %add3A_352 : i32
      %get3A_354 = arith.index_cast %add3A_353 : i32 to index
      %get3A_355 = arith.constant 0 : index
      %get3A_356 = tpu.vector_load %arg14[%get3A_354, %get3A_355] {strides = array<i32>} : memref<2000x16xf32, #tpu.memory_space<vmem>>, vector<1x16xf32>,
      %get3A_357 = vector.shape_cast %get3A_356 : vector<1x16xf32> to vector<16xf32>
      %slice3A_358 = vector.extract_strided_slice %get3A_133 {offsets = [13], sizes = [1], strides = [1]} : vector<16xf32> to vector<1xf32>
      %squeeze3A_359 = vector.extract %slice3A_358[0] : f32 from vector<1xf32>
      %mul3A_360 = vector.broadcast %squeeze3A_359 : f32 to vector<16xf32>
      %mul3A_361 = arith.mulf %get3A_357, %mul3A_360 : vector<16xf32>
      %add3A_362 = arith.constant 13 : i32
      %add3A_363 = arith.addi %add3A_131, %add3A_362 : i32
      %swap3A_364 = arith.index_cast %add3A_363 : i32 to index
      %swap3A_365 = arith.constant 0 : index
      %swap3A_366 = tpu.vector_load %arg14[%swap3A_364, %swap3A_365] {strides = array<i32>} : memref<2000x16xf32, #tpu.memory_space<vmem>>, vector<1x16xf32>,
      %swap3A_367 = vector.shape_cast %swap3A_366 : vector<1x16xf32> to vector<16xf32>
      %swap3A_368 = vector.shape_cast %mul3A_361 : vector<16xf32> to vector<1x16xf32>
      tpu.vector_store %arg14[%swap3A_364, %swap3A_365], %swap3A_368 {strides = array<i32>} : memref<2000x16xf32, #tpu.memory_space<vmem>>, vector<1x16xf32>,
      %add3A_369 = arith.constant 14 : i32
      %add3A_370 = arith.addi %add3A_131, %add3A_369 : i32
      %get3A_371 = arith.index_cast %add3A_370 : i32 to index
      %get3A_372 = arith.constant 0 : index
      %get3A_373 = tpu.vector_load %arg14[%get3A_371, %get3A_372] {strides = array<i32>} : memref<2000x16xf32, #tpu.memory_space<vmem>>, vector<1x16xf32>,
      %get3A_374 = vector.shape_cast %get3A_373 : vector<1x16xf32> to vector<16xf32>
      %slice3A_375 = vector.extract_strided_slice %get3A_133 {offsets = [14], sizes = [1], strides = [1]} : vector<16xf32> to vector<1xf32>
      %squeeze3A_376 = vector.extract %slice3A_375[0] : f32 from vector<1xf32>
      %mul3A_377 = vector.broadcast %squeeze3A_376 : f32 to vector<16xf32>
      %mul3A_378 = arith.mulf %get3A_374, %mul3A_377 : vector<16xf32>
      %add3A_379 = arith.constant 14 : i32
      %add3A_380 = arith.addi %add3A_131, %add3A_379 : i32
      %swap3A_381 = arith.index_cast %add3A_380 : i32 to index
      %swap3A_382 = arith.constant 0 : index
      %swap3A_383 = tpu.vector_load %arg14[%swap3A_381, %swap3A_382] {strides = array<i32>} : memref<2000x16xf32, #tpu.memory_space<vmem>>, vector<1x16xf32>,
      %swap3A_384 = vector.shape_cast %swap3A_383 : vector<1x16xf32> to vector<16xf32>
      %swap3A_385 = vector.shape_cast %mul3A_378 : vector<16xf32> to vector<1x16xf32>
      tpu.vector_store %arg14[%swap3A_381, %swap3A_382], %swap3A_385 {strides = array<i32>} : memref<2000x16xf32, #tpu.memory_space<vmem>>, vector<1x16xf32>,
      %add3A_386 = arith.constant 15 : i32
      %add3A_387 = arith.addi %add3A_131, %add3A_386 : i32
      %get3A_388 = arith.index_cast %add3A_387 : i32 to index
      %get3A_389 = arith.constant 0 : index
      %get3A_390 = tpu.vector_load %arg14[%get3A_388, %get3A_389] {strides = array<i32>} : memref<2000x16xf32, #tpu.memory_space<vmem>>, vector<1x16xf32>,
      %get3A_391 = vector.shape_cast %get3A_390 : vector<1x16xf32> to vector<16xf32>
      %slice3A_392 = vector.extract_strided_slice %get3A_133 {offsets = [15], sizes = [1], strides = [1]} : vector<16xf32> to vector<1xf32>
      %squeeze3A_393 = vector.extract %slice3A_392[0] : f32 from vector<1xf32>
      %mul3A_394 = vector.broadcast %squeeze3A_393 : f32 to vector<16xf32>
      %mul3A_395 = arith.mulf %get3A_391, %mul3A_394 : vector<16xf32>
      %add3A_396 = arith.constant 15 : i32
      %add3A_397 = arith.addi %add3A_131, %add3A_396 : i32
      %swap3A_398 = arith.index_cast %add3A_397 : i32 to index
      %swap3A_399 = arith.constant 0 : index
      %swap3A_400 = tpu.vector_load %arg14[%swap3A_398, %swap3A_399] {strides = array<i32>} : memref<2000x16xf32, #tpu.memory_space<vmem>>, vector<1x16xf32>,
      %swap3A_401 = vector.shape_cast %swap3A_400 : vector<1x16xf32> to vector<16xf32>
      %swap3A_402 = vector.shape_cast %mul3A_395 : vector<16xf32> to vector<1x16xf32>
      tpu.vector_store %arg14[%swap3A_398, %swap3A_399], %swap3A_402 {strides = array<i32>} : memref<2000x16xf32, #tpu.memory_space<vmem>>, vector<1x16xf32>,
    }
    %scan3A_55 = arith.constant 125 : i32
    %dma_start3A_56 = arith.constant 0 : i32
    %dma_start3A_57 = arith.constant 0 : i32
    %dma_start3A_58 = tpu.memref_slice %arg16[%dma_start3A_56, %dma_start3A_57] : memref<10240x16xf32, #tpu.memory_space<vmem_shared>> -> memref<10240x16xf32, #tpu.memory_space<vmem_shared>>
    tpu.enqueue_indirect_dma source(%arg14 : memref<2000x16xf32, #tpu.memory_space<vmem>>) target(%dma_start3A_58 : memref<10240x16xf32, #tpu.memory_space<vmem_shared>>) offsets(%arg10 : memref<2000xi32, #tpu.memory_space<vmem>>) semaphore(%arg20 : memref<!tpu.dma_semaphore, #tpu.memory_space<semaphore_mem>>) {add = true}
    %dma_wait3A_59 = arith.constant 0 : i32
    %dma_wait3A_60 = arith.constant 0 : i32
    %dma_wait3A_61 = tpu.memref_slice %arg16[%dma_wait3A_59, %dma_wait3A_60] : memref<10240x16xf32, #tpu.memory_space<vmem_shared>> -> memref<10240x16xf32, #tpu.memory_space<vmem_shared>>
    tpu.wait_indirect_dma semaphore(%arg20 : memref<!tpu.dma_semaphore, #tpu.memory_space<semaphore_mem>>) src(%arg14 : memref<2000x16xf32, #tpu.memory_space<vmem>>) dst(%dma_wait3A_61 : memref<10240x16xf32, #tpu.memory_space<vmem_shared>>)
    %add3A_62 = arith.constant 6000 : i32
    %add3A_63 = arith.addi %mul3A_8, %add3A_62 : i32
    "tpu.region"() ({
      %run_scoped3A = tpu.sem_alloc : memref<!tpu.dma_semaphore, #tpu.memory_space<semaphore_mem>>
      %dma_start3A_127 = tpu.memref_slice %arg3[%add3A_63] : memref<320000xi32, #tpu.memory_space<hbm>> -> memref<2000xi32, #tpu.memory_space<hbm>>
      %dma_start3A_128 = tpu.memref_slice %arg3[%add3A_63] : memref<320000xi32, #tpu.memory_space<hbm>> -> memref<2000xi32, #tpu.memory_space<hbm>>
      tpu.enqueue_dma source(%dma_start3A_128 : memref<2000xi32, #tpu.memory_space<hbm>>) target(%arg8 : memref<2000xi32, #tpu.memory_space<vmem>>) target_semaphore(%run_scoped3A : memref<!tpu.dma_semaphore, #tpu.memory_space<semaphore_mem>>)
      %dma_wait3A_129 = tpu.memref_slice %arg3[%add3A_63] : memref<320000xi32, #tpu.memory_space<hbm>> -> memref<2000xi32, #tpu.memory_space<hbm>>
      %dma_wait3A_130 = tpu.memref_slice %arg3[%add3A_63] : memref<320000xi32, #tpu.memory_space<hbm>> -> memref<2000xi32, #tpu.memory_space<hbm>>
      tpu.wait_dma2 semaphore(%run_scoped3A : memref<!tpu.dma_semaphore, #tpu.memory_space<semaphore_mem>>) src(%dma_wait3A_130 : memref<2000xi32, #tpu.memory_space<hbm>>) dst(%arg8 : memref<2000xi32, #tpu.memory_space<vmem>>)
      tpu.yield
    }) : () -> ()
    %add3A_64 = arith.constant 6000 : i32
    %add3A_65 = arith.addi %mul3A_8, %add3A_64 : i32
    "tpu.region"() ({
      %run_scoped3A = tpu.sem_alloc : memref<!tpu.dma_semaphore, #tpu.memory_space<semaphore_mem>>
      %dma_start3A_127 = tpu.memref_slice %arg4[%add3A_65] : memref<320000xi32, #tpu.memory_space<hbm>> -> memref<2000xi32, #tpu.memory_space<hbm>>
      %dma_start3A_128 = tpu.memref_slice %arg4[%add3A_65] : memref<320000xi32, #tpu.memory_space<hbm>> -> memref<2000xi32, #tpu.memory_space<hbm>>
      tpu.enqueue_dma source(%dma_start3A_128 : memref<2000xi32, #tpu.memory_space<hbm>>) target(%arg10 : memref<2000xi32, #tpu.memory_space<vmem>>) target_semaphore(%run_scoped3A : memref<!tpu.dma_semaphore, #tpu.memory_space<semaphore_mem>>)
      %dma_wait3A_129 = tpu.memref_slice %arg4[%add3A_65] : memref<320000xi32, #tpu.memory_space<hbm>> -> memref<2000xi32, #tpu.memory_space<hbm>>
      %dma_wait3A_130 = tpu.memref_slice %arg4[%add3A_65] : memref<320000xi32, #tpu.memory_space<hbm>> -> memref<2000xi32, #tpu.memory_space<hbm>>
      tpu.wait_dma2 semaphore(%run_scoped3A : memref<!tpu.dma_semaphore, #tpu.memory_space<semaphore_mem>>) src(%dma_wait3A_130 : memref<2000xi32, #tpu.memory_space<hbm>>) dst(%arg10 : memref<2000xi32, #tpu.memory_space<vmem>>)
      tpu.yield
    }) : () -> ()
    %add3A_66 = arith.constant 6000 : i32
    %add3A_67 = arith.addi %mul3A_8, %add3A_66 : i32
    "tpu.region"() ({
      %run_scoped3A = tpu.sem_alloc : memref<!tpu.dma_semaphore, #tpu.memory_space<semaphore_mem>>
      %dma_start3A_127 = tpu.memref_slice %arg5[%add3A_67] : memref<320000xf32, #tpu.memory_space<hbm>> -> memref<2000xf32, #tpu.memory_space<hbm>>
      %dma_start3A_128 = tpu.memref_slice %arg5[%add3A_67] : memref<320000xf32, #tpu.memory_space<hbm>> -> memref<2000xf32, #tpu.memory_space<hbm>>
      tpu.enqueue_dma source(%dma_start3A_128 : memref<2000xf32, #tpu.memory_space<hbm>>) target(%arg12 : memref<2000xf32, #tpu.memory_space<vmem>>) target_semaphore(%run_scoped3A : memref<!tpu.dma_semaphore, #tpu.memory_space<semaphore_mem>>)
      %dma_wait3A_129 = tpu.memref_slice %arg5[%add3A_67] : memref<320000xf32, #tpu.memory_space<hbm>> -> memref<2000xf32, #tpu.memory_space<hbm>>
      %dma_wait3A_130 = tpu.memref_slice %arg5[%add3A_67] : memref<320000xf32, #tpu.memory_space<hbm>> -> memref<2000xf32, #tpu.memory_space<hbm>>
      tpu.wait_dma2 semaphore(%run_scoped3A : memref<!tpu.dma_semaphore, #tpu.memory_space<semaphore_mem>>) src(%dma_wait3A_130 : memref<2000xf32, #tpu.memory_space<hbm>>) dst(%arg12 : memref<2000xf32, #tpu.memory_space<vmem>>)
      tpu.yield
    }) : () -> ()
    %dma_start3A_68 = arith.constant 0 : i32
    %dma_start3A_69 = arith.constant 0 : i32
    %dma_start3A_70 = tpu.memref_slice %arg2[%dma_start3A_68, %dma_start3A_69] : memref<10000x16xf32, #tpu.memory_space<hbm>> -> memref<10000x16xf32, #tpu.memory_space<hbm>>
    tpu.enqueue_indirect_dma source(%dma_start3A_70 : memref<10000x16xf32, #tpu.memory_space<hbm>>) target(%arg14 : memref<2000x16xf32, #tpu.memory_space<vmem>>) offsets(%arg8 : memref<2000xi32, #tpu.memory_space<vmem>>) semaphore(%arg18 : memref<!tpu.dma_semaphore, #tpu.memory_space<semaphore_mem>>)
    %dma_wait3A_71 = arith.constant 0 : i32
    %dma_wait3A_72 = arith.constant 0 : i32
    %dma_wait3A_73 = tpu.memref_slice %arg2[%dma_wait3A_71, %dma_wait3A_72] : memref<10000x16xf32, #tpu.memory_space<hbm>> -> memref<10000x16xf32, #tpu.memory_space<hbm>>
    tpu.wait_indirect_dma semaphore(%arg17 : memref<!tpu.dma_semaphore, #tpu.memory_space<semaphore_mem>>) src(%dma_wait3A_73 : memref<10000x16xf32, #tpu.memory_space<hbm>>) dst(%arg13 : memref<2000x16xf32, #tpu.memory_space<vmem>>)
    %scan3A_74 = arith.constant 0 : i32
    %scan3A_75 = arith.constant 125 : i32
    %scan3A_76 = arith.addi %scan3A_74, %scan3A_75 : i32
    %scan3A_77 = arith.constant 1 : i32
    scf.for %scan3A_127 = %scan3A_74 to %scan3A_76 step %scan3A_77  : i32 {
      %mul3A_128 = arith.constant 16 : i32
      %mul3A_129 = arith.muli %scan3A_127, %mul3A_128 : i32
      %add3A_130 = arith.constant 0 : i32
      %add3A_131 = arith.addi %add3A_130, %mul3A_129 : i32
      %get3A = arith.index_cast %add3A_131 : i32 to index
      %get3A_132 = tpu.vector_load %arg11[%get3A] {strides = array<i32>} : memref<2000xf32, #tpu.memory_space<vmem>>, vector<16xf32>,
      %get3A_133 = vector.shape_cast %get3A_132 : vector<16xf32> to vector<16xf32>
      %add3A_134 = arith.constant 0 : i32
      %add3A_135 = arith.addi %add3A_131, %add3A_134 : i32
      %get3A_136 = arith.index_cast %add3A_135 : i32 to index
      %get3A_137 = arith.constant 0 : index
      %get3A_138 = tpu.vector_load %arg13[%get3A_136, %get3A_137] {strides = array<i32>} : memref<2000x16xf32, #tpu.memory_space<vmem>>, vector<1x16xf32>,
      %get3A_139 = vector.shape_cast %get3A_138 : vector<1x16xf32> to vector<16xf32>
      %slice3A = vector.extract_strided_slice %get3A_133 {offsets = [0], sizes = [1], strides = [1]} : vector<16xf32> to vector<1xf32>
      %squeeze3A = vector.extract %slice3A[0] : f32 from vector<1xf32>
      %mul3A_140 = vector.broadcast %squeeze3A : f32 to vector<16xf32>
      %mul3A_141 = arith.mulf %get3A_139, %mul3A_140 : vector<16xf32>
      %add3A_142 = arith.constant 0 : i32
      %add3A_143 = arith.addi %add3A_131, %add3A_142 : i32
      %swap3A = arith.index_cast %add3A_143 : i32 to index
      %swap3A_144 = arith.constant 0 : index
      %swap3A_145 = tpu.vector_load %arg13[%swap3A, %swap3A_144] {strides = array<i32>} : memref<2000x16xf32, #tpu.memory_space<vmem>>, vector<1x16xf32>,
      %swap3A_146 = vector.shape_cast %swap3A_145 : vector<1x16xf32> to vector<16xf32>
      %swap3A_147 = vector.shape_cast %mul3A_141 : vector<16xf32> to vector<1x16xf32>
      tpu.vector_store %arg13[%swap3A, %swap3A_144], %swap3A_147 {strides = array<i32>} : memref<2000x16xf32, #tpu.memory_space<vmem>>, vector<1x16xf32>,
      %add3A_148 = arith.constant 1 : i32
      %add3A_149 = arith.addi %add3A_131, %add3A_148 : i32
      %get3A_150 = arith.index_cast %add3A_149 : i32 to index
      %get3A_151 = arith.constant 0 : index
      %get3A_152 = tpu.vector_load %arg13[%get3A_150, %get3A_151] {strides = array<i32>} : memref<2000x16xf32, #tpu.memory_space<vmem>>, vector<1x16xf32>,
      %get3A_153 = vector.shape_cast %get3A_152 : vector<1x16xf32> to vector<16xf32>
      %slice3A_154 = vector.extract_strided_slice %get3A_133 {offsets = [1], sizes = [1], strides = [1]} : vector<16xf32> to vector<1xf32>
      %squeeze3A_155 = vector.extract %slice3A_154[0] : f32 from vector<1xf32>
      %mul3A_156 = vector.broadcast %squeeze3A_155 : f32 to vector<16xf32>
      %mul3A_157 = arith.mulf %get3A_153, %mul3A_156 : vector<16xf32>
      %add3A_158 = arith.constant 1 : i32
      %add3A_159 = arith.addi %add3A_131, %add3A_158 : i32
      %swap3A_160 = arith.index_cast %add3A_159 : i32 to index
      %swap3A_161 = arith.constant 0 : index
      %swap3A_162 = tpu.vector_load %arg13[%swap3A_160, %swap3A_161] {strides = array<i32>} : memref<2000x16xf32, #tpu.memory_space<vmem>>, vector<1x16xf32>,
      %swap3A_163 = vector.shape_cast %swap3A_162 : vector<1x16xf32> to vector<16xf32>
      %swap3A_164 = vector.shape_cast %mul3A_157 : vector<16xf32> to vector<1x16xf32>
      tpu.vector_store %arg13[%swap3A_160, %swap3A_161], %swap3A_164 {strides = array<i32>} : memref<2000x16xf32, #tpu.memory_space<vmem>>, vector<1x16xf32>,
      %add3A_165 = arith.constant 2 : i32
      %add3A_166 = arith.addi %add3A_131, %add3A_165 : i32
      %get3A_167 = arith.index_cast %add3A_166 : i32 to index
      %get3A_168 = arith.constant 0 : index
      %get3A_169 = tpu.vector_load %arg13[%get3A_167, %get3A_168] {strides = array<i32>} : memref<2000x16xf32, #tpu.memory_space<vmem>>, vector<1x16xf32>,
      %get3A_170 = vector.shape_cast %get3A_169 : vector<1x16xf32> to vector<16xf32>
      %slice3A_171 = vector.extract_strided_slice %get3A_133 {offsets = [2], sizes = [1], strides = [1]} : vector<16xf32> to vector<1xf32>
      %squeeze3A_172 = vector.extract %slice3A_171[0] : f32 from vector<1xf32>
      %mul3A_173 = vector.broadcast %squeeze3A_172 : f32 to vector<16xf32>
      %mul3A_174 = arith.mulf %get3A_170, %mul3A_173 : vector<16xf32>
      %add3A_175 = arith.constant 2 : i32
      %add3A_176 = arith.addi %add3A_131, %add3A_175 : i32
      %swap3A_177 = arith.index_cast %add3A_176 : i32 to index
      %swap3A_178 = arith.constant 0 : index
      %swap3A_179 = tpu.vector_load %arg13[%swap3A_177, %swap3A_178] {strides = array<i32>} : memref<2000x16xf32, #tpu.memory_space<vmem>>, vector<1x16xf32>,
      %swap3A_180 = vector.shape_cast %swap3A_179 : vector<1x16xf32> to vector<16xf32>
      %swap3A_181 = vector.shape_cast %mul3A_174 : vector<16xf32> to vector<1x16xf32>
      tpu.vector_store %arg13[%swap3A_177, %swap3A_178], %swap3A_181 {strides = array<i32>} : memref<2000x16xf32, #tpu.memory_space<vmem>>, vector<1x16xf32>,
      %add3A_182 = arith.constant 3 : i32
      %add3A_183 = arith.addi %add3A_131, %add3A_182 : i32
      %get3A_184 = arith.index_cast %add3A_183 : i32 to index
      %get3A_185 = arith.constant 0 : index
      %get3A_186 = tpu.vector_load %arg13[%get3A_184, %get3A_185] {strides = array<i32>} : memref<2000x16xf32, #tpu.memory_space<vmem>>, vector<1x16xf32>,
      %get3A_187 = vector.shape_cast %get3A_186 : vector<1x16xf32> to vector<16xf32>
      %slice3A_188 = vector.extract_strided_slice %get3A_133 {offsets = [3], sizes = [1], strides = [1]} : vector<16xf32> to vector<1xf32>
      %squeeze3A_189 = vector.extract %slice3A_188[0] : f32 from vector<1xf32>
      %mul3A_190 = vector.broadcast %squeeze3A_189 : f32 to vector<16xf32>
      %mul3A_191 = arith.mulf %get3A_187, %mul3A_190 : vector<16xf32>
      %add3A_192 = arith.constant 3 : i32
      %add3A_193 = arith.addi %add3A_131, %add3A_192 : i32
      %swap3A_194 = arith.index_cast %add3A_193 : i32 to index
      %swap3A_195 = arith.constant 0 : index
      %swap3A_196 = tpu.vector_load %arg13[%swap3A_194, %swap3A_195] {strides = array<i32>} : memref<2000x16xf32, #tpu.memory_space<vmem>>, vector<1x16xf32>,
      %swap3A_197 = vector.shape_cast %swap3A_196 : vector<1x16xf32> to vector<16xf32>
      %swap3A_198 = vector.shape_cast %mul3A_191 : vector<16xf32> to vector<1x16xf32>
      tpu.vector_store %arg13[%swap3A_194, %swap3A_195], %swap3A_198 {strides = array<i32>} : memref<2000x16xf32, #tpu.memory_space<vmem>>, vector<1x16xf32>,
      %add3A_199 = arith.constant 4 : i32
      %add3A_200 = arith.addi %add3A_131, %add3A_199 : i32
      %get3A_201 = arith.index_cast %add3A_200 : i32 to index
      %get3A_202 = arith.constant 0 : index
      %get3A_203 = tpu.vector_load %arg13[%get3A_201, %get3A_202] {strides = array<i32>} : memref<2000x16xf32, #tpu.memory_space<vmem>>, vector<1x16xf32>,
      %get3A_204 = vector.shape_cast %get3A_203 : vector<1x16xf32> to vector<16xf32>
      %slice3A_205 = vector.extract_strided_slice %get3A_133 {offsets = [4], sizes = [1], strides = [1]} : vector<16xf32> to vector<1xf32>
      %squeeze3A_206 = vector.extract %slice3A_205[0] : f32 from vector<1xf32>
      %mul3A_207 = vector.broadcast %squeeze3A_206 : f32 to vector<16xf32>
      %mul3A_208 = arith.mulf %get3A_204, %mul3A_207 : vector<16xf32>
      %add3A_209 = arith.constant 4 : i32
      %add3A_210 = arith.addi %add3A_131, %add3A_209 : i32
      %swap3A_211 = arith.index_cast %add3A_210 : i32 to index
      %swap3A_212 = arith.constant 0 : index
      %swap3A_213 = tpu.vector_load %arg13[%swap3A_211, %swap3A_212] {strides = array<i32>} : memref<2000x16xf32, #tpu.memory_space<vmem>>, vector<1x16xf32>,
      %swap3A_214 = vector.shape_cast %swap3A_213 : vector<1x16xf32> to vector<16xf32>
      %swap3A_215 = vector.shape_cast %mul3A_208 : vector<16xf32> to vector<1x16xf32>
      tpu.vector_store %arg13[%swap3A_211, %swap3A_212], %swap3A_215 {strides = array<i32>} : memref<2000x16xf32, #tpu.memory_space<vmem>>, vector<1x16xf32>,
      %add3A_216 = arith.constant 5 : i32
      %add3A_217 = arith.addi %add3A_131, %add3A_216 : i32
      %get3A_218 = arith.index_cast %add3A_217 : i32 to index
      %get3A_219 = arith.constant 0 : index
      %get3A_220 = tpu.vector_load %arg13[%get3A_218, %get3A_219] {strides = array<i32>} : memref<2000x16xf32, #tpu.memory_space<vmem>>, vector<1x16xf32>,
      %get3A_221 = vector.shape_cast %get3A_220 : vector<1x16xf32> to vector<16xf32>
      %slice3A_222 = vector.extract_strided_slice %get3A_133 {offsets = [5], sizes = [1], strides = [1]} : vector<16xf32> to vector<1xf32>
      %squeeze3A_223 = vector.extract %slice3A_222[0] : f32 from vector<1xf32>
      %mul3A_224 = vector.broadcast %squeeze3A_223 : f32 to vector<16xf32>
      %mul3A_225 = arith.mulf %get3A_221, %mul3A_224 : vector<16xf32>
      %add3A_226 = arith.constant 5 : i32
      %add3A_227 = arith.addi %add3A_131, %add3A_226 : i32
      %swap3A_228 = arith.index_cast %add3A_227 : i32 to index
      %swap3A_229 = arith.constant 0 : index
      %swap3A_230 = tpu.vector_load %arg13[%swap3A_228, %swap3A_229] {strides = array<i32>} : memref<2000x16xf32, #tpu.memory_space<vmem>>, vector<1x16xf32>,
      %swap3A_231 = vector.shape_cast %swap3A_230 : vector<1x16xf32> to vector<16xf32>
      %swap3A_232 = vector.shape_cast %mul3A_225 : vector<16xf32> to vector<1x16xf32>
      tpu.vector_store %arg13[%swap3A_228, %swap3A_229], %swap3A_232 {strides = array<i32>} : memref<2000x16xf32, #tpu.memory_space<vmem>>, vector<1x16xf32>,
      %add3A_233 = arith.constant 6 : i32
      %add3A_234 = arith.addi %add3A_131, %add3A_233 : i32
      %get3A_235 = arith.index_cast %add3A_234 : i32 to index
      %get3A_236 = arith.constant 0 : index
      %get3A_237 = tpu.vector_load %arg13[%get3A_235, %get3A_236] {strides = array<i32>} : memref<2000x16xf32, #tpu.memory_space<vmem>>, vector<1x16xf32>,
      %get3A_238 = vector.shape_cast %get3A_237 : vector<1x16xf32> to vector<16xf32>
      %slice3A_239 = vector.extract_strided_slice %get3A_133 {offsets = [6], sizes = [1], strides = [1]} : vector<16xf32> to vector<1xf32>
      %squeeze3A_240 = vector.extract %slice3A_239[0] : f32 from vector<1xf32>
      %mul3A_241 = vector.broadcast %squeeze3A_240 : f32 to vector<16xf32>
      %mul3A_242 = arith.mulf %get3A_238, %mul3A_241 : vector<16xf32>
      %add3A_243 = arith.constant 6 : i32
      %add3A_244 = arith.addi %add3A_131, %add3A_243 : i32
      %swap3A_245 = arith.index_cast %add3A_244 : i32 to index
      %swap3A_246 = arith.constant 0 : index
      %swap3A_247 = tpu.vector_load %arg13[%swap3A_245, %swap3A_246] {strides = array<i32>} : memref<2000x16xf32, #tpu.memory_space<vmem>>, vector<1x16xf32>,
      %swap3A_248 = vector.shape_cast %swap3A_247 : vector<1x16xf32> to vector<16xf32>
      %swap3A_249 = vector.shape_cast %mul3A_242 : vector<16xf32> to vector<1x16xf32>
      tpu.vector_store %arg13[%swap3A_245, %swap3A_246], %swap3A_249 {strides = array<i32>} : memref<2000x16xf32, #tpu.memory_space<vmem>>, vector<1x16xf32>,
      %add3A_250 = arith.constant 7 : i32
      %add3A_251 = arith.addi %add3A_131, %add3A_250 : i32
      %get3A_252 = arith.index_cast %add3A_251 : i32 to index
      %get3A_253 = arith.constant 0 : index
      %get3A_254 = tpu.vector_load %arg13[%get3A_252, %get3A_253] {strides = array<i32>} : memref<2000x16xf32, #tpu.memory_space<vmem>>, vector<1x16xf32>,
      %get3A_255 = vector.shape_cast %get3A_254 : vector<1x16xf32> to vector<16xf32>
      %slice3A_256 = vector.extract_strided_slice %get3A_133 {offsets = [7], sizes = [1], strides = [1]} : vector<16xf32> to vector<1xf32>
      %squeeze3A_257 = vector.extract %slice3A_256[0] : f32 from vector<1xf32>
      %mul3A_258 = vector.broadcast %squeeze3A_257 : f32 to vector<16xf32>
      %mul3A_259 = arith.mulf %get3A_255, %mul3A_258 : vector<16xf32>
      %add3A_260 = arith.constant 7 : i32
      %add3A_261 = arith.addi %add3A_131, %add3A_260 : i32
      %swap3A_262 = arith.index_cast %add3A_261 : i32 to index
      %swap3A_263 = arith.constant 0 : index
      %swap3A_264 = tpu.vector_load %arg13[%swap3A_262, %swap3A_263] {strides = array<i32>} : memref<2000x16xf32, #tpu.memory_space<vmem>>, vector<1x16xf32>,
      %swap3A_265 = vector.shape_cast %swap3A_264 : vector<1x16xf32> to vector<16xf32>
      %swap3A_266 = vector.shape_cast %mul3A_259 : vector<16xf32> to vector<1x16xf32>
      tpu.vector_store %arg13[%swap3A_262, %swap3A_263], %swap3A_266 {strides = array<i32>} : memref<2000x16xf32, #tpu.memory_space<vmem>>, vector<1x16xf32>,
      %add3A_267 = arith.constant 8 : i32
      %add3A_268 = arith.addi %add3A_131, %add3A_267 : i32
      %get3A_269 = arith.index_cast %add3A_268 : i32 to index
      %get3A_270 = arith.constant 0 : index
      %get3A_271 = tpu.vector_load %arg13[%get3A_269, %get3A_270] {strides = array<i32>} : memref<2000x16xf32, #tpu.memory_space<vmem>>, vector<1x16xf32>,
      %get3A_272 = vector.shape_cast %get3A_271 : vector<1x16xf32> to vector<16xf32>
      %slice3A_273 = vector.extract_strided_slice %get3A_133 {offsets = [8], sizes = [1], strides = [1]} : vector<16xf32> to vector<1xf32>
      %squeeze3A_274 = vector.extract %slice3A_273[0] : f32 from vector<1xf32>
      %mul3A_275 = vector.broadcast %squeeze3A_274 : f32 to vector<16xf32>
      %mul3A_276 = arith.mulf %get3A_272, %mul3A_275 : vector<16xf32>
      %add3A_277 = arith.constant 8 : i32
      %add3A_278 = arith.addi %add3A_131, %add3A_277 : i32
      %swap3A_279 = arith.index_cast %add3A_278 : i32 to index
      %swap3A_280 = arith.constant 0 : index
      %swap3A_281 = tpu.vector_load %arg13[%swap3A_279, %swap3A_280] {strides = array<i32>} : memref<2000x16xf32, #tpu.memory_space<vmem>>, vector<1x16xf32>,
      %swap3A_282 = vector.shape_cast %swap3A_281 : vector<1x16xf32> to vector<16xf32>
      %swap3A_283 = vector.shape_cast %mul3A_276 : vector<16xf32> to vector<1x16xf32>
      tpu.vector_store %arg13[%swap3A_279, %swap3A_280], %swap3A_283 {strides = array<i32>} : memref<2000x16xf32, #tpu.memory_space<vmem>>, vector<1x16xf32>,
      %add3A_284 = arith.constant 9 : i32
      %add3A_285 = arith.addi %add3A_131, %add3A_284 : i32
      %get3A_286 = arith.index_cast %add3A_285 : i32 to index
      %get3A_287 = arith.constant 0 : index
      %get3A_288 = tpu.vector_load %arg13[%get3A_286, %get3A_287] {strides = array<i32>} : memref<2000x16xf32, #tpu.memory_space<vmem>>, vector<1x16xf32>,
      %get3A_289 = vector.shape_cast %get3A_288 : vector<1x16xf32> to vector<16xf32>
      %slice3A_290 = vector.extract_strided_slice %get3A_133 {offsets = [9], sizes = [1], strides = [1]} : vector<16xf32> to vector<1xf32>
      %squeeze3A_291 = vector.extract %slice3A_290[0] : f32 from vector<1xf32>
      %mul3A_292 = vector.broadcast %squeeze3A_291 : f32 to vector<16xf32>
      %mul3A_293 = arith.mulf %get3A_289, %mul3A_292 : vector<16xf32>
      %add3A_294 = arith.constant 9 : i32
      %add3A_295 = arith.addi %add3A_131, %add3A_294 : i32
      %swap3A_296 = arith.index_cast %add3A_295 : i32 to index
      %swap3A_297 = arith.constant 0 : index
      %swap3A_298 = tpu.vector_load %arg13[%swap3A_296, %swap3A_297] {strides = array<i32>} : memref<2000x16xf32, #tpu.memory_space<vmem>>, vector<1x16xf32>,
      %swap3A_299 = vector.shape_cast %swap3A_298 : vector<1x16xf32> to vector<16xf32>
      %swap3A_300 = vector.shape_cast %mul3A_293 : vector<16xf32> to vector<1x16xf32>
      tpu.vector_store %arg13[%swap3A_296, %swap3A_297], %swap3A_300 {strides = array<i32>} : memref<2000x16xf32, #tpu.memory_space<vmem>>, vector<1x16xf32>,
      %add3A_301 = arith.constant 10 : i32
      %add3A_302 = arith.addi %add3A_131, %add3A_301 : i32
      %get3A_303 = arith.index_cast %add3A_302 : i32 to index
      %get3A_304 = arith.constant 0 : index
      %get3A_305 = tpu.vector_load %arg13[%get3A_303, %get3A_304] {strides = array<i32>} : memref<2000x16xf32, #tpu.memory_space<vmem>>, vector<1x16xf32>,
      %get3A_306 = vector.shape_cast %get3A_305 : vector<1x16xf32> to vector<16xf32>
      %slice3A_307 = vector.extract_strided_slice %get3A_133 {offsets = [10], sizes = [1], strides = [1]} : vector<16xf32> to vector<1xf32>
      %squeeze3A_308 = vector.extract %slice3A_307[0] : f32 from vector<1xf32>
      %mul3A_309 = vector.broadcast %squeeze3A_308 : f32 to vector<16xf32>
      %mul3A_310 = arith.mulf %get3A_306, %mul3A_309 : vector<16xf32>
      %add3A_311 = arith.constant 10 : i32
      %add3A_312 = arith.addi %add3A_131, %add3A_311 : i32
      %swap3A_313 = arith.index_cast %add3A_312 : i32 to index
      %swap3A_314 = arith.constant 0 : index
      %swap3A_315 = tpu.vector_load %arg13[%swap3A_313, %swap3A_314] {strides = array<i32>} : memref<2000x16xf32, #tpu.memory_space<vmem>>, vector<1x16xf32>,
      %swap3A_316 = vector.shape_cast %swap3A_315 : vector<1x16xf32> to vector<16xf32>
      %swap3A_317 = vector.shape_cast %mul3A_310 : vector<16xf32> to vector<1x16xf32>
      tpu.vector_store %arg13[%swap3A_313, %swap3A_314], %swap3A_317 {strides = array<i32>} : memref<2000x16xf32, #tpu.memory_space<vmem>>, vector<1x16xf32>,
      %add3A_318 = arith.constant 11 : i32
      %add3A_319 = arith.addi %add3A_131, %add3A_318 : i32
      %get3A_320 = arith.index_cast %add3A_319 : i32 to index
      %get3A_321 = arith.constant 0 : index
      %get3A_322 = tpu.vector_load %arg13[%get3A_320, %get3A_321] {strides = array<i32>} : memref<2000x16xf32, #tpu.memory_space<vmem>>, vector<1x16xf32>,
      %get3A_323 = vector.shape_cast %get3A_322 : vector<1x16xf32> to vector<16xf32>
      %slice3A_324 = vector.extract_strided_slice %get3A_133 {offsets = [11], sizes = [1], strides = [1]} : vector<16xf32> to vector<1xf32>
      %squeeze3A_325 = vector.extract %slice3A_324[0] : f32 from vector<1xf32>
      %mul3A_326 = vector.broadcast %squeeze3A_325 : f32 to vector<16xf32>
      %mul3A_327 = arith.mulf %get3A_323, %mul3A_326 : vector<16xf32>
      %add3A_328 = arith.constant 11 : i32
      %add3A_329 = arith.addi %add3A_131, %add3A_328 : i32
      %swap3A_330 = arith.index_cast %add3A_329 : i32 to index
      %swap3A_331 = arith.constant 0 : index
      %swap3A_332 = tpu.vector_load %arg13[%swap3A_330, %swap3A_331] {strides = array<i32>} : memref<2000x16xf32, #tpu.memory_space<vmem>>, vector<1x16xf32>,
      %swap3A_333 = vector.shape_cast %swap3A_332 : vector<1x16xf32> to vector<16xf32>
      %swap3A_334 = vector.shape_cast %mul3A_327 : vector<16xf32> to vector<1x16xf32>
      tpu.vector_store %arg13[%swap3A_330, %swap3A_331], %swap3A_334 {strides = array<i32>} : memref<2000x16xf32, #tpu.memory_space<vmem>>, vector<1x16xf32>,
      %add3A_335 = arith.constant 12 : i32
      %add3A_336 = arith.addi %add3A_131, %add3A_335 : i32
      %get3A_337 = arith.index_cast %add3A_336 : i32 to index
      %get3A_338 = arith.constant 0 : index
      %get3A_339 = tpu.vector_load %arg13[%get3A_337, %get3A_338] {strides = array<i32>} : memref<2000x16xf32, #tpu.memory_space<vmem>>, vector<1x16xf32>,
      %get3A_340 = vector.shape_cast %get3A_339 : vector<1x16xf32> to vector<16xf32>
      %slice3A_341 = vector.extract_strided_slice %get3A_133 {offsets = [12], sizes = [1], strides = [1]} : vector<16xf32> to vector<1xf32>
      %squeeze3A_342 = vector.extract %slice3A_341[0] : f32 from vector<1xf32>
      %mul3A_343 = vector.broadcast %squeeze3A_342 : f32 to vector<16xf32>
      %mul3A_344 = arith.mulf %get3A_340, %mul3A_343 : vector<16xf32>
      %add3A_345 = arith.constant 12 : i32
      %add3A_346 = arith.addi %add3A_131, %add3A_345 : i32
      %swap3A_347 = arith.index_cast %add3A_346 : i32 to index
      %swap3A_348 = arith.constant 0 : index
      %swap3A_349 = tpu.vector_load %arg13[%swap3A_347, %swap3A_348] {strides = array<i32>} : memref<2000x16xf32, #tpu.memory_space<vmem>>, vector<1x16xf32>,
      %swap3A_350 = vector.shape_cast %swap3A_349 : vector<1x16xf32> to vector<16xf32>
      %swap3A_351 = vector.shape_cast %mul3A_344 : vector<16xf32> to vector<1x16xf32>
      tpu.vector_store %arg13[%swap3A_347, %swap3A_348], %swap3A_351 {strides = array<i32>} : memref<2000x16xf32, #tpu.memory_space<vmem>>, vector<1x16xf32>,
      %add3A_352 = arith.constant 13 : i32
      %add3A_353 = arith.addi %add3A_131, %add3A_352 : i32
      %get3A_354 = arith.index_cast %add3A_353 : i32 to index
      %get3A_355 = arith.constant 0 : index
      %get3A_356 = tpu.vector_load %arg13[%get3A_354, %get3A_355] {strides = array<i32>} : memref<2000x16xf32, #tpu.memory_space<vmem>>, vector<1x16xf32>,
      %get3A_357 = vector.shape_cast %get3A_356 : vector<1x16xf32> to vector<16xf32>
      %slice3A_358 = vector.extract_strided_slice %get3A_133 {offsets = [13], sizes = [1], strides = [1]} : vector<16xf32> to vector<1xf32>
      %squeeze3A_359 = vector.extract %slice3A_358[0] : f32 from vector<1xf32>
      %mul3A_360 = vector.broadcast %squeeze3A_359 : f32 to vector<16xf32>
      %mul3A_361 = arith.mulf %get3A_357, %mul3A_360 : vector<16xf32>
      %add3A_362 = arith.constant 13 : i32
      %add3A_363 = arith.addi %add3A_131, %add3A_362 : i32
      %swap3A_364 = arith.index_cast %add3A_363 : i32 to index
      %swap3A_365 = arith.constant 0 : index
      %swap3A_366 = tpu.vector_load %arg13[%swap3A_364, %swap3A_365] {strides = array<i32>} : memref<2000x16xf32, #tpu.memory_space<vmem>>, vector<1x16xf32>,
      %swap3A_367 = vector.shape_cast %swap3A_366 : vector<1x16xf32> to vector<16xf32>
      %swap3A_368 = vector.shape_cast %mul3A_361 : vector<16xf32> to vector<1x16xf32>
      tpu.vector_store %arg13[%swap3A_364, %swap3A_365], %swap3A_368 {strides = array<i32>} : memref<2000x16xf32, #tpu.memory_space<vmem>>, vector<1x16xf32>,
      %add3A_369 = arith.constant 14 : i32
      %add3A_370 = arith.addi %add3A_131, %add3A_369 : i32
      %get3A_371 = arith.index_cast %add3A_370 : i32 to index
      %get3A_372 = arith.constant 0 : index
      %get3A_373 = tpu.vector_load %arg13[%get3A_371, %get3A_372] {strides = array<i32>} : memref<2000x16xf32, #tpu.memory_space<vmem>>, vector<1x16xf32>,
      %get3A_374 = vector.shape_cast %get3A_373 : vector<1x16xf32> to vector<16xf32>
      %slice3A_375 = vector.extract_strided_slice %get3A_133 {offsets = [14], sizes = [1], strides = [1]} : vector<16xf32> to vector<1xf32>
      %squeeze3A_376 = vector.extract %slice3A_375[0] : f32 from vector<1xf32>
      %mul3A_377 = vector.broadcast %squeeze3A_376 : f32 to vector<16xf32>
      %mul3A_378 = arith.mulf %get3A_374, %mul3A_377 : vector<16xf32>
      %add3A_379 = arith.constant 14 : i32
      %add3A_380 = arith.addi %add3A_131, %add3A_379 : i32
      %swap3A_381 = arith.index_cast %add3A_380 : i32 to index
      %swap3A_382 = arith.constant 0 : index
      %swap3A_383 = tpu.vector_load %arg13[%swap3A_381, %swap3A_382] {strides = array<i32>} : memref<2000x16xf32, #tpu.memory_space<vmem>>, vector<1x16xf32>,
      %swap3A_384 = vector.shape_cast %swap3A_383 : vector<1x16xf32> to vector<16xf32>
      %swap3A_385 = vector.shape_cast %mul3A_378 : vector<16xf32> to vector<1x16xf32>
      tpu.vector_store %arg13[%swap3A_381, %swap3A_382], %swap3A_385 {strides = array<i32>} : memref<2000x16xf32, #tpu.memory_space<vmem>>, vector<1x16xf32>,
      %add3A_386 = arith.constant 15 : i32
      %add3A_387 = arith.addi %add3A_131, %add3A_386 : i32
      %get3A_388 = arith.index_cast %add3A_387 : i32 to index
      %get3A_389 = arith.constant 0 : index
      %get3A_390 = tpu.vector_load %arg13[%get3A_388, %get3A_389] {strides = array<i32>} : memref<2000x16xf32, #tpu.memory_space<vmem>>, vector<1x16xf32>,
      %get3A_391 = vector.shape_cast %get3A_390 : vector<1x16xf32> to vector<16xf32>
      %slice3A_392 = vector.extract_strided_slice %get3A_133 {offsets = [15], sizes = [1], strides = [1]} : vector<16xf32> to vector<1xf32>
      %squeeze3A_393 = vector.extract %slice3A_392[0] : f32 from vector<1xf32>
      %mul3A_394 = vector.broadcast %squeeze3A_393 : f32 to vector<16xf32>
      %mul3A_395 = arith.mulf %get3A_391, %mul3A_394 : vector<16xf32>
      %add3A_396 = arith.constant 15 : i32
      %add3A_397 = arith.addi %add3A_131, %add3A_396 : i32
      %swap3A_398 = arith.index_cast %add3A_397 : i32 to index
      %swap3A_399 = arith.constant 0 : index
      %swap3A_400 = tpu.vector_load %arg13[%swap3A_398, %swap3A_399] {strides = array<i32>} : memref<2000x16xf32, #tpu.memory_space<vmem>>, vector<1x16xf32>,
      %swap3A_401 = vector.shape_cast %swap3A_400 : vector<1x16xf32> to vector<16xf32>
      %swap3A_402 = vector.shape_cast %mul3A_395 : vector<16xf32> to vector<1x16xf32>
      tpu.vector_store %arg13[%swap3A_398, %swap3A_399], %swap3A_402 {strides = array<i32>} : memref<2000x16xf32, #tpu.memory_space<vmem>>, vector<1x16xf32>,
    }
    %scan3A_78 = arith.constant 125 : i32
    %dma_start3A_79 = arith.constant 0 : i32
    %dma_start3A_80 = arith.constant 0 : i32
    %dma_start3A_81 = tpu.memref_slice %arg16[%dma_start3A_79, %dma_start3A_80] : memref<10240x16xf32, #tpu.memory_space<vmem_shared>> -> memref<10240x16xf32, #tpu.memory_space<vmem_shared>>
    tpu.enqueue_indirect_dma source(%arg13 : memref<2000x16xf32, #tpu.memory_space<vmem>>) target(%dma_start3A_81 : memref<10240x16xf32, #tpu.memory_space<vmem_shared>>) offsets(%arg9 : memref<2000xi32, #tpu.memory_space<vmem>>) semaphore(%arg19 : memref<!tpu.dma_semaphore, #tpu.memory_space<semaphore_mem>>) {add = true}
    %dma_wait3A_82 = arith.constant 0 : i32
    %dma_wait3A_83 = arith.constant 0 : i32
    %dma_wait3A_84 = tpu.memref_slice %arg16[%dma_wait3A_82, %dma_wait3A_83] : memref<10240x16xf32, #tpu.memory_space<vmem_shared>> -> memref<10240x16xf32, #tpu.memory_space<vmem_shared>>
    tpu.wait_indirect_dma semaphore(%arg19 : memref<!tpu.dma_semaphore, #tpu.memory_space<semaphore_mem>>) src(%arg13 : memref<2000x16xf32, #tpu.memory_space<vmem>>) dst(%dma_wait3A_84 : memref<10240x16xf32, #tpu.memory_space<vmem_shared>>)
    %add3A_85 = arith.constant 8000 : i32
    %add3A_86 = arith.addi %mul3A_8, %add3A_85 : i32
    "tpu.region"() ({
      %run_scoped3A = tpu.sem_alloc : memref<!tpu.dma_semaphore, #tpu.memory_space<semaphore_mem>>
      %dma_start3A_127 = tpu.memref_slice %arg3[%add3A_86] : memref<320000xi32, #tpu.memory_space<hbm>> -> memref<2000xi32, #tpu.memory_space<hbm>>
      %dma_start3A_128 = tpu.memref_slice %arg3[%add3A_86] : memref<320000xi32, #tpu.memory_space<hbm>> -> memref<2000xi32, #tpu.memory_space<hbm>>
      tpu.enqueue_dma source(%dma_start3A_128 : memref<2000xi32, #tpu.memory_space<hbm>>) target(%arg7 : memref<2000xi32, #tpu.memory_space<vmem>>) target_semaphore(%run_scoped3A : memref<!tpu.dma_semaphore, #tpu.memory_space<semaphore_mem>>)
      %dma_wait3A_129 = tpu.memref_slice %arg3[%add3A_86] : memref<320000xi32, #tpu.memory_space<hbm>> -> memref<2000xi32, #tpu.memory_space<hbm>>
      %dma_wait3A_130 = tpu.memref_slice %arg3[%add3A_86] : memref<320000xi32, #tpu.memory_space<hbm>> -> memref<2000xi32, #tpu.memory_space<hbm>>
      tpu.wait_dma2 semaphore(%run_scoped3A : memref<!tpu.dma_semaphore, #tpu.memory_space<semaphore_mem>>) src(%dma_wait3A_130 : memref<2000xi32, #tpu.memory_space<hbm>>) dst(%arg7 : memref<2000xi32, #tpu.memory_space<vmem>>)
      tpu.yield
    }) : () -> ()
    %add3A_87 = arith.constant 8000 : i32
    %add3A_88 = arith.addi %mul3A_8, %add3A_87 : i32
    "tpu.region"() ({
      %run_scoped3A = tpu.sem_alloc : memref<!tpu.dma_semaphore, #tpu.memory_space<semaphore_mem>>
      %dma_start3A_127 = tpu.memref_slice %arg4[%add3A_88] : memref<320000xi32, #tpu.memory_space<hbm>> -> memref<2000xi32, #tpu.memory_space<hbm>>
      %dma_start3A_128 = tpu.memref_slice %arg4[%add3A_88] : memref<320000xi32, #tpu.memory_space<hbm>> -> memref<2000xi32, #tpu.memory_space<hbm>>
      tpu.enqueue_dma source(%dma_start3A_128 : memref<2000xi32, #tpu.memory_space<hbm>>) target(%arg9 : memref<2000xi32, #tpu.memory_space<vmem>>) target_semaphore(%run_scoped3A : memref<!tpu.dma_semaphore, #tpu.memory_space<semaphore_mem>>)
      %dma_wait3A_129 = tpu.memref_slice %arg4[%add3A_88] : memref<320000xi32, #tpu.memory_space<hbm>> -> memref<2000xi32, #tpu.memory_space<hbm>>
      %dma_wait3A_130 = tpu.memref_slice %arg4[%add3A_88] : memref<320000xi32, #tpu.memory_space<hbm>> -> memref<2000xi32, #tpu.memory_space<hbm>>
      tpu.wait_dma2 semaphore(%run_scoped3A : memref<!tpu.dma_semaphore, #tpu.memory_space<semaphore_mem>>) src(%dma_wait3A_130 : memref<2000xi32, #tpu.memory_space<hbm>>) dst(%arg9 : memref<2000xi32, #tpu.memory_space<vmem>>)
      tpu.yield
    }) : () -> ()
    %add3A_89 = arith.constant 8000 : i32
    %add3A_90 = arith.addi %mul3A_8, %add3A_89 : i32
    "tpu.region"() ({
      %run_scoped3A = tpu.sem_alloc : memref<!tpu.dma_semaphore, #tpu.memory_space<semaphore_mem>>
      %dma_start3A_127 = tpu.memref_slice %arg5[%add3A_90] : memref<320000xf32, #tpu.memory_space<hbm>> -> memref<2000xf32, #tpu.memory_space<hbm>>
      %dma_start3A_128 = tpu.memref_slice %arg5[%add3A_90] : memref<320000xf32, #tpu.memory_space<hbm>> -> memref<2000xf32, #tpu.memory_space<hbm>>
      tpu.enqueue_dma source(%dma_start3A_128 : memref<2000xf32, #tpu.memory_space<hbm>>) target(%arg11 : memref<2000xf32, #tpu.memory_space<vmem>>) target_semaphore(%run_scoped3A : memref<!tpu.dma_semaphore, #tpu.memory_space<semaphore_mem>>)
      %dma_wait3A_129 = tpu.memref_slice %arg5[%add3A_90] : memref<320000xf32, #tpu.memory_space<hbm>> -> memref<2000xf32, #tpu.memory_space<hbm>>
      %dma_wait3A_130 = tpu.memref_slice %arg5[%add3A_90] : memref<320000xf32, #tpu.memory_space<hbm>> -> memref<2000xf32, #tpu.memory_space<hbm>>
      tpu.wait_dma2 semaphore(%run_scoped3A : memref<!tpu.dma_semaphore, #tpu.memory_space<semaphore_mem>>) src(%dma_wait3A_130 : memref<2000xf32, #tpu.memory_space<hbm>>) dst(%arg11 : memref<2000xf32, #tpu.memory_space<vmem>>)
      tpu.yield
    }) : () -> ()
    %dma_start3A_91 = arith.constant 0 : i32
    %dma_start3A_92 = arith.constant 0 : i32
    %dma_start3A_93 = tpu.memref_slice %arg2[%dma_start3A_91, %dma_start3A_92] : memref<10000x16xf32, #tpu.memory_space<hbm>> -> memref<10000x16xf32, #tpu.memory_space<hbm>>
    tpu.enqueue_indirect_dma source(%dma_start3A_93 : memref<10000x16xf32, #tpu.memory_space<hbm>>) target(%arg13 : memref<2000x16xf32, #tpu.memory_space<vmem>>) offsets(%arg7 : memref<2000xi32, #tpu.memory_space<vmem>>) semaphore(%arg17 : memref<!tpu.dma_semaphore, #tpu.memory_space<semaphore_mem>>)
    %dma_wait3A_94 = arith.constant 0 : i32
    %dma_wait3A_95 = arith.constant 0 : i32
    %dma_wait3A_96 = tpu.memref_slice %arg2[%dma_wait3A_94, %dma_wait3A_95] : memref<10000x16xf32, #tpu.memory_space<hbm>> -> memref<10000x16xf32, #tpu.memory_space<hbm>>
    tpu.wait_indirect_dma semaphore(%arg18 : memref<!tpu.dma_semaphore, #tpu.memory_space<semaphore_mem>>) src(%dma_wait3A_96 : memref<10000x16xf32, #tpu.memory_space<hbm>>) dst(%arg14 : memref<2000x16xf32, #tpu.memory_space<vmem>>)
    %scan3A_97 = arith.constant 0 : i32
    %scan3A_98 = arith.constant 125 : i32
    %scan3A_99 = arith.addi %scan3A_97, %scan3A_98 : i32
    %scan3A_100 = arith.constant 1 : i32
    scf.for %scan3A_127 = %scan3A_97 to %scan3A_99 step %scan3A_100  : i32 {
      %mul3A_128 = arith.constant 16 : i32
      %mul3A_129 = arith.muli %scan3A_127, %mul3A_128 : i32
      %add3A_130 = arith.constant 0 : i32
      %add3A_131 = arith.addi %add3A_130, %mul3A_129 : i32
      %get3A = arith.index_cast %add3A_131 : i32 to index
      %get3A_132 = tpu.vector_load %arg12[%get3A] {strides = array<i32>} : memref<2000xf32, #tpu.memory_space<vmem>>, vector<16xf32>,
      %get3A_133 = vector.shape_cast %get3A_132 : vector<16xf32> to vector<16xf32>
      %add3A_134 = arith.constant 0 : i32
      %add3A_135 = arith.addi %add3A_131, %add3A_134 : i32
      %get3A_136 = arith.index_cast %add3A_135 : i32 to index
      %get3A_137 = arith.constant 0 : index
      %get3A_138 = tpu.vector_load %arg14[%get3A_136, %get3A_137] {strides = array<i32>} : memref<2000x16xf32, #tpu.memory_space<vmem>>, vector<1x16xf32>,
      %get3A_139 = vector.shape_cast %get3A_138 : vector<1x16xf32> to vector<16xf32>
      %slice3A = vector.extract_strided_slice %get3A_133 {offsets = [0], sizes = [1], strides = [1]} : vector<16xf32> to vector<1xf32>
      %squeeze3A = vector.extract %slice3A[0] : f32 from vector<1xf32>
      %mul3A_140 = vector.broadcast %squeeze3A : f32 to vector<16xf32>
      %mul3A_141 = arith.mulf %get3A_139, %mul3A_140 : vector<16xf32>
      %add3A_142 = arith.constant 0 : i32
      %add3A_143 = arith.addi %add3A_131, %add3A_142 : i32
      %swap3A = arith.index_cast %add3A_143 : i32 to index
      %swap3A_144 = arith.constant 0 : index
      %swap3A_145 = tpu.vector_load %arg14[%swap3A, %swap3A_144] {strides = array<i32>} : memref<2000x16xf32, #tpu.memory_space<vmem>>, vector<1x16xf32>,
      %swap3A_146 = vector.shape_cast %swap3A_145 : vector<1x16xf32> to vector<16xf32>
      %swap3A_147 = vector.shape_cast %mul3A_141 : vector<16xf32> to vector<1x16xf32>
      tpu.vector_store %arg14[%swap3A, %swap3A_144], %swap3A_147 {strides = array<i32>} : memref<2000x16xf32, #tpu.memory_space<vmem>>, vector<1x16xf32>,
      %add3A_148 = arith.constant 1 : i32
      %add3A_149 = arith.addi %add3A_131, %add3A_148 : i32
      %get3A_150 = arith.index_cast %add3A_149 : i32 to index
      %get3A_151 = arith.constant 0 : index
      %get3A_152 = tpu.vector_load %arg14[%get3A_150, %get3A_151] {strides = array<i32>} : memref<2000x16xf32, #tpu.memory_space<vmem>>, vector<1x16xf32>,
      %get3A_153 = vector.shape_cast %get3A_152 : vector<1x16xf32> to vector<16xf32>
      %slice3A_154 = vector.extract_strided_slice %get3A_133 {offsets = [1], sizes = [1], strides = [1]} : vector<16xf32> to vector<1xf32>
      %squeeze3A_155 = vector.extract %slice3A_154[0] : f32 from vector<1xf32>
      %mul3A_156 = vector.broadcast %squeeze3A_155 : f32 to vector<16xf32>
      %mul3A_157 = arith.mulf %get3A_153, %mul3A_156 : vector<16xf32>
      %add3A_158 = arith.constant 1 : i32
      %add3A_159 = arith.addi %add3A_131, %add3A_158 : i32
      %swap3A_160 = arith.index_cast %add3A_159 : i32 to index
      %swap3A_161 = arith.constant 0 : index
      %swap3A_162 = tpu.vector_load %arg14[%swap3A_160, %swap3A_161] {strides = array<i32>} : memref<2000x16xf32, #tpu.memory_space<vmem>>, vector<1x16xf32>,
      %swap3A_163 = vector.shape_cast %swap3A_162 : vector<1x16xf32> to vector<16xf32>
      %swap3A_164 = vector.shape_cast %mul3A_157 : vector<16xf32> to vector<1x16xf32>
      tpu.vector_store %arg14[%swap3A_160, %swap3A_161], %swap3A_164 {strides = array<i32>} : memref<2000x16xf32, #tpu.memory_space<vmem>>, vector<1x16xf32>,
      %add3A_165 = arith.constant 2 : i32
      %add3A_166 = arith.addi %add3A_131, %add3A_165 : i32
      %get3A_167 = arith.index_cast %add3A_166 : i32 to index
      %get3A_168 = arith.constant 0 : index
      %get3A_169 = tpu.vector_load %arg14[%get3A_167, %get3A_168] {strides = array<i32>} : memref<2000x16xf32, #tpu.memory_space<vmem>>, vector<1x16xf32>,
      %get3A_170 = vector.shape_cast %get3A_169 : vector<1x16xf32> to vector<16xf32>
      %slice3A_171 = vector.extract_strided_slice %get3A_133 {offsets = [2], sizes = [1], strides = [1]} : vector<16xf32> to vector<1xf32>
      %squeeze3A_172 = vector.extract %slice3A_171[0] : f32 from vector<1xf32>
      %mul3A_173 = vector.broadcast %squeeze3A_172 : f32 to vector<16xf32>
      %mul3A_174 = arith.mulf %get3A_170, %mul3A_173 : vector<16xf32>
      %add3A_175 = arith.constant 2 : i32
      %add3A_176 = arith.addi %add3A_131, %add3A_175 : i32
      %swap3A_177 = arith.index_cast %add3A_176 : i32 to index
      %swap3A_178 = arith.constant 0 : index
      %swap3A_179 = tpu.vector_load %arg14[%swap3A_177, %swap3A_178] {strides = array<i32>} : memref<2000x16xf32, #tpu.memory_space<vmem>>, vector<1x16xf32>,
      %swap3A_180 = vector.shape_cast %swap3A_179 : vector<1x16xf32> to vector<16xf32>
      %swap3A_181 = vector.shape_cast %mul3A_174 : vector<16xf32> to vector<1x16xf32>
      tpu.vector_store %arg14[%swap3A_177, %swap3A_178], %swap3A_181 {strides = array<i32>} : memref<2000x16xf32, #tpu.memory_space<vmem>>, vector<1x16xf32>,
      %add3A_182 = arith.constant 3 : i32
      %add3A_183 = arith.addi %add3A_131, %add3A_182 : i32
      %get3A_184 = arith.index_cast %add3A_183 : i32 to index
      %get3A_185 = arith.constant 0 : index
      %get3A_186 = tpu.vector_load %arg14[%get3A_184, %get3A_185] {strides = array<i32>} : memref<2000x16xf32, #tpu.memory_space<vmem>>, vector<1x16xf32>,
      %get3A_187 = vector.shape_cast %get3A_186 : vector<1x16xf32> to vector<16xf32>
      %slice3A_188 = vector.extract_strided_slice %get3A_133 {offsets = [3], sizes = [1], strides = [1]} : vector<16xf32> to vector<1xf32>
      %squeeze3A_189 = vector.extract %slice3A_188[0] : f32 from vector<1xf32>
      %mul3A_190 = vector.broadcast %squeeze3A_189 : f32 to vector<16xf32>
      %mul3A_191 = arith.mulf %get3A_187, %mul3A_190 : vector<16xf32>
      %add3A_192 = arith.constant 3 : i32
      %add3A_193 = arith.addi %add3A_131, %add3A_192 : i32
      %swap3A_194 = arith.index_cast %add3A_193 : i32 to index
      %swap3A_195 = arith.constant 0 : index
      %swap3A_196 = tpu.vector_load %arg14[%swap3A_194, %swap3A_195] {strides = array<i32>} : memref<2000x16xf32, #tpu.memory_space<vmem>>, vector<1x16xf32>,
      %swap3A_197 = vector.shape_cast %swap3A_196 : vector<1x16xf32> to vector<16xf32>
      %swap3A_198 = vector.shape_cast %mul3A_191 : vector<16xf32> to vector<1x16xf32>
      tpu.vector_store %arg14[%swap3A_194, %swap3A_195], %swap3A_198 {strides = array<i32>} : memref<2000x16xf32, #tpu.memory_space<vmem>>, vector<1x16xf32>,
      %add3A_199 = arith.constant 4 : i32
      %add3A_200 = arith.addi %add3A_131, %add3A_199 : i32
      %get3A_201 = arith.index_cast %add3A_200 : i32 to index
      %get3A_202 = arith.constant 0 : index
      %get3A_203 = tpu.vector_load %arg14[%get3A_201, %get3A_202] {strides = array<i32>} : memref<2000x16xf32, #tpu.memory_space<vmem>>, vector<1x16xf32>,
      %get3A_204 = vector.shape_cast %get3A_203 : vector<1x16xf32> to vector<16xf32>
      %slice3A_205 = vector.extract_strided_slice %get3A_133 {offsets = [4], sizes = [1], strides = [1]} : vector<16xf32> to vector<1xf32>
      %squeeze3A_206 = vector.extract %slice3A_205[0] : f32 from vector<1xf32>
      %mul3A_207 = vector.broadcast %squeeze3A_206 : f32 to vector<16xf32>
      %mul3A_208 = arith.mulf %get3A_204, %mul3A_207 : vector<16xf32>
      %add3A_209 = arith.constant 4 : i32
      %add3A_210 = arith.addi %add3A_131, %add3A_209 : i32
      %swap3A_211 = arith.index_cast %add3A_210 : i32 to index
      %swap3A_212 = arith.constant 0 : index
      %swap3A_213 = tpu.vector_load %arg14[%swap3A_211, %swap3A_212] {strides = array<i32>} : memref<2000x16xf32, #tpu.memory_space<vmem>>, vector<1x16xf32>,
      %swap3A_214 = vector.shape_cast %swap3A_213 : vector<1x16xf32> to vector<16xf32>
      %swap3A_215 = vector.shape_cast %mul3A_208 : vector<16xf32> to vector<1x16xf32>
      tpu.vector_store %arg14[%swap3A_211, %swap3A_212], %swap3A_215 {strides = array<i32>} : memref<2000x16xf32, #tpu.memory_space<vmem>>, vector<1x16xf32>,
      %add3A_216 = arith.constant 5 : i32
      %add3A_217 = arith.addi %add3A_131, %add3A_216 : i32
      %get3A_218 = arith.index_cast %add3A_217 : i32 to index
      %get3A_219 = arith.constant 0 : index
      %get3A_220 = tpu.vector_load %arg14[%get3A_218, %get3A_219] {strides = array<i32>} : memref<2000x16xf32, #tpu.memory_space<vmem>>, vector<1x16xf32>,
      %get3A_221 = vector.shape_cast %get3A_220 : vector<1x16xf32> to vector<16xf32>
      %slice3A_222 = vector.extract_strided_slice %get3A_133 {offsets = [5], sizes = [1], strides = [1]} : vector<16xf32> to vector<1xf32>
      %squeeze3A_223 = vector.extract %slice3A_222[0] : f32 from vector<1xf32>
      %mul3A_224 = vector.broadcast %squeeze3A_223 : f32 to vector<16xf32>
      %mul3A_225 = arith.mulf %get3A_221, %mul3A_224 : vector<16xf32>
      %add3A_226 = arith.constant 5 : i32
      %add3A_227 = arith.addi %add3A_131, %add3A_226 : i32
      %swap3A_228 = arith.index_cast %add3A_227 : i32 to index
      %swap3A_229 = arith.constant 0 : index
      %swap3A_230 = tpu.vector_load %arg14[%swap3A_228, %swap3A_229] {strides = array<i32>} : memref<2000x16xf32, #tpu.memory_space<vmem>>, vector<1x16xf32>,
      %swap3A_231 = vector.shape_cast %swap3A_230 : vector<1x16xf32> to vector<16xf32>
      %swap3A_232 = vector.shape_cast %mul3A_225 : vector<16xf32> to vector<1x16xf32>
      tpu.vector_store %arg14[%swap3A_228, %swap3A_229], %swap3A_232 {strides = array<i32>} : memref<2000x16xf32, #tpu.memory_space<vmem>>, vector<1x16xf32>,
      %add3A_233 = arith.constant 6 : i32
      %add3A_234 = arith.addi %add3A_131, %add3A_233 : i32
      %get3A_235 = arith.index_cast %add3A_234 : i32 to index
      %get3A_236 = arith.constant 0 : index
      %get3A_237 = tpu.vector_load %arg14[%get3A_235, %get3A_236] {strides = array<i32>} : memref<2000x16xf32, #tpu.memory_space<vmem>>, vector<1x16xf32>,
      %get3A_238 = vector.shape_cast %get3A_237 : vector<1x16xf32> to vector<16xf32>
      %slice3A_239 = vector.extract_strided_slice %get3A_133 {offsets = [6], sizes = [1], strides = [1]} : vector<16xf32> to vector<1xf32>
      %squeeze3A_240 = vector.extract %slice3A_239[0] : f32 from vector<1xf32>
      %mul3A_241 = vector.broadcast %squeeze3A_240 : f32 to vector<16xf32>
      %mul3A_242 = arith.mulf %get3A_238, %mul3A_241 : vector<16xf32>
      %add3A_243 = arith.constant 6 : i32
      %add3A_244 = arith.addi %add3A_131, %add3A_243 : i32
      %swap3A_245 = arith.index_cast %add3A_244 : i32 to index
      %swap3A_246 = arith.constant 0 : index
      %swap3A_247 = tpu.vector_load %arg14[%swap3A_245, %swap3A_246] {strides = array<i32>} : memref<2000x16xf32, #tpu.memory_space<vmem>>, vector<1x16xf32>,
      %swap3A_248 = vector.shape_cast %swap3A_247 : vector<1x16xf32> to vector<16xf32>
      %swap3A_249 = vector.shape_cast %mul3A_242 : vector<16xf32> to vector<1x16xf32>
      tpu.vector_store %arg14[%swap3A_245, %swap3A_246], %swap3A_249 {strides = array<i32>} : memref<2000x16xf32, #tpu.memory_space<vmem>>, vector<1x16xf32>,
      %add3A_250 = arith.constant 7 : i32
      %add3A_251 = arith.addi %add3A_131, %add3A_250 : i32
      %get3A_252 = arith.index_cast %add3A_251 : i32 to index
      %get3A_253 = arith.constant 0 : index
      %get3A_254 = tpu.vector_load %arg14[%get3A_252, %get3A_253] {strides = array<i32>} : memref<2000x16xf32, #tpu.memory_space<vmem>>, vector<1x16xf32>,
      %get3A_255 = vector.shape_cast %get3A_254 : vector<1x16xf32> to vector<16xf32>
      %slice3A_256 = vector.extract_strided_slice %get3A_133 {offsets = [7], sizes = [1], strides = [1]} : vector<16xf32> to vector<1xf32>
      %squeeze3A_257 = vector.extract %slice3A_256[0] : f32 from vector<1xf32>
      %mul3A_258 = vector.broadcast %squeeze3A_257 : f32 to vector<16xf32>
      %mul3A_259 = arith.mulf %get3A_255, %mul3A_258 : vector<16xf32>
      %add3A_260 = arith.constant 7 : i32
      %add3A_261 = arith.addi %add3A_131, %add3A_260 : i32
      %swap3A_262 = arith.index_cast %add3A_261 : i32 to index
      %swap3A_263 = arith.constant 0 : index
      %swap3A_264 = tpu.vector_load %arg14[%swap3A_262, %swap3A_263] {strides = array<i32>} : memref<2000x16xf32, #tpu.memory_space<vmem>>, vector<1x16xf32>,
      %swap3A_265 = vector.shape_cast %swap3A_264 : vector<1x16xf32> to vector<16xf32>
      %swap3A_266 = vector.shape_cast %mul3A_259 : vector<16xf32> to vector<1x16xf32>
      tpu.vector_store %arg14[%swap3A_262, %swap3A_263], %swap3A_266 {strides = array<i32>} : memref<2000x16xf32, #tpu.memory_space<vmem>>, vector<1x16xf32>,
      %add3A_267 = arith.constant 8 : i32
      %add3A_268 = arith.addi %add3A_131, %add3A_267 : i32
      %get3A_269 = arith.index_cast %add3A_268 : i32 to index
      %get3A_270 = arith.constant 0 : index
      %get3A_271 = tpu.vector_load %arg14[%get3A_269, %get3A_270] {strides = array<i32>} : memref<2000x16xf32, #tpu.memory_space<vmem>>, vector<1x16xf32>,
      %get3A_272 = vector.shape_cast %get3A_271 : vector<1x16xf32> to vector<16xf32>
      %slice3A_273 = vector.extract_strided_slice %get3A_133 {offsets = [8], sizes = [1], strides = [1]} : vector<16xf32> to vector<1xf32>
      %squeeze3A_274 = vector.extract %slice3A_273[0] : f32 from vector<1xf32>
      %mul3A_275 = vector.broadcast %squeeze3A_274 : f32 to vector<16xf32>
      %mul3A_276 = arith.mulf %get3A_272, %mul3A_275 : vector<16xf32>
      %add3A_277 = arith.constant 8 : i32
      %add3A_278 = arith.addi %add3A_131, %add3A_277 : i32
      %swap3A_279 = arith.index_cast %add3A_278 : i32 to index
      %swap3A_280 = arith.constant 0 : index
      %swap3A_281 = tpu.vector_load %arg14[%swap3A_279, %swap3A_280] {strides = array<i32>} : memref<2000x16xf32, #tpu.memory_space<vmem>>, vector<1x16xf32>,
      %swap3A_282 = vector.shape_cast %swap3A_281 : vector<1x16xf32> to vector<16xf32>
      %swap3A_283 = vector.shape_cast %mul3A_276 : vector<16xf32> to vector<1x16xf32>
      tpu.vector_store %arg14[%swap3A_279, %swap3A_280], %swap3A_283 {strides = array<i32>} : memref<2000x16xf32, #tpu.memory_space<vmem>>, vector<1x16xf32>,
      %add3A_284 = arith.constant 9 : i32
      %add3A_285 = arith.addi %add3A_131, %add3A_284 : i32
      %get3A_286 = arith.index_cast %add3A_285 : i32 to index
      %get3A_287 = arith.constant 0 : index
      %get3A_288 = tpu.vector_load %arg14[%get3A_286, %get3A_287] {strides = array<i32>} : memref<2000x16xf32, #tpu.memory_space<vmem>>, vector<1x16xf32>,
      %get3A_289 = vector.shape_cast %get3A_288 : vector<1x16xf32> to vector<16xf32>
      %slice3A_290 = vector.extract_strided_slice %get3A_133 {offsets = [9], sizes = [1], strides = [1]} : vector<16xf32> to vector<1xf32>
      %squeeze3A_291 = vector.extract %slice3A_290[0] : f32 from vector<1xf32>
      %mul3A_292 = vector.broadcast %squeeze3A_291 : f32 to vector<16xf32>
      %mul3A_293 = arith.mulf %get3A_289, %mul3A_292 : vector<16xf32>
      %add3A_294 = arith.constant 9 : i32
      %add3A_295 = arith.addi %add3A_131, %add3A_294 : i32
      %swap3A_296 = arith.index_cast %add3A_295 : i32 to index
      %swap3A_297 = arith.constant 0 : index
      %swap3A_298 = tpu.vector_load %arg14[%swap3A_296, %swap3A_297] {strides = array<i32>} : memref<2000x16xf32, #tpu.memory_space<vmem>>, vector<1x16xf32>,
      %swap3A_299 = vector.shape_cast %swap3A_298 : vector<1x16xf32> to vector<16xf32>
      %swap3A_300 = vector.shape_cast %mul3A_293 : vector<16xf32> to vector<1x16xf32>
      tpu.vector_store %arg14[%swap3A_296, %swap3A_297], %swap3A_300 {strides = array<i32>} : memref<2000x16xf32, #tpu.memory_space<vmem>>, vector<1x16xf32>,
      %add3A_301 = arith.constant 10 : i32
      %add3A_302 = arith.addi %add3A_131, %add3A_301 : i32
      %get3A_303 = arith.index_cast %add3A_302 : i32 to index
      %get3A_304 = arith.constant 0 : index
      %get3A_305 = tpu.vector_load %arg14[%get3A_303, %get3A_304] {strides = array<i32>} : memref<2000x16xf32, #tpu.memory_space<vmem>>, vector<1x16xf32>,
      %get3A_306 = vector.shape_cast %get3A_305 : vector<1x16xf32> to vector<16xf32>
      %slice3A_307 = vector.extract_strided_slice %get3A_133 {offsets = [10], sizes = [1], strides = [1]} : vector<16xf32> to vector<1xf32>
      %squeeze3A_308 = vector.extract %slice3A_307[0] : f32 from vector<1xf32>
      %mul3A_309 = vector.broadcast %squeeze3A_308 : f32 to vector<16xf32>
      %mul3A_310 = arith.mulf %get3A_306, %mul3A_309 : vector<16xf32>
      %add3A_311 = arith.constant 10 : i32
      %add3A_312 = arith.addi %add3A_131, %add3A_311 : i32
      %swap3A_313 = arith.index_cast %add3A_312 : i32 to index
      %swap3A_314 = arith.constant 0 : index
      %swap3A_315 = tpu.vector_load %arg14[%swap3A_313, %swap3A_314] {strides = array<i32>} : memref<2000x16xf32, #tpu.memory_space<vmem>>, vector<1x16xf32>,
      %swap3A_316 = vector.shape_cast %swap3A_315 : vector<1x16xf32> to vector<16xf32>
      %swap3A_317 = vector.shape_cast %mul3A_310 : vector<16xf32> to vector<1x16xf32>
      tpu.vector_store %arg14[%swap3A_313, %swap3A_314], %swap3A_317 {strides = array<i32>} : memref<2000x16xf32, #tpu.memory_space<vmem>>, vector<1x16xf32>,
      %add3A_318 = arith.constant 11 : i32
      %add3A_319 = arith.addi %add3A_131, %add3A_318 : i32
      %get3A_320 = arith.index_cast %add3A_319 : i32 to index
      %get3A_321 = arith.constant 0 : index
      %get3A_322 = tpu.vector_load %arg14[%get3A_320, %get3A_321] {strides = array<i32>} : memref<2000x16xf32, #tpu.memory_space<vmem>>, vector<1x16xf32>,
      %get3A_323 = vector.shape_cast %get3A_322 : vector<1x16xf32> to vector<16xf32>
      %slice3A_324 = vector.extract_strided_slice %get3A_133 {offsets = [11], sizes = [1], strides = [1]} : vector<16xf32> to vector<1xf32>
      %squeeze3A_325 = vector.extract %slice3A_324[0] : f32 from vector<1xf32>
      %mul3A_326 = vector.broadcast %squeeze3A_325 : f32 to vector<16xf32>
      %mul3A_327 = arith.mulf %get3A_323, %mul3A_326 : vector<16xf32>
      %add3A_328 = arith.constant 11 : i32
      %add3A_329 = arith.addi %add3A_131, %add3A_328 : i32
      %swap3A_330 = arith.index_cast %add3A_329 : i32 to index
      %swap3A_331 = arith.constant 0 : index
      %swap3A_332 = tpu.vector_load %arg14[%swap3A_330, %swap3A_331] {strides = array<i32>} : memref<2000x16xf32, #tpu.memory_space<vmem>>, vector<1x16xf32>,
      %swap3A_333 = vector.shape_cast %swap3A_332 : vector<1x16xf32> to vector<16xf32>
      %swap3A_334 = vector.shape_cast %mul3A_327 : vector<16xf32> to vector<1x16xf32>
      tpu.vector_store %arg14[%swap3A_330, %swap3A_331], %swap3A_334 {strides = array<i32>} : memref<2000x16xf32, #tpu.memory_space<vmem>>, vector<1x16xf32>,
      %add3A_335 = arith.constant 12 : i32
      %add3A_336 = arith.addi %add3A_131, %add3A_335 : i32
      %get3A_337 = arith.index_cast %add3A_336 : i32 to index
      %get3A_338 = arith.constant 0 : index
      %get3A_339 = tpu.vector_load %arg14[%get3A_337, %get3A_338] {strides = array<i32>} : memref<2000x16xf32, #tpu.memory_space<vmem>>, vector<1x16xf32>,
      %get3A_340 = vector.shape_cast %get3A_339 : vector<1x16xf32> to vector<16xf32>
      %slice3A_341 = vector.extract_strided_slice %get3A_133 {offsets = [12], sizes = [1], strides = [1]} : vector<16xf32> to vector<1xf32>
      %squeeze3A_342 = vector.extract %slice3A_341[0] : f32 from vector<1xf32>
      %mul3A_343 = vector.broadcast %squeeze3A_342 : f32 to vector<16xf32>
      %mul3A_344 = arith.mulf %get3A_340, %mul3A_343 : vector<16xf32>
      %add3A_345 = arith.constant 12 : i32
      %add3A_346 = arith.addi %add3A_131, %add3A_345 : i32
      %swap3A_347 = arith.index_cast %add3A_346 : i32 to index
      %swap3A_348 = arith.constant 0 : index
      %swap3A_349 = tpu.vector_load %arg14[%swap3A_347, %swap3A_348] {strides = array<i32>} : memref<2000x16xf32, #tpu.memory_space<vmem>>, vector<1x16xf32>,
      %swap3A_350 = vector.shape_cast %swap3A_349 : vector<1x16xf32> to vector<16xf32>
      %swap3A_351 = vector.shape_cast %mul3A_344 : vector<16xf32> to vector<1x16xf32>
      tpu.vector_store %arg14[%swap3A_347, %swap3A_348], %swap3A_351 {strides = array<i32>} : memref<2000x16xf32, #tpu.memory_space<vmem>>, vector<1x16xf32>,
      %add3A_352 = arith.constant 13 : i32
      %add3A_353 = arith.addi %add3A_131, %add3A_352 : i32
      %get3A_354 = arith.index_cast %add3A_353 : i32 to index
      %get3A_355 = arith.constant 0 : index
      %get3A_356 = tpu.vector_load %arg14[%get3A_354, %get3A_355] {strides = array<i32>} : memref<2000x16xf32, #tpu.memory_space<vmem>>, vector<1x16xf32>,
      %get3A_357 = vector.shape_cast %get3A_356 : vector<1x16xf32> to vector<16xf32>
      %slice3A_358 = vector.extract_strided_slice %get3A_133 {offsets = [13], sizes = [1], strides = [1]} : vector<16xf32> to vector<1xf32>
      %squeeze3A_359 = vector.extract %slice3A_358[0] : f32 from vector<1xf32>
      %mul3A_360 = vector.broadcast %squeeze3A_359 : f32 to vector<16xf32>
      %mul3A_361 = arith.mulf %get3A_357, %mul3A_360 : vector<16xf32>
      %add3A_362 = arith.constant 13 : i32
      %add3A_363 = arith.addi %add3A_131, %add3A_362 : i32
      %swap3A_364 = arith.index_cast %add3A_363 : i32 to index
      %swap3A_365 = arith.constant 0 : index
      %swap3A_366 = tpu.vector_load %arg14[%swap3A_364, %swap3A_365] {strides = array<i32>} : memref<2000x16xf32, #tpu.memory_space<vmem>>, vector<1x16xf32>,
      %swap3A_367 = vector.shape_cast %swap3A_366 : vector<1x16xf32> to vector<16xf32>
      %swap3A_368 = vector.shape_cast %mul3A_361 : vector<16xf32> to vector<1x16xf32>
      tpu.vector_store %arg14[%swap3A_364, %swap3A_365], %swap3A_368 {strides = array<i32>} : memref<2000x16xf32, #tpu.memory_space<vmem>>, vector<1x16xf32>,
      %add3A_369 = arith.constant 14 : i32
      %add3A_370 = arith.addi %add3A_131, %add3A_369 : i32
      %get3A_371 = arith.index_cast %add3A_370 : i32 to index
      %get3A_372 = arith.constant 0 : index
      %get3A_373 = tpu.vector_load %arg14[%get3A_371, %get3A_372] {strides = array<i32>} : memref<2000x16xf32, #tpu.memory_space<vmem>>, vector<1x16xf32>,
      %get3A_374 = vector.shape_cast %get3A_373 : vector<1x16xf32> to vector<16xf32>
      %slice3A_375 = vector.extract_strided_slice %get3A_133 {offsets = [14], sizes = [1], strides = [1]} : vector<16xf32> to vector<1xf32>
      %squeeze3A_376 = vector.extract %slice3A_375[0] : f32 from vector<1xf32>
      %mul3A_377 = vector.broadcast %squeeze3A_376 : f32 to vector<16xf32>
      %mul3A_378 = arith.mulf %get3A_374, %mul3A_377 : vector<16xf32>
      %add3A_379 = arith.constant 14 : i32
      %add3A_380 = arith.addi %add3A_131, %add3A_379 : i32
      %swap3A_381 = arith.index_cast %add3A_380 : i32 to index
      %swap3A_382 = arith.constant 0 : index
      %swap3A_383 = tpu.vector_load %arg14[%swap3A_381, %swap3A_382] {strides = array<i32>} : memref<2000x16xf32, #tpu.memory_space<vmem>>, vector<1x16xf32>,
      %swap3A_384 = vector.shape_cast %swap3A_383 : vector<1x16xf32> to vector<16xf32>
      %swap3A_385 = vector.shape_cast %mul3A_378 : vector<16xf32> to vector<1x16xf32>
      tpu.vector_store %arg14[%swap3A_381, %swap3A_382], %swap3A_385 {strides = array<i32>} : memref<2000x16xf32, #tpu.memory_space<vmem>>, vector<1x16xf32>,
      %add3A_386 = arith.constant 15 : i32
      %add3A_387 = arith.addi %add3A_131, %add3A_386 : i32
      %get3A_388 = arith.index_cast %add3A_387 : i32 to index
      %get3A_389 = arith.constant 0 : index
      %get3A_390 = tpu.vector_load %arg14[%get3A_388, %get3A_389] {strides = array<i32>} : memref<2000x16xf32, #tpu.memory_space<vmem>>, vector<1x16xf32>,
      %get3A_391 = vector.shape_cast %get3A_390 : vector<1x16xf32> to vector<16xf32>
      %slice3A_392 = vector.extract_strided_slice %get3A_133 {offsets = [15], sizes = [1], strides = [1]} : vector<16xf32> to vector<1xf32>
      %squeeze3A_393 = vector.extract %slice3A_392[0] : f32 from vector<1xf32>
      %mul3A_394 = vector.broadcast %squeeze3A_393 : f32 to vector<16xf32>
      %mul3A_395 = arith.mulf %get3A_391, %mul3A_394 : vector<16xf32>
      %add3A_396 = arith.constant 15 : i32
      %add3A_397 = arith.addi %add3A_131, %add3A_396 : i32
      %swap3A_398 = arith.index_cast %add3A_397 : i32 to index
      %swap3A_399 = arith.constant 0 : index
      %swap3A_400 = tpu.vector_load %arg14[%swap3A_398, %swap3A_399] {strides = array<i32>} : memref<2000x16xf32, #tpu.memory_space<vmem>>, vector<1x16xf32>,
      %swap3A_401 = vector.shape_cast %swap3A_400 : vector<1x16xf32> to vector<16xf32>
      %swap3A_402 = vector.shape_cast %mul3A_395 : vector<16xf32> to vector<1x16xf32>
      tpu.vector_store %arg14[%swap3A_398, %swap3A_399], %swap3A_402 {strides = array<i32>} : memref<2000x16xf32, #tpu.memory_space<vmem>>, vector<1x16xf32>,
    }
    %scan3A_101 = arith.constant 125 : i32
    %dma_start3A_102 = arith.constant 0 : i32
    %dma_start3A_103 = arith.constant 0 : i32
    %dma_start3A_104 = tpu.memref_slice %arg16[%dma_start3A_102, %dma_start3A_103] : memref<10240x16xf32, #tpu.memory_space<vmem_shared>> -> memref<10240x16xf32, #tpu.memory_space<vmem_shared>>
    tpu.enqueue_indirect_dma source(%arg14 : memref<2000x16xf32, #tpu.memory_space<vmem>>) target(%dma_start3A_104 : memref<10240x16xf32, #tpu.memory_space<vmem_shared>>) offsets(%arg10 : memref<2000xi32, #tpu.memory_space<vmem>>) semaphore(%arg20 : memref<!tpu.dma_semaphore, #tpu.memory_space<semaphore_mem>>) {add = true}
    %dma_wait3A_105 = arith.constant 0 : i32
    %dma_wait3A_106 = arith.constant 0 : i32
    %dma_wait3A_107 = tpu.memref_slice %arg2[%dma_wait3A_105, %dma_wait3A_106] : memref<10000x16xf32, #tpu.memory_space<hbm>> -> memref<10000x16xf32, #tpu.memory_space<hbm>>
    tpu.wait_indirect_dma semaphore(%arg17 : memref<!tpu.dma_semaphore, #tpu.memory_space<semaphore_mem>>) src(%dma_wait3A_107 : memref<10000x16xf32, #tpu.memory_space<hbm>>) dst(%arg13 : memref<2000x16xf32, #tpu.memory_space<vmem>>)
    %scan3A_108 = arith.constant 0 : i32
    %scan3A_109 = arith.constant 125 : i32
    %scan3A_110 = arith.addi %scan3A_108, %scan3A_109 : i32
    %scan3A_111 = arith.constant 1 : i32
    scf.for %scan3A_127 = %scan3A_108 to %scan3A_110 step %scan3A_111  : i32 {
      %mul3A_128 = arith.constant 16 : i32
      %mul3A_129 = arith.muli %scan3A_127, %mul3A_128 : i32
      %add3A_130 = arith.constant 0 : i32
      %add3A_131 = arith.addi %add3A_130, %mul3A_129 : i32
      %get3A = arith.index_cast %add3A_131 : i32 to index
      %get3A_132 = tpu.vector_load %arg11[%get3A] {strides = array<i32>} : memref<2000xf32, #tpu.memory_space<vmem>>, vector<16xf32>,
      %get3A_133 = vector.shape_cast %get3A_132 : vector<16xf32> to vector<16xf32>
      %add3A_134 = arith.constant 0 : i32
      %add3A_135 = arith.addi %add3A_131, %add3A_134 : i32
      %get3A_136 = arith.index_cast %add3A_135 : i32 to index
      %get3A_137 = arith.constant 0 : index
      %get3A_138 = tpu.vector_load %arg13[%get3A_136, %get3A_137] {strides = array<i32>} : memref<2000x16xf32, #tpu.memory_space<vmem>>, vector<1x16xf32>,
      %get3A_139 = vector.shape_cast %get3A_138 : vector<1x16xf32> to vector<16xf32>
      %slice3A = vector.extract_strided_slice %get3A_133 {offsets = [0], sizes = [1], strides = [1]} : vector<16xf32> to vector<1xf32>
      %squeeze3A = vector.extract %slice3A[0] : f32 from vector<1xf32>
      %mul3A_140 = vector.broadcast %squeeze3A : f32 to vector<16xf32>
      %mul3A_141 = arith.mulf %get3A_139, %mul3A_140 : vector<16xf32>
      %add3A_142 = arith.constant 0 : i32
      %add3A_143 = arith.addi %add3A_131, %add3A_142 : i32
      %swap3A = arith.index_cast %add3A_143 : i32 to index
      %swap3A_144 = arith.constant 0 : index
      %swap3A_145 = tpu.vector_load %arg13[%swap3A, %swap3A_144] {strides = array<i32>} : memref<2000x16xf32, #tpu.memory_space<vmem>>, vector<1x16xf32>,
      %swap3A_146 = vector.shape_cast %swap3A_145 : vector<1x16xf32> to vector<16xf32>
      %swap3A_147 = vector.shape_cast %mul3A_141 : vector<16xf32> to vector<1x16xf32>
      tpu.vector_store %arg13[%swap3A, %swap3A_144], %swap3A_147 {strides = array<i32>} : memref<2000x16xf32, #tpu.memory_space<vmem>>, vector<1x16xf32>,
      %add3A_148 = arith.constant 1 : i32
      %add3A_149 = arith.addi %add3A_131, %add3A_148 : i32
      %get3A_150 = arith.index_cast %add3A_149 : i32 to index
      %get3A_151 = arith.constant 0 : index
      %get3A_152 = tpu.vector_load %arg13[%get3A_150, %get3A_151] {strides = array<i32>} : memref<2000x16xf32, #tpu.memory_space<vmem>>, vector<1x16xf32>,
      %get3A_153 = vector.shape_cast %get3A_152 : vector<1x16xf32> to vector<16xf32>
      %slice3A_154 = vector.extract_strided_slice %get3A_133 {offsets = [1], sizes = [1], strides = [1]} : vector<16xf32> to vector<1xf32>
      %squeeze3A_155 = vector.extract %slice3A_154[0] : f32 from vector<1xf32>
      %mul3A_156 = vector.broadcast %squeeze3A_155 : f32 to vector<16xf32>
      %mul3A_157 = arith.mulf %get3A_153, %mul3A_156 : vector<16xf32>
      %add3A_158 = arith.constant 1 : i32
      %add3A_159 = arith.addi %add3A_131, %add3A_158 : i32
      %swap3A_160 = arith.index_cast %add3A_159 : i32 to index
      %swap3A_161 = arith.constant 0 : index
      %swap3A_162 = tpu.vector_load %arg13[%swap3A_160, %swap3A_161] {strides = array<i32>} : memref<2000x16xf32, #tpu.memory_space<vmem>>, vector<1x16xf32>,
      %swap3A_163 = vector.shape_cast %swap3A_162 : vector<1x16xf32> to vector<16xf32>
      %swap3A_164 = vector.shape_cast %mul3A_157 : vector<16xf32> to vector<1x16xf32>
      tpu.vector_store %arg13[%swap3A_160, %swap3A_161], %swap3A_164 {strides = array<i32>} : memref<2000x16xf32, #tpu.memory_space<vmem>>, vector<1x16xf32>,
      %add3A_165 = arith.constant 2 : i32
      %add3A_166 = arith.addi %add3A_131, %add3A_165 : i32
      %get3A_167 = arith.index_cast %add3A_166 : i32 to index
      %get3A_168 = arith.constant 0 : index
      %get3A_169 = tpu.vector_load %arg13[%get3A_167, %get3A_168] {strides = array<i32>} : memref<2000x16xf32, #tpu.memory_space<vmem>>, vector<1x16xf32>,
      %get3A_170 = vector.shape_cast %get3A_169 : vector<1x16xf32> to vector<16xf32>
      %slice3A_171 = vector.extract_strided_slice %get3A_133 {offsets = [2], sizes = [1], strides = [1]} : vector<16xf32> to vector<1xf32>
      %squeeze3A_172 = vector.extract %slice3A_171[0] : f32 from vector<1xf32>
      %mul3A_173 = vector.broadcast %squeeze3A_172 : f32 to vector<16xf32>
      %mul3A_174 = arith.mulf %get3A_170, %mul3A_173 : vector<16xf32>
      %add3A_175 = arith.constant 2 : i32
      %add3A_176 = arith.addi %add3A_131, %add3A_175 : i32
      %swap3A_177 = arith.index_cast %add3A_176 : i32 to index
      %swap3A_178 = arith.constant 0 : index
      %swap3A_179 = tpu.vector_load %arg13[%swap3A_177, %swap3A_178] {strides = array<i32>} : memref<2000x16xf32, #tpu.memory_space<vmem>>, vector<1x16xf32>,
      %swap3A_180 = vector.shape_cast %swap3A_179 : vector<1x16xf32> to vector<16xf32>
      %swap3A_181 = vector.shape_cast %mul3A_174 : vector<16xf32> to vector<1x16xf32>
      tpu.vector_store %arg13[%swap3A_177, %swap3A_178], %swap3A_181 {strides = array<i32>} : memref<2000x16xf32, #tpu.memory_space<vmem>>, vector<1x16xf32>,
      %add3A_182 = arith.constant 3 : i32
      %add3A_183 = arith.addi %add3A_131, %add3A_182 : i32
      %get3A_184 = arith.index_cast %add3A_183 : i32 to index
      %get3A_185 = arith.constant 0 : index
      %get3A_186 = tpu.vector_load %arg13[%get3A_184, %get3A_185] {strides = array<i32>} : memref<2000x16xf32, #tpu.memory_space<vmem>>, vector<1x16xf32>,
      %get3A_187 = vector.shape_cast %get3A_186 : vector<1x16xf32> to vector<16xf32>
      %slice3A_188 = vector.extract_strided_slice %get3A_133 {offsets = [3], sizes = [1], strides = [1]} : vector<16xf32> to vector<1xf32>
      %squeeze3A_189 = vector.extract %slice3A_188[0] : f32 from vector<1xf32>
      %mul3A_190 = vector.broadcast %squeeze3A_189 : f32 to vector<16xf32>
      %mul3A_191 = arith.mulf %get3A_187, %mul3A_190 : vector<16xf32>
      %add3A_192 = arith.constant 3 : i32
      %add3A_193 = arith.addi %add3A_131, %add3A_192 : i32
      %swap3A_194 = arith.index_cast %add3A_193 : i32 to index
      %swap3A_195 = arith.constant 0 : index
      %swap3A_196 = tpu.vector_load %arg13[%swap3A_194, %swap3A_195] {strides = array<i32>} : memref<2000x16xf32, #tpu.memory_space<vmem>>, vector<1x16xf32>,
      %swap3A_197 = vector.shape_cast %swap3A_196 : vector<1x16xf32> to vector<16xf32>
      %swap3A_198 = vector.shape_cast %mul3A_191 : vector<16xf32> to vector<1x16xf32>
      tpu.vector_store %arg13[%swap3A_194, %swap3A_195], %swap3A_198 {strides = array<i32>} : memref<2000x16xf32, #tpu.memory_space<vmem>>, vector<1x16xf32>,
      %add3A_199 = arith.constant 4 : i32
      %add3A_200 = arith.addi %add3A_131, %add3A_199 : i32
      %get3A_201 = arith.index_cast %add3A_200 : i32 to index
      %get3A_202 = arith.constant 0 : index
      %get3A_203 = tpu.vector_load %arg13[%get3A_201, %get3A_202] {strides = array<i32>} : memref<2000x16xf32, #tpu.memory_space<vmem>>, vector<1x16xf32>,
      %get3A_204 = vector.shape_cast %get3A_203 : vector<1x16xf32> to vector<16xf32>
      %slice3A_205 = vector.extract_strided_slice %get3A_133 {offsets = [4], sizes = [1], strides = [1]} : vector<16xf32> to vector<1xf32>
      %squeeze3A_206 = vector.extract %slice3A_205[0] : f32 from vector<1xf32>
      %mul3A_207 = vector.broadcast %squeeze3A_206 : f32 to vector<16xf32>
      %mul3A_208 = arith.mulf %get3A_204, %mul3A_207 : vector<16xf32>
      %add3A_209 = arith.constant 4 : i32
      %add3A_210 = arith.addi %add3A_131, %add3A_209 : i32
      %swap3A_211 = arith.index_cast %add3A_210 : i32 to index
      %swap3A_212 = arith.constant 0 : index
      %swap3A_213 = tpu.vector_load %arg13[%swap3A_211, %swap3A_212] {strides = array<i32>} : memref<2000x16xf32, #tpu.memory_space<vmem>>, vector<1x16xf32>,
      %swap3A_214 = vector.shape_cast %swap3A_213 : vector<1x16xf32> to vector<16xf32>
      %swap3A_215 = vector.shape_cast %mul3A_208 : vector<16xf32> to vector<1x16xf32>
      tpu.vector_store %arg13[%swap3A_211, %swap3A_212], %swap3A_215 {strides = array<i32>} : memref<2000x16xf32, #tpu.memory_space<vmem>>, vector<1x16xf32>,
      %add3A_216 = arith.constant 5 : i32
      %add3A_217 = arith.addi %add3A_131, %add3A_216 : i32
      %get3A_218 = arith.index_cast %add3A_217 : i32 to index
      %get3A_219 = arith.constant 0 : index
      %get3A_220 = tpu.vector_load %arg13[%get3A_218, %get3A_219] {strides = array<i32>} : memref<2000x16xf32, #tpu.memory_space<vmem>>, vector<1x16xf32>,
      %get3A_221 = vector.shape_cast %get3A_220 : vector<1x16xf32> to vector<16xf32>
      %slice3A_222 = vector.extract_strided_slice %get3A_133 {offsets = [5], sizes = [1], strides = [1]} : vector<16xf32> to vector<1xf32>
      %squeeze3A_223 = vector.extract %slice3A_222[0] : f32 from vector<1xf32>
      %mul3A_224 = vector.broadcast %squeeze3A_223 : f32 to vector<16xf32>
      %mul3A_225 = arith.mulf %get3A_221, %mul3A_224 : vector<16xf32>
      %add3A_226 = arith.constant 5 : i32
      %add3A_227 = arith.addi %add3A_131, %add3A_226 : i32
      %swap3A_228 = arith.index_cast %add3A_227 : i32 to index
      %swap3A_229 = arith.constant 0 : index
      %swap3A_230 = tpu.vector_load %arg13[%swap3A_228, %swap3A_229] {strides = array<i32>} : memref<2000x16xf32, #tpu.memory_space<vmem>>, vector<1x16xf32>,
      %swap3A_231 = vector.shape_cast %swap3A_230 : vector<1x16xf32> to vector<16xf32>
      %swap3A_232 = vector.shape_cast %mul3A_225 : vector<16xf32> to vector<1x16xf32>
      tpu.vector_store %arg13[%swap3A_228, %swap3A_229], %swap3A_232 {strides = array<i32>} : memref<2000x16xf32, #tpu.memory_space<vmem>>, vector<1x16xf32>,
      %add3A_233 = arith.constant 6 : i32
      %add3A_234 = arith.addi %add3A_131, %add3A_233 : i32
      %get3A_235 = arith.index_cast %add3A_234 : i32 to index
      %get3A_236 = arith.constant 0 : index
      %get3A_237 = tpu.vector_load %arg13[%get3A_235, %get3A_236] {strides = array<i32>} : memref<2000x16xf32, #tpu.memory_space<vmem>>, vector<1x16xf32>,
      %get3A_238 = vector.shape_cast %get3A_237 : vector<1x16xf32> to vector<16xf32>
      %slice3A_239 = vector.extract_strided_slice %get3A_133 {offsets = [6], sizes = [1], strides = [1]} : vector<16xf32> to vector<1xf32>
      %squeeze3A_240 = vector.extract %slice3A_239[0] : f32 from vector<1xf32>
      %mul3A_241 = vector.broadcast %squeeze3A_240 : f32 to vector<16xf32>
      %mul3A_242 = arith.mulf %get3A_238, %mul3A_241 : vector<16xf32>
      %add3A_243 = arith.constant 6 : i32
      %add3A_244 = arith.addi %add3A_131, %add3A_243 : i32
      %swap3A_245 = arith.index_cast %add3A_244 : i32 to index
      %swap3A_246 = arith.constant 0 : index
      %swap3A_247 = tpu.vector_load %arg13[%swap3A_245, %swap3A_246] {strides = array<i32>} : memref<2000x16xf32, #tpu.memory_space<vmem>>, vector<1x16xf32>,
      %swap3A_248 = vector.shape_cast %swap3A_247 : vector<1x16xf32> to vector<16xf32>
      %swap3A_249 = vector.shape_cast %mul3A_242 : vector<16xf32> to vector<1x16xf32>
      tpu.vector_store %arg13[%swap3A_245, %swap3A_246], %swap3A_249 {strides = array<i32>} : memref<2000x16xf32, #tpu.memory_space<vmem>>, vector<1x16xf32>,
      %add3A_250 = arith.constant 7 : i32
      %add3A_251 = arith.addi %add3A_131, %add3A_250 : i32
      %get3A_252 = arith.index_cast %add3A_251 : i32 to index
      %get3A_253 = arith.constant 0 : index
      %get3A_254 = tpu.vector_load %arg13[%get3A_252, %get3A_253] {strides = array<i32>} : memref<2000x16xf32, #tpu.memory_space<vmem>>, vector<1x16xf32>,
      %get3A_255 = vector.shape_cast %get3A_254 : vector<1x16xf32> to vector<16xf32>
      %slice3A_256 = vector.extract_strided_slice %get3A_133 {offsets = [7], sizes = [1], strides = [1]} : vector<16xf32> to vector<1xf32>
      %squeeze3A_257 = vector.extract %slice3A_256[0] : f32 from vector<1xf32>
      %mul3A_258 = vector.broadcast %squeeze3A_257 : f32 to vector<16xf32>
      %mul3A_259 = arith.mulf %get3A_255, %mul3A_258 : vector<16xf32>
      %add3A_260 = arith.constant 7 : i32
      %add3A_261 = arith.addi %add3A_131, %add3A_260 : i32
      %swap3A_262 = arith.index_cast %add3A_261 : i32 to index
      %swap3A_263 = arith.constant 0 : index
      %swap3A_264 = tpu.vector_load %arg13[%swap3A_262, %swap3A_263] {strides = array<i32>} : memref<2000x16xf32, #tpu.memory_space<vmem>>, vector<1x16xf32>,
      %swap3A_265 = vector.shape_cast %swap3A_264 : vector<1x16xf32> to vector<16xf32>
      %swap3A_266 = vector.shape_cast %mul3A_259 : vector<16xf32> to vector<1x16xf32>
      tpu.vector_store %arg13[%swap3A_262, %swap3A_263], %swap3A_266 {strides = array<i32>} : memref<2000x16xf32, #tpu.memory_space<vmem>>, vector<1x16xf32>,
      %add3A_267 = arith.constant 8 : i32
      %add3A_268 = arith.addi %add3A_131, %add3A_267 : i32
      %get3A_269 = arith.index_cast %add3A_268 : i32 to index
      %get3A_270 = arith.constant 0 : index
      %get3A_271 = tpu.vector_load %arg13[%get3A_269, %get3A_270] {strides = array<i32>} : memref<2000x16xf32, #tpu.memory_space<vmem>>, vector<1x16xf32>,
      %get3A_272 = vector.shape_cast %get3A_271 : vector<1x16xf32> to vector<16xf32>
      %slice3A_273 = vector.extract_strided_slice %get3A_133 {offsets = [8], sizes = [1], strides = [1]} : vector<16xf32> to vector<1xf32>
      %squeeze3A_274 = vector.extract %slice3A_273[0] : f32 from vector<1xf32>
      %mul3A_275 = vector.broadcast %squeeze3A_274 : f32 to vector<16xf32>
      %mul3A_276 = arith.mulf %get3A_272, %mul3A_275 : vector<16xf32>
      %add3A_277 = arith.constant 8 : i32
      %add3A_278 = arith.addi %add3A_131, %add3A_277 : i32
      %swap3A_279 = arith.index_cast %add3A_278 : i32 to index
      %swap3A_280 = arith.constant 0 : index
      %swap3A_281 = tpu.vector_load %arg13[%swap3A_279, %swap3A_280] {strides = array<i32>} : memref<2000x16xf32, #tpu.memory_space<vmem>>, vector<1x16xf32>,
      %swap3A_282 = vector.shape_cast %swap3A_281 : vector<1x16xf32> to vector<16xf32>
      %swap3A_283 = vector.shape_cast %mul3A_276 : vector<16xf32> to vector<1x16xf32>
      tpu.vector_store %arg13[%swap3A_279, %swap3A_280], %swap3A_283 {strides = array<i32>} : memref<2000x16xf32, #tpu.memory_space<vmem>>, vector<1x16xf32>,
      %add3A_284 = arith.constant 9 : i32
      %add3A_285 = arith.addi %add3A_131, %add3A_284 : i32
      %get3A_286 = arith.index_cast %add3A_285 : i32 to index
      %get3A_287 = arith.constant 0 : index
      %get3A_288 = tpu.vector_load %arg13[%get3A_286, %get3A_287] {strides = array<i32>} : memref<2000x16xf32, #tpu.memory_space<vmem>>, vector<1x16xf32>,
      %get3A_289 = vector.shape_cast %get3A_288 : vector<1x16xf32> to vector<16xf32>
      %slice3A_290 = vector.extract_strided_slice %get3A_133 {offsets = [9], sizes = [1], strides = [1]} : vector<16xf32> to vector<1xf32>
      %squeeze3A_291 = vector.extract %slice3A_290[0] : f32 from vector<1xf32>
      %mul3A_292 = vector.broadcast %squeeze3A_291 : f32 to vector<16xf32>
      %mul3A_293 = arith.mulf %get3A_289, %mul3A_292 : vector<16xf32>
      %add3A_294 = arith.constant 9 : i32
      %add3A_295 = arith.addi %add3A_131, %add3A_294 : i32
      %swap3A_296 = arith.index_cast %add3A_295 : i32 to index
      %swap3A_297 = arith.constant 0 : index
      %swap3A_298 = tpu.vector_load %arg13[%swap3A_296, %swap3A_297] {strides = array<i32>} : memref<2000x16xf32, #tpu.memory_space<vmem>>, vector<1x16xf32>,
      %swap3A_299 = vector.shape_cast %swap3A_298 : vector<1x16xf32> to vector<16xf32>
      %swap3A_300 = vector.shape_cast %mul3A_293 : vector<16xf32> to vector<1x16xf32>
      tpu.vector_store %arg13[%swap3A_296, %swap3A_297], %swap3A_300 {strides = array<i32>} : memref<2000x16xf32, #tpu.memory_space<vmem>>, vector<1x16xf32>,
      %add3A_301 = arith.constant 10 : i32
      %add3A_302 = arith.addi %add3A_131, %add3A_301 : i32
      %get3A_303 = arith.index_cast %add3A_302 : i32 to index
      %get3A_304 = arith.constant 0 : index
      %get3A_305 = tpu.vector_load %arg13[%get3A_303, %get3A_304] {strides = array<i32>} : memref<2000x16xf32, #tpu.memory_space<vmem>>, vector<1x16xf32>,
      %get3A_306 = vector.shape_cast %get3A_305 : vector<1x16xf32> to vector<16xf32>
      %slice3A_307 = vector.extract_strided_slice %get3A_133 {offsets = [10], sizes = [1], strides = [1]} : vector<16xf32> to vector<1xf32>
      %squeeze3A_308 = vector.extract %slice3A_307[0] : f32 from vector<1xf32>
      %mul3A_309 = vector.broadcast %squeeze3A_308 : f32 to vector<16xf32>
      %mul3A_310 = arith.mulf %get3A_306, %mul3A_309 : vector<16xf32>
      %add3A_311 = arith.constant 10 : i32
      %add3A_312 = arith.addi %add3A_131, %add3A_311 : i32
      %swap3A_313 = arith.index_cast %add3A_312 : i32 to index
      %swap3A_314 = arith.constant 0 : index
      %swap3A_315 = tpu.vector_load %arg13[%swap3A_313, %swap3A_314] {strides = array<i32>} : memref<2000x16xf32, #tpu.memory_space<vmem>>, vector<1x16xf32>,
      %swap3A_316 = vector.shape_cast %swap3A_315 : vector<1x16xf32> to vector<16xf32>
      %swap3A_317 = vector.shape_cast %mul3A_310 : vector<16xf32> to vector<1x16xf32>
      tpu.vector_store %arg13[%swap3A_313, %swap3A_314], %swap3A_317 {strides = array<i32>} : memref<2000x16xf32, #tpu.memory_space<vmem>>, vector<1x16xf32>,
      %add3A_318 = arith.constant 11 : i32
      %add3A_319 = arith.addi %add3A_131, %add3A_318 : i32
      %get3A_320 = arith.index_cast %add3A_319 : i32 to index
      %get3A_321 = arith.constant 0 : index
      %get3A_322 = tpu.vector_load %arg13[%get3A_320, %get3A_321] {strides = array<i32>} : memref<2000x16xf32, #tpu.memory_space<vmem>>, vector<1x16xf32>,
      %get3A_323 = vector.shape_cast %get3A_322 : vector<1x16xf32> to vector<16xf32>
      %slice3A_324 = vector.extract_strided_slice %get3A_133 {offsets = [11], sizes = [1], strides = [1]} : vector<16xf32> to vector<1xf32>
      %squeeze3A_325 = vector.extract %slice3A_324[0] : f32 from vector<1xf32>
      %mul3A_326 = vector.broadcast %squeeze3A_325 : f32 to vector<16xf32>
      %mul3A_327 = arith.mulf %get3A_323, %mul3A_326 : vector<16xf32>
      %add3A_328 = arith.constant 11 : i32
      %add3A_329 = arith.addi %add3A_131, %add3A_328 : i32
      %swap3A_330 = arith.index_cast %add3A_329 : i32 to index
      %swap3A_331 = arith.constant 0 : index
      %swap3A_332 = tpu.vector_load %arg13[%swap3A_330, %swap3A_331] {strides = array<i32>} : memref<2000x16xf32, #tpu.memory_space<vmem>>, vector<1x16xf32>,
      %swap3A_333 = vector.shape_cast %swap3A_332 : vector<1x16xf32> to vector<16xf32>
      %swap3A_334 = vector.shape_cast %mul3A_327 : vector<16xf32> to vector<1x16xf32>
      tpu.vector_store %arg13[%swap3A_330, %swap3A_331], %swap3A_334 {strides = array<i32>} : memref<2000x16xf32, #tpu.memory_space<vmem>>, vector<1x16xf32>,
      %add3A_335 = arith.constant 12 : i32
      %add3A_336 = arith.addi %add3A_131, %add3A_335 : i32
      %get3A_337 = arith.index_cast %add3A_336 : i32 to index
      %get3A_338 = arith.constant 0 : index
      %get3A_339 = tpu.vector_load %arg13[%get3A_337, %get3A_338] {strides = array<i32>} : memref<2000x16xf32, #tpu.memory_space<vmem>>, vector<1x16xf32>,
      %get3A_340 = vector.shape_cast %get3A_339 : vector<1x16xf32> to vector<16xf32>
      %slice3A_341 = vector.extract_strided_slice %get3A_133 {offsets = [12], sizes = [1], strides = [1]} : vector<16xf32> to vector<1xf32>
      %squeeze3A_342 = vector.extract %slice3A_341[0] : f32 from vector<1xf32>
      %mul3A_343 = vector.broadcast %squeeze3A_342 : f32 to vector<16xf32>
      %mul3A_344 = arith.mulf %get3A_340, %mul3A_343 : vector<16xf32>
      %add3A_345 = arith.constant 12 : i32
      %add3A_346 = arith.addi %add3A_131, %add3A_345 : i32
      %swap3A_347 = arith.index_cast %add3A_346 : i32 to index
      %swap3A_348 = arith.constant 0 : index
      %swap3A_349 = tpu.vector_load %arg13[%swap3A_347, %swap3A_348] {strides = array<i32>} : memref<2000x16xf32, #tpu.memory_space<vmem>>, vector<1x16xf32>,
      %swap3A_350 = vector.shape_cast %swap3A_349 : vector<1x16xf32> to vector<16xf32>
      %swap3A_351 = vector.shape_cast %mul3A_344 : vector<16xf32> to vector<1x16xf32>
      tpu.vector_store %arg13[%swap3A_347, %swap3A_348], %swap3A_351 {strides = array<i32>} : memref<2000x16xf32, #tpu.memory_space<vmem>>, vector<1x16xf32>,
      %add3A_352 = arith.constant 13 : i32
      %add3A_353 = arith.addi %add3A_131, %add3A_352 : i32
      %get3A_354 = arith.index_cast %add3A_353 : i32 to index
      %get3A_355 = arith.constant 0 : index
      %get3A_356 = tpu.vector_load %arg13[%get3A_354, %get3A_355] {strides = array<i32>} : memref<2000x16xf32, #tpu.memory_space<vmem>>, vector<1x16xf32>,
      %get3A_357 = vector.shape_cast %get3A_356 : vector<1x16xf32> to vector<16xf32>
      %slice3A_358 = vector.extract_strided_slice %get3A_133 {offsets = [13], sizes = [1], strides = [1]} : vector<16xf32> to vector<1xf32>
      %squeeze3A_359 = vector.extract %slice3A_358[0] : f32 from vector<1xf32>
      %mul3A_360 = vector.broadcast %squeeze3A_359 : f32 to vector<16xf32>
      %mul3A_361 = arith.mulf %get3A_357, %mul3A_360 : vector<16xf32>
      %add3A_362 = arith.constant 13 : i32
      %add3A_363 = arith.addi %add3A_131, %add3A_362 : i32
      %swap3A_364 = arith.index_cast %add3A_363 : i32 to index
      %swap3A_365 = arith.constant 0 : index
      %swap3A_366 = tpu.vector_load %arg13[%swap3A_364, %swap3A_365] {strides = array<i32>} : memref<2000x16xf32, #tpu.memory_space<vmem>>, vector<1x16xf32>,
      %swap3A_367 = vector.shape_cast %swap3A_366 : vector<1x16xf32> to vector<16xf32>
      %swap3A_368 = vector.shape_cast %mul3A_361 : vector<16xf32> to vector<1x16xf32>
      tpu.vector_store %arg13[%swap3A_364, %swap3A_365], %swap3A_368 {strides = array<i32>} : memref<2000x16xf32, #tpu.memory_space<vmem>>, vector<1x16xf32>,
      %add3A_369 = arith.constant 14 : i32
      %add3A_370 = arith.addi %add3A_131, %add3A_369 : i32
      %get3A_371 = arith.index_cast %add3A_370 : i32 to index
      %get3A_372 = arith.constant 0 : index
      %get3A_373 = tpu.vector_load %arg13[%get3A_371, %get3A_372] {strides = array<i32>} : memref<2000x16xf32, #tpu.memory_space<vmem>>, vector<1x16xf32>,
      %get3A_374 = vector.shape_cast %get3A_373 : vector<1x16xf32> to vector<16xf32>
      %slice3A_375 = vector.extract_strided_slice %get3A_133 {offsets = [14], sizes = [1], strides = [1]} : vector<16xf32> to vector<1xf32>
      %squeeze3A_376 = vector.extract %slice3A_375[0] : f32 from vector<1xf32>
      %mul3A_377 = vector.broadcast %squeeze3A_376 : f32 to vector<16xf32>
      %mul3A_378 = arith.mulf %get3A_374, %mul3A_377 : vector<16xf32>
      %add3A_379 = arith.constant 14 : i32
      %add3A_380 = arith.addi %add3A_131, %add3A_379 : i32
      %swap3A_381 = arith.index_cast %add3A_380 : i32 to index
      %swap3A_382 = arith.constant 0 : index
      %swap3A_383 = tpu.vector_load %arg13[%swap3A_381, %swap3A_382] {strides = array<i32>} : memref<2000x16xf32, #tpu.memory_space<vmem>>, vector<1x16xf32>,
      %swap3A_384 = vector.shape_cast %swap3A_383 : vector<1x16xf32> to vector<16xf32>
      %swap3A_385 = vector.shape_cast %mul3A_378 : vector<16xf32> to vector<1x16xf32>
      tpu.vector_store %arg13[%swap3A_381, %swap3A_382], %swap3A_385 {strides = array<i32>} : memref<2000x16xf32, #tpu.memory_space<vmem>>, vector<1x16xf32>,
      %add3A_386 = arith.constant 15 : i32
      %add3A_387 = arith.addi %add3A_131, %add3A_386 : i32
      %get3A_388 = arith.index_cast %add3A_387 : i32 to index
      %get3A_389 = arith.constant 0 : index
      %get3A_390 = tpu.vector_load %arg13[%get3A_388, %get3A_389] {strides = array<i32>} : memref<2000x16xf32, #tpu.memory_space<vmem>>, vector<1x16xf32>,
      %get3A_391 = vector.shape_cast %get3A_390 : vector<1x16xf32> to vector<16xf32>
      %slice3A_392 = vector.extract_strided_slice %get3A_133 {offsets = [15], sizes = [1], strides = [1]} : vector<16xf32> to vector<1xf32>
      %squeeze3A_393 = vector.extract %slice3A_392[0] : f32 from vector<1xf32>
      %mul3A_394 = vector.broadcast %squeeze3A_393 : f32 to vector<16xf32>
      %mul3A_395 = arith.mulf %get3A_391, %mul3A_394 : vector<16xf32>
      %add3A_396 = arith.constant 15 : i32
      %add3A_397 = arith.addi %add3A_131, %add3A_396 : i32
      %swap3A_398 = arith.index_cast %add3A_397 : i32 to index
      %swap3A_399 = arith.constant 0 : index
      %swap3A_400 = tpu.vector_load %arg13[%swap3A_398, %swap3A_399] {strides = array<i32>} : memref<2000x16xf32, #tpu.memory_space<vmem>>, vector<1x16xf32>,
      %swap3A_401 = vector.shape_cast %swap3A_400 : vector<1x16xf32> to vector<16xf32>
      %swap3A_402 = vector.shape_cast %mul3A_395 : vector<16xf32> to vector<1x16xf32>
      tpu.vector_store %arg13[%swap3A_398, %swap3A_399], %swap3A_402 {strides = array<i32>} : memref<2000x16xf32, #tpu.memory_space<vmem>>, vector<1x16xf32>,
    }
    %scan3A_112 = arith.constant 125 : i32
    %dma_start3A_113 = arith.constant 0 : i32
    %dma_start3A_114 = arith.constant 0 : i32
    %dma_start3A_115 = tpu.memref_slice %arg16[%dma_start3A_113, %dma_start3A_114] : memref<10240x16xf32, #tpu.memory_space<vmem_shared>> -> memref<10240x16xf32, #tpu.memory_space<vmem_shared>>
    tpu.enqueue_indirect_dma source(%arg13 : memref<2000x16xf32, #tpu.memory_space<vmem>>) target(%dma_start3A_115 : memref<10240x16xf32, #tpu.memory_space<vmem_shared>>) offsets(%arg9 : memref<2000xi32, #tpu.memory_space<vmem>>) semaphore(%arg19 : memref<!tpu.dma_semaphore, #tpu.memory_space<semaphore_mem>>) {add = true}
    %dma_wait3A_116 = arith.constant 0 : i32
    %dma_wait3A_117 = arith.constant 0 : i32
    %dma_wait3A_118 = tpu.memref_slice %arg16[%dma_wait3A_116, %dma_wait3A_117] : memref<10240x16xf32, #tpu.memory_space<vmem_shared>> -> memref<10240x16xf32, #tpu.memory_space<vmem_shared>>
    tpu.wait_indirect_dma semaphore(%arg20 : memref<!tpu.dma_semaphore, #tpu.memory_space<semaphore_mem>>) src(%arg14 : memref<2000x16xf32, #tpu.memory_space<vmem>>) dst(%dma_wait3A_118 : memref<10240x16xf32, #tpu.memory_space<vmem_shared>>)
    %dma_wait3A_119 = arith.constant 0 : i32
    %dma_wait3A_120 = arith.constant 0 : i32
    %dma_wait3A_121 = tpu.memref_slice %arg16[%dma_wait3A_119, %dma_wait3A_120] : memref<10240x16xf32, #tpu.memory_space<vmem_shared>> -> memref<10240x16xf32, #tpu.memory_space<vmem_shared>>
    tpu.wait_indirect_dma semaphore(%arg19 : memref<!tpu.dma_semaphore, #tpu.memory_space<semaphore_mem>>) src(%arg13 : memref<2000x16xf32, #tpu.memory_space<vmem>>) dst(%dma_wait3A_121 : memref<10240x16xf32, #tpu.memory_space<vmem_shared>>)
    %barrier3A_122 = arith.constant 0 : index
    tpu.barrier barrier_id(%barrier3A_122)
    %mul3A_123 = arith.constant 640 : i32
    %mul3A_124 = arith.muli %arg1, %mul3A_123 : i32
    %mul3A_125 = arith.constant 640 : i32
    %mul3A_126 = arith.muli %arg1, %mul3A_125 : i32
    "tpu.region"() ({
      %run_scoped3A = tpu.sem_alloc : memref<!tpu.dma_semaphore, #tpu.memory_space<semaphore_mem>>
      %dma_start3A_127 = arith.constant 0 : i32
      %dma_start3A_128 = tpu.memref_slice %arg6[%arg0, %mul3A_126, %dma_start3A_127] : memref<2x10240x16xf32, #tpu.memory_space<hbm>> -> memref<1x640x16xf32, #tpu.memory_space<hbm>>
      %dma_start3A_129 = tpu.memref_squeeze %dma_start3A_128 : memref<1x640x16xf32, #tpu.memory_space<hbm>> -> memref<640x16xf32, #tpu.memory_space<hbm>>
      %dma_start3A_130 = arith.constant 0 : i32
      %dma_start3A_131 = tpu.memref_slice %arg16[%mul3A_124, %dma_start3A_130] : memref<10240x16xf32, #tpu.memory_space<vmem_shared>> -> memref<640x16xf32, #tpu.memory_space<vmem_shared>>
      tpu.enqueue_dma source(%dma_start3A_131 : memref<640x16xf32, #tpu.memory_space<vmem_shared>>) target(%dma_start3A_129 : memref<640x16xf32, #tpu.memory_space<hbm>>) target_semaphore(%run_scoped3A : memref<!tpu.dma_semaphore, #tpu.memory_space<semaphore_mem>>)
      %dma_wait3A_132 = arith.constant 0 : i32
      %dma_wait3A_133 = tpu.memref_slice %arg6[%arg0, %mul3A_126, %dma_wait3A_132] : memref<2x10240x16xf32, #tpu.memory_space<hbm>> -> memref<1x640x16xf32, #tpu.memory_space<hbm>>
      %dma_wait3A_134 = tpu.memref_squeeze %dma_wait3A_133 : memref<1x640x16xf32, #tpu.memory_space<hbm>> -> memref<640x16xf32, #tpu.memory_space<hbm>>
      %dma_wait3A_135 = arith.constant 0 : i32
      %dma_wait3A_136 = tpu.memref_slice %arg16[%mul3A_124, %dma_wait3A_135] : memref<10240x16xf32, #tpu.memory_space<vmem_shared>> -> memref<640x16xf32, #tpu.memory_space<vmem_shared>>
      tpu.wait_dma2 semaphore(%run_scoped3A : memref<!tpu.dma_semaphore, #tpu.memory_space<semaphore_mem>>) src(%dma_wait3A_136 : memref<640x16xf32, #tpu.memory_space<vmem_shared>>) dst(%dma_wait3A_134 : memref<640x16xf32, #tpu.memory_space<hbm>>)
      tpu.yield
    }) : () -> ()
    return
  }
}

module attributes {stable_mosaic.version = 14 : i64} {
  func.func @_y1_body(%arg0: memref<1250x1024xf32, #tpu.memory_space<vmem>>, %arg1: memref<1024x128xf32, #tpu.memory_space<vmem>>, %arg2: memref<2x1280x128xf32, #tpu.memory_space<vmem>>, %arg3: memref<1250x128xf32, #tpu.memory_space<vmem>>) attributes {dimension_semantics = [], scalar_prefetch = 0 : i64, scratch_operands = 0 : i64, tpu.core_type = #tpu.core_type<tc>} {
    %get3A = arith.constant 0 : index
    %get3A_0 = arith.constant 0 : index
    %get3A_1 = vector.load %arg0[%get3A, %get3A_0] : memref<1250x1024xf32, #tpu.memory_space<vmem>>, vector<1250x1024xf32>
    %get3A_2 = arith.constant 0 : index
    %get3A_3 = arith.constant 0 : index
    %get3A_4 = vector.load %arg1[%get3A_2, %get3A_3] : memref<1024x128xf32, #tpu.memory_space<vmem>>, vector<1024x128xf32>
    %dot_general3A = arith.constant dense<0.000000e+00> : vector<1250x128xf32>
    %dot_general3A_5 = tpu.matmul %get3A_1, %get3A_4, %dot_general3A {dimension_numbers = #tpu.dot_dimension_numbers<[1], [0], [0], [1], [0, 0, 1, 1], [], []>, transpose_lhs_hint = false} : vector<1250x1024xf32>, vector<1024x128xf32>, vector<1250x128xf32> -> vector<1250x128xf32>
    %get3A_6 = arith.constant 0 : index
    %get3A_7 = arith.constant 0 : index
    %get3A_8 = arith.constant 0 : index
    %get3A_9 = vector.load %arg2[%get3A_6, %get3A_7, %get3A_8] : memref<2x1280x128xf32, #tpu.memory_space<vmem>>, vector<1x1280x128xf32>
    %get3A_10 = vector.shape_cast %get3A_9 : vector<1x1280x128xf32> to vector<1280x128xf32>
    %get3A_11 = arith.constant 1 : index
    %get3A_12 = arith.constant 0 : index
    %get3A_13 = arith.constant 0 : index
    %get3A_14 = vector.load %arg2[%get3A_11, %get3A_12, %get3A_13] : memref<2x1280x128xf32, #tpu.memory_space<vmem>>, vector<1x1280x128xf32>
    %get3A_15 = vector.shape_cast %get3A_14 : vector<1x1280x128xf32> to vector<1280x128xf32>
    %add3A = arith.addf %get3A_10, %get3A_15 : vector<1280x128xf32>
    %slice3A = vector.extract_strided_slice %add3A {offsets = [0, 0], sizes = [1250, 128], strides = [1, 1]} : vector<1280x128xf32> to vector<1250x128xf32>
    %add3A_16 = arith.constant 1.000000e+00 : f32
    %add3A_17 = vector.broadcast %add3A_16 : f32 to vector<1250x128xf32>
    %add3A_18 = arith.addf %slice3A, %add3A_17 : vector<1250x128xf32>
    %gt3A = arith.constant 0.000000e+00 : f32
    %gt3A_19 = vector.broadcast %gt3A : f32 to vector<1250x128xf32>
    %gt3A_20 = arith.cmpf ogt, %add3A_18, %gt3A_19 : vector<1250x128xf32>
    %rsqrt3A = math.rsqrt %add3A_18 : vector<1250x128xf32>
    %jit3A = arith.constant 0.000000e+00 : f32
    %broadcast_in_dim3A = vector.broadcast %jit3A : f32 to vector<1250x128xf32>
    %select_n3A = arith.select %gt3A_20, %rsqrt3A, %broadcast_in_dim3A : vector<1250x128xi1>, vector<1250x128xf32>
    %mul3A = arith.mulf %select_n3A, %dot_general3A_5 : vector<1250x128xf32>
    %swap3A = arith.constant 0 : index
    %swap3A_21 = arith.constant 0 : index
    %swap3A_22 = vector.load %arg3[%swap3A, %swap3A_21] : memref<1250x128xf32, #tpu.memory_space<vmem>>, vector<1250x128xf32>
    tpu.vector_store %arg3[%swap3A, %swap3A_21], %mul3A {strides = array<i32>} : memref<1250x128xf32, #tpu.memory_space<vmem>>, vector<1250x128xf32>,
    return
  }
}

module attributes {stable_mosaic.version = 14 : i64} {
  func.func @_comb1_body(%arg0: memref<2x1280x128xf32, #tpu.memory_space<vmem>>, %arg1: memref<1250x128xf32, #tpu.memory_space<vmem>>, %arg2: memref<2x1280x128xf32, #tpu.memory_space<vmem>>, %arg3: memref<1x128xf32, #tpu.memory_space<vmem>>, %arg4: memref<128x128xf32, #tpu.memory_space<vmem>>, %arg5: memref<1250x128xf32, #tpu.memory_space<vmem>>) attributes {dimension_semantics = [], scalar_prefetch = 0 : i64, scratch_operands = 0 : i64, tpu.core_type = #tpu.core_type<tc>} {
    %get3A = arith.constant 0 : index
    %get3A_0 = arith.constant 0 : index
    %get3A_1 = arith.constant 0 : index
    %get3A_2 = vector.load %arg2[%get3A, %get3A_0, %get3A_1] : memref<2x1280x128xf32, #tpu.memory_space<vmem>>, vector<1x1280x128xf32>
    %get3A_3 = vector.shape_cast %get3A_2 : vector<1x1280x128xf32> to vector<1280x128xf32>
    %get3A_4 = arith.constant 1 : index
    %get3A_5 = arith.constant 0 : index
    %get3A_6 = arith.constant 0 : index
    %get3A_7 = vector.load %arg2[%get3A_4, %get3A_5, %get3A_6] : memref<2x1280x128xf32, #tpu.memory_space<vmem>>, vector<1x1280x128xf32>
    %get3A_8 = vector.shape_cast %get3A_7 : vector<1x1280x128xf32> to vector<1280x128xf32>
    %add3A = arith.addf %get3A_3, %get3A_8 : vector<1280x128xf32>
    %slice3A = vector.extract_strided_slice %add3A {offsets = [0, 0], sizes = [1250, 128], strides = [1, 1]} : vector<1280x128xf32> to vector<1250x128xf32>
    %add3A_9 = arith.constant 1.000000e+00 : f32
    %add3A_10 = vector.broadcast %add3A_9 : f32 to vector<1250x128xf32>
    %add3A_11 = arith.addf %slice3A, %add3A_10 : vector<1250x128xf32>
    %gt3A = arith.constant 0.000000e+00 : f32
    %gt3A_12 = vector.broadcast %gt3A : f32 to vector<1250x128xf32>
    %gt3A_13 = arith.cmpf ogt, %add3A_11, %gt3A_12 : vector<1250x128xf32>
    %rsqrt3A = math.rsqrt %add3A_11 : vector<1250x128xf32>
    %jit3A = arith.constant 0.000000e+00 : f32
    %broadcast_in_dim3A = vector.broadcast %jit3A : f32 to vector<1250x128xf32>
    %select_n3A = arith.select %gt3A_13, %rsqrt3A, %broadcast_in_dim3A : vector<1250x128xi1>, vector<1250x128xf32>
    %get3A_14 = arith.constant 0 : index
    %get3A_15 = arith.constant 0 : index
    %get3A_16 = arith.constant 0 : index
    %get3A_17 = vector.load %arg0[%get3A_14, %get3A_15, %get3A_16] : memref<2x1280x128xf32, #tpu.memory_space<vmem>>, vector<1x1280x128xf32>
    %get3A_18 = vector.shape_cast %get3A_17 : vector<1x1280x128xf32> to vector<1280x128xf32>
    %get3A_19 = arith.constant 1 : index
    %get3A_20 = arith.constant 0 : index
    %get3A_21 = arith.constant 0 : index
    %get3A_22 = vector.load %arg0[%get3A_19, %get3A_20, %get3A_21] : memref<2x1280x128xf32, #tpu.memory_space<vmem>>, vector<1x1280x128xf32>
    %get3A_23 = vector.shape_cast %get3A_22 : vector<1x1280x128xf32> to vector<1280x128xf32>
    %add3A_24 = arith.addf %get3A_18, %get3A_23 : vector<1280x128xf32>
    %slice3A_25 = vector.extract_strided_slice %add3A_24 {offsets = [0, 0], sizes = [1250, 128], strides = [1, 1]} : vector<1280x128xf32> to vector<1250x128xf32>
    %get3A_26 = arith.constant 0 : index
    %get3A_27 = arith.constant 0 : index
    %get3A_28 = vector.load %arg1[%get3A_26, %get3A_27] : memref<1250x128xf32, #tpu.memory_space<vmem>>, vector<1250x128xf32>
    %add3A_29 = arith.addf %slice3A_25, %get3A_28 : vector<1250x128xf32>
    %mul3A = arith.mulf %select_n3A, %add3A_29 : vector<1250x128xf32>
    %get3A_30 = arith.constant 0 : index
    %get3A_31 = arith.constant 0 : index
    %get3A_32 = vector.load %arg3[%get3A_30, %get3A_31] : memref<1x128xf32, #tpu.memory_space<vmem>>, vector<1x128xf32>
    %add3A_33 = vector.broadcast %get3A_32 : vector<1x128xf32> to vector<1250x128xf32>
    %add3A_34 = arith.addf %mul3A, %add3A_33 : vector<1250x128xf32>
    %max3A = arith.constant 0.000000e+00 : f32
    %max3A_35 = vector.broadcast %max3A : f32 to vector<1250x128xf32>
    %max3A_36 = arith.maximumf %add3A_34, %max3A_35 : vector<1250x128xf32>
    %get3A_37 = arith.constant 0 : index
    %get3A_38 = arith.constant 0 : index
    %get3A_39 = vector.load %arg4[%get3A_37, %get3A_38] : memref<128x128xf32, #tpu.memory_space<vmem>>, vector<128x128xf32>
    %dot_general3A = arith.constant dense<0.000000e+00> : vector<1250x128xf32>
    %dot_general3A_40 = tpu.matmul %max3A_36, %get3A_39, %dot_general3A {dimension_numbers = #tpu.dot_dimension_numbers<[1], [0], [0], [1], [0, 0, 1, 1], [], []>, transpose_lhs_hint = false} : vector<1250x128xf32>, vector<128x128xf32>, vector<1250x128xf32> -> vector<1250x128xf32>
    %mul3A_41 = arith.mulf %select_n3A, %dot_general3A_40 : vector<1250x128xf32>
    %swap3A = arith.constant 0 : index
    %swap3A_42 = arith.constant 0 : index
    %swap3A_43 = vector.load %arg5[%swap3A, %swap3A_42] : memref<1250x128xf32, #tpu.memory_space<vmem>>, vector<1250x128xf32>
    tpu.vector_store %arg5[%swap3A, %swap3A_42], %mul3A_41 {strides = array<i32>} : memref<1250x128xf32, #tpu.memory_space<vmem>>, vector<1250x128xf32>,
    return
  }
}

module attributes {stable_mosaic.version = 14 : i64} {
  func.func @_comb2_body(%arg0: memref<2x1280x128xf32, #tpu.memory_space<vmem>>, %arg1: memref<1250x128xf32, #tpu.memory_space<vmem>>, %arg2: memref<2x1280x128xf32, #tpu.memory_space<vmem>>, %arg3: memref<1x128xf32, #tpu.memory_space<vmem>>, %arg4: memref<1250x128xf32, #tpu.memory_space<vmem>>) attributes {dimension_semantics = [], scalar_prefetch = 0 : i64, scratch_operands = 0 : i64, tpu.core_type = #tpu.core_type<tc>} {
    %get3A = arith.constant 0 : index
    %get3A_0 = arith.constant 0 : index
    %get3A_1 = arith.constant 0 : index
    %get3A_2 = vector.load %arg2[%get3A, %get3A_0, %get3A_1] : memref<2x1280x128xf32, #tpu.memory_space<vmem>>, vector<1x1280x128xf32>
    %get3A_3 = vector.shape_cast %get3A_2 : vector<1x1280x128xf32> to vector<1280x128xf32>
    %get3A_4 = arith.constant 1 : index
    %get3A_5 = arith.constant 0 : index
    %get3A_6 = arith.constant 0 : index
    %get3A_7 = vector.load %arg2[%get3A_4, %get3A_5, %get3A_6] : memref<2x1280x128xf32, #tpu.memory_space<vmem>>, vector<1x1280x128xf32>
    %get3A_8 = vector.shape_cast %get3A_7 : vector<1x1280x128xf32> to vector<1280x128xf32>
    %add3A = arith.addf %get3A_3, %get3A_8 : vector<1280x128xf32>
    %slice3A = vector.extract_strided_slice %add3A {offsets = [0, 0], sizes = [1250, 128], strides = [1, 1]} : vector<1280x128xf32> to vector<1250x128xf32>
    %add3A_9 = arith.constant 1.000000e+00 : f32
    %add3A_10 = vector.broadcast %add3A_9 : f32 to vector<1250x128xf32>
    %add3A_11 = arith.addf %slice3A, %add3A_10 : vector<1250x128xf32>
    %gt3A = arith.constant 0.000000e+00 : f32
    %gt3A_12 = vector.broadcast %gt3A : f32 to vector<1250x128xf32>
    %gt3A_13 = arith.cmpf ogt, %add3A_11, %gt3A_12 : vector<1250x128xf32>
    %rsqrt3A = math.rsqrt %add3A_11 : vector<1250x128xf32>
    %jit3A = arith.constant 0.000000e+00 : f32
    %broadcast_in_dim3A = vector.broadcast %jit3A : f32 to vector<1250x128xf32>
    %select_n3A = arith.select %gt3A_13, %rsqrt3A, %broadcast_in_dim3A : vector<1250x128xi1>, vector<1250x128xf32>
    %get3A_14 = arith.constant 0 : index
    %get3A_15 = arith.constant 0 : index
    %get3A_16 = arith.constant 0 : index
    %get3A_17 = vector.load %arg0[%get3A_14, %get3A_15, %get3A_16] : memref<2x1280x128xf32, #tpu.memory_space<vmem>>, vector<1x1280x128xf32>
    %get3A_18 = vector.shape_cast %get3A_17 : vector<1x1280x128xf32> to vector<1280x128xf32>
    %get3A_19 = arith.constant 1 : index
    %get3A_20 = arith.constant 0 : index
    %get3A_21 = arith.constant 0 : index
    %get3A_22 = vector.load %arg0[%get3A_19, %get3A_20, %get3A_21] : memref<2x1280x128xf32, #tpu.memory_space<vmem>>, vector<1x1280x128xf32>
    %get3A_23 = vector.shape_cast %get3A_22 : vector<1x1280x128xf32> to vector<1280x128xf32>
    %add3A_24 = arith.addf %get3A_18, %get3A_23 : vector<1280x128xf32>
    %slice3A_25 = vector.extract_strided_slice %add3A_24 {offsets = [0, 0], sizes = [1250, 128], strides = [1, 1]} : vector<1280x128xf32> to vector<1250x128xf32>
    %get3A_26 = arith.constant 0 : index
    %get3A_27 = arith.constant 0 : index
    %get3A_28 = vector.load %arg1[%get3A_26, %get3A_27] : memref<1250x128xf32, #tpu.memory_space<vmem>>, vector<1250x128xf32>
    %add3A_29 = arith.addf %slice3A_25, %get3A_28 : vector<1250x128xf32>
    %mul3A = arith.mulf %select_n3A, %add3A_29 : vector<1250x128xf32>
    %get3A_30 = arith.constant 0 : index
    %get3A_31 = arith.constant 0 : index
    %get3A_32 = vector.load %arg3[%get3A_30, %get3A_31] : memref<1x128xf32, #tpu.memory_space<vmem>>, vector<1x128xf32>
    %add3A_33 = vector.broadcast %get3A_32 : vector<1x128xf32> to vector<1250x128xf32>
    %add3A_34 = arith.addf %mul3A, %add3A_33 : vector<1250x128xf32>
    %max3A = arith.constant 0.000000e+00 : f32
    %max3A_35 = vector.broadcast %max3A : f32 to vector<1250x128xf32>
    %max3A_36 = arith.maximumf %add3A_34, %max3A_35 : vector<1250x128xf32>
    %swap3A = arith.constant 0 : index
    %swap3A_37 = arith.constant 0 : index
    %swap3A_38 = vector.load %arg4[%swap3A, %swap3A_37] : memref<1250x128xf32, #tpu.memory_space<vmem>>, vector<1250x128xf32>
    tpu.vector_store %arg4[%swap3A, %swap3A_37], %max3A_36 {strides = array<i32>} : memref<1250x128xf32, #tpu.memory_space<vmem>>, vector<1250x128xf32>,
    return
  }
}

</mosaic_0001>

<sc_bundles>
// kernel: kernel.11.cloned.1.call-start
scs
__scs_entry_jumppad:
0x0: {  	(pc) =	sbr.rel $0x88, $3  }
0x1: {  	(tag) =	ssettag $0x0;
	lr =	simm.s32 $0x1  }
0x2: {  	[smem:$0x3F9A] =	sst lr;
	_ =	strace $0xD0000000  }
0x3: {  	_ = 	snop  }
0x4: {  	_ = 	snop  }
0x5: {  	_ = 	snop  }
0x6: {  	_ = 	snop  }
0x7: {  	_ = 	snop  }
__scs_overlays_trampoline_lowered:
0x8: {  	[smem:$0x3FA9] =	sst s0  }
0x9: {  	[smem:$0x3FAA] =	sst s1  }
0xa: {  	[smem:$0x3FAB] =	sst s2  }
0xb: {  	[smem:$0x3FAC] =	sst s3  }
0xc: {  	[smem:$0x3FAD] =	sst s4  }
0xd: {  	[smem:$0x3FAE] =	sst s5  }
0xe: {  	[smem:$0x3FAF] =	sst s6  }
0xf: {  	[smem:$0x3FB0] =	sst s7  }
0x10: {  	[smem:$0x3FB1] =	sst s8  }
0x11: {  	[smem:$0x3FB2] =	sst s9;
	s0 =	simm.s32 @!p0 $0x0  }
0x12: {  	s1 =	sld [smem:$0x3F98];
	s0 =	simm.s32 @p0 $0x1  }
0x13: {  	[smem:$0x3FB3] =	sst s0;
	s0 =	simm.s32 @!p1 $0x0  }
0x14: {  	s2 =	sld [smem:$0x3F97];
	s0 =	simm.s32 @p1 $0x1  }
0x15: {  	[smem:$0x3FB4] =	sst s0;
	s0 =	simm.s32 @!p2 $0x0  }
0x16: {  	s3 =	sld [smem:$0x3FDB];
	s0 =	simm.s32 @p2 $0x1  }
0x17: {  	s4 =	simm.s32 $0x1BF5;
	[smem:$0x3FB6] =	sst s0  }
0x18: {  	s0 =	sld [smem:$0x3F99];
	_ =	swait.ge [sflag:s4], $0x0  }
0x19: {  	s7 =	sld [smem:$0x3F9A]  }
0x1a: {  	s8 =	sadd.s32 $0xFFFFE003, lr  }
0x1b: {  	s9 =	sadd.s32 $0xFFFFFEF7, lr;
	s5 =	simm.s32 $0xFFFFFFFF;
	p2 =	slt.u32 s8, $0xFFFFF086  }
0x1c: {  	p1 =	slt.u32 s9, $0xF7A;
	s5 =	simm.s32 @!p2 $0x0  }
0x1d: {  	s5 =	simm.s32 @p1 $0x1;
	p0 =	seq.s32 s7, s2  }
0x1e: {  	s7 =	smul.u32 @!p0 $0xF7A, s2;
	p2 =	seq.s32 @!p0 s5, $0x0  }
0x1f: {  	s9 =	smul.u32 $0xF7A, s1;
	s8 =	simm.s32 @!p0 $0x1BF5;
	p2 =	por !p2, p0  }
0x20: {  	[sflag:s8] =	ssyncset.s32 @!p0 $0xFFFFF086;
	s6 =	sadd.s32 @!p0 s3, s7;
	s7 =	simm.s32 @!p0 $0x108  }
0x21: {  	s3 =	sadd.s32 s3, s9;
	s6 =	sadd.s32 @!p0 $0x88, s6;
	s7 =	simm.s32 @p2 $0x1082  }
0x22: {  	[simem:s7], [sflag:s8] =	dma.local @!p0 [hbm:s6], $0xF7A  }
0x23: {  	s9 =	sor.u32 $0xD0000000, s2;
	s6 =	simm.s32 $0x108;
	_ =	swait.ge @!p0 [sflag:s8], $0x0  }
0x24: {  	s3 =	sadd.s32 $0x88, s3;
	s6 =	simm.s32 @!p1 $0x1082;
	[sflag:s4] =	ssyncset.s32 $0xFFFFF086  }
0x25: {  	[simem:s6], [sflag:s4] =	dma.local [hbm:s3], $0xF7A  }
0x26: {  	[smem:$0x3F9A] =	sst s1;
	(tag) =	ssettag s2;
	_ =	strace s9  }
0x27: {  	s1 =	sld [smem:$0x3FAA]  }
0x28: {  	s2 =	sld [smem:$0x3FAB]  }
0x29: {  	s4 =	sld [smem:$0x3FAD]  }
0x2a: {  	p0 =	seq.s32 s5, $0x0;
	s5 =	sld [smem:$0x3FAE]  }
0x2b: {  	s6 =	sld [smem:$0x3FAF]  }
0x2c: {  	s7 =	sld [smem:$0x3FB0]  }
0x2d: {  	s3 =	simm.s32 $0x108;
	s8 =	sld [smem:$0x3FB1]  }
0x2e: {  	s3 =	simm.s32 @!p0 $0x1082;
	s9 =	sld [smem:$0x3FB2]  }
0x2f: {  	lr =	sadd.s32 s0, s3;
	s0 =	sld [smem:$0x3FA9]  }
0x30: {  	s3 =	sld [smem:$0x3FAC]  }
0x31: {  	[smem:$0x3FB5] =	sst s10  }
0x32: {  	s10 =	sld [smem:$0x3FB3];
	_ =	sdelay $0x3  }
0x33: {  	p0 =	seq.s32 s10, $0x1;
	s10 =	sld [smem:$0x3FB5];
	_ =	sdelay $0x3  }
0x34: {  	[smem:$0x3FB5] =	sst s10  }
0x35: {  	s10 =	sld [smem:$0x3FB4];
	_ =	sdelay $0x3  }
0x36: {  	p1 =	seq.s32 s10, $0x1;
	s10 =	sld [smem:$0x3FB5];
	_ =	sdelay $0x3  }
0x37: {  	[smem:$0x3FB5] =	sst s10  }
0x38: {  	s10 =	sld [smem:$0x3FB6]  }
0x39: {  	_ = 	snop;
	(pc) =	sbr.ind lr, $3  }
0x3a: {  	_ = 	snop  }
0x3b: {  	_ = 	snop  }
0x3c: {  	p2 =	seq.s32 s10, $0x1;
	s10 =	sld [smem:$0x3FB5]  }
0x3d: {  	_ =	shalt  }
0x3e: {  	_ =	shalt  }
0x3f: {  	_ =	shalt  }
0x40: {  	_ =	shalt  }
0x41: {  	_ =	shalt  }
0x42: {  	_ =	shalt  }
0x43: {  	_ =	shalt  }
0x44: {  	_ =	shalt  }
0x45: {  	_ =	shalt  }
0x46: {  	_ =	shalt  }
0x47: {  	_ =	shalt  }
0x48: {  	_ =	shalt  }
0x49: {  	_ =	shalt  }
0x4a: {  	_ =	shalt  }
0x4b: {  	_ =	shalt  }
0x4c: {  	_ =	shalt  }
0x4d: {  	_ =	shalt  }
0x4e: {  	_ =	shalt  }
0x4f: {  	_ =	shalt  }
0x50: {  	_ =	shalt  }
0x51: {  	_ =	shalt  }
0x52: {  	_ =	shalt  }
0x53: {  	_ =	shalt  }
0x54: {  	_ =	shalt  }
0x55: {  	_ =	shalt  }
0x56: {  	_ =	shalt  }
0x57: {  	_ =	shalt  }
0x58: {  	_ =	shalt  }
0x59: {  	_ =	shalt  }
0x5a: {  	_ =	shalt  }
0x5b: {  	_ =	shalt  }
0x5c: {  	_ =	shalt  }
0x5d: {  	_ =	shalt  }
0x5e: {  	_ =	shalt  }
0x5f: {  	_ =	shalt  }
0x60: {  	_ =	shalt  }
0x61: {  	_ =	shalt  }
0x62: {  	_ =	shalt  }
0x63: {  	_ =	shalt  }
0x64: {  	_ =	shalt  }
0x65: {  	_ =	shalt  }
0x66: {  	_ =	shalt  }
0x67: {  	_ =	shalt  }
0x68: {  	_ =	shalt  }
0x69: {  	_ =	shalt  }
0x6a: {  	_ =	shalt  }
0x6b: {  	_ =	shalt  }
0x6c: {  	_ =	shalt  }
0x6d: {  	_ =	shalt  }
0x6e: {  	_ =	shalt  }
0x6f: {  	_ =	shalt  }
0x70: {  	_ =	shalt  }
0x71: {  	_ =	shalt  }
0x72: {  	_ =	shalt  }
0x73: {  	_ =	shalt  }
0x74: {  	_ =	shalt  }
0x75: {  	_ =	shalt  }
0x76: {  	_ =	shalt  }
0x77: {  	_ =	shalt  }
0x78: {  	_ =	shalt  }
0x79: {  	_ =	shalt  }
0x7a: {  	_ =	shalt  }
0x7b: {  	_ =	shalt  }
0x7c: {  	_ =	shalt  }
0x7d: {  	_ =	shalt  }
0x7e: {  	_ =	shalt  }
0x7f: {  	_ =	shalt  }
0x80: {  	_ =	shalt  }
0x81: {  	_ =	shalt  }
0x82: {  	_ =	shalt  }
0x83: {  	_ =	shalt  }
0x84: {  	_ =	shalt  }
0x85: {  	_ =	shalt  }
0x86: {  	_ =	shalt  }
0x87: {  	_ =	shalt  }
.Lfunc_end0:
.L_simem_size_0:
called_computation.1_lowered:
.L_overlay_start_0:
0x88: {  	s2 =	sld [smem:$0x3FD9]  }
0x89: {  	s3 =	sld [smem:$0x3FFE];
	_ =	sdelay $0x1  }
0x8a: {  	s1 =	srdreg.scid  }
0x8b: {  	s0 =	sand.u32 $0x1, s1  }
0x8c: {  	s17 =	sshll.u32 s0, $0xA;
	s2 =	sadd.s32 s3, s2  }
0x8d: {  	s2 =	sadd.s32 s2, s17  }
0x8e: {  	[smem:$0x3FC1] =	sst s2  }
0x8f: {  	_ = 	snop  }
0x90: {  	s2 =	sld [smem:$0x3FC7]  }
0x91: {  	s18 =	sld [smem:$0x3FD0];
	(tm) =	ssettm $0x1  }
0x92: {  	s4 =	sld [smem:$0x3FFB];
	_ =	sdelay $0x3  }
0x93: {  	_ =	strace s4  }
0x94: {  	s4 =	sld [smem:$0x3FFC];
	_ =	sdelay $0x3  }
0x95: {  	_ =	strace s4  }
0x96: {  	s4 =	sld [smem:$0x3FFD];
	_ =	sdelay $0x3  }
0x97: {  	_ =	strace s4  }
0x98: {  	_ =	strace $0x8FFFFFFF  }
0x99: {  	s19 =	sld [smem:$0x3FDB];
	_ =	sdelay $0x1  }
0x9a: {  	s5 =	simm.s32 $_scs_section_size  }
0x9b: {  	s6 =	simm.s32 $_size__tile_overlayer_lowered;
	s7 =	simm.s32 $_tile_overlayer_lowered  }
0x9c: {  	s22 =	simm.s32 $0x1BFF;
	s21 =	sshll.u32 s7, $0x1;
	s4 =	sadd.s32 s5, s19  }
0x9d: {  	s8 =	simm.s32 $0x0;
	s20 =	sshll.u32 s6, $0x1;
	s6 =	sadd.s32 s21, s4  }
0x9e: {  	[timem:s8], [sflag:s22] =	dma.local [hbm:s6], s20  }
0x9f: {  	_ =	swait.ge [sflag:s22], s20  }
0xa0: {  	s5 =	ssub.s32 $0x0, s20;
	[sflag:s22] =	ssyncset.done $0x0  }
0xa1: {  	[sflag:s22] =	ssyncadd.s32 s5;
	_ =	sdelay $0x1  }
0xa2: {  	s23 =	simm.s32 $0x1B8B  }
0xa3: {  	_ =	swait.ge [sflag:s23], $0x1  }
0xa4: {  	[sflag:s23] =	ssyncset.done $0x0  }
0xa5: {  	s25 =	simm.s32 $0x1B8E;
	s24 =	sld [smem:$0x3FFE];
	[sflag:s23] =	ssyncadd.s32 $0xFFFFFFFF  }
0xa6: {  	s26 =	simm.s32 $execute0_lowered;
	[smem:$0x3FD2] =	sst s25  }
0xa7: {  	s6 =	sshll.u32 s26, $0x1;
	_ =	strace $0x80000049;
	[dreg:$0x1] =	wrdreg $0xFFFFFFFF  }
0xa8: {  	s28 =	simm.s32 $_size_execute0_lowered;
	s4 =	sadd.s32 s4, s6;
	[dreg:$0x0] =	wrdreg $0x0  }
0xa9: {  	s6 =	sshll.u32 s28, $0x1;
	[dreg:$0x2] =	wrdreg s4  }
0xaa: {  	[dreg:$0x3] =	wrdreg s6  }
0xab: {  	[dreg:$0x4] =	wrdreg $0xC0  }
0xac: {  	_ =	task [dreg:s8], $0x5FFFF  }
0xad: {  	[dreg:$0x1] =	wrdreg $0xFFFFFFFF  }
0xae: {  	[dreg:$0x0] =	wrdreg $0x60  }
0xaf: {  	[dreg:$0x2] =	wrdreg s18  }
0xb0: {  	[dreg:$0x3] =	wrdreg s24  }
0xb1: {  	[dreg:$0x4] =	wrdreg s2  }
0xb2: {  	[dreg:$0x5] =	wrdreg $0x150E00  }
0xb3: {  	[dreg:$0x6] =	wrdreg $0x9  }
0xb4: {  	_ =	task.clear_ibuf [dreg:s8], $0x7FFFF;
	_ =	strace $0x90000049  }
0xb5: {  	s29 =	simm.s32 $0x9;
	_ =	strace $0x8000004B  }
0xb6: {  	_ =	swait.ge [sflag:s29], $0x1  }
0xb7: {  	[sflag:s29] =	ssyncadd.s32 $0xFFFFFFFF  }
0xb8: {  	_ =	strace $0x9000004B  }
0xb9: {  	_ =	sfence  }
0xba: {  	s30 =	sld [smem:$0x0];
	_ =	sdelay $0x2  }
0xbb: {  	s31 =	sshll.u32 s1, $0xD;
	s1 =	sshrl.u32 s1, $0x2  }
0xbc: {  	s3 =	sand.u32 $0x4000, s31;
	s1 =	sadd.s32 s1, s30  }
0xbd: {  	s0 =	sor.u32 s3, s0;
	s1 =	sshll.u32 s1, $0x11  }
0xbe: {  	s0 =	sor.u32 s1, s0  }
0xbf: {  	s0 =	sadd.s32 $0x8F2B, s0  }
0xc0: {  	[sflag:s0] =	ssyncadd.remote.s32 $0x1  }
0xc1: {  	_ =	sfence.sel $0xFFFF  }
0xc2: {  	[dreg:$0x0] =	wrdreg $0xFFFFFFFF;
	(pc) =	sbr.abs _section_cstart, $3  }
0xc3: {  	[dreg:$0x1] =	wrdreg $0xFFFFFFFF  }
0xc4: {  	_ =	task.clear_ibuf [dreg:s8], $0x2FFFF;
	_ =	strace $0x9FFFFFFF  }
0xc5: {  	(tm) =	ssettm $0x7FFFFFFF  }
tec
execute0_lowered:
.L_overlay_start_1:
0x0: {  	(tag) =	ssettag $0x1  }
0x1: {  	s1 =	rddreg [dreg:$0x0]  }
0x2: {  	s0 =	rddreg [dreg:$0x1]  }
0x3: {  	s2 =	rddreg [dreg:$0x2]  }
0x4: {  	s3 =	rddreg [dreg:$0x3]  }
0x5: {  	s5 =	srdreg.scid;
	s9 =	stileid.u32;
	s4 =	simm.s32 $0x0  }
0x6: {  	s28 =	simm.s32 $0x7D0;
	s29 =	simm.s32 $0x2EE0;
	s30 =	simm.s32 $0x1770  }
0x7: {  	s31 =	simm.s32 $0x2710;
	s5 =	sand.u32 $0x1, s5;
	s6 =	smul.u32 $0x2800, s9  }
0x8: {  	[smem:$0x7FF] =	sst s4;
	s7 =	smul.u32 $0x28000, s5;
	s8 =	sshll.u32 s5, $0x4  }
0x9: {  	s10 =	sadd.s32 $0xC000, s0;
	_ =	strace $0x8000004A;
	s8 =	sor.u32 s9, s8  }
0xa: {  	s5 =	ssub.s32 $0x2, s5;
	s7 =	sadd.s32 s6, s7;
	s8 =	smul.u32 $0x2710, s8  }
0xb: {  	s9 =	sadd.s32 $0x2200, s0;
	s18 =	sshrl.u32 s5, $0x1;
	s7 =	sshrl.u32 s7, $0x3  }
0xc: {  	s0 =	sadd.s32 s7, s0;
	s8 =	sshrl.u32 s8, $0x3;
	s7 =	ssub.s32 s5, s18  }
0xd: {  	s5 =	sadd.s32 s6, s3;
	s19 =	sadd.s32 s9, s8;
	s20 =	sadd.s32 s10, s8  }
0xe: {  	s21 =	sadd.s32 s2, s8;
	s22 =	sadd.s32 $0xFA, s8;
	[dreg:$0x5] =	wrdreg s19  }
0xf: {  	s24 =	sadd.s32 $0x1F4, s8;
	s25 =	sadd.s32 $0x2EE, s8;
	[dreg:$0x6] =	wrdreg s20  }
0x10: {  	s26 =	sadd.s32 $0x3E8, s8;
	[dreg:$0x7] =	wrdreg s21;
	s11 =	sadd.s32 s9, s22  }
0x11: {  	s23 =	sadd.s32 s10, s22;
	s6 =	sadd.s32 s2, s22;
	s12 =	sadd.s32 s9, s24  }
0x12: {  	s13 =	sadd.s32 s10, s24;
	s14 =	sadd.s32 s2, s24;
	s15 =	sadd.s32 s9, s25  }
0x13: {  	s16 =	sadd.s32 s10, s25;
	s17 =	sadd.s32 s2, s25;
	s18 =	sadd.s32 s9, s26  }
0x14: {  	s19 =	sadd.s32 s10, s26;
	s20 =	sadd.s32 s2, s26;
	s21 =	sadd.s32 $0x15E00, s0  }
0x15: {  	s22 =	smax.u32 s7, $0x1;
	s24 =	simm.s32 $0x5;
	s25 =	simm.s32 $0xFA0  }
0x16: {  	s26 =	simm.s32 $0x1F40;
	s0 =	simm.s32 $0xABE0;
	[dreg:$0x8] =	wrdreg s11  }
0x17: {  	s2 =	simm.s32 $0x3;
	s7 =	simm.s32 $0x4;
	[dreg:$0x9] =	wrdreg s23  }
0x18: {  	v0 =	vimm.f32 $0.0e+00;
	[dreg:$0xa] =	wrdreg s6;
	s23 =	simm.s32 $0x1;
	s6 =	simm.s32 $0x2  }
.LBB2_1:
0x19: {  	s8 =	simm.s32 $0x40;
	s9 =	simm.s32 $0x0  }
.LBB2_2:
0x1a: {  	p0 =	sne.s32 s8, $0x9FC0;
	[tilespmem:s9+$0x128E0] =	vst v0;
	s9 =	smov.u32 s8;
	s8 =	sadd.s32 $0x40, s8  }
.Ltmp0:
0x1b: {  	(pc) =	sbr.rel @p0 .LBB2_2-.Ltmp0, $2  }
0x1c: {  	_ =	sdelay $0x2  }
0x1d: {  	s9 =	sshra.s32 s9, $0x2  }
0x1e: {  	[tilespmem:s9+$0x128E0] =	vst v0;
	s8 =	simm.s32 $0x128E0  }
0x1f: {  	[spmem:s5] =	stream.linear.scatter [tilespmem:s8], [sflag:$0x5], $0x2800, $0x38;
	[tilespmem:$0x178E0] =	vst v63  }
0x20: {  	_ =	swait.ge [sflag:s24], $0x2800  }
0x21: {  	[sflag:s24] =	ssyncset.done $0x0  }
0x22: {  	[sflag:s24] =	ssyncadd.s32 $0xFFFFD800  }
0x23: {  	[bflag:$0x0] =	sbarrier.arrive $0xFFFF  }
0x24: {  	s8 =	simm.s32 $0x0;
	s10 =	rddreg [dreg:$0x5]  }
0x25: {  	[tilespmem:s8], [sflag:$0x5] =	stream.linear.gather [hbm4b:s10+s8], $0x7D0, $0x38;
	[tilespmem:$0x178E0] =	vst v63  }
0x26: {  	_ =	swait.ge [sflag:s24], $0x7D0  }
0x27: {  	[sflag:s24] =	ssyncset.done $0x0  }
0x28: {  	s11 =	rddreg [dreg:$0x6];
	[sflag:s24] =	ssyncadd.s32 $0xFFFFF830  }
0x29: {  	[tilespmem:s25], [sflag:$0x5] =	stream.linear.gather [hbm4b:s11+s8], $0x7D0, $0x38;
	[tilespmem:$0x178E0] =	vst v63  }
0x2a: {  	_ =	swait.ge [sflag:s24], $0x7D0  }
0x2b: {  	[sflag:s24] =	ssyncset.done $0x0  }
0x2c: {  	s10 =	rddreg [dreg:$0x7];
	[sflag:s24] =	ssyncadd.s32 $0xFFFFF830  }
0x2d: {  	[tilespmem:s26], [sflag:$0x5] =	stream.linear.gather [hbm4b:s10+s8], $0x7D0, $0x38;
	[tilespmem:$0x178E0] =	vst v63  }
0x2e: {  	_ =	swait.ge [sflag:s24], $0x7D0  }
0x2f: {  	[sflag:s24] =	ssyncset.done $0x0  }
0x30: {  	[sflag:s24] =	ssyncadd.s32 $0xFFFFF830  }
0x31: {  	[tilespmem:s29], [sflag:$0x1] =	stream.indirect.gather [hbm4b:s1+s28], $0x10, s8, s28, $0xb8;
	[tilespmem:$0x178E0] =	vst v63  }
0x32: {  	s11 =	rddreg [dreg:$0x8]  }
0x33: {  	[tilespmem:s28], [sflag:$0x5] =	stream.linear.gather [hbm4b:s11+s8], $0x7D0, $0x38;
	[tilespmem:$0x178E0] =	vst v63  }
0x34: {  	_ =	swait.ge [sflag:s24], $0x7D0  }
0x35: {  	[sflag:s24] =	ssyncset.done $0x0  }
0x36: {  	s10 =	rddreg [dreg:$0x9];
	[sflag:s24] =	ssyncadd.s32 $0xFFFFF830  }
0x37: {  	[tilespmem:s30], [sflag:$0x5] =	stream.linear.gather [hbm4b:s10+s8], $0x7D0, $0x38;
	[tilespmem:$0x178E0] =	vst v63  }
0x38: {  	_ =	swait.ge [sflag:s24], $0x7D0  }
0x39: {  	[sflag:s24] =	ssyncset.done $0x0  }
0x3a: {  	s11 =	rddreg [dreg:$0xa];
	[sflag:s24] =	ssyncadd.s32 $0xFFFFF830  }
0x3b: {  	[tilespmem:s31], [sflag:$0x5] =	stream.linear.gather [hbm4b:s11+s8], $0x7D0, $0x38;
	[tilespmem:$0x178E0] =	vst v63  }
0x3c: {  	_ =	swait.ge [sflag:s24], $0x7D0  }
0x3d: {  	[sflag:s24] =	ssyncset.done $0x0  }
0x3e: {  	[sflag:s24] =	ssyncadd.s32 $0xFFFFF830  }
0x3f: {  	[tilespmem:s0], [sflag:$0x2] =	stream.indirect.gather [hbm4b:s1+s28], $0x10, s28, s28, $0xb8;
	[tilespmem:$0x178E0] =	vst v63  }
0x40: {  	_ =	swait.ge [sflag:s23], $0x7D00  }
0x41: {  	[sflag:s23] =	ssyncset.done $0x0  }
0x42: {  	s8 =	simm.s32 $0x2F60;
	[sflag:s23] =	ssyncadd.s32 $0xFFFF8300  }
0x43: {  	s9 =	simm.s32 $0x2F60;
	s10 =	simm.s32 $0x40;
	s11 =	simm.s32 $0x0;
	v1 =	vld [tilespmem:s8+$0xFFFFFFB0]  }
.LBB2_4:
0x44: {  	p0 =	sne.s32 s10, $0x1F00;
	v2 =	vld [tilespmem:s11+$0x1F40]  }
0x45: {  	v3 =	vld [tilespmem:s8+$0xFFFFFF90]  }
0x46: {  	v4 =	vld [tilespmem:s8+$0xFFFFFF80]  }
0x47: {  	v5 =	vld [tilespmem:s8+$0xFFFFFFA0]  }
0x48: {  	v6 =	vld [tilespmem:s8+$0xFFFFFFF0]  }
0x49: {  	v7 =	vbroadcast v2, $0x0;
	v8 =	vbroadcast v2, $0x1;
	v9 =	vld [tilespmem:s8+$0xFFFFFFD0]  }
0x4a: {  	v10 =	vbroadcast v2, $0x2;
	v11 =	vbroadcast v2, $0x3;
	v12 =	vld [tilespmem:s8+$0xFFFFFFC0]  }
0x4b: {  	v4 =	vmul.f32 v7, v4;
	v3 =	vmul.f32 v3, v8;
	v7 =	vld [tilespmem:s8+$0xFFFFFFE0]  }
0x4c: {  	v1 =	vmul.f32 v1, v11;
	v5 =	vmul.f32 v5, v10;
	v8 =	vld [tilespmem:s8+$0x30]  }
0x4d: {  	v10 =	vbroadcast v2, $0x5;
	[tilespmem:s8+$0xFFFFFF80] =	vst v4;
	v4 =	vbroadcast v2, $0x4;
	v11 =	vld [tilespmem:s8+$0x10]  }
0x4e: {  	v13 =	vbroadcast v2, $0x7;
	[tilespmem:s8+$0xFFFFFF90] =	vst v3;
	v3 =	vbroadcast v2, $0x6;
	v14 =	vld [tilespmem:s8+$0x0]  }
0x4f: {  	[tilespmem:s8+$0xFFFFFFA0] =	vst v5;
	v4 =	vmul.f32 v12, v4;
	v5 =	vmul.f32 v9, v10;
	v9 =	vld [tilespmem:s8+$0x20]  }
0x50: {  	[tilespmem:s8+$0xFFFFFFB0] =	vst v1;
	v1 =	vmul.f32 v7, v3;
	v3 =	vmul.f32 v6, v13;
	v6 =	vld [tilespmem:s8+$0x70]  }
0x51: {  	v7 =	vbroadcast v2, $0x9;
	[tilespmem:s8+$0xFFFFFFC0] =	vst v4;
	v4 =	vbroadcast v2, $0x8;
	v10 =	vld [tilespmem:s8+$0x50]  }
0x52: {  	v12 =	vbroadcast v2, $0xB;
	[tilespmem:s8+$0xFFFFFFD0] =	vst v5;
	v5 =	vbroadcast v2, $0xA;
	v13 =	vld [tilespmem:s8+$0x40]  }
0x53: {  	[tilespmem:s8+$0xFFFFFFE0] =	vst v1;
	v1 =	vmul.f32 v14, v4;
	v4 =	vmul.f32 v11, v7;
	v7 =	vld [tilespmem:s8+$0x60]  }
0x54: {  	[tilespmem:s8+$0xFFFFFFF0] =	vst v3;
	v3 =	vmul.f32 v9, v5;
	v5 =	vmul.f32 v8, v12  }
0x55: {  	v8 =	vbroadcast v2, $0xD;
	[tilespmem:s8+$0x0] =	vst v1;
	v1 =	vbroadcast v2, $0xC  }
0x56: {  	[tilespmem:s8+$0x10] =	vst v4;
	v4 =	vbroadcast v2, $0xE;
	v2 =	vbroadcast v2, $0xF  }
0x57: {  	[tilespmem:s8+$0x20] =	vst v3;
	v1 =	vmul.f32 v13, v1;
	v3 =	vmul.f32 v10, v8  }
.Ltmp1:
0x58: {  	[tilespmem:s8+$0x30] =	vst v5;
	v4 =	vmul.f32 v7, v4;
	v2 =	vmul.f32 v6, v2;
	(pc) =	sbr.rel @p0 .LBB2_4-.Ltmp1, $4  }
0x59: {  	[tilespmem:s8+$0x40] =	vst v1  }
0x5a: {  	[tilespmem:s8+$0x50] =	vst v3  }
0x5b: {  	s8 =	sadd.s32 $0x100, s8;
	[tilespmem:s9+$0x60] =	vst v4  }
0x5c: {  	s11 =	sshra.s32 s10, $0x2;
	s10 =	sadd.s32 $0x40, s10;
	v1 =	vld [tilespmem:s8+$0xFFFFFFB0];
	[tilespmem:s9+$0x70] =	vst v2;
	s9 =	smov.u32 s8  }
0x5d: {  	v2 =	vld [tilespmem:s11+$0x1F40];
	_ =	sdelay $0x1  }
0x5e: {  	v3 =	vld [tilespmem:s8+$0xFFFFFF80]  }
0x5f: {  	v4 =	vld [tilespmem:s8+$0xFFFFFF90]  }
0x60: {  	v5 =	vld [tilespmem:s8+$0xFFFFFFA0]  }
0x61: {  	v6 =	vbroadcast v2, $0x0  }
0x62: {  	v9 =	vld [tilespmem:s8+$0xFFFFFFD0];
	v7 =	vbroadcast v2, $0x1  }
0x63: {  	v8 =	vld [tilespmem:s8+$0xFFFFFFC0];
	v10 =	vbroadcast v2, $0x2;
	v3 =	vmul.f32 v6, v3  }
0x64: {  	v48 =	vld [tilespmem:s8+$0xFFFFFFE0];
	v47 =	vbroadcast v2, $0x3;
	v4 =	vmul.f32 v4, v7  }
0x65: {  	v51 =	vld [tilespmem:s8+$0x10];
	v49 =	vbroadcast v2, $0x5;
	v5 =	vmul.f32 v5, v10;
	[tilespmem:s8+$0xFFFFFF80] =	vst v3  }
0x66: {  	v11 =	vld [tilespmem:s8+$0xFFFFFFF0];
	v1 =	vmul.f32 v1, v47;
	v3 =	vbroadcast v2, $0x4;
	[tilespmem:s8+$0xFFFFFF90] =	vst v4  }
0x67: {  	v50 =	vld [tilespmem:s8+$0x0];
	v12 =	vbroadcast v2, $0x6;
	v6 =	vmul.f32 v9, v49;
	[tilespmem:s8+$0xFFFFFFA0] =	vst v5  }
0x68: {  	v56 =	vld [tilespmem:s8+$0x50];
	v54 =	vbroadcast v2, $0x9;
	[tilespmem:s8+$0xFFFFFFB0] =	vst v1;
	v3 =	vmul.f32 v8, v3  }
0x69: {  	v53 =	vld [tilespmem:s8+$0x20];
	v52 =	vbroadcast v2, $0x7;
	v7 =	vmul.f32 v48, v12;
	[tilespmem:s8+$0xFFFFFFD0] =	vst v6  }
0x6a: {  	v59 =	vmul.f32 v51, v54;
	v1 =	vld [tilespmem:s8+$0x30];
	[tilespmem:s8+$0xFFFFFFC0] =	vst v3;
	v3 =	vbroadcast v2, $0x8  }
0x6b: {  	v55 =	vld [tilespmem:s8+$0x40];
	v62 =	vbroadcast v2, $0xD;
	v5 =	vmul.f32 v11, v52;
	[tilespmem:s8+$0xFFFFFFE0] =	vst v7  }
0x6c: {  	v60 =	vld [tilespmem:s8+$0x60];
	v57 =	vbroadcast v2, $0xA;
	[tilespmem:s8+$0x10] =	vst v59;
	v3 =	vmul.f32 v50, v3  }
0x6d: {  	v61 =	vld [tilespmem:s8+$0x70];
	v58 =	vbroadcast v2, $0xB;
	v4 =	vmul.f32 v56, v62;
	[tilespmem:s8+$0xFFFFFFF0] =	vst v5  }
0x6e: {  	v8 =	vmul.f32 v53, v57;
	[tilespmem:s8+$0x0] =	vst v3;
	v3 =	vbroadcast v2, $0xC  }
0x6f: {  	v63 =	vbroadcast v2, $0xE;
	[tilespmem:s8+$0x50] =	vst v4;
	v1 =	vmul.f32 v1, v58  }
0x70: {  	[tilespmem:s8+$0x20] =	vst v8;
	v2 =	vbroadcast v2, $0xF;
	v3 =	vmul.f32 v55, v3  }
0x71: {  	[tilespmem:s8+$0x30] =	vst v1;
	v1 =	vmul.f32 v60, v63  }
0x72: {  	v2 =	vmul.f32 v61, v2;
	[tilespmem:s8+$0x40] =	vst v3  }
0x73: {  	[tilespmem:s9+$0x60] =	vst v1  }
0x74: {  	[tilespmem:s9+$0x70] =	vst v2  }
0x75: {  	[spmem:s3] =	stream.indirect.scatter.add.f32 [tilespmem:s29], [sflag:$0x3], $0x10, s25, s28, $0xb8;
	[tilespmem:$0x178E0] =	vst v63  }
0x76: {  	_ =	swait.ge [sflag:s2], $0x7D00  }
0x77: {  	[sflag:s2] =	ssyncset.done $0x0  }
0x78: {  	s11 =	simm.s32 $0x0;
	[sflag:s2] =	ssyncadd.s32 $0xFFFF8300  }
0x79: {  	[tilespmem:s11], [sflag:$0x5] =	stream.linear.gather [hbm4b:s12+s11], $0x7D0, $0x38;
	[tilespmem:$0x178E0] =	vst v63  }
0x7a: {  	_ =	swait.ge [sflag:s24], $0x7D0  }
0x7b: {  	[sflag:s24] =	ssyncset.done $0x0  }
0x7c: {  	[sflag:s24] =	ssyncadd.s32 $0xFFFFF830  }
0x7d: {  	[tilespmem:s25], [sflag:$0x5] =	stream.linear.gather [hbm4b:s13+s11], $0x7D0, $0x38;
	[tilespmem:$0x178E0] =	vst v63  }
0x7e: {  	_ =	swait.ge [sflag:s24], $0x7D0  }
0x7f: {  	[sflag:s24] =	ssyncset.done $0x0  }
0x80: {  	[sflag:s24] =	ssyncadd.s32 $0xFFFFF830  }
0x81: {  	[tilespmem:s26], [sflag:$0x5] =	stream.linear.gather [hbm4b:s14+s11], $0x7D0, $0x38;
	[tilespmem:$0x178E0] =	vst v63  }
0x82: {  	_ =	swait.ge [sflag:s24], $0x7D0  }
0x83: {  	[sflag:s24] =	ssyncset.done $0x0  }
0x84: {  	[sflag:s24] =	ssyncadd.s32 $0xFFFFF830  }
0x85: {  	[tilespmem:s29], [sflag:$0x1] =	stream.indirect.gather [hbm4b:s1+s28], $0x10, s11, s28, $0xb8;
	[tilespmem:$0x178E0] =	vst v63  }
0x86: {  	_ =	swait.ge [sflag:s6], $0x7D00  }
0x87: {  	[sflag:s6] =	ssyncset.done $0x0  }
0x88: {  	s8 =	simm.s32 $0xAC60;
	[sflag:s6] =	ssyncadd.s32 $0xFFFF8300  }
0x89: {  	s10 =	simm.s32 $0x40;
	s9 =	simm.s32 $0xAC60;
	s11 =	simm.s32 $0x0;
	v1 =	vld [tilespmem:s8+$0xFFFFFFB0]  }
.LBB2_6:
0x8a: {  	p0 =	sne.s32 s10, $0x1F00;
	v2 =	vld [tilespmem:s11+$0x2710]  }
0x8b: {  	v3 =	vld [tilespmem:s8+$0xFFFFFF90]  }
0x8c: {  	v4 =	vld [tilespmem:s8+$0xFFFFFF80]  }
0x8d: {  	v5 =	vld [tilespmem:s8+$0xFFFFFFA0]  }
0x8e: {  	v6 =	vld [tilespmem:s8+$0xFFFFFFF0]  }
0x8f: {  	v7 =	vbroadcast v2, $0x0;
	v8 =	vbroadcast v2, $0x1;
	v9 =	vld [tilespmem:s8+$0xFFFFFFD0]  }
0x90: {  	v10 =	vbroadcast v2, $0x2;
	v11 =	vbroadcast v2, $0x3;
	v12 =	vld [tilespmem:s8+$0xFFFFFFC0]  }
0x91: {  	v4 =	vmul.f32 v7, v4;
	v3 =	vmul.f32 v3, v8;
	v7 =	vld [tilespmem:s8+$0xFFFFFFE0]  }
0x92: {  	v1 =	vmul.f32 v1, v11;
	v5 =	vmul.f32 v5, v10;
	v8 =	vld [tilespmem:s8+$0x30]  }
0x93: {  	v10 =	vbroadcast v2, $0x5;
	[tilespmem:s8+$0xFFFFFF80] =	vst v4;
	v4 =	vbroadcast v2, $0x4;
	v11 =	vld [tilespmem:s8+$0x10]  }
0x94: {  	v13 =	vbroadcast v2, $0x7;
	[tilespmem:s8+$0xFFFFFF90] =	vst v3;
	v3 =	vbroadcast v2, $0x6;
	v14 =	vld [tilespmem:s8+$0x0]  }
0x95: {  	[tilespmem:s8+$0xFFFFFFA0] =	vst v5;
	v4 =	vmul.f32 v12, v4;
	v5 =	vmul.f32 v9, v10;
	v9 =	vld [tilespmem:s8+$0x20]  }
0x96: {  	[tilespmem:s8+$0xFFFFFFB0] =	vst v1;
	v1 =	vmul.f32 v7, v3;
	v3 =	vmul.f32 v6, v13;
	v6 =	vld [tilespmem:s8+$0x70]  }
0x97: {  	v7 =	vbroadcast v2, $0x9;
	[tilespmem:s8+$0xFFFFFFC0] =	vst v4;
	v4 =	vbroadcast v2, $0x8;
	v10 =	vld [tilespmem:s8+$0x50]  }
0x98: {  	v12 =	vbroadcast v2, $0xB;
	[tilespmem:s8+$0xFFFFFFD0] =	vst v5;
	v5 =	vbroadcast v2, $0xA;
	v13 =	vld [tilespmem:s8+$0x40]  }
0x99: {  	[tilespmem:s8+$0xFFFFFFE0] =	vst v1;
	v1 =	vmul.f32 v14, v4;
	v4 =	vmul.f32 v11, v7;
	v7 =	vld [tilespmem:s8+$0x60]  }
0x9a: {  	[tilespmem:s8+$0xFFFFFFF0] =	vst v3;
	v3 =	vmul.f32 v9, v5;
	v5 =	vmul.f32 v8, v12  }
0x9b: {  	v8 =	vbroadcast v2, $0xD;
	[tilespmem:s8+$0x0] =	vst v1;
	v1 =	vbroadcast v2, $0xC  }
0x9c: {  	[tilespmem:s8+$0x10] =	vst v4;
	v4 =	vbroadcast v2, $0xE;
	v2 =	vbroadcast v2, $0xF  }
0x9d: {  	[tilespmem:s8+$0x20] =	vst v3;
	v1 =	vmul.f32 v13, v1;
	v3 =	vmul.f32 v10, v8  }
.Ltmp2:
0x9e: {  	[tilespmem:s8+$0x30] =	vst v5;
	v4 =	vmul.f32 v7, v4;
	v2 =	vmul.f32 v6, v2;
	(pc) =	sbr.rel @p0 .LBB2_6-.Ltmp2, $4  }
0x9f: {  	[tilespmem:s8+$0x40] =	vst v1  }
0xa0: {  	[tilespmem:s8+$0x50] =	vst v3  }
0xa1: {  	s8 =	sadd.s32 $0x100, s8;
	[tilespmem:s9+$0x60] =	vst v4  }
0xa2: {  	s11 =	sshra.s32 s10, $0x2;
	s10 =	sadd.s32 $0x40, s10;
	v1 =	vld [tilespmem:s8+$0xFFFFFFB0];
	[tilespmem:s9+$0x70] =	vst v2;
	s9 =	smov.u32 s8  }
0xa3: {  	v2 =	vld [tilespmem:s11+$0x2710];
	_ =	sdelay $0x1  }
0xa4: {  	v3 =	vld [tilespmem:s8+$0xFFFFFF80]  }
0xa5: {  	v4 =	vld [tilespmem:s8+$0xFFFFFF90]  }
0xa6: {  	v5 =	vld [tilespmem:s8+$0xFFFFFFA0]  }
0xa7: {  	v6 =	vbroadcast v2, $0x0  }
0xa8: {  	v9 =	vld [tilespmem:s8+$0xFFFFFFD0];
	v7 =	vbroadcast v2, $0x1  }
0xa9: {  	v8 =	vld [tilespmem:s8+$0xFFFFFFC0];
	v10 =	vbroadcast v2, $0x2;
	v3 =	vmul.f32 v6, v3  }
0xaa: {  	v48 =	vld [tilespmem:s8+$0xFFFFFFE0];
	v47 =	vbroadcast v2, $0x3;
	v4 =	vmul.f32 v4, v7  }
0xab: {  	v51 =	vld [tilespmem:s8+$0x10];
	v49 =	vbroadcast v2, $0x5;
	v5 =	vmul.f32 v5, v10;
	[tilespmem:s8+$0xFFFFFF80] =	vst v3  }
0xac: {  	v11 =	vld [tilespmem:s8+$0xFFFFFFF0];
	v1 =	vmul.f32 v1, v47;
	v3 =	vbroadcast v2, $0x4;
	[tilespmem:s8+$0xFFFFFF90] =	vst v4  }
0xad: {  	v50 =	vld [tilespmem:s8+$0x0];
	v12 =	vbroadcast v2, $0x6;
	v6 =	vmul.f32 v9, v49;
	[tilespmem:s8+$0xFFFFFFA0] =	vst v5  }
0xae: {  	v56 =	vld [tilespmem:s8+$0x50];
	v54 =	vbroadcast v2, $0x9;
	[tilespmem:s8+$0xFFFFFFB0] =	vst v1;
	v3 =	vmul.f32 v8, v3  }
0xaf: {  	v53 =	vld [tilespmem:s8+$0x20];
	v52 =	vbroadcast v2, $0x7;
	v7 =	vmul.f32 v48, v12;
	[tilespmem:s8+$0xFFFFFFD0] =	vst v6  }
0xb0: {  	v59 =	vmul.f32 v51, v54;
	v1 =	vld [tilespmem:s8+$0x30];
	[tilespmem:s8+$0xFFFFFFC0] =	vst v3;
	v3 =	vbroadcast v2, $0x8  }
0xb1: {  	v55 =	vld [tilespmem:s8+$0x40];
	v62 =	vbroadcast v2, $0xD;
	v5 =	vmul.f32 v11, v52;
	[tilespmem:s8+$0xFFFFFFE0] =	vst v7  }
0xb2: {  	v60 =	vld [tilespmem:s8+$0x60];
	v57 =	vbroadcast v2, $0xA;
	[tilespmem:s8+$0x10] =	vst v59;
	v3 =	vmul.f32 v50, v3  }
0xb3: {  	v61 =	vld [tilespmem:s8+$0x70];
	v58 =	vbroadcast v2, $0xB;
	v4 =	vmul.f32 v56, v62;
	[tilespmem:s8+$0xFFFFFFF0] =	vst v5  }
0xb4: {  	v8 =	vmul.f32 v53, v57;
	[tilespmem:s8+$0x0] =	vst v3;
	v3 =	vbroadcast v2, $0xC  }
0xb5: {  	v63 =	vbroadcast v2, $0xE;
	[tilespmem:s8+$0x50] =	vst v4;
	v1 =	vmul.f32 v1, v58  }
0xb6: {  	[tilespmem:s8+$0x20] =	vst v8;
	v2 =	vbroadcast v2, $0xF;
	v3 =	vmul.f32 v55, v3  }
0xb7: {  	[tilespmem:s8+$0x30] =	vst v1;
	v1 =	vmul.f32 v60, v63  }
0xb8: {  	v2 =	vmul.f32 v61, v2;
	[tilespmem:s8+$0x40] =	vst v3  }
0xb9: {  	[tilespmem:s9+$0x60] =	vst v1  }
0xba: {  	[tilespmem:s9+$0x70] =	vst v2  }
0xbb: {  	[spmem:s3] =	stream.indirect.scatter.add.f32 [tilespmem:s0], [sflag:$0x4], $0x10, s30, s28, $0xb8;
	[tilespmem:$0x178E0] =	vst v63  }
0xbc: {  	_ =	swait.ge [sflag:s7], $0x7D00  }
0xbd: {  	[sflag:s7] =	ssyncset.done $0x0  }
0xbe: {  	s11 =	simm.s32 $0x0;
	[sflag:s7] =	ssyncadd.s32 $0xFFFF8300  }
0xbf: {  	[tilespmem:s28], [sflag:$0x5] =	stream.linear.gather [hbm4b:s15+s11], $0x7D0, $0x38;
	[tilespmem:$0x178E0] =	vst v63  }
0xc0: {  	_ =	swait.ge [sflag:s24], $0x7D0  }
0xc1: {  	[sflag:s24] =	ssyncset.done $0x0  }
0xc2: {  	[sflag:s24] =	ssyncadd.s32 $0xFFFFF830  }
0xc3: {  	[tilespmem:s30], [sflag:$0x5] =	stream.linear.gather [hbm4b:s16+s11], $0x7D0, $0x38;
	[tilespmem:$0x178E0] =	vst v63  }
0xc4: {  	_ =	swait.ge [sflag:s24], $0x7D0  }
0xc5: {  	[sflag:s24] =	ssyncset.done $0x0  }
0xc6: {  	[sflag:s24] =	ssyncadd.s32 $0xFFFFF830  }
0xc7: {  	[tilespmem:s31], [sflag:$0x5] =	stream.linear.gather [hbm4b:s17+s11], $0x7D0, $0x38;
	[tilespmem:$0x178E0] =	vst v63  }
0xc8: {  	_ =	swait.ge [sflag:s24], $0x7D0  }
0xc9: {  	[sflag:s24] =	ssyncset.done $0x0  }
0xca: {  	[sflag:s24] =	ssyncadd.s32 $0xFFFFF830  }
0xcb: {  	[tilespmem:s0], [sflag:$0x2] =	stream.indirect.gather [hbm4b:s1+s28], $0x10, s28, s28, $0xb8;
	[tilespmem:$0x178E0] =	vst v63  }
0xcc: {  	_ =	swait.ge [sflag:s23], $0x7D00  }
0xcd: {  	[sflag:s23] =	ssyncset.done $0x0  }
0xce: {  	s8 =	simm.s32 $0x2F60;
	[sflag:s23] =	ssyncadd.s32 $0xFFFF8300  }
0xcf: {  	s10 =	simm.s32 $0x40;
	s9 =	simm.s32 $0x2F60;
	s11 =	simm.s32 $0x0;
	v1 =	vld [tilespmem:s8+$0xFFFFFFB0]  }
.LBB2_8:
0xd0: {  	p0 =	sne.s32 s10, $0x1F00;
	v2 =	vld [tilespmem:s11+$0x1F40]  }
0xd1: {  	v3 =	vld [tilespmem:s8+$0xFFFFFF90]  }
0xd2: {  	v4 =	vld [tilespmem:s8+$0xFFFFFF80]  }
0xd3: {  	v5 =	vld [tilespmem:s8+$0xFFFFFFA0]  }
0xd4: {  	v6 =	vld [tilespmem:s8+$0xFFFFFFF0]  }
0xd5: {  	v7 =	vbroadcast v2, $0x0;
	v8 =	vbroadcast v2, $0x1;
	v9 =	vld [tilespmem:s8+$0xFFFFFFD0]  }
0xd6: {  	v10 =	vbroadcast v2, $0x2;
	v11 =	vbroadcast v2, $0x3;
	v12 =	vld [tilespmem:s8+$0xFFFFFFC0]  }
0xd7: {  	v4 =	vmul.f32 v7, v4;
	v3 =	vmul.f32 v3, v8;
	v7 =	vld [tilespmem:s8+$0xFFFFFFE0]  }
0xd8: {  	v1 =	vmul.f32 v1, v11;
	v5 =	vmul.f32 v5, v10;
	v8 =	vld [tilespmem:s8+$0x30]  }
0xd9: {  	v10 =	vbroadcast v2, $0x5;
	[tilespmem:s8+$0xFFFFFF80] =	vst v4;
	v4 =	vbroadcast v2, $0x4;
	v11 =	vld [tilespmem:s8+$0x10]  }
0xda: {  	v13 =	vbroadcast v2, $0x7;
	[tilespmem:s8+$0xFFFFFF90] =	vst v3;
	v3 =	vbroadcast v2, $0x6;
	v14 =	vld [tilespmem:s8+$0x0]  }
0xdb: {  	[tilespmem:s8+$0xFFFFFFA0] =	vst v5;
	v4 =	vmul.f32 v12, v4;
	v5 =	vmul.f32 v9, v10;
	v9 =	vld [tilespmem:s8+$0x20]  }
0xdc: {  	[tilespmem:s8+$0xFFFFFFB0] =	vst v1;
	v1 =	vmul.f32 v7, v3;
	v3 =	vmul.f32 v6, v13;
	v6 =	vld [tilespmem:s8+$0x70]  }
0xdd: {  	v7 =	vbroadcast v2, $0x9;
	[tilespmem:s8+$0xFFFFFFC0] =	vst v4;
	v4 =	vbroadcast v2, $0x8;
	v10 =	vld [tilespmem:s8+$0x50]  }
0xde: {  	v12 =	vbroadcast v2, $0xB;
	[tilespmem:s8+$0xFFFFFFD0] =	vst v5;
	v5 =	vbroadcast v2, $0xA;
	v13 =	vld [tilespmem:s8+$0x40]  }
0xdf: {  	[tilespmem:s8+$0xFFFFFFE0] =	vst v1;
	v1 =	vmul.f32 v14, v4;
	v4 =	vmul.f32 v11, v7;
	v7 =	vld [tilespmem:s8+$0x60]  }
0xe0: {  	[tilespmem:s8+$0xFFFFFFF0] =	vst v3;
	v3 =	vmul.f32 v9, v5;
	v5 =	vmul.f32 v8, v12  }
0xe1: {  	v8 =	vbroadcast v2, $0xD;
	[tilespmem:s8+$0x0] =	vst v1;
	v1 =	vbroadcast v2, $0xC  }
0xe2: {  	[tilespmem:s8+$0x10] =	vst v4;
	v4 =	vbroadcast v2, $0xE;
	v2 =	vbroadcast v2, $0xF  }
0xe3: {  	[tilespmem:s8+$0x20] =	vst v3;
	v1 =	vmul.f32 v13, v1;
	v3 =	vmul.f32 v10, v8  }
.Ltmp3:
0xe4: {  	[tilespmem:s8+$0x30] =	vst v5;
	v4 =	vmul.f32 v7, v4;
	v2 =	vmul.f32 v6, v2;
	(pc) =	sbr.rel @p0 .LBB2_8-.Ltmp3, $4  }
0xe5: {  	[tilespmem:s8+$0x40] =	vst v1  }
0xe6: {  	[tilespmem:s8+$0x50] =	vst v3  }
0xe7: {  	s8 =	sadd.s32 $0x100, s8;
	[tilespmem:s9+$0x60] =	vst v4  }
0xe8: {  	s11 =	sshra.s32 s10, $0x2;
	s10 =	sadd.s32 $0x40, s10;
	v1 =	vld [tilespmem:s8+$0xFFFFFFB0];
	[tilespmem:s9+$0x70] =	vst v2;
	s9 =	smov.u32 s8  }
0xe9: {  	v2 =	vld [tilespmem:s11+$0x1F40];
	_ =	sdelay $0x1  }
0xea: {  	v3 =	vld [tilespmem:s8+$0xFFFFFF80]  }
0xeb: {  	v4 =	vld [tilespmem:s8+$0xFFFFFF90]  }
0xec: {  	v5 =	vld [tilespmem:s8+$0xFFFFFFA0]  }
0xed: {  	v6 =	vbroadcast v2, $0x0  }
0xee: {  	v9 =	vld [tilespmem:s8+$0xFFFFFFD0];
	v7 =	vbroadcast v2, $0x1  }
0xef: {  	v8 =	vld [tilespmem:s8+$0xFFFFFFC0];
	v10 =	vbroadcast v2, $0x2;
	v3 =	vmul.f32 v6, v3  }
0xf0: {  	v48 =	vld [tilespmem:s8+$0xFFFFFFE0];
	v47 =	vbroadcast v2, $0x3;
	v4 =	vmul.f32 v4, v7  }
0xf1: {  	v51 =	vld [tilespmem:s8+$0x10];
	v49 =	vbroadcast v2, $0x5;
	v5 =	vmul.f32 v5, v10;
	[tilespmem:s8+$0xFFFFFF80] =	vst v3  }
0xf2: {  	v11 =	vld [tilespmem:s8+$0xFFFFFFF0];
	v1 =	vmul.f32 v1, v47;
	v3 =	vbroadcast v2, $0x4;
	[tilespmem:s8+$0xFFFFFF90] =	vst v4  }
0xf3: {  	v50 =	vld [tilespmem:s8+$0x0];
	v12 =	vbroadcast v2, $0x6;
	v6 =	vmul.f32 v9, v49;
	[tilespmem:s8+$0xFFFFFFA0] =	vst v5  }
0xf4: {  	v56 =	vld [tilespmem:s8+$0x50];
	v54 =	vbroadcast v2, $0x9;
	[tilespmem:s8+$0xFFFFFFB0] =	vst v1;
	v3 =	vmul.f32 v8, v3  }
0xf5: {  	v53 =	vld [tilespmem:s8+$0x20];
	v52 =	vbroadcast v2, $0x7;
	v7 =	vmul.f32 v48, v12;
	[tilespmem:s8+$0xFFFFFFD0] =	vst v6  }
0xf6: {  	v59 =	vmul.f32 v51, v54;
	v1 =	vld [tilespmem:s8+$0x30];
	[tilespmem:s8+$0xFFFFFFC0] =	vst v3;
	v3 =	vbroadcast v2, $0x8  }
0xf7: {  	v55 =	vld [tilespmem:s8+$0x40];
	v62 =	vbroadcast v2, $0xD;
	v5 =	vmul.f32 v11, v52;
	[tilespmem:s8+$0xFFFFFFE0] =	vst v7  }
0xf8: {  	v60 =	vld [tilespmem:s8+$0x60];
	v57 =	vbroadcast v2, $0xA;
	[tilespmem:s8+$0x10] =	vst v59;
	v3 =	vmul.f32 v50, v3  }
0xf9: {  	v61 =	vld [tilespmem:s8+$0x70];
	v58 =	vbroadcast v2, $0xB;
	v4 =	vmul.f32 v56, v62;
	[tilespmem:s8+$0xFFFFFFF0] =	vst v5  }
0xfa: {  	v8 =	vmul.f32 v53, v57;
	[tilespmem:s8+$0x0] =	vst v3;
	v3 =	vbroadcast v2, $0xC  }
0xfb: {  	v63 =	vbroadcast v2, $0xE;
	[tilespmem:s8+$0x50] =	vst v4;
	v1 =	vmul.f32 v1, v58  }
0xfc: {  	[tilespmem:s8+$0x20] =	vst v8;
	v2 =	vbroadcast v2, $0xF;
	v3 =	vmul.f32 v55, v3  }
0xfd: {  	[tilespmem:s8+$0x30] =	vst v1;
	v1 =	vmul.f32 v60, v63  }
0xfe: {  	v2 =	vmul.f32 v61, v2;
	[tilespmem:s8+$0x40] =	vst v3  }
0xff: {  	[tilespmem:s9+$0x60] =	vst v1  }
0x100: {  	[tilespmem:s9+$0x70] =	vst v2  }
0x101: {  	[spmem:s3] =	stream.indirect.scatter.add.f32 [tilespmem:s29], [sflag:$0x3], $0x10, s25, s28, $0xb8;
	[tilespmem:$0x178E0] =	vst v63  }
0x102: {  	_ =	swait.ge [sflag:s2], $0x7D00  }
0x103: {  	[sflag:s2] =	ssyncset.done $0x0  }
0x104: {  	s11 =	simm.s32 $0x0;
	[sflag:s2] =	ssyncadd.s32 $0xFFFF8300  }
0x105: {  	[tilespmem:s11], [sflag:$0x5] =	stream.linear.gather [hbm4b:s18+s11], $0x7D0, $0x38;
	[tilespmem:$0x178E0] =	vst v63  }
0x106: {  	_ =	swait.ge [sflag:s24], $0x7D0  }
0x107: {  	[sflag:s24] =	ssyncset.done $0x0  }
0x108: {  	[sflag:s24] =	ssyncadd.s32 $0xFFFFF830  }
0x109: {  	[tilespmem:s25], [sflag:$0x5] =	stream.linear.gather [hbm4b:s19+s11], $0x7D0, $0x38;
	[tilespmem:$0x178E0] =	vst v63  }
0x10a: {  	_ =	swait.ge [sflag:s24], $0x7D0  }
0x10b: {  	[sflag:s24] =	ssyncset.done $0x0  }
0x10c: {  	[sflag:s24] =	ssyncadd.s32 $0xFFFFF830  }
0x10d: {  	[tilespmem:s26], [sflag:$0x5] =	stream.linear.gather [hbm4b:s20+s11], $0x7D0, $0x38;
	[tilespmem:$0x178E0] =	vst v63  }
0x10e: {  	_ =	swait.ge [sflag:s24], $0x7D0  }
0x10f: {  	[sflag:s24] =	ssyncset.done $0x0  }
0x110: {  	[sflag:s24] =	ssyncadd.s32 $0xFFFFF830  }
0x111: {  	[tilespmem:s29], [sflag:$0x1] =	stream.indirect.gather [hbm4b:s1+s28], $0x10, s11, s28, $0xb8;
	[tilespmem:$0x178E0] =	vst v63  }
0x112: {  	_ =	swait.ge [sflag:s6], $0x7D00  }
0x113: {  	[sflag:s6] =	ssyncset.done $0x0  }
0x114: {  	s8 =	simm.s32 $0xAC60;
	[sflag:s6] =	ssyncadd.s32 $0xFFFF8300  }
0x115: {  	s10 =	simm.s32 $0x40;
	s9 =	simm.s32 $0xAC60;
	s11 =	simm.s32 $0x0;
	v1 =	vld [tilespmem:s8+$0xFFFFFFB0]  }
.LBB2_10:
0x116: {  	p0 =	sne.s32 s10, $0x1F00;
	v2 =	vld [tilespmem:s11+$0x2710]  }
0x117: {  	v3 =	vld [tilespmem:s8+$0xFFFFFF90]  }
0x118: {  	v4 =	vld [tilespmem:s8+$0xFFFFFF80]  }
0x119: {  	v5 =	vld [tilespmem:s8+$0xFFFFFFA0]  }
0x11a: {  	v6 =	vld [tilespmem:s8+$0xFFFFFFF0]  }
0x11b: {  	v7 =	vbroadcast v2, $0x0;
	v8 =	vbroadcast v2, $0x1;
	v9 =	vld [tilespmem:s8+$0xFFFFFFD0]  }
0x11c: {  	v10 =	vbroadcast v2, $0x2;
	v11 =	vbroadcast v2, $0x3;
	v12 =	vld [tilespmem:s8+$0xFFFFFFC0]  }
0x11d: {  	v4 =	vmul.f32 v7, v4;
	v3 =	vmul.f32 v3, v8;
	v7 =	vld [tilespmem:s8+$0xFFFFFFE0]  }
0x11e: {  	v1 =	vmul.f32 v1, v11;
	v5 =	vmul.f32 v5, v10;
	v8 =	vld [tilespmem:s8+$0x30]  }
0x11f: {  	v10 =	vbroadcast v2, $0x5;
	[tilespmem:s8+$0xFFFFFF80] =	vst v4;
	v4 =	vbroadcast v2, $0x4;
	v11 =	vld [tilespmem:s8+$0x10]  }
0x120: {  	v13 =	vbroadcast v2, $0x7;
	[tilespmem:s8+$0xFFFFFF90] =	vst v3;
	v3 =	vbroadcast v2, $0x6;
	v14 =	vld [tilespmem:s8+$0x0]  }
0x121: {  	[tilespmem:s8+$0xFFFFFFA0] =	vst v5;
	v4 =	vmul.f32 v12, v4;
	v5 =	vmul.f32 v9, v10;
	v9 =	vld [tilespmem:s8+$0x20]  }
0x122: {  	[tilespmem:s8+$0xFFFFFFB0] =	vst v1;
	v1 =	vmul.f32 v7, v3;
	v3 =	vmul.f32 v6, v13;
	v6 =	vld [tilespmem:s8+$0x70]  }
0x123: {  	v7 =	vbroadcast v2, $0x9;
	[tilespmem:s8+$0xFFFFFFC0] =	vst v4;
	v4 =	vbroadcast v2, $0x8;
	v10 =	vld [tilespmem:s8+$0x50]  }
0x124: {  	v12 =	vbroadcast v2, $0xB;
	[tilespmem:s8+$0xFFFFFFD0] =	vst v5;
	v5 =	vbroadcast v2, $0xA;
	v13 =	vld [tilespmem:s8+$0x40]  }
0x125: {  	[tilespmem:s8+$0xFFFFFFE0] =	vst v1;
	v1 =	vmul.f32 v14, v4;
	v4 =	vmul.f32 v11, v7;
	v7 =	vld [tilespmem:s8+$0x60]  }
0x126: {  	[tilespmem:s8+$0xFFFFFFF0] =	vst v3;
	v3 =	vmul.f32 v9, v5;
	v5 =	vmul.f32 v8, v12  }
0x127: {  	v8 =	vbroadcast v2, $0xD;
	[tilespmem:s8+$0x0] =	vst v1;
	v1 =	vbroadcast v2, $0xC  }
0x128: {  	[tilespmem:s8+$0x10] =	vst v4;
	v4 =	vbroadcast v2, $0xE;
	v2 =	vbroadcast v2, $0xF  }
0x129: {  	[tilespmem:s8+$0x20] =	vst v3;
	v1 =	vmul.f32 v13, v1;
	v3 =	vmul.f32 v10, v8  }
.Ltmp4:
0x12a: {  	[tilespmem:s8+$0x30] =	vst v5;
	v4 =	vmul.f32 v7, v4;
	v2 =	vmul.f32 v6, v2;
	(pc) =	sbr.rel @p0 .LBB2_10-.Ltmp4, $4  }
0x12b: {  	[tilespmem:s8+$0x40] =	vst v1  }
0x12c: {  	[tilespmem:s8+$0x50] =	vst v3  }
0x12d: {  	s8 =	sadd.s32 $0x100, s8;
	[tilespmem:s9+$0x60] =	vst v4  }
0x12e: {  	s11 =	sshra.s32 s10, $0x2;
	s10 =	sadd.s32 $0x40, s10;
	v1 =	vld [tilespmem:s8+$0xFFFFFFB0];
	[tilespmem:s9+$0x70] =	vst v2;
	s9 =	smov.u32 s8  }
0x12f: {  	v2 =	vld [tilespmem:s11+$0x2710];
	_ =	sdelay $0x1  }
0x130: {  	v3 =	vld [tilespmem:s8+$0xFFFFFF80]  }
0x131: {  	v4 =	vld [tilespmem:s8+$0xFFFFFF90]  }
0x132: {  	v5 =	vld [tilespmem:s8+$0xFFFFFFA0]  }
0x133: {  	v6 =	vbroadcast v2, $0x0  }
0x134: {  	v9 =	vld [tilespmem:s8+$0xFFFFFFD0];
	v7 =	vbroadcast v2, $0x1  }
0x135: {  	v8 =	vld [tilespmem:s8+$0xFFFFFFC0];
	v10 =	vbroadcast v2, $0x2;
	v3 =	vmul.f32 v6, v3  }
0x136: {  	v48 =	vld [tilespmem:s8+$0xFFFFFFE0];
	v47 =	vbroadcast v2, $0x3;
	v4 =	vmul.f32 v4, v7  }
0x137: {  	v51 =	vld [tilespmem:s8+$0x10];
	v49 =	vbroadcast v2, $0x5;
	v5 =	vmul.f32 v5, v10;
	[tilespmem:s8+$0xFFFFFF80] =	vst v3  }
0x138: {  	v11 =	vld [tilespmem:s8+$0xFFFFFFF0];
	v1 =	vmul.f32 v1, v47;
	v3 =	vbroadcast v2, $0x4;
	[tilespmem:s8+$0xFFFFFF90] =	vst v4  }
0x139: {  	v50 =	vld [tilespmem:s8+$0x0];
	v12 =	vbroadcast v2, $0x6;
	v6 =	vmul.f32 v9, v49;
	[tilespmem:s8+$0xFFFFFFA0] =	vst v5  }
0x13a: {  	v56 =	vld [tilespmem:s8+$0x50];
	v54 =	vbroadcast v2, $0x9;
	[tilespmem:s8+$0xFFFFFFB0] =	vst v1;
	v3 =	vmul.f32 v8, v3  }
0x13b: {  	v53 =	vld [tilespmem:s8+$0x20];
	v52 =	vbroadcast v2, $0x7;
	v7 =	vmul.f32 v48, v12;
	[tilespmem:s8+$0xFFFFFFD0] =	vst v6  }
0x13c: {  	v59 =	vmul.f32 v51, v54;
	v1 =	vld [tilespmem:s8+$0x30];
	[tilespmem:s8+$0xFFFFFFC0] =	vst v3;
	v3 =	vbroadcast v2, $0x8  }
0x13d: {  	v55 =	vld [tilespmem:s8+$0x40];
	v62 =	vbroadcast v2, $0xD;
	v5 =	vmul.f32 v11, v52;
	[tilespmem:s8+$0xFFFFFFE0] =	vst v7  }
0x13e: {  	v60 =	vld [tilespmem:s8+$0x60];
	v57 =	vbroadcast v2, $0xA;
	[tilespmem:s8+$0x10] =	vst v59;
	v3 =	vmul.f32 v50, v3  }
0x13f: {  	v61 =	vld [tilespmem:s8+$0x70];
	v58 =	vbroadcast v2, $0xB;
	v4 =	vmul.f32 v56, v62;
	[tilespmem:s8+$0xFFFFFFF0] =	vst v5  }
0x140: {  	v8 =	vmul.f32 v53, v57;
	[tilespmem:s8+$0x0] =	vst v3;
	v3 =	vbroadcast v2, $0xC  }
0x141: {  	v63 =	vbroadcast v2, $0xE;
	[tilespmem:s8+$0x50] =	vst v4;
	v1 =	vmul.f32 v1, v58  }
0x142: {  	[tilespmem:s8+$0x20] =	vst v8;
	v2 =	vbroadcast v2, $0xF;
	v3 =	vmul.f32 v55, v3  }
0x143: {  	[tilespmem:s8+$0x30] =	vst v1;
	v1 =	vmul.f32 v60, v63  }
0x144: {  	v2 =	vmul.f32 v61, v2;
	[tilespmem:s8+$0x40] =	vst v3  }
0x145: {  	[tilespmem:s9+$0x60] =	vst v1  }
0x146: {  	[tilespmem:s9+$0x70] =	vst v2  }
0x147: {  	[spmem:s3] =	stream.indirect.scatter.add.f32 [tilespmem:s0], [sflag:$0x4], $0x10, s30, s28, $0xb8;
	[tilespmem:$0x178E0] =	vst v63  }
0x148: {  	_ =	swait.ge [sflag:s23], $0x7D00  }
0x149: {  	[sflag:s23] =	ssyncset.done $0x0  }
0x14a: {  	s8 =	simm.s32 $0x2F60;
	[sflag:s23] =	ssyncadd.s32 $0xFFFF8300  }
0x14b: {  	s11 =	simm.s32 $0x0;
	s10 =	simm.s32 $0x40;
	s9 =	simm.s32 $0x2F60;
	v1 =	vld [tilespmem:s8+$0xFFFFFFB0]  }
.LBB2_12:
0x14c: {  	p0 =	sne.s32 s10, $0x1F00;
	v2 =	vld [tilespmem:s11+$0x1F40]  }
0x14d: {  	v3 =	vld [tilespmem:s8+$0xFFFFFF90]  }
0x14e: {  	v4 =	vld [tilespmem:s8+$0xFFFFFF80]  }
0x14f: {  	v5 =	vld [tilespmem:s8+$0xFFFFFFA0]  }
0x150: {  	v6 =	vld [tilespmem:s8+$0xFFFFFFF0]  }
0x151: {  	v7 =	vbroadcast v2, $0x0;
	v8 =	vbroadcast v2, $0x1;
	v9 =	vld [tilespmem:s8+$0xFFFFFFD0]  }
0x152: {  	v10 =	vbroadcast v2, $0x2;
	v11 =	vbroadcast v2, $0x3;
	v12 =	vld [tilespmem:s8+$0xFFFFFFC0]  }
0x153: {  	v4 =	vmul.f32 v7, v4;
	v3 =	vmul.f32 v3, v8;
	v7 =	vld [tilespmem:s8+$0xFFFFFFE0]  }
0x154: {  	v1 =	vmul.f32 v1, v11;
	v5 =	vmul.f32 v5, v10;
	v8 =	vld [tilespmem:s8+$0x30]  }
0x155: {  	v10 =	vbroadcast v2, $0x5;
	[tilespmem:s8+$0xFFFFFF80] =	vst v4;
	v4 =	vbroadcast v2, $0x4;
	v11 =	vld [tilespmem:s8+$0x10]  }
0x156: {  	v13 =	vbroadcast v2, $0x7;
	[tilespmem:s8+$0xFFFFFF90] =	vst v3;
	v3 =	vbroadcast v2, $0x6;
	v14 =	vld [tilespmem:s8+$0x0]  }
0x157: {  	[tilespmem:s8+$0xFFFFFFA0] =	vst v5;
	v4 =	vmul.f32 v12, v4;
	v5 =	vmul.f32 v9, v10;
	v9 =	vld [tilespmem:s8+$0x20]  }
0x158: {  	[tilespmem:s8+$0xFFFFFFB0] =	vst v1;
	v1 =	vmul.f32 v7, v3;
	v3 =	vmul.f32 v6, v13;
	v6 =	vld [tilespmem:s8+$0x70]  }
0x159: {  	v7 =	vbroadcast v2, $0x9;
	[tilespmem:s8+$0xFFFFFFC0] =	vst v4;
	v4 =	vbroadcast v2, $0x8;
	v10 =	vld [tilespmem:s8+$0x50]  }
0x15a: {  	v12 =	vbroadcast v2, $0xB;
	[tilespmem:s8+$0xFFFFFFD0] =	vst v5;
	v5 =	vbroadcast v2, $0xA;
	v13 =	vld [tilespmem:s8+$0x40]  }
0x15b: {  	[tilespmem:s8+$0xFFFFFFE0] =	vst v1;
	v1 =	vmul.f32 v14, v4;
	v4 =	vmul.f32 v11, v7;
	v7 =	vld [tilespmem:s8+$0x60]  }
0x15c: {  	[tilespmem:s8+$0xFFFFFFF0] =	vst v3;
	v3 =	vmul.f32 v9, v5;
	v5 =	vmul.f32 v8, v12  }
0x15d: {  	v8 =	vbroadcast v2, $0xD;
	[tilespmem:s8+$0x0] =	vst v1;
	v1 =	vbroadcast v2, $0xC  }
0x15e: {  	[tilespmem:s8+$0x10] =	vst v4;
	v4 =	vbroadcast v2, $0xE;
	v2 =	vbroadcast v2, $0xF  }
0x15f: {  	[tilespmem:s8+$0x20] =	vst v3;
	v1 =	vmul.f32 v13, v1;
	v3 =	vmul.f32 v10, v8  }
.Ltmp5:
0x160: {  	[tilespmem:s8+$0x30] =	vst v5;
	v4 =	vmul.f32 v7, v4;
	v2 =	vmul.f32 v6, v2;
	(pc) =	sbr.rel @p0 .LBB2_12-.Ltmp5, $4  }
0x161: {  	[tilespmem:s8+$0x40] =	vst v1  }
0x162: {  	[tilespmem:s8+$0x50] =	vst v3  }
0x163: {  	s8 =	sadd.s32 $0x100, s8;
	[tilespmem:s9+$0x60] =	vst v4  }
0x164: {  	s11 =	sshra.s32 s10, $0x2;
	s10 =	sadd.s32 $0x40, s10;
	v1 =	vld [tilespmem:s8+$0xFFFFFFB0];
	[tilespmem:s9+$0x70] =	vst v2;
	s9 =	smov.u32 s8  }
0x165: {  	v2 =	vld [tilespmem:s11+$0x1F40];
	_ =	sdelay $0x1  }
0x166: {  	v3 =	vld [tilespmem:s8+$0xFFFFFF80]  }
0x167: {  	v4 =	vld [tilespmem:s8+$0xFFFFFF90]  }
0x168: {  	v5 =	vld [tilespmem:s8+$0xFFFFFFA0]  }
0x169: {  	v6 =	vbroadcast v2, $0x0  }
0x16a: {  	v9 =	vld [tilespmem:s8+$0xFFFFFFD0];
	v7 =	vbroadcast v2, $0x1  }
0x16b: {  	v8 =	vld [tilespmem:s8+$0xFFFFFFC0];
	v10 =	vbroadcast v2, $0x2;
	v3 =	vmul.f32 v6, v3  }
0x16c: {  	v48 =	vld [tilespmem:s8+$0xFFFFFFE0];
	v47 =	vbroadcast v2, $0x3;
	v4 =	vmul.f32 v4, v7  }
0x16d: {  	v51 =	vld [tilespmem:s8+$0x10];
	v49 =	vbroadcast v2, $0x5;
	v5 =	vmul.f32 v5, v10;
	[tilespmem:s8+$0xFFFFFF80] =	vst v3  }
0x16e: {  	v11 =	vld [tilespmem:s8+$0xFFFFFFF0];
	v1 =	vmul.f32 v1, v47;
	v3 =	vbroadcast v2, $0x4;
	[tilespmem:s8+$0xFFFFFF90] =	vst v4  }
0x16f: {  	v50 =	vld [tilespmem:s8+$0x0];
	v12 =	vbroadcast v2, $0x6;
	v6 =	vmul.f32 v9, v49;
	[tilespmem:s8+$0xFFFFFFA0] =	vst v5  }
0x170: {  	v56 =	vld [tilespmem:s8+$0x50];
	v54 =	vbroadcast v2, $0x9;
	[tilespmem:s8+$0xFFFFFFB0] =	vst v1;
	v3 =	vmul.f32 v8, v3  }
0x171: {  	v53 =	vld [tilespmem:s8+$0x20];
	v52 =	vbroadcast v2, $0x7;
	v7 =	vmul.f32 v48, v12;
	[tilespmem:s8+$0xFFFFFFD0] =	vst v6  }
0x172: {  	v59 =	vmul.f32 v51, v54;
	v1 =	vld [tilespmem:s8+$0x30];
	[tilespmem:s8+$0xFFFFFFC0] =	vst v3;
	v3 =	vbroadcast v2, $0x8  }
0x173: {  	v55 =	vld [tilespmem:s8+$0x40];
	v62 =	vbroadcast v2, $0xD;
	v5 =	vmul.f32 v11, v52;
	[tilespmem:s8+$0xFFFFFFE0] =	vst v7  }
0x174: {  	v60 =	vld [tilespmem:s8+$0x60];
	v57 =	vbroadcast v2, $0xA;
	[tilespmem:s8+$0x10] =	vst v59;
	v3 =	vmul.f32 v50, v3  }
0x175: {  	v61 =	vld [tilespmem:s8+$0x70];
	v58 =	vbroadcast v2, $0xB;
	v4 =	vmul.f32 v56, v62;
	[tilespmem:s8+$0xFFFFFFF0] =	vst v5  }
0x176: {  	v8 =	vmul.f32 v53, v57;
	[tilespmem:s8+$0x0] =	vst v3;
	v3 =	vbroadcast v2, $0xC  }
0x177: {  	v63 =	vbroadcast v2, $0xE;
	[tilespmem:s8+$0x50] =	vst v4;
	v1 =	vmul.f32 v1, v58  }
0x178: {  	[tilespmem:s8+$0x20] =	vst v8;
	v2 =	vbroadcast v2, $0xF;
	v3 =	vmul.f32 v55, v3  }
0x179: {  	[tilespmem:s8+$0x30] =	vst v1;
	v1 =	vmul.f32 v60, v63  }
0x17a: {  	v2 =	vmul.f32 v61, v2;
	[tilespmem:s8+$0x40] =	vst v3  }
0x17b: {  	[tilespmem:s9+$0x60] =	vst v1  }
0x17c: {  	[tilespmem:s9+$0x70] =	vst v2  }
0x17d: {  	[spmem:s3] =	stream.indirect.scatter.add.f32 [tilespmem:s29], [sflag:$0x3], $0x10, s25, s28, $0xb8;
	[tilespmem:$0x178E0] =	vst v63  }
0x17e: {  	_ =	swait.ge [sflag:s7], $0x7D00  }
0x17f: {  	[sflag:s7] =	ssyncset.done $0x0  }
0x180: {  	[sflag:s7] =	ssyncadd.s32 $0xFFFF8300  }
0x181: {  	s10 =	stileid.u32;
	_ =	swait.ge [sflag:s2], $0x7D00  }
0x182: {  	s11 =	sshrl.u32 s5, $0x3;
	s4 =	sadd.s32 $0x1, s4;
	[sflag:s2] =	ssyncset.done $0x0  }
0x183: {  	p0 =	sne.s32 s4, s22;
	s8 =	sshll.u32 s10, $0x6;
	[sflag:s2] =	ssyncadd.s32 $0xFFFF8300  }
.Ltmp6:
0x184: {  	s8 =	sor.u32 $0x1C05, s8;
	[bflag:$0x0] =	sbarrier.arrive $0xFFFF;
	(pc) =	sbr.rel @p0 .LBB2_1-.Ltmp6, $4  }
0x185: {  	[hbm:s21], [sflag:s8] =	dma.local [spmem:s11], $0x500  }
0x186: {  	_ =	swait.ge [sflag:s24], $0x500  }
0x187: {  	[sflag:s24] =	ssyncset.done $0x0  }
0x188: {  	[sflag:s24] =	ssyncadd.s32 $0xFFFFFB00  }
0x189: {  	_ =	sfence.sel $0x180000  }
0x18a: {  	[bflag:$0x0] =	sbarrier.arrive $0xFFFF  }
0x18b: {  	_ =	strace $0x9000004A  }
0x18c: {  	s0 =	stileid.u32;
	[bflag:$0x2] =	sbarrier.arrive $0xFFFF  }
0x18d: {  	p0 =	sne.s32 s0, $0x0;
	s0 =	rddreg [dreg:$0x4]  }
0x18e: {  	s0 =	sadd.s32 @!p0 $0x100000, s0  }
0x18f: {  	[sflag:s0] =	ssyncadd.tile.s32 @!p0 $0x1;
	_ =	shalt  }
.Lfunc_end2:
_tile_overlayer_lowered:
.L_overlay_start_2:
0x190: {  	(tag) =	ssettag $0x2  }
0x191: {  	s0 =	rddreg [dreg:$0x0];
	s2 =	stileid.u32  }
0x192: {  	s1 =	rddreg [dreg:$0x1];
	p0 =	sne.s32 s2, $0x0  }
0x193: {  	s3 =	rddreg [dreg:$0x2];
	[bflag:$0x3] =	sbarrier.arrive $0xFFFF;
	s2 =	simm.s32 @!p0 $0x1C05  }
0x194: {  	[timem:s3], [sflag:s2] =	dma.local @!p0 [hbm:s0], s1  }
0x195: {  	s0 =	simm.s32 @!p0 $0x5  }
0x196: {  	_ =	swait.ge @!p0 [sflag:s0], s1  }
0x197: {  	s1 =	ssub.s32 @!p0 $0x0, s1;
	[sflag:s0] =	ssyncset.done @!p0 $0x0  }
0x198: {  	[sflag:s0] =	ssyncadd.s32 @!p0 s1  }
0x199: {  	[bflag:$0x3] =	sbarrier.arrive $0xFFFF  }
0x19a: {  	_ =	shalt  }

// kernel: kernel.14.cloned.1.call-start
scs
__scs_entry_jumppad:
0x0: {  	(pc) =	sbr.rel $0x88, $3  }
0x1: {  	(tag) =	ssettag $0x0;
	lr =	simm.s32 $0x1  }
0x2: {  	[smem:$0x3F9A] =	sst lr;
	_ =	strace $0xD0000000  }
0x3: {  	_ = 	snop  }
0x4: {  	_ = 	snop  }
0x5: {  	_ = 	snop  }
0x6: {  	_ = 	snop  }
0x7: {  	_ = 	snop  }
__scs_overlays_trampoline_lowered:
0x8: {  	[smem:$0x3FA9] =	sst s0  }
0x9: {  	[smem:$0x3FAA] =	sst s1  }
0xa: {  	[smem:$0x3FAB] =	sst s2  }
0xb: {  	[smem:$0x3FAC] =	sst s3  }
0xc: {  	[smem:$0x3FAD] =	sst s4  }
0xd: {  	[smem:$0x3FAE] =	sst s5  }
0xe: {  	[smem:$0x3FAF] =	sst s6  }
0xf: {  	[smem:$0x3FB0] =	sst s7  }
0x10: {  	[smem:$0x3FB1] =	sst s8  }
0x11: {  	[smem:$0x3FB2] =	sst s9;
	s0 =	simm.s32 @!p0 $0x0  }
0x12: {  	s1 =	sld [smem:$0x3F98];
	s0 =	simm.s32 @p0 $0x1  }
0x13: {  	[smem:$0x3FB3] =	sst s0;
	s0 =	simm.s32 @!p1 $0x0  }
0x14: {  	s2 =	sld [smem:$0x3F97];
	s0 =	simm.s32 @p1 $0x1  }
0x15: {  	[smem:$0x3FB4] =	sst s0;
	s0 =	simm.s32 @!p2 $0x0  }
0x16: {  	s3 =	sld [smem:$0x3FDB];
	s0 =	simm.s32 @p2 $0x1  }
0x17: {  	s4 =	simm.s32 $0x1BF5;
	[smem:$0x3FB6] =	sst s0  }
0x18: {  	s0 =	sld [smem:$0x3F99];
	_ =	swait.ge [sflag:s4], $0x0  }
0x19: {  	s7 =	sld [smem:$0x3F9A]  }
0x1a: {  	s8 =	sadd.s32 $0xFFFFE003, lr  }
0x1b: {  	s9 =	sadd.s32 $0xFFFFFEF7, lr;
	s5 =	simm.s32 $0xFFFFFFFF;
	p2 =	slt.u32 s8, $0xFFFFF086  }
0x1c: {  	p1 =	slt.u32 s9, $0xF7A;
	s5 =	simm.s32 @!p2 $0x0  }
0x1d: {  	s5 =	simm.s32 @p1 $0x1;
	p0 =	seq.s32 s7, s2  }
0x1e: {  	s7 =	smul.u32 @!p0 $0xF7A, s2;
	p2 =	seq.s32 @!p0 s5, $0x0  }
0x1f: {  	s9 =	smul.u32 $0xF7A, s1;
	s8 =	simm.s32 @!p0 $0x1BF5;
	p2 =	por !p2, p0  }
0x20: {  	[sflag:s8] =	ssyncset.s32 @!p0 $0xFFFFF086;
	s6 =	sadd.s32 @!p0 s3, s7;
	s7 =	simm.s32 @!p0 $0x108  }
0x21: {  	s3 =	sadd.s32 s3, s9;
	s6 =	sadd.s32 @!p0 $0x88, s6;
	s7 =	simm.s32 @p2 $0x1082  }
0x22: {  	[simem:s7], [sflag:s8] =	dma.local @!p0 [hbm:s6], $0xF7A  }
0x23: {  	s9 =	sor.u32 $0xD0000000, s2;
	s6 =	simm.s32 $0x108;
	_ =	swait.ge @!p0 [sflag:s8], $0x0  }
0x24: {  	s3 =	sadd.s32 $0x88, s3;
	s6 =	simm.s32 @!p1 $0x1082;
	[sflag:s4] =	ssyncset.s32 $0xFFFFF086  }
0x25: {  	[simem:s6], [sflag:s4] =	dma.local [hbm:s3], $0xF7A  }
0x26: {  	[smem:$0x3F9A] =	sst s1;
	(tag) =	ssettag s2;
	_ =	strace s9  }
0x27: {  	s1 =	sld [smem:$0x3FAA]  }
0x28: {  	s2 =	sld [smem:$0x3FAB]  }
0x29: {  	s4 =	sld [smem:$0x3FAD]  }
0x2a: {  	p0 =	seq.s32 s5, $0x0;
	s5 =	sld [smem:$0x3FAE]  }
0x2b: {  	s6 =	sld [smem:$0x3FAF]  }
0x2c: {  	s7 =	sld [smem:$0x3FB0]  }
0x2d: {  	s3 =	simm.s32 $0x108;
	s8 =	sld [smem:$0x3FB1]  }
0x2e: {  	s3 =	simm.s32 @!p0 $0x1082;
	s9 =	sld [smem:$0x3FB2]  }
0x2f: {  	lr =	sadd.s32 s0, s3;
	s0 =	sld [smem:$0x3FA9]  }
0x30: {  	s3 =	sld [smem:$0x3FAC]  }
0x31: {  	[smem:$0x3FB5] =	sst s10  }
0x32: {  	s10 =	sld [smem:$0x3FB3];
	_ =	sdelay $0x3  }
0x33: {  	p0 =	seq.s32 s10, $0x1;
	s10 =	sld [smem:$0x3FB5];
	_ =	sdelay $0x3  }
0x34: {  	[smem:$0x3FB5] =	sst s10  }
0x35: {  	s10 =	sld [smem:$0x3FB4];
	_ =	sdelay $0x3  }
0x36: {  	p1 =	seq.s32 s10, $0x1;
	s10 =	sld [smem:$0x3FB5];
	_ =	sdelay $0x3  }
0x37: {  	[smem:$0x3FB5] =	sst s10  }
0x38: {  	s10 =	sld [smem:$0x3FB6]  }
0x39: {  	_ = 	snop;
	(pc) =	sbr.ind lr, $3  }
0x3a: {  	_ = 	snop  }
0x3b: {  	_ = 	snop  }
0x3c: {  	p2 =	seq.s32 s10, $0x1;
	s10 =	sld [smem:$0x3FB5]  }
0x3d: {  	_ =	shalt  }
0x3e: {  	_ =	shalt  }
0x3f: {  	_ =	shalt  }
0x40: {  	_ =	shalt  }
0x41: {  	_ =	shalt  }
0x42: {  	_ =	shalt  }
0x43: {  	_ =	shalt  }
0x44: {  	_ =	shalt  }
0x45: {  	_ =	shalt  }
0x46: {  	_ =	shalt  }
0x47: {  	_ =	shalt  }
0x48: {  	_ =	shalt  }
0x49: {  	_ =	shalt  }
0x4a: {  	_ =	shalt  }
0x4b: {  	_ =	shalt  }
0x4c: {  	_ =	shalt  }
0x4d: {  	_ =	shalt  }
0x4e: {  	_ =	shalt  }
0x4f: {  	_ =	shalt  }
0x50: {  	_ =	shalt  }
0x51: {  	_ =	shalt  }
0x52: {  	_ =	shalt  }
0x53: {  	_ =	shalt  }
0x54: {  	_ =	shalt  }
0x55: {  	_ =	shalt  }
0x56: {  	_ =	shalt  }
0x57: {  	_ =	shalt  }
0x58: {  	_ =	shalt  }
0x59: {  	_ =	shalt  }
0x5a: {  	_ =	shalt  }
0x5b: {  	_ =	shalt  }
0x5c: {  	_ =	shalt  }
0x5d: {  	_ =	shalt  }
0x5e: {  	_ =	shalt  }
0x5f: {  	_ =	shalt  }
0x60: {  	_ =	shalt  }
0x61: {  	_ =	shalt  }
0x62: {  	_ =	shalt  }
0x63: {  	_ =	shalt  }
0x64: {  	_ =	shalt  }
0x65: {  	_ =	shalt  }
0x66: {  	_ =	shalt  }
0x67: {  	_ =	shalt  }
0x68: {  	_ =	shalt  }
0x69: {  	_ =	shalt  }
0x6a: {  	_ =	shalt  }
0x6b: {  	_ =	shalt  }
0x6c: {  	_ =	shalt  }
0x6d: {  	_ =	shalt  }
0x6e: {  	_ =	shalt  }
0x6f: {  	_ =	shalt  }
0x70: {  	_ =	shalt  }
0x71: {  	_ =	shalt  }
0x72: {  	_ =	shalt  }
0x73: {  	_ =	shalt  }
0x74: {  	_ =	shalt  }
0x75: {  	_ =	shalt  }
0x76: {  	_ =	shalt  }
0x77: {  	_ =	shalt  }
0x78: {  	_ =	shalt  }
0x79: {  	_ =	shalt  }
0x7a: {  	_ =	shalt  }
0x7b: {  	_ =	shalt  }
0x7c: {  	_ =	shalt  }
0x7d: {  	_ =	shalt  }
0x7e: {  	_ =	shalt  }
0x7f: {  	_ =	shalt  }
0x80: {  	_ =	shalt  }
0x81: {  	_ =	shalt  }
0x82: {  	_ =	shalt  }
0x83: {  	_ =	shalt  }
0x84: {  	_ =	shalt  }
0x85: {  	_ =	shalt  }
0x86: {  	_ =	shalt  }
0x87: {  	_ =	shalt  }
.Lfunc_end0:
.L_simem_size_0:
called_computation.2_lowered:
.L_overlay_start_0:
0x88: {  	s2 =	sld [smem:$0x3FD9]  }
0x89: {  	s3 =	sld [smem:$0x3FFE];
	_ =	sdelay $0x1  }
0x8a: {  	s1 =	srdreg.scid  }
0x8b: {  	s0 =	sand.u32 $0x1, s1  }
0x8c: {  	s17 =	sshll.u32 s0, $0xA;
	s2 =	sadd.s32 s3, s2  }
0x8d: {  	s2 =	sadd.s32 s2, s17  }
0x8e: {  	[smem:$0x3FC1] =	sst s2  }
0x8f: {  	_ = 	snop  }
0x90: {  	s2 =	sld [smem:$0x3FC7]  }
0x91: {  	s18 =	sld [smem:$0x3FD0];
	(tm) =	ssettm $0x1  }
0x92: {  	s4 =	sld [smem:$0x3FFB];
	_ =	sdelay $0x3  }
0x93: {  	_ =	strace s4  }
0x94: {  	s4 =	sld [smem:$0x3FFC];
	_ =	sdelay $0x3  }
0x95: {  	_ =	strace s4  }
0x96: {  	s4 =	sld [smem:$0x3FFD];
	_ =	sdelay $0x3  }
0x97: {  	_ =	strace s4  }
0x98: {  	_ =	strace $0x8FFFFFFF  }
0x99: {  	s19 =	sld [smem:$0x3FDB];
	_ =	sdelay $0x1  }
0x9a: {  	s5 =	simm.s32 $_scs_section_size  }
0x9b: {  	s6 =	simm.s32 $_size__tile_overlayer_lowered;
	s7 =	simm.s32 $_tile_overlayer_lowered  }
0x9c: {  	s22 =	simm.s32 $0x1BFF;
	s21 =	sshll.u32 s7, $0x1;
	s4 =	sadd.s32 s5, s19  }
0x9d: {  	s8 =	simm.s32 $0x0;
	s20 =	sshll.u32 s6, $0x1;
	s6 =	sadd.s32 s21, s4  }
0x9e: {  	[timem:s8], [sflag:s22] =	dma.local [hbm:s6], s20  }
0x9f: {  	_ =	swait.ge [sflag:s22], s20  }
0xa0: {  	s5 =	ssub.s32 $0x0, s20;
	[sflag:s22] =	ssyncset.done $0x0  }
0xa1: {  	[sflag:s22] =	ssyncadd.s32 s5;
	_ =	sdelay $0x1  }
0xa2: {  	s23 =	simm.s32 $0x1B8B  }
0xa3: {  	_ =	swait.ge [sflag:s23], $0x1  }
0xa4: {  	[sflag:s23] =	ssyncset.done $0x0  }
0xa5: {  	s25 =	simm.s32 $0x1B8E;
	s24 =	sld [smem:$0x3FFE];
	[sflag:s23] =	ssyncadd.s32 $0xFFFFFFFF  }
0xa6: {  	s26 =	simm.s32 $execute0_lowered;
	[smem:$0x3FD2] =	sst s25  }
0xa7: {  	s6 =	sshll.u32 s26, $0x1;
	_ =	strace $0x8000004C;
	[dreg:$0x1] =	wrdreg $0xFFFFFFFF  }
0xa8: {  	s28 =	simm.s32 $_size_execute0_lowered;
	s4 =	sadd.s32 s4, s6;
	[dreg:$0x0] =	wrdreg $0x0  }
0xa9: {  	s6 =	sshll.u32 s28, $0x1;
	[dreg:$0x2] =	wrdreg s4  }
0xaa: {  	[dreg:$0x3] =	wrdreg s6  }
0xab: {  	[dreg:$0x4] =	wrdreg $0xC0  }
0xac: {  	_ =	task [dreg:s8], $0x5FFFF  }
0xad: {  	[dreg:$0x1] =	wrdreg $0xFFFFFFFF  }
0xae: {  	[dreg:$0x0] =	wrdreg $0x60  }
0xaf: {  	[dreg:$0x2] =	wrdreg s18  }
0xb0: {  	[dreg:$0x3] =	wrdreg s24  }
0xb1: {  	[dreg:$0x4] =	wrdreg s2  }
0xb2: {  	[dreg:$0x5] =	wrdreg $0x150E00  }
0xb3: {  	[dreg:$0x6] =	wrdreg $0x9  }
0xb4: {  	_ =	task.clear_ibuf [dreg:s8], $0x7FFFF;
	_ =	strace $0x9000004C  }
0xb5: {  	s29 =	simm.s32 $0x9;
	_ =	strace $0x8000004E  }
0xb6: {  	_ =	swait.ge [sflag:s29], $0x1  }
0xb7: {  	[sflag:s29] =	ssyncadd.s32 $0xFFFFFFFF  }
0xb8: {  	_ =	strace $0x9000004E  }
0xb9: {  	_ =	sfence  }
0xba: {  	s30 =	sld [smem:$0x0];
	_ =	sdelay $0x2  }
0xbb: {  	s31 =	sshll.u32 s1, $0xD;
	s1 =	sshrl.u32 s1, $0x2  }
0xbc: {  	s3 =	sand.u32 $0x4000, s31;
	s1 =	sadd.s32 s1, s30  }
0xbd: {  	s0 =	sor.u32 s3, s0;
	s1 =	sshll.u32 s1, $0x11  }
0xbe: {  	s0 =	sor.u32 s1, s0  }
0xbf: {  	s0 =	sadd.s32 $0x8F2B, s0  }
0xc0: {  	[sflag:s0] =	ssyncadd.remote.s32 $0x1  }
0xc1: {  	_ =	sfence.sel $0xFFFF  }
0xc2: {  	[dreg:$0x0] =	wrdreg $0xFFFFFFFF;
	(pc) =	sbr.abs _section_cstart, $3  }
0xc3: {  	[dreg:$0x1] =	wrdreg $0xFFFFFFFF  }
0xc4: {  	_ =	task.clear_ibuf [dreg:s8], $0x2FFFF;
	_ =	strace $0x9FFFFFFF  }
0xc5: {  	(tm) =	ssettm $0x7FFFFFFF  }
tec
execute0_lowered:
.L_overlay_start_1:
0x0: {  	(tag) =	ssettag $0x1  }
0x1: {  	s1 =	rddreg [dreg:$0x0]  }
0x2: {  	s0 =	rddreg [dreg:$0x1]  }
0x3: {  	s2 =	rddreg [dreg:$0x2]  }
0x4: {  	s3 =	rddreg [dreg:$0x3]  }
0x5: {  	s5 =	srdreg.scid;
	s9 =	stileid.u32;
	s4 =	simm.s32 $0x0  }
0x6: {  	s28 =	simm.s32 $0x7D0;
	s29 =	simm.s32 $0x2EE0;
	s30 =	simm.s32 $0x1770  }
0x7: {  	s31 =	simm.s32 $0x2710;
	s5 =	sand.u32 $0x1, s5;
	s6 =	smul.u32 $0x2800, s9  }
0x8: {  	[smem:$0x7FF] =	sst s4;
	s7 =	smul.u32 $0x28000, s5;
	s8 =	sshll.u32 s5, $0x4  }
0x9: {  	s10 =	sadd.s32 $0xC000, s0;
	_ =	strace $0x8000004D;
	s8 =	sor.u32 s9, s8  }
0xa: {  	s5 =	ssub.s32 $0x2, s5;
	s7 =	sadd.s32 s6, s7;
	s8 =	smul.u32 $0x2710, s8  }
0xb: {  	s9 =	sadd.s32 $0x2200, s0;
	s18 =	sshrl.u32 s5, $0x1;
	s7 =	sshrl.u32 s7, $0x3  }
0xc: {  	s0 =	sadd.s32 s7, s0;
	s8 =	sshrl.u32 s8, $0x3;
	s7 =	ssub.s32 s5, s18  }
0xd: {  	s5 =	sadd.s32 s6, s3;
	s19 =	sadd.s32 s9, s8;
	s20 =	sadd.s32 s10, s8  }
0xe: {  	s21 =	sadd.s32 s2, s8;
	s22 =	sadd.s32 $0xFA, s8;
	[dreg:$0x5] =	wrdreg s19  }
0xf: {  	s24 =	sadd.s32 $0x1F4, s8;
	s25 =	sadd.s32 $0x2EE, s8;
	[dreg:$0x6] =	wrdreg s20  }
0x10: {  	s26 =	sadd.s32 $0x3E8, s8;
	[dreg:$0x7] =	wrdreg s21;
	s11 =	sadd.s32 s9, s22  }
0x11: {  	s23 =	sadd.s32 s10, s22;
	s6 =	sadd.s32 s2, s22;
	s12 =	sadd.s32 s9, s24  }
0x12: {  	s13 =	sadd.s32 s10, s24;
	s14 =	sadd.s32 s2, s24;
	s15 =	sadd.s32 s9, s25  }
0x13: {  	s16 =	sadd.s32 s10, s25;
	s17 =	sadd.s32 s2, s25;
	s18 =	sadd.s32 s9, s26  }
0x14: {  	s19 =	sadd.s32 s10, s26;
	s20 =	sadd.s32 s2, s26;
	s21 =	sadd.s32 $0x15E00, s0  }
0x15: {  	s22 =	smax.u32 s7, $0x1;
	s24 =	simm.s32 $0x5;
	s25 =	simm.s32 $0xFA0  }
0x16: {  	s26 =	simm.s32 $0x1F40;
	s0 =	simm.s32 $0xABE0;
	[dreg:$0x8] =	wrdreg s11  }
0x17: {  	s2 =	simm.s32 $0x3;
	s7 =	simm.s32 $0x4;
	[dreg:$0x9] =	wrdreg s23  }
0x18: {  	v0 =	vimm.f32 $0.0e+00;
	[dreg:$0xa] =	wrdreg s6;
	s23 =	simm.s32 $0x1;
	s6 =	simm.s32 $0x2  }
.LBB2_1:
0x19: {  	s8 =	simm.s32 $0x40;
	s9 =	simm.s32 $0x0  }
.LBB2_2:
0x1a: {  	p0 =	sne.s32 s8, $0x9FC0;
	[tilespmem:s9+$0x128E0] =	vst v0;
	s9 =	smov.u32 s8;
	s8 =	sadd.s32 $0x40, s8  }
.Ltmp0:
0x1b: {  	(pc) =	sbr.rel @p0 .LBB2_2-.Ltmp0, $2  }
0x1c: {  	_ =	sdelay $0x2  }
0x1d: {  	s9 =	sshra.s32 s9, $0x2  }
0x1e: {  	[tilespmem:s9+$0x128E0] =	vst v0;
	s8 =	simm.s32 $0x128E0  }
0x1f: {  	[spmem:s5] =	stream.linear.scatter [tilespmem:s8], [sflag:$0x5], $0x2800, $0x38;
	[tilespmem:$0x178E0] =	vst v63  }
0x20: {  	_ =	swait.ge [sflag:s24], $0x2800  }
0x21: {  	[sflag:s24] =	ssyncset.done $0x0  }
0x22: {  	[sflag:s24] =	ssyncadd.s32 $0xFFFFD800  }
0x23: {  	[bflag:$0x0] =	sbarrier.arrive $0xFFFF  }
0x24: {  	s8 =	simm.s32 $0x0;
	s10 =	rddreg [dreg:$0x5]  }
0x25: {  	[tilespmem:s8], [sflag:$0x5] =	stream.linear.gather [hbm4b:s10+s8], $0x7D0, $0x38;
	[tilespmem:$0x178E0] =	vst v63  }
0x26: {  	_ =	swait.ge [sflag:s24], $0x7D0  }
0x27: {  	[sflag:s24] =	ssyncset.done $0x0  }
0x28: {  	s11 =	rddreg [dreg:$0x6];
	[sflag:s24] =	ssyncadd.s32 $0xFFFFF830  }
0x29: {  	[tilespmem:s25], [sflag:$0x5] =	stream.linear.gather [hbm4b:s11+s8], $0x7D0, $0x38;
	[tilespmem:$0x178E0] =	vst v63  }
0x2a: {  	_ =	swait.ge [sflag:s24], $0x7D0  }
0x2b: {  	[sflag:s24] =	ssyncset.done $0x0  }
0x2c: {  	s10 =	rddreg [dreg:$0x7];
	[sflag:s24] =	ssyncadd.s32 $0xFFFFF830  }
0x2d: {  	[tilespmem:s26], [sflag:$0x5] =	stream.linear.gather [hbm4b:s10+s8], $0x7D0, $0x38;
	[tilespmem:$0x178E0] =	vst v63  }
0x2e: {  	_ =	swait.ge [sflag:s24], $0x7D0  }
0x2f: {  	[sflag:s24] =	ssyncset.done $0x0  }
0x30: {  	[sflag:s24] =	ssyncadd.s32 $0xFFFFF830  }
0x31: {  	[tilespmem:s29], [sflag:$0x1] =	stream.indirect.gather [hbm4b:s1+s28], $0x10, s8, s28, $0xb8;
	[tilespmem:$0x178E0] =	vst v63  }
0x32: {  	s11 =	rddreg [dreg:$0x8]  }
0x33: {  	[tilespmem:s28], [sflag:$0x5] =	stream.linear.gather [hbm4b:s11+s8], $0x7D0, $0x38;
	[tilespmem:$0x178E0] =	vst v63  }
0x34: {  	_ =	swait.ge [sflag:s24], $0x7D0  }
0x35: {  	[sflag:s24] =	ssyncset.done $0x0  }
0x36: {  	s10 =	rddreg [dreg:$0x9];
	[sflag:s24] =	ssyncadd.s32 $0xFFFFF830  }
0x37: {  	[tilespmem:s30], [sflag:$0x5] =	stream.linear.gather [hbm4b:s10+s8], $0x7D0, $0x38;
	[tilespmem:$0x178E0] =	vst v63  }
0x38: {  	_ =	swait.ge [sflag:s24], $0x7D0  }
0x39: {  	[sflag:s24] =	ssyncset.done $0x0  }
0x3a: {  	s11 =	rddreg [dreg:$0xa];
	[sflag:s24] =	ssyncadd.s32 $0xFFFFF830  }
0x3b: {  	[tilespmem:s31], [sflag:$0x5] =	stream.linear.gather [hbm4b:s11+s8], $0x7D0, $0x38;
	[tilespmem:$0x178E0] =	vst v63  }
0x3c: {  	_ =	swait.ge [sflag:s24], $0x7D0  }
0x3d: {  	[sflag:s24] =	ssyncset.done $0x0  }
0x3e: {  	[sflag:s24] =	ssyncadd.s32 $0xFFFFF830  }
0x3f: {  	[tilespmem:s0], [sflag:$0x2] =	stream.indirect.gather [hbm4b:s1+s28], $0x10, s28, s28, $0xb8;
	[tilespmem:$0x178E0] =	vst v63  }
0x40: {  	_ =	swait.ge [sflag:s23], $0x7D00  }
0x41: {  	[sflag:s23] =	ssyncset.done $0x0  }
0x42: {  	s8 =	simm.s32 $0x2F60;
	[sflag:s23] =	ssyncadd.s32 $0xFFFF8300  }
0x43: {  	s9 =	simm.s32 $0x2F60;
	s10 =	simm.s32 $0x40;
	s11 =	simm.s32 $0x0;
	v1 =	vld [tilespmem:s8+$0xFFFFFFB0]  }
.LBB2_4:
0x44: {  	p0 =	sne.s32 s10, $0x1F00;
	v2 =	vld [tilespmem:s11+$0x1F40]  }
0x45: {  	v3 =	vld [tilespmem:s8+$0xFFFFFF90]  }
0x46: {  	v4 =	vld [tilespmem:s8+$0xFFFFFF80]  }
0x47: {  	v5 =	vld [tilespmem:s8+$0xFFFFFFA0]  }
0x48: {  	v6 =	vld [tilespmem:s8+$0xFFFFFFF0]  }
0x49: {  	v7 =	vbroadcast v2, $0x0;
	v8 =	vbroadcast v2, $0x1;
	v9 =	vld [tilespmem:s8+$0xFFFFFFD0]  }
0x4a: {  	v10 =	vbroadcast v2, $0x2;
	v11 =	vbroadcast v2, $0x3;
	v12 =	vld [tilespmem:s8+$0xFFFFFFC0]  }
0x4b: {  	v4 =	vmul.f32 v7, v4;
	v3 =	vmul.f32 v3, v8;
	v7 =	vld [tilespmem:s8+$0xFFFFFFE0]  }
0x4c: {  	v1 =	vmul.f32 v1, v11;
	v5 =	vmul.f32 v5, v10;
	v8 =	vld [tilespmem:s8+$0x30]  }
0x4d: {  	v10 =	vbroadcast v2, $0x5;
	[tilespmem:s8+$0xFFFFFF80] =	vst v4;
	v4 =	vbroadcast v2, $0x4;
	v11 =	vld [tilespmem:s8+$0x10]  }
0x4e: {  	v13 =	vbroadcast v2, $0x7;
	[tilespmem:s8+$0xFFFFFF90] =	vst v3;
	v3 =	vbroadcast v2, $0x6;
	v14 =	vld [tilespmem:s8+$0x0]  }
0x4f: {  	[tilespmem:s8+$0xFFFFFFA0] =	vst v5;
	v4 =	vmul.f32 v12, v4;
	v5 =	vmul.f32 v9, v10;
	v9 =	vld [tilespmem:s8+$0x20]  }
0x50: {  	[tilespmem:s8+$0xFFFFFFB0] =	vst v1;
	v1 =	vmul.f32 v7, v3;
	v3 =	vmul.f32 v6, v13;
	v6 =	vld [tilespmem:s8+$0x70]  }
0x51: {  	v7 =	vbroadcast v2, $0x9;
	[tilespmem:s8+$0xFFFFFFC0] =	vst v4;
	v4 =	vbroadcast v2, $0x8;
	v10 =	vld [tilespmem:s8+$0x50]  }
0x52: {  	v12 =	vbroadcast v2, $0xB;
	[tilespmem:s8+$0xFFFFFFD0] =	vst v5;
	v5 =	vbroadcast v2, $0xA;
	v13 =	vld [tilespmem:s8+$0x40]  }
0x53: {  	[tilespmem:s8+$0xFFFFFFE0] =	vst v1;
	v1 =	vmul.f32 v14, v4;
	v4 =	vmul.f32 v11, v7;
	v7 =	vld [tilespmem:s8+$0x60]  }
0x54: {  	[tilespmem:s8+$0xFFFFFFF0] =	vst v3;
	v3 =	vmul.f32 v9, v5;
	v5 =	vmul.f32 v8, v12  }
0x55: {  	v8 =	vbroadcast v2, $0xD;
	[tilespmem:s8+$0x0] =	vst v1;
	v1 =	vbroadcast v2, $0xC  }
0x56: {  	[tilespmem:s8+$0x10] =	vst v4;
	v4 =	vbroadcast v2, $0xE;
	v2 =	vbroadcast v2, $0xF  }
0x57: {  	[tilespmem:s8+$0x20] =	vst v3;
	v1 =	vmul.f32 v13, v1;
	v3 =	vmul.f32 v10, v8  }
.Ltmp1:
0x58: {  	[tilespmem:s8+$0x30] =	vst v5;
	v4 =	vmul.f32 v7, v4;
	v2 =	vmul.f32 v6, v2;
	(pc) =	sbr.rel @p0 .LBB2_4-.Ltmp1, $4  }
0x59: {  	[tilespmem:s8+$0x40] =	vst v1  }
0x5a: {  	[tilespmem:s8+$0x50] =	vst v3  }
0x5b: {  	s8 =	sadd.s32 $0x100, s8;
	[tilespmem:s9+$0x60] =	vst v4  }
0x5c: {  	s11 =	sshra.s32 s10, $0x2;
	s10 =	sadd.s32 $0x40, s10;
	v1 =	vld [tilespmem:s8+$0xFFFFFFB0];
	[tilespmem:s9+$0x70] =	vst v2;
	s9 =	smov.u32 s8  }
0x5d: {  	v2 =	vld [tilespmem:s11+$0x1F40];
	_ =	sdelay $0x1  }
0x5e: {  	v3 =	vld [tilespmem:s8+$0xFFFFFF80]  }
0x5f: {  	v4 =	vld [tilespmem:s8+$0xFFFFFF90]  }
0x60: {  	v5 =	vld [tilespmem:s8+$0xFFFFFFA0]  }
0x61: {  	v6 =	vbroadcast v2, $0x0  }
0x62: {  	v9 =	vld [tilespmem:s8+$0xFFFFFFD0];
	v7 =	vbroadcast v2, $0x1  }
0x63: {  	v8 =	vld [tilespmem:s8+$0xFFFFFFC0];
	v10 =	vbroadcast v2, $0x2;
	v3 =	vmul.f32 v6, v3  }
0x64: {  	v48 =	vld [tilespmem:s8+$0xFFFFFFE0];
	v47 =	vbroadcast v2, $0x3;
	v4 =	vmul.f32 v4, v7  }
0x65: {  	v51 =	vld [tilespmem:s8+$0x10];
	v49 =	vbroadcast v2, $0x5;
	v5 =	vmul.f32 v5, v10;
	[tilespmem:s8+$0xFFFFFF80] =	vst v3  }
0x66: {  	v11 =	vld [tilespmem:s8+$0xFFFFFFF0];
	v1 =	vmul.f32 v1, v47;
	v3 =	vbroadcast v2, $0x4;
	[tilespmem:s8+$0xFFFFFF90] =	vst v4  }
0x67: {  	v50 =	vld [tilespmem:s8+$0x0];
	v12 =	vbroadcast v2, $0x6;
	v6 =	vmul.f32 v9, v49;
	[tilespmem:s8+$0xFFFFFFA0] =	vst v5  }
0x68: {  	v56 =	vld [tilespmem:s8+$0x50];
	v54 =	vbroadcast v2, $0x9;
	[tilespmem:s8+$0xFFFFFFB0] =	vst v1;
	v3 =	vmul.f32 v8, v3  }
0x69: {  	v53 =	vld [tilespmem:s8+$0x20];
	v52 =	vbroadcast v2, $0x7;
	v7 =	vmul.f32 v48, v12;
	[tilespmem:s8+$0xFFFFFFD0] =	vst v6  }
0x6a: {  	v59 =	vmul.f32 v51, v54;
	v1 =	vld [tilespmem:s8+$0x30];
	[tilespmem:s8+$0xFFFFFFC0] =	vst v3;
	v3 =	vbroadcast v2, $0x8  }
0x6b: {  	v55 =	vld [tilespmem:s8+$0x40];
	v62 =	vbroadcast v2, $0xD;
	v5 =	vmul.f32 v11, v52;
	[tilespmem:s8+$0xFFFFFFE0] =	vst v7  }
0x6c: {  	v60 =	vld [tilespmem:s8+$0x60];
	v57 =	vbroadcast v2, $0xA;
	[tilespmem:s8+$0x10] =	vst v59;
	v3 =	vmul.f32 v50, v3  }
0x6d: {  	v61 =	vld [tilespmem:s8+$0x70];
	v58 =	vbroadcast v2, $0xB;
	v4 =	vmul.f32 v56, v62;
	[tilespmem:s8+$0xFFFFFFF0] =	vst v5  }
0x6e: {  	v8 =	vmul.f32 v53, v57;
	[tilespmem:s8+$0x0] =	vst v3;
	v3 =	vbroadcast v2, $0xC  }
0x6f: {  	v63 =	vbroadcast v2, $0xE;
	[tilespmem:s8+$0x50] =	vst v4;
	v1 =	vmul.f32 v1, v58  }
0x70: {  	[tilespmem:s8+$0x20] =	vst v8;
	v2 =	vbroadcast v2, $0xF;
	v3 =	vmul.f32 v55, v3  }
0x71: {  	[tilespmem:s8+$0x30] =	vst v1;
	v1 =	vmul.f32 v60, v63  }
0x72: {  	v2 =	vmul.f32 v61, v2;
	[tilespmem:s8+$0x40] =	vst v3  }
0x73: {  	[tilespmem:s9+$0x60] =	vst v1  }
0x74: {  	[tilespmem:s9+$0x70] =	vst v2  }
0x75: {  	[spmem:s3] =	stream.indirect.scatter.add.f32 [tilespmem:s29], [sflag:$0x3], $0x10, s25, s28, $0xb8;
	[tilespmem:$0x178E0] =	vst v63  }
0x76: {  	_ =	swait.ge [sflag:s2], $0x7D00  }
0x77: {  	[sflag:s2] =	ssyncset.done $0x0  }
0x78: {  	s11 =	simm.s32 $0x0;
	[sflag:s2] =	ssyncadd.s32 $0xFFFF8300  }
0x79: {  	[tilespmem:s11], [sflag:$0x5] =	stream.linear.gather [hbm4b:s12+s11], $0x7D0, $0x38;
	[tilespmem:$0x178E0] =	vst v63  }
0x7a: {  	_ =	swait.ge [sflag:s24], $0x7D0  }
0x7b: {  	[sflag:s24] =	ssyncset.done $0x0  }
0x7c: {  	[sflag:s24] =	ssyncadd.s32 $0xFFFFF830  }
0x7d: {  	[tilespmem:s25], [sflag:$0x5] =	stream.linear.gather [hbm4b:s13+s11], $0x7D0, $0x38;
	[tilespmem:$0x178E0] =	vst v63  }
0x7e: {  	_ =	swait.ge [sflag:s24], $0x7D0  }
0x7f: {  	[sflag:s24] =	ssyncset.done $0x0  }
0x80: {  	[sflag:s24] =	ssyncadd.s32 $0xFFFFF830  }
0x81: {  	[tilespmem:s26], [sflag:$0x5] =	stream.linear.gather [hbm4b:s14+s11], $0x7D0, $0x38;
	[tilespmem:$0x178E0] =	vst v63  }
0x82: {  	_ =	swait.ge [sflag:s24], $0x7D0  }
0x83: {  	[sflag:s24] =	ssyncset.done $0x0  }
0x84: {  	[sflag:s24] =	ssyncadd.s32 $0xFFFFF830  }
0x85: {  	[tilespmem:s29], [sflag:$0x1] =	stream.indirect.gather [hbm4b:s1+s28], $0x10, s11, s28, $0xb8;
	[tilespmem:$0x178E0] =	vst v63  }
0x86: {  	_ =	swait.ge [sflag:s6], $0x7D00  }
0x87: {  	[sflag:s6] =	ssyncset.done $0x0  }
0x88: {  	s8 =	simm.s32 $0xAC60;
	[sflag:s6] =	ssyncadd.s32 $0xFFFF8300  }
0x89: {  	s10 =	simm.s32 $0x40;
	s9 =	simm.s32 $0xAC60;
	s11 =	simm.s32 $0x0;
	v1 =	vld [tilespmem:s8+$0xFFFFFFB0]  }
.LBB2_6:
0x8a: {  	p0 =	sne.s32 s10, $0x1F00;
	v2 =	vld [tilespmem:s11+$0x2710]  }
0x8b: {  	v3 =	vld [tilespmem:s8+$0xFFFFFF90]  }
0x8c: {  	v4 =	vld [tilespmem:s8+$0xFFFFFF80]  }
0x8d: {  	v5 =	vld [tilespmem:s8+$0xFFFFFFA0]  }
0x8e: {  	v6 =	vld [tilespmem:s8+$0xFFFFFFF0]  }
0x8f: {  	v7 =	vbroadcast v2, $0x0;
	v8 =	vbroadcast v2, $0x1;
	v9 =	vld [tilespmem:s8+$0xFFFFFFD0]  }
0x90: {  	v10 =	vbroadcast v2, $0x2;
	v11 =	vbroadcast v2, $0x3;
	v12 =	vld [tilespmem:s8+$0xFFFFFFC0]  }
0x91: {  	v4 =	vmul.f32 v7, v4;
	v3 =	vmul.f32 v3, v8;
	v7 =	vld [tilespmem:s8+$0xFFFFFFE0]  }
0x92: {  	v1 =	vmul.f32 v1, v11;
	v5 =	vmul.f32 v5, v10;
	v8 =	vld [tilespmem:s8+$0x30]  }
0x93: {  	v10 =	vbroadcast v2, $0x5;
	[tilespmem:s8+$0xFFFFFF80] =	vst v4;
	v4 =	vbroadcast v2, $0x4;
	v11 =	vld [tilespmem:s8+$0x10]  }
0x94: {  	v13 =	vbroadcast v2, $0x7;
	[tilespmem:s8+$0xFFFFFF90] =	vst v3;
	v3 =	vbroadcast v2, $0x6;
	v14 =	vld [tilespmem:s8+$0x0]  }
0x95: {  	[tilespmem:s8+$0xFFFFFFA0] =	vst v5;
	v4 =	vmul.f32 v12, v4;
	v5 =	vmul.f32 v9, v10;
	v9 =	vld [tilespmem:s8+$0x20]  }
0x96: {  	[tilespmem:s8+$0xFFFFFFB0] =	vst v1;
	v1 =	vmul.f32 v7, v3;
	v3 =	vmul.f32 v6, v13;
	v6 =	vld [tilespmem:s8+$0x70]  }
0x97: {  	v7 =	vbroadcast v2, $0x9;
	[tilespmem:s8+$0xFFFFFFC0] =	vst v4;
	v4 =	vbroadcast v2, $0x8;
	v10 =	vld [tilespmem:s8+$0x50]  }
0x98: {  	v12 =	vbroadcast v2, $0xB;
	[tilespmem:s8+$0xFFFFFFD0] =	vst v5;
	v5 =	vbroadcast v2, $0xA;
	v13 =	vld [tilespmem:s8+$0x40]  }
0x99: {  	[tilespmem:s8+$0xFFFFFFE0] =	vst v1;
	v1 =	vmul.f32 v14, v4;
	v4 =	vmul.f32 v11, v7;
	v7 =	vld [tilespmem:s8+$0x60]  }
0x9a: {  	[tilespmem:s8+$0xFFFFFFF0] =	vst v3;
	v3 =	vmul.f32 v9, v5;
	v5 =	vmul.f32 v8, v12  }
0x9b: {  	v8 =	vbroadcast v2, $0xD;
	[tilespmem:s8+$0x0] =	vst v1;
	v1 =	vbroadcast v2, $0xC  }
0x9c: {  	[tilespmem:s8+$0x10] =	vst v4;
	v4 =	vbroadcast v2, $0xE;
	v2 =	vbroadcast v2, $0xF  }
0x9d: {  	[tilespmem:s8+$0x20] =	vst v3;
	v1 =	vmul.f32 v13, v1;
	v3 =	vmul.f32 v10, v8  }
.Ltmp2:
0x9e: {  	[tilespmem:s8+$0x30] =	vst v5;
	v4 =	vmul.f32 v7, v4;
	v2 =	vmul.f32 v6, v2;
	(pc) =	sbr.rel @p0 .LBB2_6-.Ltmp2, $4  }
0x9f: {  	[tilespmem:s8+$0x40] =	vst v1  }
0xa0: {  	[tilespmem:s8+$0x50] =	vst v3  }
0xa1: {  	s8 =	sadd.s32 $0x100, s8;
	[tilespmem:s9+$0x60] =	vst v4  }
0xa2: {  	s11 =	sshra.s32 s10, $0x2;
	s10 =	sadd.s32 $0x40, s10;
	v1 =	vld [tilespmem:s8+$0xFFFFFFB0];
	[tilespmem:s9+$0x70] =	vst v2;
	s9 =	smov.u32 s8  }
0xa3: {  	v2 =	vld [tilespmem:s11+$0x2710];
	_ =	sdelay $0x1  }
0xa4: {  	v3 =	vld [tilespmem:s8+$0xFFFFFF80]  }
0xa5: {  	v4 =	vld [tilespmem:s8+$0xFFFFFF90]  }
0xa6: {  	v5 =	vld [tilespmem:s8+$0xFFFFFFA0]  }
0xa7: {  	v6 =	vbroadcast v2, $0x0  }
0xa8: {  	v9 =	vld [tilespmem:s8+$0xFFFFFFD0];
	v7 =	vbroadcast v2, $0x1  }
0xa9: {  	v8 =	vld [tilespmem:s8+$0xFFFFFFC0];
	v10 =	vbroadcast v2, $0x2;
	v3 =	vmul.f32 v6, v3  }
0xaa: {  	v48 =	vld [tilespmem:s8+$0xFFFFFFE0];
	v47 =	vbroadcast v2, $0x3;
	v4 =	vmul.f32 v4, v7  }
0xab: {  	v51 =	vld [tilespmem:s8+$0x10];
	v49 =	vbroadcast v2, $0x5;
	v5 =	vmul.f32 v5, v10;
	[tilespmem:s8+$0xFFFFFF80] =	vst v3  }
0xac: {  	v11 =	vld [tilespmem:s8+$0xFFFFFFF0];
	v1 =	vmul.f32 v1, v47;
	v3 =	vbroadcast v2, $0x4;
	[tilespmem:s8+$0xFFFFFF90] =	vst v4  }
0xad: {  	v50 =	vld [tilespmem:s8+$0x0];
	v12 =	vbroadcast v2, $0x6;
	v6 =	vmul.f32 v9, v49;
	[tilespmem:s8+$0xFFFFFFA0] =	vst v5  }
0xae: {  	v56 =	vld [tilespmem:s8+$0x50];
	v54 =	vbroadcast v2, $0x9;
	[tilespmem:s8+$0xFFFFFFB0] =	vst v1;
	v3 =	vmul.f32 v8, v3  }
0xaf: {  	v53 =	vld [tilespmem:s8+$0x20];
	v52 =	vbroadcast v2, $0x7;
	v7 =	vmul.f32 v48, v12;
	[tilespmem:s8+$0xFFFFFFD0] =	vst v6  }
0xb0: {  	v59 =	vmul.f32 v51, v54;
	v1 =	vld [tilespmem:s8+$0x30];
	[tilespmem:s8+$0xFFFFFFC0] =	vst v3;
	v3 =	vbroadcast v2, $0x8  }
0xb1: {  	v55 =	vld [tilespmem:s8+$0x40];
	v62 =	vbroadcast v2, $0xD;
	v5 =	vmul.f32 v11, v52;
	[tilespmem:s8+$0xFFFFFFE0] =	vst v7  }
0xb2: {  	v60 =	vld [tilespmem:s8+$0x60];
	v57 =	vbroadcast v2, $0xA;
	[tilespmem:s8+$0x10] =	vst v59;
	v3 =	vmul.f32 v50, v3  }
0xb3: {  	v61 =	vld [tilespmem:s8+$0x70];
	v58 =	vbroadcast v2, $0xB;
	v4 =	vmul.f32 v56, v62;
	[tilespmem:s8+$0xFFFFFFF0] =	vst v5  }
0xb4: {  	v8 =	vmul.f32 v53, v57;
	[tilespmem:s8+$0x0] =	vst v3;
	v3 =	vbroadcast v2, $0xC  }
0xb5: {  	v63 =	vbroadcast v2, $0xE;
	[tilespmem:s8+$0x50] =	vst v4;
	v1 =	vmul.f32 v1, v58  }
0xb6: {  	[tilespmem:s8+$0x20] =	vst v8;
	v2 =	vbroadcast v2, $0xF;
	v3 =	vmul.f32 v55, v3  }
0xb7: {  	[tilespmem:s8+$0x30] =	vst v1;
	v1 =	vmul.f32 v60, v63  }
0xb8: {  	v2 =	vmul.f32 v61, v2;
	[tilespmem:s8+$0x40] =	vst v3  }
0xb9: {  	[tilespmem:s9+$0x60] =	vst v1  }
0xba: {  	[tilespmem:s9+$0x70] =	vst v2  }
0xbb: {  	[spmem:s3] =	stream.indirect.scatter.add.f32 [tilespmem:s0], [sflag:$0x4], $0x10, s30, s28, $0xb8;
	[tilespmem:$0x178E0] =	vst v63  }
0xbc: {  	_ =	swait.ge [sflag:s7], $0x7D00  }
0xbd: {  	[sflag:s7] =	ssyncset.done $0x0  }
0xbe: {  	s11 =	simm.s32 $0x0;
	[sflag:s7] =	ssyncadd.s32 $0xFFFF8300  }
0xbf: {  	[tilespmem:s28], [sflag:$0x5] =	stream.linear.gather [hbm4b:s15+s11], $0x7D0, $0x38;
	[tilespmem:$0x178E0] =	vst v63  }
0xc0: {  	_ =	swait.ge [sflag:s24], $0x7D0  }
0xc1: {  	[sflag:s24] =	ssyncset.done $0x0  }
0xc2: {  	[sflag:s24] =	ssyncadd.s32 $0xFFFFF830  }
0xc3: {  	[tilespmem:s30], [sflag:$0x5] =	stream.linear.gather [hbm4b:s16+s11], $0x7D0, $0x38;
	[tilespmem:$0x178E0] =	vst v63  }
0xc4: {  	_ =	swait.ge [sflag:s24], $0x7D0  }
0xc5: {  	[sflag:s24] =	ssyncset.done $0x0  }
0xc6: {  	[sflag:s24] =	ssyncadd.s32 $0xFFFFF830  }
0xc7: {  	[tilespmem:s31], [sflag:$0x5] =	stream.linear.gather [hbm4b:s17+s11], $0x7D0, $0x38;
	[tilespmem:$0x178E0] =	vst v63  }
0xc8: {  	_ =	swait.ge [sflag:s24], $0x7D0  }
0xc9: {  	[sflag:s24] =	ssyncset.done $0x0  }
0xca: {  	[sflag:s24] =	ssyncadd.s32 $0xFFFFF830  }
0xcb: {  	[tilespmem:s0], [sflag:$0x2] =	stream.indirect.gather [hbm4b:s1+s28], $0x10, s28, s28, $0xb8;
	[tilespmem:$0x178E0] =	vst v63  }
0xcc: {  	_ =	swait.ge [sflag:s23], $0x7D00  }
0xcd: {  	[sflag:s23] =	ssyncset.done $0x0  }
0xce: {  	s8 =	simm.s32 $0x2F60;
	[sflag:s23] =	ssyncadd.s32 $0xFFFF8300  }
0xcf: {  	s10 =	simm.s32 $0x40;
	s9 =	simm.s32 $0x2F60;
	s11 =	simm.s32 $0x0;
	v1 =	vld [tilespmem:s8+$0xFFFFFFB0]  }
.LBB2_8:
0xd0: {  	p0 =	sne.s32 s10, $0x1F00;
	v2 =	vld [tilespmem:s11+$0x1F40]  }
0xd1: {  	v3 =	vld [tilespmem:s8+$0xFFFFFF90]  }
0xd2: {  	v4 =	vld [tilespmem:s8+$0xFFFFFF80]  }
0xd3: {  	v5 =	vld [tilespmem:s8+$0xFFFFFFA0]  }
0xd4: {  	v6 =	vld [tilespmem:s8+$0xFFFFFFF0]  }
0xd5: {  	v7 =	vbroadcast v2, $0x0;
	v8 =	vbroadcast v2, $0x1;
	v9 =	vld [tilespmem:s8+$0xFFFFFFD0]  }
0xd6: {  	v10 =	vbroadcast v2, $0x2;
	v11 =	vbroadcast v2, $0x3;
	v12 =	vld [tilespmem:s8+$0xFFFFFFC0]  }
0xd7: {  	v4 =	vmul.f32 v7, v4;
	v3 =	vmul.f32 v3, v8;
	v7 =	vld [tilespmem:s8+$0xFFFFFFE0]  }
0xd8: {  	v1 =	vmul.f32 v1, v11;
	v5 =	vmul.f32 v5, v10;
	v8 =	vld [tilespmem:s8+$0x30]  }
0xd9: {  	v10 =	vbroadcast v2, $0x5;
	[tilespmem:s8+$0xFFFFFF80] =	vst v4;
	v4 =	vbroadcast v2, $0x4;
	v11 =	vld [tilespmem:s8+$0x10]  }
0xda: {  	v13 =	vbroadcast v2, $0x7;
	[tilespmem:s8+$0xFFFFFF90] =	vst v3;
	v3 =	vbroadcast v2, $0x6;
	v14 =	vld [tilespmem:s8+$0x0]  }
0xdb: {  	[tilespmem:s8+$0xFFFFFFA0] =	vst v5;
	v4 =	vmul.f32 v12, v4;
	v5 =	vmul.f32 v9, v10;
	v9 =	vld [tilespmem:s8+$0x20]  }
0xdc: {  	[tilespmem:s8+$0xFFFFFFB0] =	vst v1;
	v1 =	vmul.f32 v7, v3;
	v3 =	vmul.f32 v6, v13;
	v6 =	vld [tilespmem:s8+$0x70]  }
0xdd: {  	v7 =	vbroadcast v2, $0x9;
	[tilespmem:s8+$0xFFFFFFC0] =	vst v4;
	v4 =	vbroadcast v2, $0x8;
	v10 =	vld [tilespmem:s8+$0x50]  }
0xde: {  	v12 =	vbroadcast v2, $0xB;
	[tilespmem:s8+$0xFFFFFFD0] =	vst v5;
	v5 =	vbroadcast v2, $0xA;
	v13 =	vld [tilespmem:s8+$0x40]  }
0xdf: {  	[tilespmem:s8+$0xFFFFFFE0] =	vst v1;
	v1 =	vmul.f32 v14, v4;
	v4 =	vmul.f32 v11, v7;
	v7 =	vld [tilespmem:s8+$0x60]  }
0xe0: {  	[tilespmem:s8+$0xFFFFFFF0] =	vst v3;
	v3 =	vmul.f32 v9, v5;
	v5 =	vmul.f32 v8, v12  }
0xe1: {  	v8 =	vbroadcast v2, $0xD;
	[tilespmem:s8+$0x0] =	vst v1;
	v1 =	vbroadcast v2, $0xC  }
0xe2: {  	[tilespmem:s8+$0x10] =	vst v4;
	v4 =	vbroadcast v2, $0xE;
	v2 =	vbroadcast v2, $0xF  }
0xe3: {  	[tilespmem:s8+$0x20] =	vst v3;
	v1 =	vmul.f32 v13, v1;
	v3 =	vmul.f32 v10, v8  }
.Ltmp3:
0xe4: {  	[tilespmem:s8+$0x30] =	vst v5;
	v4 =	vmul.f32 v7, v4;
	v2 =	vmul.f32 v6, v2;
	(pc) =	sbr.rel @p0 .LBB2_8-.Ltmp3, $4  }
0xe5: {  	[tilespmem:s8+$0x40] =	vst v1  }
0xe6: {  	[tilespmem:s8+$0x50] =	vst v3  }
0xe7: {  	s8 =	sadd.s32 $0x100, s8;
	[tilespmem:s9+$0x60] =	vst v4  }
0xe8: {  	s11 =	sshra.s32 s10, $0x2;
	s10 =	sadd.s32 $0x40, s10;
	v1 =	vld [tilespmem:s8+$0xFFFFFFB0];
	[tilespmem:s9+$0x70] =	vst v2;
	s9 =	smov.u32 s8  }
0xe9: {  	v2 =	vld [tilespmem:s11+$0x1F40];
	_ =	sdelay $0x1  }
0xea: {  	v3 =	vld [tilespmem:s8+$0xFFFFFF80]  }
0xeb: {  	v4 =	vld [tilespmem:s8+$0xFFFFFF90]  }
0xec: {  	v5 =	vld [tilespmem:s8+$0xFFFFFFA0]  }
0xed: {  	v6 =	vbroadcast v2, $0x0  }
0xee: {  	v9 =	vld [tilespmem:s8+$0xFFFFFFD0];
	v7 =	vbroadcast v2, $0x1  }
0xef: {  	v8 =	vld [tilespmem:s8+$0xFFFFFFC0];
	v10 =	vbroadcast v2, $0x2;
	v3 =	vmul.f32 v6, v3  }
0xf0: {  	v48 =	vld [tilespmem:s8+$0xFFFFFFE0];
	v47 =	vbroadcast v2, $0x3;
	v4 =	vmul.f32 v4, v7  }
0xf1: {  	v51 =	vld [tilespmem:s8+$0x10];
	v49 =	vbroadcast v2, $0x5;
	v5 =	vmul.f32 v5, v10;
	[tilespmem:s8+$0xFFFFFF80] =	vst v3  }
0xf2: {  	v11 =	vld [tilespmem:s8+$0xFFFFFFF0];
	v1 =	vmul.f32 v1, v47;
	v3 =	vbroadcast v2, $0x4;
	[tilespmem:s8+$0xFFFFFF90] =	vst v4  }
0xf3: {  	v50 =	vld [tilespmem:s8+$0x0];
	v12 =	vbroadcast v2, $0x6;
	v6 =	vmul.f32 v9, v49;
	[tilespmem:s8+$0xFFFFFFA0] =	vst v5  }
0xf4: {  	v56 =	vld [tilespmem:s8+$0x50];
	v54 =	vbroadcast v2, $0x9;
	[tilespmem:s8+$0xFFFFFFB0] =	vst v1;
	v3 =	vmul.f32 v8, v3  }
0xf5: {  	v53 =	vld [tilespmem:s8+$0x20];
	v52 =	vbroadcast v2, $0x7;
	v7 =	vmul.f32 v48, v12;
	[tilespmem:s8+$0xFFFFFFD0] =	vst v6  }
0xf6: {  	v59 =	vmul.f32 v51, v54;
	v1 =	vld [tilespmem:s8+$0x30];
	[tilespmem:s8+$0xFFFFFFC0] =	vst v3;
	v3 =	vbroadcast v2, $0x8  }
0xf7: {  	v55 =	vld [tilespmem:s8+$0x40];
	v62 =	vbroadcast v2, $0xD;
	v5 =	vmul.f32 v11, v52;
	[tilespmem:s8+$0xFFFFFFE0] =	vst v7  }
0xf8: {  	v60 =	vld [tilespmem:s8+$0x60];
	v57 =	vbroadcast v2, $0xA;
	[tilespmem:s8+$0x10] =	vst v59;
	v3 =	vmul.f32 v50, v3  }
0xf9: {  	v61 =	vld [tilespmem:s8+$0x70];
	v58 =	vbroadcast v2, $0xB;
	v4 =	vmul.f32 v56, v62;
	[tilespmem:s8+$0xFFFFFFF0] =	vst v5  }
0xfa: {  	v8 =	vmul.f32 v53, v57;
	[tilespmem:s8+$0x0] =	vst v3;
	v3 =	vbroadcast v2, $0xC  }
0xfb: {  	v63 =	vbroadcast v2, $0xE;
	[tilespmem:s8+$0x50] =	vst v4;
	v1 =	vmul.f32 v1, v58  }
0xfc: {  	[tilespmem:s8+$0x20] =	vst v8;
	v2 =	vbroadcast v2, $0xF;
	v3 =	vmul.f32 v55, v3  }
0xfd: {  	[tilespmem:s8+$0x30] =	vst v1;
	v1 =	vmul.f32 v60, v63  }
0xfe: {  	v2 =	vmul.f32 v61, v2;
	[tilespmem:s8+$0x40] =	vst v3  }
0xff: {  	[tilespmem:s9+$0x60] =	vst v1  }
0x100: {  	[tilespmem:s9+$0x70] =	vst v2  }
0x101: {  	[spmem:s3] =	stream.indirect.scatter.add.f32 [tilespmem:s29], [sflag:$0x3], $0x10, s25, s28, $0xb8;
	[tilespmem:$0x178E0] =	vst v63  }
0x102: {  	_ =	swait.ge [sflag:s2], $0x7D00  }
0x103: {  	[sflag:s2] =	ssyncset.done $0x0  }
0x104: {  	s11 =	simm.s32 $0x0;
	[sflag:s2] =	ssyncadd.s32 $0xFFFF8300  }
0x105: {  	[tilespmem:s11], [sflag:$0x5] =	stream.linear.gather [hbm4b:s18+s11], $0x7D0, $0x38;
	[tilespmem:$0x178E0] =	vst v63  }
0x106: {  	_ =	swait.ge [sflag:s24], $0x7D0  }
0x107: {  	[sflag:s24] =	ssyncset.done $0x0  }
0x108: {  	[sflag:s24] =	ssyncadd.s32 $0xFFFFF830  }
0x109: {  	[tilespmem:s25], [sflag:$0x5] =	stream.linear.gather [hbm4b:s19+s11], $0x7D0, $0x38;
	[tilespmem:$0x178E0] =	vst v63  }
0x10a: {  	_ =	swait.ge [sflag:s24], $0x7D0  }
0x10b: {  	[sflag:s24] =	ssyncset.done $0x0  }
0x10c: {  	[sflag:s24] =	ssyncadd.s32 $0xFFFFF830  }
0x10d: {  	[tilespmem:s26], [sflag:$0x5] =	stream.linear.gather [hbm4b:s20+s11], $0x7D0, $0x38;
	[tilespmem:$0x178E0] =	vst v63  }
0x10e: {  	_ =	swait.ge [sflag:s24], $0x7D0  }
0x10f: {  	[sflag:s24] =	ssyncset.done $0x0  }
0x110: {  	[sflag:s24] =	ssyncadd.s32 $0xFFFFF830  }
0x111: {  	[tilespmem:s29], [sflag:$0x1] =	stream.indirect.gather [hbm4b:s1+s28], $0x10, s11, s28, $0xb8;
	[tilespmem:$0x178E0] =	vst v63  }
0x112: {  	_ =	swait.ge [sflag:s6], $0x7D00  }
0x113: {  	[sflag:s6] =	ssyncset.done $0x0  }
0x114: {  	s8 =	simm.s32 $0xAC60;
	[sflag:s6] =	ssyncadd.s32 $0xFFFF8300  }
0x115: {  	s10 =	simm.s32 $0x40;
	s9 =	simm.s32 $0xAC60;
	s11 =	simm.s32 $0x0;
	v1 =	vld [tilespmem:s8+$0xFFFFFFB0]  }
.LBB2_10:
0x116: {  	p0 =	sne.s32 s10, $0x1F00;
	v2 =	vld [tilespmem:s11+$0x2710]  }
0x117: {  	v3 =	vld [tilespmem:s8+$0xFFFFFF90]  }
0x118: {  	v4 =	vld [tilespmem:s8+$0xFFFFFF80]  }
0x119: {  	v5 =	vld [tilespmem:s8+$0xFFFFFFA0]  }
0x11a: {  	v6 =	vld [tilespmem:s8+$0xFFFFFFF0]  }
0x11b: {  	v7 =	vbroadcast v2, $0x0;
	v8 =	vbroadcast v2, $0x1;
	v9 =	vld [tilespmem:s8+$0xFFFFFFD0]  }
0x11c: {  	v10 =	vbroadcast v2, $0x2;
	v11 =	vbroadcast v2, $0x3;
	v12 =	vld [tilespmem:s8+$0xFFFFFFC0]  }
0x11d: {  	v4 =	vmul.f32 v7, v4;
	v3 =	vmul.f32 v3, v8;
	v7 =	vld [tilespmem:s8+$0xFFFFFFE0]  }
0x11e: {  	v1 =	vmul.f32 v1, v11;
	v5 =	vmul.f32 v5, v10;
	v8 =	vld [tilespmem:s8+$0x30]  }
0x11f: {  	v10 =	vbroadcast v2, $0x5;
	[tilespmem:s8+$0xFFFFFF80] =	vst v4;
	v4 =	vbroadcast v2, $0x4;
	v11 =	vld [tilespmem:s8+$0x10]  }
0x120: {  	v13 =	vbroadcast v2, $0x7;
	[tilespmem:s8+$0xFFFFFF90] =	vst v3;
	v3 =	vbroadcast v2, $0x6;
	v14 =	vld [tilespmem:s8+$0x0]  }
0x121: {  	[tilespmem:s8+$0xFFFFFFA0] =	vst v5;
	v4 =	vmul.f32 v12, v4;
	v5 =	vmul.f32 v9, v10;
	v9 =	vld [tilespmem:s8+$0x20]  }
0x122: {  	[tilespmem:s8+$0xFFFFFFB0] =	vst v1;
	v1 =	vmul.f32 v7, v3;
	v3 =	vmul.f32 v6, v13;
	v6 =	vld [tilespmem:s8+$0x70]  }
0x123: {  	v7 =	vbroadcast v2, $0x9;
	[tilespmem:s8+$0xFFFFFFC0] =	vst v4;
	v4 =	vbroadcast v2, $0x8;
	v10 =	vld [tilespmem:s8+$0x50]  }
0x124: {  	v12 =	vbroadcast v2, $0xB;
	[tilespmem:s8+$0xFFFFFFD0] =	vst v5;
	v5 =	vbroadcast v2, $0xA;
	v13 =	vld [tilespmem:s8+$0x40]  }
0x125: {  	[tilespmem:s8+$0xFFFFFFE0] =	vst v1;
	v1 =	vmul.f32 v14, v4;
	v4 =	vmul.f32 v11, v7;
	v7 =	vld [tilespmem:s8+$0x60]  }
0x126: {  	[tilespmem:s8+$0xFFFFFFF0] =	vst v3;
	v3 =	vmul.f32 v9, v5;
	v5 =	vmul.f32 v8, v12  }
0x127: {  	v8 =	vbroadcast v2, $0xD;
	[tilespmem:s8+$0x0] =	vst v1;
	v1 =	vbroadcast v2, $0xC  }
0x128: {  	[tilespmem:s8+$0x10] =	vst v4;
	v4 =	vbroadcast v2, $0xE;
	v2 =	vbroadcast v2, $0xF  }
0x129: {  	[tilespmem:s8+$0x20] =	vst v3;
	v1 =	vmul.f32 v13, v1;
	v3 =	vmul.f32 v10, v8  }
.Ltmp4:
0x12a: {  	[tilespmem:s8+$0x30] =	vst v5;
	v4 =	vmul.f32 v7, v4;
	v2 =	vmul.f32 v6, v2;
	(pc) =	sbr.rel @p0 .LBB2_10-.Ltmp4, $4  }
0x12b: {  	[tilespmem:s8+$0x40] =	vst v1  }
0x12c: {  	[tilespmem:s8+$0x50] =	vst v3  }
0x12d: {  	s8 =	sadd.s32 $0x100, s8;
	[tilespmem:s9+$0x60] =	vst v4  }
0x12e: {  	s11 =	sshra.s32 s10, $0x2;
	s10 =	sadd.s32 $0x40, s10;
	v1 =	vld [tilespmem:s8+$0xFFFFFFB0];
	[tilespmem:s9+$0x70] =	vst v2;
	s9 =	smov.u32 s8  }
0x12f: {  	v2 =	vld [tilespmem:s11+$0x2710];
	_ =	sdelay $0x1  }
0x130: {  	v3 =	vld [tilespmem:s8+$0xFFFFFF80]  }
0x131: {  	v4 =	vld [tilespmem:s8+$0xFFFFFF90]  }
0x132: {  	v5 =	vld [tilespmem:s8+$0xFFFFFFA0]  }
0x133: {  	v6 =	vbroadcast v2, $0x0  }
0x134: {  	v9 =	vld [tilespmem:s8+$0xFFFFFFD0];
	v7 =	vbroadcast v2, $0x1  }
0x135: {  	v8 =	vld [tilespmem:s8+$0xFFFFFFC0];
	v10 =	vbroadcast v2, $0x2;
	v3 =	vmul.f32 v6, v3  }
0x136: {  	v48 =	vld [tilespmem:s8+$0xFFFFFFE0];
	v47 =	vbroadcast v2, $0x3;
	v4 =	vmul.f32 v4, v7  }
0x137: {  	v51 =	vld [tilespmem:s8+$0x10];
	v49 =	vbroadcast v2, $0x5;
	v5 =	vmul.f32 v5, v10;
	[tilespmem:s8+$0xFFFFFF80] =	vst v3  }
0x138: {  	v11 =	vld [tilespmem:s8+$0xFFFFFFF0];
	v1 =	vmul.f32 v1, v47;
	v3 =	vbroadcast v2, $0x4;
	[tilespmem:s8+$0xFFFFFF90] =	vst v4  }
0x139: {  	v50 =	vld [tilespmem:s8+$0x0];
	v12 =	vbroadcast v2, $0x6;
	v6 =	vmul.f32 v9, v49;
	[tilespmem:s8+$0xFFFFFFA0] =	vst v5  }
0x13a: {  	v56 =	vld [tilespmem:s8+$0x50];
	v54 =	vbroadcast v2, $0x9;
	[tilespmem:s8+$0xFFFFFFB0] =	vst v1;
	v3 =	vmul.f32 v8, v3  }
0x13b: {  	v53 =	vld [tilespmem:s8+$0x20];
	v52 =	vbroadcast v2, $0x7;
	v7 =	vmul.f32 v48, v12;
	[tilespmem:s8+$0xFFFFFFD0] =	vst v6  }
0x13c: {  	v59 =	vmul.f32 v51, v54;
	v1 =	vld [tilespmem:s8+$0x30];
	[tilespmem:s8+$0xFFFFFFC0] =	vst v3;
	v3 =	vbroadcast v2, $0x8  }
0x13d: {  	v55 =	vld [tilespmem:s8+$0x40];
	v62 =	vbroadcast v2, $0xD;
	v5 =	vmul.f32 v11, v52;
	[tilespmem:s8+$0xFFFFFFE0] =	vst v7  }
0x13e: {  	v60 =	vld [tilespmem:s8+$0x60];
	v57 =	vbroadcast v2, $0xA;
	[tilespmem:s8+$0x10] =	vst v59;
	v3 =	vmul.f32 v50, v3  }
0x13f: {  	v61 =	vld [tilespmem:s8+$0x70];
	v58 =	vbroadcast v2, $0xB;
	v4 =	vmul.f32 v56, v62;
	[tilespmem:s8+$0xFFFFFFF0] =	vst v5  }
0x140: {  	v8 =	vmul.f32 v53, v57;
	[tilespmem:s8+$0x0] =	vst v3;
	v3 =	vbroadcast v2, $0xC  }
0x141: {  	v63 =	vbroadcast v2, $0xE;
	[tilespmem:s8+$0x50] =	vst v4;
	v1 =	vmul.f32 v1, v58  }
0x142: {  	[tilespmem:s8+$0x20] =	vst v8;
	v2 =	vbroadcast v2, $0xF;
	v3 =	vmul.f32 v55, v3  }
0x143: {  	[tilespmem:s8+$0x30] =	vst v1;
	v1 =	vmul.f32 v60, v63  }
0x144: {  	v2 =	vmul.f32 v61, v2;
	[tilespmem:s8+$0x40] =	vst v3  }
0x145: {  	[tilespmem:s9+$0x60] =	vst v1  }
0x146: {  	[tilespmem:s9+$0x70] =	vst v2  }
0x147: {  	[spmem:s3] =	stream.indirect.scatter.add.f32 [tilespmem:s0], [sflag:$0x4], $0x10, s30, s28, $0xb8;
	[tilespmem:$0x178E0] =	vst v63  }
0x148: {  	_ =	swait.ge [sflag:s23], $0x7D00  }
0x149: {  	[sflag:s23] =	ssyncset.done $0x0  }
0x14a: {  	s8 =	simm.s32 $0x2F60;
	[sflag:s23] =	ssyncadd.s32 $0xFFFF8300  }
0x14b: {  	s11 =	simm.s32 $0x0;
	s10 =	simm.s32 $0x40;
	s9 =	simm.s32 $0x2F60;
	v1 =	vld [tilespmem:s8+$0xFFFFFFB0]  }
.LBB2_12:
0x14c: {  	p0 =	sne.s32 s10, $0x1F00;
	v2 =	vld [tilespmem:s11+$0x1F40]  }
0x14d: {  	v3 =	vld [tilespmem:s8+$0xFFFFFF90]  }
0x14e: {  	v4 =	vld [tilespmem:s8+$0xFFFFFF80]  }
0x14f: {  	v5 =	vld [tilespmem:s8+$0xFFFFFFA0]  }
0x150: {  	v6 =	vld [tilespmem:s8+$0xFFFFFFF0]  }
0x151: {  	v7 =	vbroadcast v2, $0x0;
	v8 =	vbroadcast v2, $0x1;
	v9 =	vld [tilespmem:s8+$0xFFFFFFD0]  }
0x152: {  	v10 =	vbroadcast v2, $0x2;
	v11 =	vbroadcast v2, $0x3;
	v12 =	vld [tilespmem:s8+$0xFFFFFFC0]  }
0x153: {  	v4 =	vmul.f32 v7, v4;
	v3 =	vmul.f32 v3, v8;
	v7 =	vld [tilespmem:s8+$0xFFFFFFE0]  }
0x154: {  	v1 =	vmul.f32 v1, v11;
	v5 =	vmul.f32 v5, v10;
	v8 =	vld [tilespmem:s8+$0x30]  }
0x155: {  	v10 =	vbroadcast v2, $0x5;
	[tilespmem:s8+$0xFFFFFF80] =	vst v4;
	v4 =	vbroadcast v2, $0x4;
	v11 =	vld [tilespmem:s8+$0x10]  }
0x156: {  	v13 =	vbroadcast v2, $0x7;
	[tilespmem:s8+$0xFFFFFF90] =	vst v3;
	v3 =	vbroadcast v2, $0x6;
	v14 =	vld [tilespmem:s8+$0x0]  }
0x157: {  	[tilespmem:s8+$0xFFFFFFA0] =	vst v5;
	v4 =	vmul.f32 v12, v4;
	v5 =	vmul.f32 v9, v10;
	v9 =	vld [tilespmem:s8+$0x20]  }
0x158: {  	[tilespmem:s8+$0xFFFFFFB0] =	vst v1;
	v1 =	vmul.f32 v7, v3;
	v3 =	vmul.f32 v6, v13;
	v6 =	vld [tilespmem:s8+$0x70]  }
0x159: {  	v7 =	vbroadcast v2, $0x9;
	[tilespmem:s8+$0xFFFFFFC0] =	vst v4;
	v4 =	vbroadcast v2, $0x8;
	v10 =	vld [tilespmem:s8+$0x50]  }
0x15a: {  	v12 =	vbroadcast v2, $0xB;
	[tilespmem:s8+$0xFFFFFFD0] =	vst v5;
	v5 =	vbroadcast v2, $0xA;
	v13 =	vld [tilespmem:s8+$0x40]  }
0x15b: {  	[tilespmem:s8+$0xFFFFFFE0] =	vst v1;
	v1 =	vmul.f32 v14, v4;
	v4 =	vmul.f32 v11, v7;
	v7 =	vld [tilespmem:s8+$0x60]  }
0x15c: {  	[tilespmem:s8+$0xFFFFFFF0] =	vst v3;
	v3 =	vmul.f32 v9, v5;
	v5 =	vmul.f32 v8, v12  }
0x15d: {  	v8 =	vbroadcast v2, $0xD;
	[tilespmem:s8+$0x0] =	vst v1;
	v1 =	vbroadcast v2, $0xC  }
0x15e: {  	[tilespmem:s8+$0x10] =	vst v4;
	v4 =	vbroadcast v2, $0xE;
	v2 =	vbroadcast v2, $0xF  }
0x15f: {  	[tilespmem:s8+$0x20] =	vst v3;
	v1 =	vmul.f32 v13, v1;
	v3 =	vmul.f32 v10, v8  }
.Ltmp5:
0x160: {  	[tilespmem:s8+$0x30] =	vst v5;
	v4 =	vmul.f32 v7, v4;
	v2 =	vmul.f32 v6, v2;
	(pc) =	sbr.rel @p0 .LBB2_12-.Ltmp5, $4  }
0x161: {  	[tilespmem:s8+$0x40] =	vst v1  }
0x162: {  	[tilespmem:s8+$0x50] =	vst v3  }
0x163: {  	s8 =	sadd.s32 $0x100, s8;
	[tilespmem:s9+$0x60] =	vst v4  }
0x164: {  	s11 =	sshra.s32 s10, $0x2;
	s10 =	sadd.s32 $0x40, s10;
	v1 =	vld [tilespmem:s8+$0xFFFFFFB0];
	[tilespmem:s9+$0x70] =	vst v2;
	s9 =	smov.u32 s8  }
0x165: {  	v2 =	vld [tilespmem:s11+$0x1F40];
	_ =	sdelay $0x1  }
0x166: {  	v3 =	vld [tilespmem:s8+$0xFFFFFF80]  }
0x167: {  	v4 =	vld [tilespmem:s8+$0xFFFFFF90]  }
0x168: {  	v5 =	vld [tilespmem:s8+$0xFFFFFFA0]  }
0x169: {  	v6 =	vbroadcast v2, $0x0  }
0x16a: {  	v9 =	vld [tilespmem:s8+$0xFFFFFFD0];
	v7 =	vbroadcast v2, $0x1  }
0x16b: {  	v8 =	vld [tilespmem:s8+$0xFFFFFFC0];
	v10 =	vbroadcast v2, $0x2;
	v3 =	vmul.f32 v6, v3  }
0x16c: {  	v48 =	vld [tilespmem:s8+$0xFFFFFFE0];
	v47 =	vbroadcast v2, $0x3;
	v4 =	vmul.f32 v4, v7  }
0x16d: {  	v51 =	vld [tilespmem:s8+$0x10];
	v49 =	vbroadcast v2, $0x5;
	v5 =	vmul.f32 v5, v10;
	[tilespmem:s8+$0xFFFFFF80] =	vst v3  }
0x16e: {  	v11 =	vld [tilespmem:s8+$0xFFFFFFF0];
	v1 =	vmul.f32 v1, v47;
	v3 =	vbroadcast v2, $0x4;
	[tilespmem:s8+$0xFFFFFF90] =	vst v4  }
0x16f: {  	v50 =	vld [tilespmem:s8+$0x0];
	v12 =	vbroadcast v2, $0x6;
	v6 =	vmul.f32 v9, v49;
	[tilespmem:s8+$0xFFFFFFA0] =	vst v5  }
0x170: {  	v56 =	vld [tilespmem:s8+$0x50];
	v54 =	vbroadcast v2, $0x9;
	[tilespmem:s8+$0xFFFFFFB0] =	vst v1;
	v3 =	vmul.f32 v8, v3  }
0x171: {  	v53 =	vld [tilespmem:s8+$0x20];
	v52 =	vbroadcast v2, $0x7;
	v7 =	vmul.f32 v48, v12;
	[tilespmem:s8+$0xFFFFFFD0] =	vst v6  }
0x172: {  	v59 =	vmul.f32 v51, v54;
	v1 =	vld [tilespmem:s8+$0x30];
	[tilespmem:s8+$0xFFFFFFC0] =	vst v3;
	v3 =	vbroadcast v2, $0x8  }
0x173: {  	v55 =	vld [tilespmem:s8+$0x40];
	v62 =	vbroadcast v2, $0xD;
	v5 =	vmul.f32 v11, v52;
	[tilespmem:s8+$0xFFFFFFE0] =	vst v7  }
0x174: {  	v60 =	vld [tilespmem:s8+$0x60];
	v57 =	vbroadcast v2, $0xA;
	[tilespmem:s8+$0x10] =	vst v59;
	v3 =	vmul.f32 v50, v3  }
0x175: {  	v61 =	vld [tilespmem:s8+$0x70];
	v58 =	vbroadcast v2, $0xB;
	v4 =	vmul.f32 v56, v62;
	[tilespmem:s8+$0xFFFFFFF0] =	vst v5  }
0x176: {  	v8 =	vmul.f32 v53, v57;
	[tilespmem:s8+$0x0] =	vst v3;
	v3 =	vbroadcast v2, $0xC  }
0x177: {  	v63 =	vbroadcast v2, $0xE;
	[tilespmem:s8+$0x50] =	vst v4;
	v1 =	vmul.f32 v1, v58  }
0x178: {  	[tilespmem:s8+$0x20] =	vst v8;
	v2 =	vbroadcast v2, $0xF;
	v3 =	vmul.f32 v55, v3  }
0x179: {  	[tilespmem:s8+$0x30] =	vst v1;
	v1 =	vmul.f32 v60, v63  }
0x17a: {  	v2 =	vmul.f32 v61, v2;
	[tilespmem:s8+$0x40] =	vst v3  }
0x17b: {  	[tilespmem:s9+$0x60] =	vst v1  }
0x17c: {  	[tilespmem:s9+$0x70] =	vst v2  }
0x17d: {  	[spmem:s3] =	stream.indirect.scatter.add.f32 [tilespmem:s29], [sflag:$0x3], $0x10, s25, s28, $0xb8;
	[tilespmem:$0x178E0] =	vst v63  }
0x17e: {  	_ =	swait.ge [sflag:s7], $0x7D00  }
0x17f: {  	[sflag:s7] =	ssyncset.done $0x0  }
0x180: {  	[sflag:s7] =	ssyncadd.s32 $0xFFFF8300  }
0x181: {  	s10 =	stileid.u32;
	_ =	swait.ge [sflag:s2], $0x7D00  }
0x182: {  	s11 =	sshrl.u32 s5, $0x3;
	s4 =	sadd.s32 $0x1, s4;
	[sflag:s2] =	ssyncset.done $0x0  }
0x183: {  	p0 =	sne.s32 s4, s22;
	s8 =	sshll.u32 s10, $0x6;
	[sflag:s2] =	ssyncadd.s32 $0xFFFF8300  }
.Ltmp6:
0x184: {  	s8 =	sor.u32 $0x1C05, s8;
	[bflag:$0x0] =	sbarrier.arrive $0xFFFF;
	(pc) =	sbr.rel @p0 .LBB2_1-.Ltmp6, $4  }
0x185: {  	[hbm:s21], [sflag:s8] =	dma.local [spmem:s11], $0x500  }
0x186: {  	_ =	swait.ge [sflag:s24], $0x500  }
0x187: {  	[sflag:s24] =	ssyncset.done $0x0  }
0x188: {  	[sflag:s24] =	ssyncadd.s32 $0xFFFFFB00  }
0x189: {  	_ =	sfence.sel $0x180000  }
0x18a: {  	[bflag:$0x0] =	sbarrier.arrive $0xFFFF  }
0x18b: {  	_ =	strace $0x9000004D  }
0x18c: {  	s0 =	stileid.u32;
	[bflag:$0x2] =	sbarrier.arrive $0xFFFF  }
0x18d: {  	p0 =	sne.s32 s0, $0x0;
	s0 =	rddreg [dreg:$0x4]  }
0x18e: {  	s0 =	sadd.s32 @!p0 $0x100000, s0  }
0x18f: {  	[sflag:s0] =	ssyncadd.tile.s32 @!p0 $0x1;
	_ =	shalt  }
.Lfunc_end2:
_tile_overlayer_lowered:
.L_overlay_start_2:
0x190: {  	(tag) =	ssettag $0x2  }
0x191: {  	s0 =	rddreg [dreg:$0x0];
	s2 =	stileid.u32  }
0x192: {  	s1 =	rddreg [dreg:$0x1];
	p0 =	sne.s32 s2, $0x0  }
0x193: {  	s3 =	rddreg [dreg:$0x2];
	[bflag:$0x3] =	sbarrier.arrive $0xFFFF;
	s2 =	simm.s32 @!p0 $0x1C05  }
0x194: {  	[timem:s3], [sflag:s2] =	dma.local @!p0 [hbm:s0], s1  }
0x195: {  	s0 =	simm.s32 @!p0 $0x5  }
0x196: {  	_ =	swait.ge @!p0 [sflag:s0], s1  }
0x197: {  	s1 =	ssub.s32 @!p0 $0x0, s1;
	[sflag:s0] =	ssyncset.done @!p0 $0x0  }
0x198: {  	[sflag:s0] =	ssyncadd.s32 @!p0 s1  }
0x199: {  	[bflag:$0x3] =	sbarrier.arrive $0xFFFF  }
0x19a: {  	_ =	shalt  }

// kernel: kernel.8.cloned.1.call-start
scs
__scs_entry_jumppad:
0x0: {  	(pc) =	sbr.rel $0x88, $3  }
0x1: {  	(tag) =	ssettag $0x0;
	lr =	simm.s32 $0x1  }
0x2: {  	[smem:$0x3F9A] =	sst lr;
	_ =	strace $0xD0000000  }
0x3: {  	_ = 	snop  }
0x4: {  	_ = 	snop  }
0x5: {  	_ = 	snop  }
0x6: {  	_ = 	snop  }
0x7: {  	_ = 	snop  }
__scs_overlays_trampoline_lowered:
0x8: {  	[smem:$0x3FA9] =	sst s0  }
0x9: {  	[smem:$0x3FAA] =	sst s1  }
0xa: {  	[smem:$0x3FAB] =	sst s2  }
0xb: {  	[smem:$0x3FAC] =	sst s3  }
0xc: {  	[smem:$0x3FAD] =	sst s4  }
0xd: {  	[smem:$0x3FAE] =	sst s5  }
0xe: {  	[smem:$0x3FAF] =	sst s6  }
0xf: {  	[smem:$0x3FB0] =	sst s7  }
0x10: {  	[smem:$0x3FB1] =	sst s8  }
0x11: {  	[smem:$0x3FB2] =	sst s9;
	s0 =	simm.s32 @!p0 $0x0  }
0x12: {  	s1 =	sld [smem:$0x3F98];
	s0 =	simm.s32 @p0 $0x1  }
0x13: {  	[smem:$0x3FB3] =	sst s0;
	s0 =	simm.s32 @!p1 $0x0  }
0x14: {  	s2 =	sld [smem:$0x3F97];
	s0 =	simm.s32 @p1 $0x1  }
0x15: {  	[smem:$0x3FB4] =	sst s0;
	s0 =	simm.s32 @!p2 $0x0  }
0x16: {  	s3 =	sld [smem:$0x3FDB];
	s0 =	simm.s32 @p2 $0x1  }
0x17: {  	s4 =	simm.s32 $0x1BF5;
	[smem:$0x3FB6] =	sst s0  }
0x18: {  	s0 =	sld [smem:$0x3F99];
	_ =	swait.ge [sflag:s4], $0x0  }
0x19: {  	s7 =	sld [smem:$0x3F9A]  }
0x1a: {  	s8 =	sadd.s32 $0xFFFFE003, lr  }
0x1b: {  	s9 =	sadd.s32 $0xFFFFFEF7, lr;
	s5 =	simm.s32 $0xFFFFFFFF;
	p2 =	slt.u32 s8, $0xFFFFF086  }
0x1c: {  	p1 =	slt.u32 s9, $0xF7A;
	s5 =	simm.s32 @!p2 $0x0  }
0x1d: {  	s5 =	simm.s32 @p1 $0x1;
	p0 =	seq.s32 s7, s2  }
0x1e: {  	s7 =	smul.u32 @!p0 $0xF7A, s2;
	p2 =	seq.s32 @!p0 s5, $0x0  }
0x1f: {  	s9 =	smul.u32 $0xF7A, s1;
	s8 =	simm.s32 @!p0 $0x1BF5;
	p2 =	por !p2, p0  }
0x20: {  	[sflag:s8] =	ssyncset.s32 @!p0 $0xFFFFF086;
	s6 =	sadd.s32 @!p0 s3, s7;
	s7 =	simm.s32 @!p0 $0x108  }
0x21: {  	s3 =	sadd.s32 s3, s9;
	s6 =	sadd.s32 @!p0 $0x88, s6;
	s7 =	simm.s32 @p2 $0x1082  }
0x22: {  	[simem:s7], [sflag:s8] =	dma.local @!p0 [hbm:s6], $0xF7A  }
0x23: {  	s9 =	sor.u32 $0xD0000000, s2;
	s6 =	simm.s32 $0x108;
	_ =	swait.ge @!p0 [sflag:s8], $0x0  }
0x24: {  	s3 =	sadd.s32 $0x88, s3;
	s6 =	simm.s32 @!p1 $0x1082;
	[sflag:s4] =	ssyncset.s32 $0xFFFFF086  }
0x25: {  	[simem:s6], [sflag:s4] =	dma.local [hbm:s3], $0xF7A  }
0x26: {  	[smem:$0x3F9A] =	sst s1;
	(tag) =	ssettag s2;
	_ =	strace s9  }
0x27: {  	s1 =	sld [smem:$0x3FAA]  }
0x28: {  	s2 =	sld [smem:$0x3FAB]  }
0x29: {  	s4 =	sld [smem:$0x3FAD]  }
0x2a: {  	p0 =	seq.s32 s5, $0x0;
	s5 =	sld [smem:$0x3FAE]  }
0x2b: {  	s6 =	sld [smem:$0x3FAF]  }
0x2c: {  	s7 =	sld [smem:$0x3FB0]  }
0x2d: {  	s3 =	simm.s32 $0x108;
	s8 =	sld [smem:$0x3FB1]  }
0x2e: {  	s3 =	simm.s32 @!p0 $0x1082;
	s9 =	sld [smem:$0x3FB2]  }
0x2f: {  	lr =	sadd.s32 s0, s3;
	s0 =	sld [smem:$0x3FA9]  }
0x30: {  	s3 =	sld [smem:$0x3FAC]  }
0x31: {  	[smem:$0x3FB5] =	sst s10  }
0x32: {  	s10 =	sld [smem:$0x3FB3];
	_ =	sdelay $0x3  }
0x33: {  	p0 =	seq.s32 s10, $0x1;
	s10 =	sld [smem:$0x3FB5];
	_ =	sdelay $0x3  }
0x34: {  	[smem:$0x3FB5] =	sst s10  }
0x35: {  	s10 =	sld [smem:$0x3FB4];
	_ =	sdelay $0x3  }
0x36: {  	p1 =	seq.s32 s10, $0x1;
	s10 =	sld [smem:$0x3FB5];
	_ =	sdelay $0x3  }
0x37: {  	[smem:$0x3FB5] =	sst s10  }
0x38: {  	s10 =	sld [smem:$0x3FB6]  }
0x39: {  	_ = 	snop;
	(pc) =	sbr.ind lr, $3  }
0x3a: {  	_ = 	snop  }
0x3b: {  	_ = 	snop  }
0x3c: {  	p2 =	seq.s32 s10, $0x1;
	s10 =	sld [smem:$0x3FB5]  }
0x3d: {  	_ =	shalt  }
0x3e: {  	_ =	shalt  }
0x3f: {  	_ =	shalt  }
0x40: {  	_ =	shalt  }
0x41: {  	_ =	shalt  }
0x42: {  	_ =	shalt  }
0x43: {  	_ =	shalt  }
0x44: {  	_ =	shalt  }
0x45: {  	_ =	shalt  }
0x46: {  	_ =	shalt  }
0x47: {  	_ =	shalt  }
0x48: {  	_ =	shalt  }
0x49: {  	_ =	shalt  }
0x4a: {  	_ =	shalt  }
0x4b: {  	_ =	shalt  }
0x4c: {  	_ =	shalt  }
0x4d: {  	_ =	shalt  }
0x4e: {  	_ =	shalt  }
0x4f: {  	_ =	shalt  }
0x50: {  	_ =	shalt  }
0x51: {  	_ =	shalt  }
0x52: {  	_ =	shalt  }
0x53: {  	_ =	shalt  }
0x54: {  	_ =	shalt  }
0x55: {  	_ =	shalt  }
0x56: {  	_ =	shalt  }
0x57: {  	_ =	shalt  }
0x58: {  	_ =	shalt  }
0x59: {  	_ =	shalt  }
0x5a: {  	_ =	shalt  }
0x5b: {  	_ =	shalt  }
0x5c: {  	_ =	shalt  }
0x5d: {  	_ =	shalt  }
0x5e: {  	_ =	shalt  }
0x5f: {  	_ =	shalt  }
0x60: {  	_ =	shalt  }
0x61: {  	_ =	shalt  }
0x62: {  	_ =	shalt  }
0x63: {  	_ =	shalt  }
0x64: {  	_ =	shalt  }
0x65: {  	_ =	shalt  }
0x66: {  	_ =	shalt  }
0x67: {  	_ =	shalt  }
0x68: {  	_ =	shalt  }
0x69: {  	_ =	shalt  }
0x6a: {  	_ =	shalt  }
0x6b: {  	_ =	shalt  }
0x6c: {  	_ =	shalt  }
0x6d: {  	_ =	shalt  }
0x6e: {  	_ =	shalt  }
0x6f: {  	_ =	shalt  }
0x70: {  	_ =	shalt  }
0x71: {  	_ =	shalt  }
0x72: {  	_ =	shalt  }
0x73: {  	_ =	shalt  }
0x74: {  	_ =	shalt  }
0x75: {  	_ =	shalt  }
0x76: {  	_ =	shalt  }
0x77: {  	_ =	shalt  }
0x78: {  	_ =	shalt  }
0x79: {  	_ =	shalt  }
0x7a: {  	_ =	shalt  }
0x7b: {  	_ =	shalt  }
0x7c: {  	_ =	shalt  }
0x7d: {  	_ =	shalt  }
0x7e: {  	_ =	shalt  }
0x7f: {  	_ =	shalt  }
0x80: {  	_ =	shalt  }
0x81: {  	_ =	shalt  }
0x82: {  	_ =	shalt  }
0x83: {  	_ =	shalt  }
0x84: {  	_ =	shalt  }
0x85: {  	_ =	shalt  }
0x86: {  	_ =	shalt  }
0x87: {  	_ =	shalt  }
.Lfunc_end0:
.L_simem_size_0:
called_computation_lowered:
.L_overlay_start_0:
0x88: {  	s2 =	sld [smem:$0x3FD9]  }
0x89: {  	s3 =	sld [smem:$0x3FFE];
	_ =	sdelay $0x1  }
0x8a: {  	s1 =	srdreg.scid  }
0x8b: {  	s0 =	sand.u32 $0x1, s1  }
0x8c: {  	s17 =	sshll.u32 s0, $0xA;
	s2 =	sadd.s32 s3, s2  }
0x8d: {  	s2 =	sadd.s32 s2, s17  }
0x8e: {  	[smem:$0x3FC1] =	sst s2  }
0x8f: {  	_ = 	snop  }
0x90: {  	s2 =	sld [smem:$0x3FC7];
	(tm) =	ssettm $0x1  }
0x91: {  	s18 =	sld [smem:$0x3FFB];
	_ =	sdelay $0x3  }
0x92: {  	_ =	strace s18  }
0x93: {  	s3 =	sld [smem:$0x3FFC];
	_ =	sdelay $0x3  }
0x94: {  	_ =	strace s3  }
0x95: {  	s3 =	sld [smem:$0x3FFD];
	_ =	sdelay $0x3  }
0x96: {  	_ =	strace s3  }
0x97: {  	_ =	strace $0x8FFFFFFF  }
0x98: {  	s19 =	sld [smem:$0x3FDB];
	_ =	sdelay $0x1  }
0x99: {  	s4 =	simm.s32 $_scs_section_size  }
0x9a: {  	s5 =	simm.s32 $_size__tile_overlayer_lowered;
	s6 =	simm.s32 $_tile_overlayer_lowered  }
0x9b: {  	s22 =	simm.s32 $0x1BFF;
	s21 =	sshll.u32 s6, $0x1;
	s3 =	sadd.s32 s4, s19  }
0x9c: {  	s7 =	simm.s32 $0x0;
	s20 =	sshll.u32 s5, $0x1;
	s5 =	sadd.s32 s21, s3  }
0x9d: {  	[timem:s7], [sflag:s22] =	dma.local [hbm:s5], s20  }
0x9e: {  	_ =	swait.ge [sflag:s22], s20  }
0x9f: {  	s4 =	ssub.s32 $0x0, s20;
	[sflag:s22] =	ssyncset.done $0x0  }
0xa0: {  	[sflag:s22] =	ssyncadd.s32 s4;
	_ =	sdelay $0x1  }
0xa1: {  	s23 =	simm.s32 $0x1B8B  }
0xa2: {  	_ =	swait.ge [sflag:s23], $0x1  }
0xa3: {  	[sflag:s23] =	ssyncset.done $0x0  }
0xa4: {  	s25 =	simm.s32 $0x1B8E;
	s24 =	sld [smem:$0x3FFE];
	[sflag:s23] =	ssyncadd.s32 $0xFFFFFFFF  }
0xa5: {  	s26 =	simm.s32 $execute0_lowered;
	[smem:$0x3FD2] =	sst s25  }
0xa6: {  	s5 =	sshll.u32 s26, $0x1;
	_ =	strace $0x80000046;
	[dreg:$0x1] =	wrdreg $0xFFFFFFFF  }
0xa7: {  	s28 =	simm.s32 $_size_execute0_lowered;
	s3 =	sadd.s32 s3, s5;
	[dreg:$0x0] =	wrdreg $0x0  }
0xa8: {  	s5 =	sshll.u32 s28, $0x1;
	[dreg:$0x2] =	wrdreg s3  }
0xa9: {  	[dreg:$0x3] =	wrdreg s5  }
0xaa: {  	[dreg:$0x4] =	wrdreg $0xC0  }
0xab: {  	_ =	task [dreg:s7], $0x5FFFF  }
0xac: {  	[dreg:$0x1] =	wrdreg $0xFFFFFFFF  }
0xad: {  	[dreg:$0x0] =	wrdreg $0x60  }
0xae: {  	[dreg:$0x2] =	wrdreg s24  }
0xaf: {  	[dreg:$0x3] =	wrdreg s2  }
0xb0: {  	[dreg:$0x4] =	wrdreg $0x4C400  }
0xb1: {  	[dreg:$0x5] =	wrdreg $0x9  }
0xb2: {  	_ =	task.clear_ibuf [dreg:s7], $0x6FFFF;
	_ =	strace $0x90000046  }
0xb3: {  	s29 =	simm.s32 $0x9;
	_ =	strace $0x80000048  }
0xb4: {  	_ =	swait.ge [sflag:s29], $0x1  }
0xb5: {  	[sflag:s29] =	ssyncadd.s32 $0xFFFFFFFF  }
0xb6: {  	_ =	strace $0x90000048  }
0xb7: {  	_ =	sfence  }
0xb8: {  	s30 =	sld [smem:$0x0];
	_ =	sdelay $0x2  }
0xb9: {  	s31 =	sshll.u32 s1, $0xD;
	s1 =	sshrl.u32 s1, $0x2  }
0xba: {  	s3 =	sand.u32 $0x4000, s31;
	s1 =	sadd.s32 s1, s30  }
0xbb: {  	s0 =	sor.u32 s3, s0;
	s1 =	sshll.u32 s1, $0x11  }
0xbc: {  	s0 =	sor.u32 s1, s0  }
0xbd: {  	s0 =	sadd.s32 $0x8F2B, s0  }
0xbe: {  	[sflag:s0] =	ssyncadd.remote.s32 $0x1  }
0xbf: {  	_ =	sfence.sel $0xFFFF  }
0xc0: {  	[dreg:$0x0] =	wrdreg $0xFFFFFFFF;
	(pc) =	sbr.abs _section_cstart, $3  }
0xc1: {  	[dreg:$0x1] =	wrdreg $0xFFFFFFFF  }
0xc2: {  	_ =	task.clear_ibuf [dreg:s7], $0x2FFFF;
	_ =	strace $0x9FFFFFFF  }
0xc3: {  	(tm) =	ssettm $0x7FFFFFFF  }
tec
execute0_lowered:
.L_overlay_start_1:
0x0: {  	(tag) =	ssettag $0x1  }
0x1: {  	s4 =	rddreg [dreg:$0x0]  }
0x2: {  	s14 =	rddreg [dreg:$0x1]  }
0x3: {  	s1 =	rddreg [dreg:$0x2];
	s2 =	srdreg.scid  }
0x4: {  	s0 =	rddreg [dreg:$0x3];
	s3 =	simm.s32 $0x0;
	s19 =	simm.s32 $0xFA0  }
0x5: {  	s20 =	simm.s32 $0x7D0;
	s21 =	simm.s32 $0x1770;
	s22 =	simm.s32 $0x1  }
0x6: {  	s23 =	simm.s32 $0x2;
	s24 =	simm.s32 $0x21C0;
	s5 =	sand.u32 $0x1, s2  }
0x7: {  	s25 =	simm.s32 $0x2440;
	s2 =	stileid.u32;
	s6 =	smul.u32 $0x28000, s5  }
0x8: {  	[smem:$0x7FF] =	sst s3;
	s13 =	sadd.s32 $0xC000, s4;
	s7 =	smul.u32 $0x2800, s2  }
0x9: {  	_ =	strace $0x80000047;
	s8 =	sshll.u32 s5, $0x4;
	s5 =	ssub.s32 $0x2, s5  }
0xa: {  	s28 =	smul.u32 $0xA00, s2;
	s26 =	sor.u32 s2, s8;
	s29 =	sshrl.u32 s5, $0x1  }
0xb: {  	s6 =	sadd.s32 s7, s6;
	s7 =	smul.u32 $0x2710, s26;
	s16 =	ssub.s32 s5, s29  }
0xc: {  	s30 =	sshrl.u32 s28, $0x2;
	s26 =	simm.s32 $0x0;
	s6 =	sshrl.u32 s6, $0x3  }
0xd: {  	s16 =	smax.u32 s16, $0x1;
	s15 =	sadd.s32 s6, s4;
	s12 =	sshrl.u32 s7, $0x3  }
0xe: {  	s4 =	sadd.s32 s30, s1;
	s5 =	sadd.s32 s13, s12;
	s31 =	sadd.s32 $0xFA, s12  }
0xf: {  	s6 =	sadd.s32 s14, s12;
	s10 =	sadd.s32 $0x1F4, s12;
	s17 =	sadd.s32 $0x2EE, s12  }
0x10: {  	s18 =	sadd.s32 $0x3E8, s12;
	s15 =	sadd.s32 $0x15E00, s15;
	s7 =	sadd.s32 s13, s31  }
0x11: {  	s8 =	sadd.s32 s14, s31;
	s9 =	sadd.s32 s13, s10;
	s10 =	sadd.s32 s14, s10  }
0x12: {  	s11 =	sadd.s32 s13, s17;
	s12 =	sadd.s32 s14, s17;
	s13 =	sadd.s32 s13, s18  }
0x13: {  	v0 =	vimm.f32 $0.0e+00;
	s14 =	sadd.s32 s14, s18;
	s17 =	simm.s32 $0x1F40;
	s18 =	simm.s32 $0x3  }
.LBB2_1:
0x14: {  	[tilespmem:$0x1F40] =	vst v0  }
0x15: {  	[tilespmem:$0x1F50] =	vst v0  }
0x16: {  	[tilespmem:$0x1F60] =	vst v0  }
0x17: {  	[tilespmem:$0x1F70] =	vst v0  }
0x18: {  	[tilespmem:$0x1F80] =	vst v0  }
0x19: {  	[tilespmem:$0x1F90] =	vst v0  }
0x1a: {  	[tilespmem:$0x1FA0] =	vst v0  }
0x1b: {  	[tilespmem:$0x1FB0] =	vst v0  }
0x1c: {  	[tilespmem:$0x1FC0] =	vst v0  }
0x1d: {  	[tilespmem:$0x1FD0] =	vst v0  }
0x1e: {  	[tilespmem:$0x1FE0] =	vst v0  }
0x1f: {  	[tilespmem:$0x1FF0] =	vst v0  }
0x20: {  	[tilespmem:$0x2000] =	vst v0  }
0x21: {  	[tilespmem:$0x2010] =	vst v0  }
0x22: {  	[tilespmem:$0x2020] =	vst v0  }
0x23: {  	[tilespmem:$0x2030] =	vst v0  }
0x24: {  	[tilespmem:$0x2040] =	vst v0  }
0x25: {  	[tilespmem:$0x2050] =	vst v0  }
0x26: {  	[tilespmem:$0x2060] =	vst v0  }
0x27: {  	[tilespmem:$0x2070] =	vst v0  }
0x28: {  	[tilespmem:$0x2080] =	vst v0  }
0x29: {  	[tilespmem:$0x2090] =	vst v0  }
0x2a: {  	[tilespmem:$0x20A0] =	vst v0  }
0x2b: {  	[tilespmem:$0x20B0] =	vst v0  }
0x2c: {  	[tilespmem:$0x20C0] =	vst v0  }
0x2d: {  	[tilespmem:$0x20D0] =	vst v0  }
0x2e: {  	[tilespmem:$0x20E0] =	vst v0  }
0x2f: {  	[tilespmem:$0x20F0] =	vst v0  }
0x30: {  	[tilespmem:$0x2100] =	vst v0  }
0x31: {  	[tilespmem:$0x2110] =	vst v0  }
0x32: {  	[tilespmem:$0x2120] =	vst v0  }
0x33: {  	[tilespmem:$0x2130] =	vst v0  }
0x34: {  	[tilespmem:$0x2140] =	vst v0  }
0x35: {  	[tilespmem:$0x2150] =	vst v0  }
0x36: {  	[tilespmem:$0x2160] =	vst v0  }
0x37: {  	[tilespmem:$0x2170] =	vst v0  }
0x38: {  	[tilespmem:$0x2180] =	vst v0  }
0x39: {  	[tilespmem:$0x2190] =	vst v0  }
0x3a: {  	[tilespmem:$0x21A0] =	vst v0  }
0x3b: {  	[tilespmem:$0x21B0] =	vst v0  }
0x3c: {  	[spmem:s4] =	stream.linear.scatter [tilespmem:s17], [sflag:$0x3], $0x280, $0x38;
	[tilespmem:$0x4EC0] =	vst v63  }
0x3d: {  	_ =	swait.ge [sflag:s18], $0x280  }
0x3e: {  	[sflag:s18] =	ssyncset.done $0x0  }
0x3f: {  	[sflag:s18] =	ssyncadd.s32 $0xFFFFFD80  }
0x40: {  	[bflag:$0x0] =	sbarrier.arrive $0xFFFF  }
0x41: {  	[tilespmem:s3], [sflag:$0x3] =	stream.linear.gather [hbm4b:s5+s3], $0x7D0, $0x38;
	[tilespmem:$0x4EC0] =	vst v63  }
0x42: {  	_ =	swait.ge [sflag:s18], $0x7D0  }
0x43: {  	[sflag:s18] =	ssyncset.done $0x0  }
0x44: {  	[sflag:s18] =	ssyncadd.s32 $0xFFFFF830  }
0x45: {  	[tilespmem:s19], [sflag:$0x3] =	stream.linear.gather [hbm4b:s6+s3], $0x7D0, $0x38;
	[tilespmem:$0x4EC0] =	vst v63  }
0x46: {  	_ =	swait.ge [sflag:s18], $0x7D0  }
0x47: {  	[sflag:s18] =	ssyncset.done $0x0  }
0x48: {  	[sflag:s18] =	ssyncadd.s32 $0xFFFFF830  }
0x49: {  	[tilespmem:s20], [sflag:$0x3] =	stream.linear.gather [hbm4b:s7+s3], $0x7D0, $0x38;
	[tilespmem:$0x4EC0] =	vst v63  }
0x4a: {  	_ =	swait.ge [sflag:s18], $0x7D0  }
0x4b: {  	[sflag:s18] =	ssyncset.done $0x0  }
0x4c: {  	[sflag:s18] =	ssyncadd.s32 $0xFFFFF830  }
0x4d: {  	[tilespmem:s21], [sflag:$0x3] =	stream.linear.gather [hbm4b:s8+s3], $0x7D0, $0x38;
	[tilespmem:$0x4EC0] =	vst v63  }
0x4e: {  	_ =	swait.ge [sflag:s18], $0x7D0  }
0x4f: {  	[sflag:s18] =	ssyncset.done $0x0  }
0x50: {  	[sflag:s18] =	ssyncadd.s32 $0xFFFFF830  }
0x51: {  	[spmem:s1] =	stream.indirect.scatter.add.f32 [tilespmem:s19], [sflag:$0x1], $0x1, s3, s20, $0xb8;
	[tilespmem:$0x4EC0] =	vst v63  }
0x52: {  	_ =	swait.ge [sflag:s22], $0x7D0  }
0x53: {  	[sflag:s22] =	ssyncset.done $0x0  }
0x54: {  	[sflag:s22] =	ssyncadd.s32 $0xFFFFF830  }
0x55: {  	[tilespmem:s3], [sflag:$0x3] =	stream.linear.gather [hbm4b:s9+s3], $0x7D0, $0x38;
	[tilespmem:$0x4EC0] =	vst v63  }
0x56: {  	_ =	swait.ge [sflag:s18], $0x7D0  }
0x57: {  	[sflag:s18] =	ssyncset.done $0x0  }
0x58: {  	[sflag:s18] =	ssyncadd.s32 $0xFFFFF830  }
0x59: {  	[tilespmem:s19], [sflag:$0x3] =	stream.linear.gather [hbm4b:s10+s3], $0x7D0, $0x38;
	[tilespmem:$0x4EC0] =	vst v63  }
0x5a: {  	_ =	swait.ge [sflag:s18], $0x7D0  }
0x5b: {  	[sflag:s18] =	ssyncset.done $0x0  }
0x5c: {  	[sflag:s18] =	ssyncadd.s32 $0xFFFFF830  }
0x5d: {  	[spmem:s1] =	stream.indirect.scatter.add.f32 [tilespmem:s21], [sflag:$0x2], $0x1, s20, s20, $0xb8;
	[tilespmem:$0x4EC0] =	vst v63  }
0x5e: {  	_ =	swait.ge [sflag:s23], $0x7D0  }
0x5f: {  	[sflag:s23] =	ssyncset.done $0x0  }
0x60: {  	[sflag:s23] =	ssyncadd.s32 $0xFFFFF830  }
0x61: {  	[tilespmem:s20], [sflag:$0x3] =	stream.linear.gather [hbm4b:s11+s3], $0x7D0, $0x38;
	[tilespmem:$0x4EC0] =	vst v63  }
0x62: {  	_ =	swait.ge [sflag:s18], $0x7D0  }
0x63: {  	[sflag:s18] =	ssyncset.done $0x0  }
0x64: {  	[sflag:s18] =	ssyncadd.s32 $0xFFFFF830  }
0x65: {  	[tilespmem:s21], [sflag:$0x3] =	stream.linear.gather [hbm4b:s12+s3], $0x7D0, $0x38;
	[tilespmem:$0x4EC0] =	vst v63  }
0x66: {  	_ =	swait.ge [sflag:s18], $0x7D0  }
0x67: {  	[sflag:s18] =	ssyncset.done $0x0  }
0x68: {  	[sflag:s18] =	ssyncadd.s32 $0xFFFFF830  }
0x69: {  	[spmem:s1] =	stream.indirect.scatter.add.f32 [tilespmem:s19], [sflag:$0x1], $0x1, s3, s20, $0xb8;
	[tilespmem:$0x4EC0] =	vst v63  }
0x6a: {  	_ =	swait.ge [sflag:s22], $0x7D0  }
0x6b: {  	[sflag:s22] =	ssyncset.done $0x0  }
0x6c: {  	[sflag:s22] =	ssyncadd.s32 $0xFFFFF830  }
0x6d: {  	[tilespmem:s3], [sflag:$0x3] =	stream.linear.gather [hbm4b:s13+s3], $0x7D0, $0x38;
	[tilespmem:$0x4EC0] =	vst v63  }
0x6e: {  	_ =	swait.ge [sflag:s18], $0x7D0  }
0x6f: {  	[sflag:s18] =	ssyncset.done $0x0  }
0x70: {  	[sflag:s18] =	ssyncadd.s32 $0xFFFFF830  }
0x71: {  	[tilespmem:s19], [sflag:$0x3] =	stream.linear.gather [hbm4b:s14+s3], $0x7D0, $0x38;
	[tilespmem:$0x4EC0] =	vst v63  }
0x72: {  	_ =	swait.ge [sflag:s18], $0x7D0  }
0x73: {  	[sflag:s18] =	ssyncset.done $0x0  }
0x74: {  	[sflag:s18] =	ssyncadd.s32 $0xFFFFF830  }
0x75: {  	[spmem:s1] =	stream.indirect.scatter.add.f32 [tilespmem:s21], [sflag:$0x2], $0x1, s20, s20, $0xb8;
	[tilespmem:$0x4EC0] =	vst v63  }
0x76: {  	_ =	swait.ge [sflag:s23], $0x7D0  }
0x77: {  	[sflag:s23] =	ssyncset.done $0x0  }
0x78: {  	[sflag:s23] =	ssyncadd.s32 $0xFFFFF830  }
0x79: {  	[spmem:s1] =	stream.indirect.scatter.add.f32 [tilespmem:s19], [sflag:$0x1], $0x1, s3, s20, $0xb8;
	[tilespmem:$0x4EC0] =	vst v63  }
0x7a: {  	_ =	swait.ge [sflag:s22], $0x7D0  }
0x7b: {  	[sflag:s22] =	ssyncset.done $0x0  }
0x7c: {  	[sflag:s22] =	ssyncadd.s32 $0xFFFFF830  }
0x7d: {  	[bflag:$0x0] =	sbarrier.arrive $0xFFFF  }
0x7e: {  	[tilespmem:s24], [sflag:$0x3] =	stream.linear.gather [spmem:s4], $0x280, $0x38;
	[tilespmem:$0x4EC0] =	vst v63  }
0x7f: {  	_ =	swait.ge [sflag:s18], $0x280  }
0x80: {  	[sflag:s18] =	ssyncset.done $0x0  }
0x81: {  	s28 =	simm.s32 $0x0;
	[sflag:s18] =	ssyncadd.s32 $0xFFFFFD80  }
0x82: {  	v1 =	vld [tilespmem:s28+$0x21C0];
	_ =	sdelay $0x4  }
0x83: {  	v2 =	vbroadcast v1, $0x0  }
0x84: {  	s28 =	simm.s32 $0x24C0;
	v3 =	vbroadcast v1, $0x1  }
0x85: {  	v4 =	vbroadcast v1, $0x2;
	[tilespmem:s28+$0xFFFFFF80] =	vst v2  }
0x86: {  	v60 =	vbroadcast v1, $0x5;
	[tilespmem:s28+$0xFFFFFF90] =	vst v3  }
0x87: {  	v61 =	vbroadcast v1, $0x8;
	[tilespmem:s28+$0xFFFFFFA0] =	vst v4  }
0x88: {  	v62 =	vbroadcast v1, $0xB;
	[tilespmem:s28+$0xFFFFFFD0] =	vst v60  }
0x89: {  	v63 =	vbroadcast v1, $0xE;
	[tilespmem:s28+$0x0] =	vst v61  }
0x8a: {  	v2 =	vbroadcast v1, $0x3;
	[tilespmem:s28+$0x30] =	vst v62  }
0x8b: {  	v3 =	vbroadcast v1, $0x4;
	[tilespmem:s28+$0x60] =	vst v63  }
0x8c: {  	[tilespmem:s28+$0xFFFFFFB0] =	vst v2;
	v2 =	vbroadcast v1, $0x6  }
0x8d: {  	[tilespmem:s28+$0xFFFFFFC0] =	vst v3;
	v3 =	vbroadcast v1, $0x7  }
0x8e: {  	[tilespmem:s28+$0xFFFFFFE0] =	vst v2;
	v2 =	vbroadcast v1, $0x9  }
0x8f: {  	[tilespmem:s28+$0xFFFFFFF0] =	vst v3;
	v3 =	vbroadcast v1, $0xA  }
0x90: {  	[tilespmem:s28+$0x10] =	vst v2;
	v2 =	vbroadcast v1, $0xC  }
0x91: {  	[tilespmem:s28+$0x20] =	vst v3;
	v3 =	vbroadcast v1, $0xD  }
0x92: {  	v1 =	vbroadcast v1, $0xF;
	[tilespmem:s28+$0x40] =	vst v2  }
0x93: {  	[tilespmem:s28+$0x50] =	vst v3  }
0x94: {  	s30 =	simm.s32 $0x10;
	s29 =	simm.s32 $0x80;
	[tilespmem:s28+$0x70] =	vst v1  }
.LBB2_2:
0x95: {  	p0 =	sne.s32 s29, $0x9C0;
	v1 =	vld [tilespmem:s30+$0x21C0];
	_ =	sdelay $0x4  }
0x96: {  	v2 =	vbroadcast v1, $0x0;
	v3 =	vbroadcast v1, $0x1  }
0x97: {  	s28 =	sadd.s32 $0x100, s28;
	v4 =	vbroadcast v1, $0x2;
	v5 =	vbroadcast v1, $0x3  }
0x98: {  	v6 =	vbroadcast v1, $0x5;
	[tilespmem:s28+$0xFFFFFF80] =	vst v2;
	v2 =	vbroadcast v1, $0x4  }
0x99: {  	v7 =	vbroadcast v1, $0x7;
	[tilespmem:s28+$0xFFFFFF90] =	vst v3;
	v3 =	vbroadcast v1, $0x6  }
0x9a: {  	v8 =	vbroadcast v1, $0x9;
	[tilespmem:s28+$0xFFFFFFA0] =	vst v4;
	v4 =	vbroadcast v1, $0x8  }
0x9b: {  	v9 =	vbroadcast v1, $0xB;
	[tilespmem:s28+$0xFFFFFFB0] =	vst v5;
	v5 =	vbroadcast v1, $0xA  }
0x9c: {  	v10 =	vbroadcast v1, $0xD;
	[tilespmem:s28+$0xFFFFFFC0] =	vst v2;
	v2 =	vbroadcast v1, $0xC  }
0x9d: {  	[tilespmem:s28+$0xFFFFFFD0] =	vst v6;
	v6 =	vbroadcast v1, $0xE;
	v1 =	vbroadcast v1, $0xF  }
0x9e: {  	[tilespmem:s28+$0xFFFFFFE0] =	vst v3  }
0x9f: {  	[tilespmem:s28+$0xFFFFFFF0] =	vst v7  }
0xa0: {  	[tilespmem:s28+$0x0] =	vst v4  }
0xa1: {  	[tilespmem:s28+$0x10] =	vst v8  }
0xa2: {  	[tilespmem:s28+$0x20] =	vst v5  }
.Ltmp0:
0xa3: {  	[tilespmem:s28+$0x30] =	vst v9;
	(pc) =	sbr.rel @p0 .LBB2_2-.Ltmp0, $4  }
0xa4: {  	[tilespmem:s28+$0x40] =	vst v2  }
0xa5: {  	[tilespmem:s28+$0x50] =	vst v10  }
0xa6: {  	[tilespmem:s28+$0x60] =	vst v6  }
0xa7: {  	s30 =	sshra.s32 s29, $0x2;
	s29 =	sadd.s32 $0x40, s29;
	[tilespmem:s28+$0x70] =	vst v1  }
0xa8: {  	v1 =	vld [tilespmem:s30+$0x21C0];
	_ =	sdelay $0x4  }
0xa9: {  	v2 =	vbroadcast v1, $0x0  }
0xaa: {  	s28 =	sadd.s32 $0x100, s28;
	v3 =	vbroadcast v1, $0x1  }
0xab: {  	v4 =	vbroadcast v1, $0x2;
	[tilespmem:s28+$0xFFFFFF80] =	vst v2  }
0xac: {  	v60 =	vbroadcast v1, $0x5;
	[tilespmem:s28+$0xFFFFFF90] =	vst v3  }
0xad: {  	v61 =	vbroadcast v1, $0x8;
	[tilespmem:s28+$0xFFFFFFA0] =	vst v4  }
0xae: {  	v62 =	vbroadcast v1, $0xB;
	[tilespmem:s28+$0xFFFFFFD0] =	vst v60  }
0xaf: {  	v63 =	vbroadcast v1, $0xE;
	[tilespmem:s28+$0x0] =	vst v61  }
0xb0: {  	v2 =	vbroadcast v1, $0x3;
	[tilespmem:s28+$0x30] =	vst v62  }
0xb1: {  	v3 =	vbroadcast v1, $0x4;
	[tilespmem:s28+$0x60] =	vst v63  }
0xb2: {  	[tilespmem:s28+$0xFFFFFFB0] =	vst v2;
	v2 =	vbroadcast v1, $0x6  }
0xb3: {  	[tilespmem:s28+$0xFFFFFFC0] =	vst v3;
	v3 =	vbroadcast v1, $0x7  }
0xb4: {  	[tilespmem:s28+$0xFFFFFFE0] =	vst v2;
	v2 =	vbroadcast v1, $0x9  }
0xb5: {  	[tilespmem:s28+$0xFFFFFFF0] =	vst v3;
	v3 =	vbroadcast v1, $0xA  }
0xb6: {  	[tilespmem:s28+$0x10] =	vst v2;
	v2 =	vbroadcast v1, $0xC  }
0xb7: {  	[tilespmem:s28+$0x20] =	vst v3;
	v3 =	vbroadcast v1, $0xD  }
0xb8: {  	s26 =	sadd.s32 $0x1, s26;
	v1 =	vbroadcast v1, $0xF;
	[tilespmem:s28+$0x40] =	vst v2  }
0xb9: {  	p0 =	sne.s32 s26, s16;
	[tilespmem:s28+$0x50] =	vst v3  }
.Ltmp1:
0xba: {  	[tilespmem:s28+$0x70] =	vst v1;
	(pc) =	sbr.rel @p0 .LBB2_1-.Ltmp1, $4  }
0xbb: {  	[hbm4b:s15+s3] =	stream.linear.scatter [tilespmem:s25], [sflag:$0x3], $0x2800, $0x38;
	[tilespmem:$0x4EC0] =	vst v63  }
0xbc: {  	_ =	swait.ge [sflag:s18], $0x2800  }
0xbd: {  	[sflag:s18] =	ssyncset.done $0x0  }
0xbe: {  	[sflag:s18] =	ssyncadd.s32 $0xFFFFD800  }
0xbf: {  	_ =	sfence.sel $0x180000  }
0xc0: {  	[bflag:$0x0] =	sbarrier.arrive $0xFFFF  }
0xc1: {  	p0 =	sne.s32 s2, $0x0;
	_ =	strace $0x90000047  }
0xc2: {  	s0 =	sadd.s32 @!p0 $0x100000, s0;
	[bflag:$0x2] =	sbarrier.arrive $0xFFFF  }
0xc3: {  	[sflag:s0] =	ssyncadd.tile.s32 @!p0 $0x1;
	_ =	shalt  }
.Lfunc_end2:
_tile_overlayer_lowered:
.L_overlay_start_2:
0xc4: {  	(tag) =	ssettag $0x2  }
0xc5: {  	s0 =	rddreg [dreg:$0x0];
	s2 =	stileid.u32  }
0xc6: {  	s1 =	rddreg [dreg:$0x1];
	p0 =	sne.s32 s2, $0x0  }
0xc7: {  	s3 =	rddreg [dreg:$0x2];
	[bflag:$0x3] =	sbarrier.arrive $0xFFFF;
	s2 =	simm.s32 @!p0 $0x1C03  }
0xc8: {  	[timem:s3], [sflag:s2] =	dma.local @!p0 [hbm:s0], s1  }
0xc9: {  	s0 =	simm.s32 @!p0 $0x3  }
0xca: {  	_ =	swait.ge @!p0 [sflag:s0], s1  }
0xcb: {  	s1 =	ssub.s32 @!p0 $0x0, s1;
	[sflag:s0] =	ssyncset.done @!p0 $0x0  }
0xcc: {  	[sflag:s0] =	ssyncadd.s32 @!p0 s1  }
0xcd: {  	[bflag:$0x3] =	sbarrier.arrive $0xFFFF  }
0xce: {  	_ =	shalt  }

</sc_bundles>
